<compile_context>
chip_gen: v7x
topology: tpu7x:2x2x1
jax: 0.10.2.dev20260603
libtpu: 0.0.44.dev20260713+nightly
codegen_flags: <defaults>
</compile_context>

<pallas_src>
import functools

import jax
import jax.numpy as jnp
from jax import lax
from jax.experimental import pallas as pl
from jax.experimental.pallas import tpu as pltpu
from jax.experimental.pallas import tpu_sc as plsc

_K = 1024
_COMMIT = 0.25
_LBLK = 1024


def _vq_dist_body(x_ref, cb_ref, idx_ref, loss_ref, cnbc_ref, code_ref):
    first = jnp.logical_and(pl.program_id(0) == 0, pl.program_id(1) == 0)
    xT = x_ref[0]
    cb = cb_ref[...]

    @pl.when(first)
    def _precompute():
        cn = jnp.sum(cb * cb, axis=1, keepdims=True)
        cnbc_ref[...] = jnp.broadcast_to(cn, (_K, _LBLK))
        code_ref[...] = lax.broadcasted_iota(
            jnp.int32, (_K, _LBLK), 0).astype(jnp.float32)
        loss_ref[0, 0] = 0.0

    aT = jnp.sum(xT * xT, axis=0, keepdims=True)
    m2T = lax.dot_general(cb + cb, xT, (((1,), (0,)), ((), ())),
                          preferred_element_type=jnp.float32)
    dist = (aT - m2T) + cnbc_ref[...]
    dminT = jnp.min(dist, axis=0, keepdims=True)
    cand = jnp.where(dist == dminT, code_ref[...], float(_K))
    idxfT = jnp.min(cand, axis=0, keepdims=True)
    idx_ref[0] = idxfT.astype(jnp.int32)
    loss_ref[0, 0] += jnp.sum(dminT)


def _tc_stage(inputs, codebook):
    B, D, L = inputs.shape
    nj = L // _LBLK
    idx, loss_sum = pl.pallas_call(
        _vq_dist_body,
        grid=(B, nj),
        in_specs=[
            pl.BlockSpec((1, D, _LBLK), lambda b, j: (b, 0, j)),
            pl.BlockSpec((_K, D), lambda b, j: (0, 0)),
        ],
        out_specs=[
            pl.BlockSpec((1, 1, _LBLK), lambda b, j: (b, 0, j)),
            pl.BlockSpec((1, 1), lambda b, j: (0, 0), memory_space=pltpu.SMEM),
        ],
        out_shape=[
            jax.ShapeDtypeStruct((B, 1, L), jnp.int32),
            jax.ShapeDtypeStruct((1, 1), jnp.float32),
        ],
        scratch_shapes=[
            pltpu.VMEM((_K, _LBLK), jnp.float32),
            pltpu.VMEM((_K, _LBLK), jnp.float32),
        ],
    )(inputs, codebook)
    return idx, loss_sum


def _make_sc_gather(B, D, L):
    info = plsc.get_sparse_core_info()
    nw = info.num_cores * info.num_subcores
    d_per_w = D // nw
    nchunk = L // 16
    mesh = plsc.VectorSubcoreMesh(core_axis_name="c", subcore_axis_name="s")

    @functools.partial(
        pl.kernel,
        mesh=mesh,
        compiler_params=pltpu.CompilerParams(needs_layout_passes=False),
        out_type=jax.ShapeDtypeStruct((B * D * L,), jnp.float32),
        scratch_types=[
            pltpu.VMEM((B * L,), jnp.int32),
            pltpu.VMEM((_K,), jnp.float32),
            pltpu.VMEM((_K,), jnp.float32),
            pltpu.VMEM((L,), jnp.float32),
            pltpu.VMEM((L,), jnp.float32),
            pltpu.VMEM((L,), jnp.float32),
            pltpu.VMEM((L,), jnp.float32),
            pltpu.SemaphoreType.DMA,
            pltpu.SemaphoreType.DMA,
            pltpu.SemaphoreType.DMA,
            pltpu.SemaphoreType.DMA,
        ],
    )
    def gather_kernel(cbt_hbm, idx_hbm, out_hbm, idx_v, cb0_v, cb1_v,
                      ra0_v, rb0_v, ra1_v, rb1_v, sa0, sb0, sa1, sb1):
        wid = lax.axis_index("s") * info.num_cores + lax.axis_index("c")
        d0 = wid * d_per_w
        pltpu.sync_copy(idx_hbm, idx_v)
        pltpu.sync_copy(cbt_hbm.at[pl.ds(d0 * _K, _K)], cb0_v)
        pltpu.sync_copy(cbt_hbm.at[pl.ds((d0 + 1) * _K, _K)], cb1_v)
        bufs = ((ra0_v, rb0_v), (ra1_v, rb1_v))
        sems = ((sa0, sb0), (sa1, sb1))
        pending = [None, None]
        for b in range(B):
            sel = b % 2
            ra, rb = bufs[sel]
            if pending[sel] is not None:
                pending[sel][0].wait()
                pending[sel][1].wait()

            @plsc.parallel_loop(0, nchunk, 1, unroll=8)
            def _chunk(j, b=b, ra=ra, rb=rb):
                ii = idx_v[pl.ds(b * L + j * 16, 16)]
                ra[pl.ds(j * 16, 16)] = plsc.load_gather(cb0_v, [ii])
                rb[pl.ds(j * 16, 16)] = plsc.load_gather(cb1_v, [ii])

            off = (b * D + d0) * L
            pending[sel] = (
                pltpu.async_copy(ra, out_hbm.at[pl.ds(off, L)], sems[sel][0]),
                pltpu.async_copy(rb, out_hbm.at[pl.ds(off + L, L)],
                                 sems[sel][1]),
            )
        for sel in (0, 1):
            pending[sel][0].wait()
            pending[sel][1].wait()

    return gather_kernel


def kernel(inputs, codebook):
    B, D, L = inputs.shape
    idx, loss_sum = _tc_stage(inputs, codebook)
    cbt_flat = jnp.transpose(codebook, (1, 0)).reshape(-1)
    idx_flat = idx.reshape(-1)
    out_flat = _make_sc_gather(B, D, L)(cbt_flat, idx_flat)
    s = loss_sum[0, 0] / (B * L * D)
    loss = s + _COMMIT * s
    return out_flat.reshape(B, D, L), loss, idx.reshape(B, L)

# --- scband reference (transcript-rebuilt; emitter-appended) ---
"""Pipeline reference for scband-vector-quantizer-77773267796003 (READ-ONLY COPY).

The authoritative reference and input builder live on the scoring server;
editing this copy changes nothing except your own understanding.
"""

import jax, jax.numpy as jnp
import numpy as np

NUM_EMBEDDINGS = 1024
EMBEDDING_DIM = 64
COMMITMENT_COST = 0.25


def setup_inputs(seed: int = 0) -> dict:
    key = jax.random.key(seed)
    k1, k2 = jax.random.split(key)
    inputs = jax.random.normal(k1, (32, EMBEDDING_DIM, 1024), dtype=jnp.float32)
    # nn.Embedding weight initialized uniform(-1/K, 1/K)
    codebook = jax.random.uniform(
        k2, (NUM_EMBEDDINGS, EMBEDDING_DIM), dtype=jnp.float32,
        minval=-1.0 / NUM_EMBEDDINGS, maxval=1.0 / NUM_EMBEDDINGS)
    return {"inputs": inputs, "codebook": codebook}


def reference(inputs, codebook):
    # inputs: [B, D, L] -> permute to [B, L, D]
    x = jnp.transpose(inputs, (0, 2, 1))
    B, L, D = x.shape
    flat = x.reshape(-1, D)
    # squared L2 distances to every codebook entry
    distances = (jnp.sum(flat ** 2, axis=1, keepdims=True)
                 - 2.0 * flat @ codebook.T
                 + jnp.sum(codebook ** 2, axis=1))
    encoding_indices = jnp.argmin(distances, axis=1)
    encodings = jax.nn.one_hot(encoding_indices, NUM_EMBEDDINGS, dtype=flat.dtype)
    quantized = encodings @ codebook
    quantized = quantized.reshape(x.shape)
    e_latent_loss = jnp.mean((jax.lax.stop_gradient(quantized) - x) ** 2)
    q_latent_loss = jnp.mean((quantized - jax.lax.stop_gradient(x)) ** 2)
    loss = q_latent_loss + COMMITMENT_COST * e_latent_loss
    # straight-through estimator
    quantized_st = x + jax.lax.stop_gradient(quantized - x)
    quantized_out = jnp.transpose(quantized_st, (0, 2, 1))
    encoding_indices = encoding_indices.reshape(B, L)
    return (quantized_out, loss, encoding_indices)

if __name__ == "__main__":
    import jax
    _d = setup_inputs()
    print(jax.jit(kernel)(*tuple(_d.values())))

</pallas_src>

<mosaic_0001>
#map = affine_map<(d0, d1) -> (0)>
module attributes {stable_mosaic.version = 14 : i64} {
  func.func @gather_kernel(%arg0: i32, %arg1: i32, %arg2: memref<65536xf32, #tpu.memory_space<hbm>>, %arg3: memref<32768xi32, #tpu.memory_space<hbm>>, %arg4: memref<2097152xf32, #tpu.memory_space<hbm>>, %arg5: memref<32768xi32, #tpu.memory_space<vmem>>, %arg6: memref<1024xf32, #tpu.memory_space<vmem>>, %arg7: memref<1024xf32, #tpu.memory_space<vmem>>, %arg8: memref<1024xf32, #tpu.memory_space<vmem>>, %arg9: memref<1024xf32, #tpu.memory_space<vmem>>, %arg10: memref<1024xf32, #tpu.memory_space<vmem>>, %arg11: memref<1024xf32, #tpu.memory_space<vmem>>, %arg12: memref<!tpu.dma_semaphore, #tpu.memory_space<semaphore_mem>>, %arg13: memref<!tpu.dma_semaphore, #tpu.memory_space<semaphore_mem>>, %arg14: memref<!tpu.dma_semaphore, #tpu.memory_space<semaphore_mem>>, %arg15: memref<!tpu.dma_semaphore, #tpu.memory_space<semaphore_mem>>) attributes {dimension_semantics = [#tpu.dimension_semantics<core_parallel>, #tpu.dimension_semantics<subcore_parallel>], iteration_bounds = array<i64: 2, 16>, scalar_prefetch = 0 : i64, scratch_operands = 11 : i64, tpu.core_type = #tpu.core_type<sc_vector_subcore>, window_params = [{transform_indices = #map}, {transform_indices = #map}, {transform_indices = #map}]} {
    %mul3A = arith.constant 2 : i32
    %mul3A_0 = arith.muli %arg1, %mul3A : i32
    %add3A = arith.addi %mul3A_0, %arg0 : i32
    %mul3A_1 = arith.constant 2 : i32
    %mul3A_2 = arith.muli %add3A, %mul3A_1 : i32
    "tpu.region"() ({
      %run_scoped3A = tpu.sem_alloc : memref<!tpu.dma_semaphore, #tpu.memory_space<semaphore_mem>>
      tpu.enqueue_dma source(%arg3 : memref<32768xi32, #tpu.memory_space<hbm>>) target(%arg5 : memref<32768xi32, #tpu.memory_space<vmem>>) target_semaphore(%run_scoped3A : memref<!tpu.dma_semaphore, #tpu.memory_space<semaphore_mem>>)
      tpu.wait_dma2 semaphore(%run_scoped3A : memref<!tpu.dma_semaphore, #tpu.memory_space<semaphore_mem>>) src(%arg3 : memref<32768xi32, #tpu.memory_space<hbm>>) dst(%arg5 : memref<32768xi32, #tpu.memory_space<vmem>>)
      tpu.yield
    }) : () -> ()
    %mul3A_3 = arith.constant 1024 : i32
    %mul3A_4 = arith.muli %mul3A_2, %mul3A_3 : i32
    "tpu.region"() ({
      %run_scoped3A = tpu.sem_alloc : memref<!tpu.dma_semaphore, #tpu.memory_space<semaphore_mem>>
      %dma_start3A_550 = tpu.memref_slice %arg2[%mul3A_4] : memref<65536xf32, #tpu.memory_space<hbm>> -> memref<1024xf32, #tpu.memory_space<hbm>>
      %dma_start3A_551 = tpu.memref_slice %arg2[%mul3A_4] : memref<65536xf32, #tpu.memory_space<hbm>> -> memref<1024xf32, #tpu.memory_space<hbm>>
      tpu.enqueue_dma source(%dma_start3A_551 : memref<1024xf32, #tpu.memory_space<hbm>>) target(%arg6 : memref<1024xf32, #tpu.memory_space<vmem>>) target_semaphore(%run_scoped3A : memref<!tpu.dma_semaphore, #tpu.memory_space<semaphore_mem>>)
      %dma_wait3A_552 = tpu.memref_slice %arg2[%mul3A_4] : memref<65536xf32, #tpu.memory_space<hbm>> -> memref<1024xf32, #tpu.memory_space<hbm>>
      %dma_wait3A_553 = tpu.memref_slice %arg2[%mul3A_4] : memref<65536xf32, #tpu.memory_space<hbm>> -> memref<1024xf32, #tpu.memory_space<hbm>>
      tpu.wait_dma2 semaphore(%run_scoped3A : memref<!tpu.dma_semaphore, #tpu.memory_space<semaphore_mem>>) src(%dma_wait3A_553 : memref<1024xf32, #tpu.memory_space<hbm>>) dst(%arg6 : memref<1024xf32, #tpu.memory_space<vmem>>)
      tpu.yield
    }) : () -> ()
    %add3A_5 = arith.constant 1 : i32
    %add3A_6 = arith.addi %mul3A_2, %add3A_5 : i32
    %mul3A_7 = arith.constant 1024 : i32
    %mul3A_8 = arith.muli %add3A_6, %mul3A_7 : i32
    "tpu.region"() ({
      %run_scoped3A = tpu.sem_alloc : memref<!tpu.dma_semaphore, #tpu.memory_space<semaphore_mem>>
      %dma_start3A_550 = tpu.memref_slice %arg2[%mul3A_8] : memref<65536xf32, #tpu.memory_space<hbm>> -> memref<1024xf32, #tpu.memory_space<hbm>>
      %dma_start3A_551 = tpu.memref_slice %arg2[%mul3A_8] : memref<65536xf32, #tpu.memory_space<hbm>> -> memref<1024xf32, #tpu.memory_space<hbm>>
      tpu.enqueue_dma source(%dma_start3A_551 : memref<1024xf32, #tpu.memory_space<hbm>>) target(%arg7 : memref<1024xf32, #tpu.memory_space<vmem>>) target_semaphore(%run_scoped3A : memref<!tpu.dma_semaphore, #tpu.memory_space<semaphore_mem>>)
      %dma_wait3A_552 = tpu.memref_slice %arg2[%mul3A_8] : memref<65536xf32, #tpu.memory_space<hbm>> -> memref<1024xf32, #tpu.memory_space<hbm>>
      %dma_wait3A_553 = tpu.memref_slice %arg2[%mul3A_8] : memref<65536xf32, #tpu.memory_space<hbm>> -> memref<1024xf32, #tpu.memory_space<hbm>>
      tpu.wait_dma2 semaphore(%run_scoped3A : memref<!tpu.dma_semaphore, #tpu.memory_space<semaphore_mem>>) src(%dma_wait3A_553 : memref<1024xf32, #tpu.memory_space<hbm>>) dst(%arg7 : memref<1024xf32, #tpu.memory_space<vmem>>)
      tpu.yield
    }) : () -> ()
    %parallel_loop3A = arith.constant 0 : i32
    %parallel_loop3A_9 = arith.constant 64 : i32
    %parallel_loop3A_10 = arith.constant 1 : i32
    scf.for %parallel_loop3A_550 = %parallel_loop3A to %parallel_loop3A_9 step %parallel_loop3A_10  : i32 {
      %parallel_loop3A_551 = arith.constant 16 : i32
      %parallel_loop3A_552 = arith.muli %parallel_loop3A_550, %parallel_loop3A_551 : i32
      %parallel_loop3A_553 = arith.constant 0 : i32
      %parallel_loop3A_554 = arith.addi %parallel_loop3A_553, %parallel_loop3A_552 : i32
      %parallel_loop3A_555 = arith.index_cast %parallel_loop3A_554 : i32 to index
      %parallel_loop3A_556 = tpu.vector_load %arg5[%parallel_loop3A_555] {strides = array<i32>} : memref<32768xi32, #tpu.memory_space<vmem>>, vector<16xi32>,
      %parallel_loop3A_557 = tpu.vector_load_idx %arg6[%parallel_loop3A_556] : memref<1024xf32, #tpu.memory_space<vmem>>[vector<16xi32>], vector<16xf32>,
      %parallel_loop3A_558 = arith.constant 16 : i32
      %parallel_loop3A_559 = arith.muli %parallel_loop3A_550, %parallel_loop3A_558 : i32
      %parallel_loop3A_560 = arith.index_cast %parallel_loop3A_559 : i32 to index
      %parallel_loop3A_561 = tpu.vector_load %arg8[%parallel_loop3A_560] {strides = array<i32>} : memref<1024xf32, #tpu.memory_space<vmem>>, vector<16xf32>,
      tpu.vector_store %arg8[%parallel_loop3A_560], %parallel_loop3A_557 {strides = array<i32>} : memref<1024xf32, #tpu.memory_space<vmem>>, vector<16xf32>,
      %parallel_loop3A_562 = tpu.vector_load_idx %arg7[%parallel_loop3A_556] : memref<1024xf32, #tpu.memory_space<vmem>>[vector<16xi32>], vector<16xf32>,
      %parallel_loop3A_563 = arith.constant 16 : i32
      %parallel_loop3A_564 = arith.muli %parallel_loop3A_550, %parallel_loop3A_563 : i32
      %parallel_loop3A_565 = arith.index_cast %parallel_loop3A_564 : i32 to index
      %parallel_loop3A_566 = tpu.vector_load %arg9[%parallel_loop3A_565] {strides = array<i32>} : memref<1024xf32, #tpu.memory_space<vmem>>, vector<16xf32>,
      tpu.vector_store %arg9[%parallel_loop3A_565], %parallel_loop3A_562 {strides = array<i32>} : memref<1024xf32, #tpu.memory_space<vmem>>, vector<16xf32>,
    } {sc.loop_unroll_factor = 8 : i64, sc.parallel_access}
    %add3A_11 = arith.constant 0 : i32
    %add3A_12 = arith.addi %add3A_11, %mul3A_2 : i32
    %mul3A_13 = arith.constant 1024 : i32
    %mul3A_14 = arith.muli %add3A_12, %mul3A_13 : i32
    %dma_start3A = tpu.memref_slice %arg4[%mul3A_14] : memref<2097152xf32, #tpu.memory_space<hbm>> -> memref<1024xf32, #tpu.memory_space<hbm>>
    %dma_start3A_15 = tpu.memref_slice %arg4[%mul3A_14] : memref<2097152xf32, #tpu.memory_space<hbm>> -> memref<1024xf32, #tpu.memory_space<hbm>>
    tpu.enqueue_dma source(%arg8 : memref<1024xf32, #tpu.memory_space<vmem>>) target(%dma_start3A_15 : memref<1024xf32, #tpu.memory_space<hbm>>) target_semaphore(%arg12 : memref<!tpu.dma_semaphore, #tpu.memory_space<semaphore_mem>>)
    %add3A_16 = arith.constant 1024 : i32
    %add3A_17 = arith.addi %mul3A_14, %add3A_16 : i32
    %dma_start3A_18 = tpu.memref_slice %arg4[%add3A_17] : memref<2097152xf32, #tpu.memory_space<hbm>> -> memref<1024xf32, #tpu.memory_space<hbm>>
    %dma_start3A_19 = tpu.memref_slice %arg4[%add3A_17] : memref<2097152xf32, #tpu.memory_space<hbm>> -> memref<1024xf32, #tpu.memory_space<hbm>>
    tpu.enqueue_dma source(%arg9 : memref<1024xf32, #tpu.memory_space<vmem>>) target(%dma_start3A_19 : memref<1024xf32, #tpu.memory_space<hbm>>) target_semaphore(%arg13 : memref<!tpu.dma_semaphore, #tpu.memory_space<semaphore_mem>>)
    %parallel_loop3A_20 = arith.constant 0 : i32
    %parallel_loop3A_21 = arith.constant 64 : i32
    %parallel_loop3A_22 = arith.constant 1 : i32
    scf.for %parallel_loop3A_550 = %parallel_loop3A_20 to %parallel_loop3A_21 step %parallel_loop3A_22  : i32 {
      %parallel_loop3A_551 = arith.constant 16 : i32
      %parallel_loop3A_552 = arith.muli %parallel_loop3A_550, %parallel_loop3A_551 : i32
      %parallel_loop3A_553 = arith.constant 1024 : i32
      %parallel_loop3A_554 = arith.addi %parallel_loop3A_553, %parallel_loop3A_552 : i32
      %parallel_loop3A_555 = arith.index_cast %parallel_loop3A_554 : i32 to index
      %parallel_loop3A_556 = tpu.vector_load %arg5[%parallel_loop3A_555] {strides = array<i32>} : memref<32768xi32, #tpu.memory_space<vmem>>, vector<16xi32>,
      %parallel_loop3A_557 = tpu.vector_load_idx %arg6[%parallel_loop3A_556] : memref<1024xf32, #tpu.memory_space<vmem>>[vector<16xi32>], vector<16xf32>,
      %parallel_loop3A_558 = arith.constant 16 : i32
      %parallel_loop3A_559 = arith.muli %parallel_loop3A_550, %parallel_loop3A_558 : i32
      %parallel_loop3A_560 = arith.index_cast %parallel_loop3A_559 : i32 to index
      %parallel_loop3A_561 = tpu.vector_load %arg10[%parallel_loop3A_560] {strides = array<i32>} : memref<1024xf32, #tpu.memory_space<vmem>>, vector<16xf32>,
      tpu.vector_store %arg10[%parallel_loop3A_560], %parallel_loop3A_557 {strides = array<i32>} : memref<1024xf32, #tpu.memory_space<vmem>>, vector<16xf32>,
      %parallel_loop3A_562 = tpu.vector_load_idx %arg7[%parallel_loop3A_556] : memref<1024xf32, #tpu.memory_space<vmem>>[vector<16xi32>], vector<16xf32>,
      %parallel_loop3A_563 = arith.constant 16 : i32
      %parallel_loop3A_564 = arith.muli %parallel_loop3A_550, %parallel_loop3A_563 : i32
      %parallel_loop3A_565 = arith.index_cast %parallel_loop3A_564 : i32 to index
      %parallel_loop3A_566 = tpu.vector_load %arg11[%parallel_loop3A_565] {strides = array<i32>} : memref<1024xf32, #tpu.memory_space<vmem>>, vector<16xf32>,
      tpu.vector_store %arg11[%parallel_loop3A_565], %parallel_loop3A_562 {strides = array<i32>} : memref<1024xf32, #tpu.memory_space<vmem>>, vector<16xf32>,
    } {sc.loop_unroll_factor = 8 : i64, sc.parallel_access}
    %add3A_23 = arith.constant 64 : i32
    %add3A_24 = arith.addi %add3A_23, %mul3A_2 : i32
    %mul3A_25 = arith.constant 1024 : i32
    %mul3A_26 = arith.muli %add3A_24, %mul3A_25 : i32
    %dma_start3A_27 = tpu.memref_slice %arg4[%mul3A_26] : memref<2097152xf32, #tpu.memory_space<hbm>> -> memref<1024xf32, #tpu.memory_space<hbm>>
    %dma_start3A_28 = tpu.memref_slice %arg4[%mul3A_26] : memref<2097152xf32, #tpu.memory_space<hbm>> -> memref<1024xf32, #tpu.memory_space<hbm>>
    tpu.enqueue_dma source(%arg10 : memref<1024xf32, #tpu.memory_space<vmem>>) target(%dma_start3A_28 : memref<1024xf32, #tpu.memory_space<hbm>>) target_semaphore(%arg14 : memref<!tpu.dma_semaphore, #tpu.memory_space<semaphore_mem>>)
    %add3A_29 = arith.constant 1024 : i32
    %add3A_30 = arith.addi %mul3A_26, %add3A_29 : i32
    %dma_start3A_31 = tpu.memref_slice %arg4[%add3A_30] : memref<2097152xf32, #tpu.memory_space<hbm>> -> memref<1024xf32, #tpu.memory_space<hbm>>
    %dma_start3A_32 = tpu.memref_slice %arg4[%add3A_30] : memref<2097152xf32, #tpu.memory_space<hbm>> -> memref<1024xf32, #tpu.memory_space<hbm>>
    tpu.enqueue_dma source(%arg11 : memref<1024xf32, #tpu.memory_space<vmem>>) target(%dma_start3A_32 : memref<1024xf32, #tpu.memory_space<hbm>>) target_semaphore(%arg15 : memref<!tpu.dma_semaphore, #tpu.memory_space<semaphore_mem>>)
    %dma_wait3A = tpu.memref_slice %arg4[%mul3A_14] : memref<2097152xf32, #tpu.memory_space<hbm>> -> memref<1024xf32, #tpu.memory_space<hbm>>
    %dma_wait3A_33 = tpu.memref_slice %arg4[%mul3A_14] : memref<2097152xf32, #tpu.memory_space<hbm>> -> memref<1024xf32, #tpu.memory_space<hbm>>
    tpu.wait_dma2 semaphore(%arg12 : memref<!tpu.dma_semaphore, #tpu.memory_space<semaphore_mem>>) src(%arg8 : memref<1024xf32, #tpu.memory_space<vmem>>) dst(%dma_wait3A_33 : memref<1024xf32, #tpu.memory_space<hbm>>)
    %dma_wait3A_34 = tpu.memref_slice %arg4[%add3A_17] : memref<2097152xf32, #tpu.memory_space<hbm>> -> memref<1024xf32, #tpu.memory_space<hbm>>
    %dma_wait3A_35 = tpu.memref_slice %arg4[%add3A_17] : memref<2097152xf32, #tpu.memory_space<hbm>> -> memref<1024xf32, #tpu.memory_space<hbm>>
    tpu.wait_dma2 semaphore(%arg13 : memref<!tpu.dma_semaphore, #tpu.memory_space<semaphore_mem>>) src(%arg9 : memref<1024xf32, #tpu.memory_space<vmem>>) dst(%dma_wait3A_35 : memref<1024xf32, #tpu.memory_space<hbm>>)
    %parallel_loop3A_36 = arith.constant 0 : i32
    %parallel_loop3A_37 = arith.constant 64 : i32
    %parallel_loop3A_38 = arith.constant 1 : i32
    scf.for %parallel_loop3A_550 = %parallel_loop3A_36 to %parallel_loop3A_37 step %parallel_loop3A_38  : i32 {
      %parallel_loop3A_551 = arith.constant 16 : i32
      %parallel_loop3A_552 = arith.muli %parallel_loop3A_550, %parallel_loop3A_551 : i32
      %parallel_loop3A_553 = arith.constant 2048 : i32
      %parallel_loop3A_554 = arith.addi %parallel_loop3A_553, %parallel_loop3A_552 : i32
      %parallel_loop3A_555 = arith.index_cast %parallel_loop3A_554 : i32 to index
      %parallel_loop3A_556 = tpu.vector_load %arg5[%parallel_loop3A_555] {strides = array<i32>} : memref<32768xi32, #tpu.memory_space<vmem>>, vector<16xi32>,
      %parallel_loop3A_557 = tpu.vector_load_idx %arg6[%parallel_loop3A_556] : memref<1024xf32, #tpu.memory_space<vmem>>[vector<16xi32>], vector<16xf32>,
      %parallel_loop3A_558 = arith.constant 16 : i32
      %parallel_loop3A_559 = arith.muli %parallel_loop3A_550, %parallel_loop3A_558 : i32
      %parallel_loop3A_560 = arith.index_cast %parallel_loop3A_559 : i32 to index
      %parallel_loop3A_561 = tpu.vector_load %arg8[%parallel_loop3A_560] {strides = array<i32>} : memref<1024xf32, #tpu.memory_space<vmem>>, vector<16xf32>,
      tpu.vector_store %arg8[%parallel_loop3A_560], %parallel_loop3A_557 {strides = array<i32>} : memref<1024xf32, #tpu.memory_space<vmem>>, vector<16xf32>,
      %parallel_loop3A_562 = tpu.vector_load_idx %arg7[%parallel_loop3A_556] : memref<1024xf32, #tpu.memory_space<vmem>>[vector<16xi32>], vector<16xf32>,
      %parallel_loop3A_563 = arith.constant 16 : i32
      %parallel_loop3A_564 = arith.muli %parallel_loop3A_550, %parallel_loop3A_563 : i32
      %parallel_loop3A_565 = arith.index_cast %parallel_loop3A_564 : i32 to index
      %parallel_loop3A_566 = tpu.vector_load %arg9[%parallel_loop3A_565] {strides = array<i32>} : memref<1024xf32, #tpu.memory_space<vmem>>, vector<16xf32>,
      tpu.vector_store %arg9[%parallel_loop3A_565], %parallel_loop3A_562 {strides = array<i32>} : memref<1024xf32, #tpu.memory_space<vmem>>, vector<16xf32>,
    } {sc.loop_unroll_factor = 8 : i64, sc.parallel_access}
    %add3A_39 = arith.constant 128 : i32
    %add3A_40 = arith.addi %add3A_39, %mul3A_2 : i32
    %mul3A_41 = arith.constant 1024 : i32
    %mul3A_42 = arith.muli %add3A_40, %mul3A_41 : i32
    %dma_start3A_43 = tpu.memref_slice %arg4[%mul3A_42] : memref<2097152xf32, #tpu.memory_space<hbm>> -> memref<1024xf32, #tpu.memory_space<hbm>>
    %dma_start3A_44 = tpu.memref_slice %arg4[%mul3A_42] : memref<2097152xf32, #tpu.memory_space<hbm>> -> memref<1024xf32, #tpu.memory_space<hbm>>
    tpu.enqueue_dma source(%arg8 : memref<1024xf32, #tpu.memory_space<vmem>>) target(%dma_start3A_44 : memref<1024xf32, #tpu.memory_space<hbm>>) target_semaphore(%arg12 : memref<!tpu.dma_semaphore, #tpu.memory_space<semaphore_mem>>)
    %add3A_45 = arith.constant 1024 : i32
    %add3A_46 = arith.addi %mul3A_42, %add3A_45 : i32
    %dma_start3A_47 = tpu.memref_slice %arg4[%add3A_46] : memref<2097152xf32, #tpu.memory_space<hbm>> -> memref<1024xf32, #tpu.memory_space<hbm>>
    %dma_start3A_48 = tpu.memref_slice %arg4[%add3A_46] : memref<2097152xf32, #tpu.memory_space<hbm>> -> memref<1024xf32, #tpu.memory_space<hbm>>
    tpu.enqueue_dma source(%arg9 : memref<1024xf32, #tpu.memory_space<vmem>>) target(%dma_start3A_48 : memref<1024xf32, #tpu.memory_space<hbm>>) target_semaphore(%arg13 : memref<!tpu.dma_semaphore, #tpu.memory_space<semaphore_mem>>)
    %dma_wait3A_49 = tpu.memref_slice %arg4[%mul3A_26] : memref<2097152xf32, #tpu.memory_space<hbm>> -> memref<1024xf32, #tpu.memory_space<hbm>>
    %dma_wait3A_50 = tpu.memref_slice %arg4[%mul3A_26] : memref<2097152xf32, #tpu.memory_space<hbm>> -> memref<1024xf32, #tpu.memory_space<hbm>>
    tpu.wait_dma2 semaphore(%arg14 : memref<!tpu.dma_semaphore, #tpu.memory_space<semaphore_mem>>) src(%arg10 : memref<1024xf32, #tpu.memory_space<vmem>>) dst(%dma_wait3A_50 : memref<1024xf32, #tpu.memory_space<hbm>>)
    %dma_wait3A_51 = tpu.memref_slice %arg4[%add3A_30] : memref<2097152xf32, #tpu.memory_space<hbm>> -> memref<1024xf32, #tpu.memory_space<hbm>>
    %dma_wait3A_52 = tpu.memref_slice %arg4[%add3A_30] : memref<2097152xf32, #tpu.memory_space<hbm>> -> memref<1024xf32, #tpu.memory_space<hbm>>
    tpu.wait_dma2 semaphore(%arg15 : memref<!tpu.dma_semaphore, #tpu.memory_space<semaphore_mem>>) src(%arg11 : memref<1024xf32, #tpu.memory_space<vmem>>) dst(%dma_wait3A_52 : memref<1024xf32, #tpu.memory_space<hbm>>)
    %parallel_loop3A_53 = arith.constant 0 : i32
    %parallel_loop3A_54 = arith.constant 64 : i32
    %parallel_loop3A_55 = arith.constant 1 : i32
    scf.for %parallel_loop3A_550 = %parallel_loop3A_53 to %parallel_loop3A_54 step %parallel_loop3A_55  : i32 {
      %parallel_loop3A_551 = arith.constant 16 : i32
      %parallel_loop3A_552 = arith.muli %parallel_loop3A_550, %parallel_loop3A_551 : i32
      %parallel_loop3A_553 = arith.constant 3072 : i32
      %parallel_loop3A_554 = arith.addi %parallel_loop3A_553, %parallel_loop3A_552 : i32
      %parallel_loop3A_555 = arith.index_cast %parallel_loop3A_554 : i32 to index
      %parallel_loop3A_556 = tpu.vector_load %arg5[%parallel_loop3A_555] {strides = array<i32>} : memref<32768xi32, #tpu.memory_space<vmem>>, vector<16xi32>,
      %parallel_loop3A_557 = tpu.vector_load_idx %arg6[%parallel_loop3A_556] : memref<1024xf32, #tpu.memory_space<vmem>>[vector<16xi32>], vector<16xf32>,
      %parallel_loop3A_558 = arith.constant 16 : i32
      %parallel_loop3A_559 = arith.muli %parallel_loop3A_550, %parallel_loop3A_558 : i32
      %parallel_loop3A_560 = arith.index_cast %parallel_loop3A_559 : i32 to index
      %parallel_loop3A_561 = tpu.vector_load %arg10[%parallel_loop3A_560] {strides = array<i32>} : memref<1024xf32, #tpu.memory_space<vmem>>, vector<16xf32>,
      tpu.vector_store %arg10[%parallel_loop3A_560], %parallel_loop3A_557 {strides = array<i32>} : memref<1024xf32, #tpu.memory_space<vmem>>, vector<16xf32>,
      %parallel_loop3A_562 = tpu.vector_load_idx %arg7[%parallel_loop3A_556] : memref<1024xf32, #tpu.memory_space<vmem>>[vector<16xi32>], vector<16xf32>,
      %parallel_loop3A_563 = arith.constant 16 : i32
      %parallel_loop3A_564 = arith.muli %parallel_loop3A_550, %parallel_loop3A_563 : i32
      %parallel_loop3A_565 = arith.index_cast %parallel_loop3A_564 : i32 to index
      %parallel_loop3A_566 = tpu.vector_load %arg11[%parallel_loop3A_565] {strides = array<i32>} : memref<1024xf32, #tpu.memory_space<vmem>>, vector<16xf32>,
      tpu.vector_store %arg11[%parallel_loop3A_565], %parallel_loop3A_562 {strides = array<i32>} : memref<1024xf32, #tpu.memory_space<vmem>>, vector<16xf32>,
    } {sc.loop_unroll_factor = 8 : i64, sc.parallel_access}
    %add3A_56 = arith.constant 192 : i32
    %add3A_57 = arith.addi %add3A_56, %mul3A_2 : i32
    %mul3A_58 = arith.constant 1024 : i32
    %mul3A_59 = arith.muli %add3A_57, %mul3A_58 : i32
    %dma_start3A_60 = tpu.memref_slice %arg4[%mul3A_59] : memref<2097152xf32, #tpu.memory_space<hbm>> -> memref<1024xf32, #tpu.memory_space<hbm>>
    %dma_start3A_61 = tpu.memref_slice %arg4[%mul3A_59] : memref<2097152xf32, #tpu.memory_space<hbm>> -> memref<1024xf32, #tpu.memory_space<hbm>>
    tpu.enqueue_dma source(%arg10 : memref<1024xf32, #tpu.memory_space<vmem>>) target(%dma_start3A_61 : memref<1024xf32, #tpu.memory_space<hbm>>) target_semaphore(%arg14 : memref<!tpu.dma_semaphore, #tpu.memory_space<semaphore_mem>>)
    %add3A_62 = arith.constant 1024 : i32
    %add3A_63 = arith.addi %mul3A_59, %add3A_62 : i32
    %dma_start3A_64 = tpu.memref_slice %arg4[%add3A_63] : memref<2097152xf32, #tpu.memory_space<hbm>> -> memref<1024xf32, #tpu.memory_space<hbm>>
    %dma_start3A_65 = tpu.memref_slice %arg4[%add3A_63] : memref<2097152xf32, #tpu.memory_space<hbm>> -> memref<1024xf32, #tpu.memory_space<hbm>>
    tpu.enqueue_dma source(%arg11 : memref<1024xf32, #tpu.memory_space<vmem>>) target(%dma_start3A_65 : memref<1024xf32, #tpu.memory_space<hbm>>) target_semaphore(%arg15 : memref<!tpu.dma_semaphore, #tpu.memory_space<semaphore_mem>>)
    %dma_wait3A_66 = tpu.memref_slice %arg4[%mul3A_42] : memref<2097152xf32, #tpu.memory_space<hbm>> -> memref<1024xf32, #tpu.memory_space<hbm>>
    %dma_wait3A_67 = tpu.memref_slice %arg4[%mul3A_42] : memref<2097152xf32, #tpu.memory_space<hbm>> -> memref<1024xf32, #tpu.memory_space<hbm>>
    tpu.wait_dma2 semaphore(%arg12 : memref<!tpu.dma_semaphore, #tpu.memory_space<semaphore_mem>>) src(%arg8 : memref<1024xf32, #tpu.memory_space<vmem>>) dst(%dma_wait3A_67 : memref<1024xf32, #tpu.memory_space<hbm>>)
    %dma_wait3A_68 = tpu.memref_slice %arg4[%add3A_46] : memref<2097152xf32, #tpu.memory_space<hbm>> -> memref<1024xf32, #tpu.memory_space<hbm>>
    %dma_wait3A_69 = tpu.memref_slice %arg4[%add3A_46] : memref<2097152xf32, #tpu.memory_space<hbm>> -> memref<1024xf32, #tpu.memory_space<hbm>>
    tpu.wait_dma2 semaphore(%arg13 : memref<!tpu.dma_semaphore, #tpu.memory_space<semaphore_mem>>) src(%arg9 : memref<1024xf32, #tpu.memory_space<vmem>>) dst(%dma_wait3A_69 : memref<1024xf32, #tpu.memory_space<hbm>>)
    %parallel_loop3A_70 = arith.constant 0 : i32
    %parallel_loop3A_71 = arith.constant 64 : i32
    %parallel_loop3A_72 = arith.constant 1 : i32
    scf.for %parallel_loop3A_550 = %parallel_loop3A_70 to %parallel_loop3A_71 step %parallel_loop3A_72  : i32 {
      %parallel_loop3A_551 = arith.constant 16 : i32
      %parallel_loop3A_552 = arith.muli %parallel_loop3A_550, %parallel_loop3A_551 : i32
      %parallel_loop3A_553 = arith.constant 4096 : i32
      %parallel_loop3A_554 = arith.addi %parallel_loop3A_553, %parallel_loop3A_552 : i32
      %parallel_loop3A_555 = arith.index_cast %parallel_loop3A_554 : i32 to index
      %parallel_loop3A_556 = tpu.vector_load %arg5[%parallel_loop3A_555] {strides = array<i32>} : memref<32768xi32, #tpu.memory_space<vmem>>, vector<16xi32>,
      %parallel_loop3A_557 = tpu.vector_load_idx %arg6[%parallel_loop3A_556] : memref<1024xf32, #tpu.memory_space<vmem>>[vector<16xi32>], vector<16xf32>,
      %parallel_loop3A_558 = arith.constant 16 : i32
      %parallel_loop3A_559 = arith.muli %parallel_loop3A_550, %parallel_loop3A_558 : i32
      %parallel_loop3A_560 = arith.index_cast %parallel_loop3A_559 : i32 to index
      %parallel_loop3A_561 = tpu.vector_load %arg8[%parallel_loop3A_560] {strides = array<i32>} : memref<1024xf32, #tpu.memory_space<vmem>>, vector<16xf32>,
      tpu.vector_store %arg8[%parallel_loop3A_560], %parallel_loop3A_557 {strides = array<i32>} : memref<1024xf32, #tpu.memory_space<vmem>>, vector<16xf32>,
      %parallel_loop3A_562 = tpu.vector_load_idx %arg7[%parallel_loop3A_556] : memref<1024xf32, #tpu.memory_space<vmem>>[vector<16xi32>], vector<16xf32>,
      %parallel_loop3A_563 = arith.constant 16 : i32
      %parallel_loop3A_564 = arith.muli %parallel_loop3A_550, %parallel_loop3A_563 : i32
      %parallel_loop3A_565 = arith.index_cast %parallel_loop3A_564 : i32 to index
      %parallel_loop3A_566 = tpu.vector_load %arg9[%parallel_loop3A_565] {strides = array<i32>} : memref<1024xf32, #tpu.memory_space<vmem>>, vector<16xf32>,
      tpu.vector_store %arg9[%parallel_loop3A_565], %parallel_loop3A_562 {strides = array<i32>} : memref<1024xf32, #tpu.memory_space<vmem>>, vector<16xf32>,
    } {sc.loop_unroll_factor = 8 : i64, sc.parallel_access}
    %add3A_73 = arith.constant 256 : i32
    %add3A_74 = arith.addi %add3A_73, %mul3A_2 : i32
    %mul3A_75 = arith.constant 1024 : i32
    %mul3A_76 = arith.muli %add3A_74, %mul3A_75 : i32
    %dma_start3A_77 = tpu.memref_slice %arg4[%mul3A_76] : memref<2097152xf32, #tpu.memory_space<hbm>> -> memref<1024xf32, #tpu.memory_space<hbm>>
    %dma_start3A_78 = tpu.memref_slice %arg4[%mul3A_76] : memref<2097152xf32, #tpu.memory_space<hbm>> -> memref<1024xf32, #tpu.memory_space<hbm>>
    tpu.enqueue_dma source(%arg8 : memref<1024xf32, #tpu.memory_space<vmem>>) target(%dma_start3A_78 : memref<1024xf32, #tpu.memory_space<hbm>>) target_semaphore(%arg12 : memref<!tpu.dma_semaphore, #tpu.memory_space<semaphore_mem>>)
    %add3A_79 = arith.constant 1024 : i32
    %add3A_80 = arith.addi %mul3A_76, %add3A_79 : i32
    %dma_start3A_81 = tpu.memref_slice %arg4[%add3A_80] : memref<2097152xf32, #tpu.memory_space<hbm>> -> memref<1024xf32, #tpu.memory_space<hbm>>
    %dma_start3A_82 = tpu.memref_slice %arg4[%add3A_80] : memref<2097152xf32, #tpu.memory_space<hbm>> -> memref<1024xf32, #tpu.memory_space<hbm>>
    tpu.enqueue_dma source(%arg9 : memref<1024xf32, #tpu.memory_space<vmem>>) target(%dma_start3A_82 : memref<1024xf32, #tpu.memory_space<hbm>>) target_semaphore(%arg13 : memref<!tpu.dma_semaphore, #tpu.memory_space<semaphore_mem>>)
    %dma_wait3A_83 = tpu.memref_slice %arg4[%mul3A_59] : memref<2097152xf32, #tpu.memory_space<hbm>> -> memref<1024xf32, #tpu.memory_space<hbm>>
    %dma_wait3A_84 = tpu.memref_slice %arg4[%mul3A_59] : memref<2097152xf32, #tpu.memory_space<hbm>> -> memref<1024xf32, #tpu.memory_space<hbm>>
    tpu.wait_dma2 semaphore(%arg14 : memref<!tpu.dma_semaphore, #tpu.memory_space<semaphore_mem>>) src(%arg10 : memref<1024xf32, #tpu.memory_space<vmem>>) dst(%dma_wait3A_84 : memref<1024xf32, #tpu.memory_space<hbm>>)
    %dma_wait3A_85 = tpu.memref_slice %arg4[%add3A_63] : memref<2097152xf32, #tpu.memory_space<hbm>> -> memref<1024xf32, #tpu.memory_space<hbm>>
    %dma_wait3A_86 = tpu.memref_slice %arg4[%add3A_63] : memref<2097152xf32, #tpu.memory_space<hbm>> -> memref<1024xf32, #tpu.memory_space<hbm>>
    tpu.wait_dma2 semaphore(%arg15 : memref<!tpu.dma_semaphore, #tpu.memory_space<semaphore_mem>>) src(%arg11 : memref<1024xf32, #tpu.memory_space<vmem>>) dst(%dma_wait3A_86 : memref<1024xf32, #tpu.memory_space<hbm>>)
    %parallel_loop3A_87 = arith.constant 0 : i32
    %parallel_loop3A_88 = arith.constant 64 : i32
    %parallel_loop3A_89 = arith.constant 1 : i32
    scf.for %parallel_loop3A_550 = %parallel_loop3A_87 to %parallel_loop3A_88 step %parallel_loop3A_89  : i32 {
      %parallel_loop3A_551 = arith.constant 16 : i32
      %parallel_loop3A_552 = arith.muli %parallel_loop3A_550, %parallel_loop3A_551 : i32
      %parallel_loop3A_553 = arith.constant 5120 : i32
      %parallel_loop3A_554 = arith.addi %parallel_loop3A_553, %parallel_loop3A_552 : i32
      %parallel_loop3A_555 = arith.index_cast %parallel_loop3A_554 : i32 to index
      %parallel_loop3A_556 = tpu.vector_load %arg5[%parallel_loop3A_555] {strides = array<i32>} : memref<32768xi32, #tpu.memory_space<vmem>>, vector<16xi32>,
      %parallel_loop3A_557 = tpu.vector_load_idx %arg6[%parallel_loop3A_556] : memref<1024xf32, #tpu.memory_space<vmem>>[vector<16xi32>], vector<16xf32>,
      %parallel_loop3A_558 = arith.constant 16 : i32
      %parallel_loop3A_559 = arith.muli %parallel_loop3A_550, %parallel_loop3A_558 : i32
      %parallel_loop3A_560 = arith.index_cast %parallel_loop3A_559 : i32 to index
      %parallel_loop3A_561 = tpu.vector_load %arg10[%parallel_loop3A_560] {strides = array<i32>} : memref<1024xf32, #tpu.memory_space<vmem>>, vector<16xf32>,
      tpu.vector_store %arg10[%parallel_loop3A_560], %parallel_loop3A_557 {strides = array<i32>} : memref<1024xf32, #tpu.memory_space<vmem>>, vector<16xf32>,
      %parallel_loop3A_562 = tpu.vector_load_idx %arg7[%parallel_loop3A_556] : memref<1024xf32, #tpu.memory_space<vmem>>[vector<16xi32>], vector<16xf32>,
      %parallel_loop3A_563 = arith.constant 16 : i32
      %parallel_loop3A_564 = arith.muli %parallel_loop3A_550, %parallel_loop3A_563 : i32
      %parallel_loop3A_565 = arith.index_cast %parallel_loop3A_564 : i32 to index
      %parallel_loop3A_566 = tpu.vector_load %arg11[%parallel_loop3A_565] {strides = array<i32>} : memref<1024xf32, #tpu.memory_space<vmem>>, vector<16xf32>,
      tpu.vector_store %arg11[%parallel_loop3A_565], %parallel_loop3A_562 {strides = array<i32>} : memref<1024xf32, #tpu.memory_space<vmem>>, vector<16xf32>,
    } {sc.loop_unroll_factor = 8 : i64, sc.parallel_access}
    %add3A_90 = arith.constant 320 : i32
    %add3A_91 = arith.addi %add3A_90, %mul3A_2 : i32
    %mul3A_92 = arith.constant 1024 : i32
    %mul3A_93 = arith.muli %add3A_91, %mul3A_92 : i32
    %dma_start3A_94 = tpu.memref_slice %arg4[%mul3A_93] : memref<2097152xf32, #tpu.memory_space<hbm>> -> memref<1024xf32, #tpu.memory_space<hbm>>
    %dma_start3A_95 = tpu.memref_slice %arg4[%mul3A_93] : memref<2097152xf32, #tpu.memory_space<hbm>> -> memref<1024xf32, #tpu.memory_space<hbm>>
    tpu.enqueue_dma source(%arg10 : memref<1024xf32, #tpu.memory_space<vmem>>) target(%dma_start3A_95 : memref<1024xf32, #tpu.memory_space<hbm>>) target_semaphore(%arg14 : memref<!tpu.dma_semaphore, #tpu.memory_space<semaphore_mem>>)
    %add3A_96 = arith.constant 1024 : i32
    %add3A_97 = arith.addi %mul3A_93, %add3A_96 : i32
    %dma_start3A_98 = tpu.memref_slice %arg4[%add3A_97] : memref<2097152xf32, #tpu.memory_space<hbm>> -> memref<1024xf32, #tpu.memory_space<hbm>>
    %dma_start3A_99 = tpu.memref_slice %arg4[%add3A_97] : memref<2097152xf32, #tpu.memory_space<hbm>> -> memref<1024xf32, #tpu.memory_space<hbm>>
    tpu.enqueue_dma source(%arg11 : memref<1024xf32, #tpu.memory_space<vmem>>) target(%dma_start3A_99 : memref<1024xf32, #tpu.memory_space<hbm>>) target_semaphore(%arg15 : memref<!tpu.dma_semaphore, #tpu.memory_space<semaphore_mem>>)
    %dma_wait3A_100 = tpu.memref_slice %arg4[%mul3A_76] : memref<2097152xf32, #tpu.memory_space<hbm>> -> memref<1024xf32, #tpu.memory_space<hbm>>
    %dma_wait3A_101 = tpu.memref_slice %arg4[%mul3A_76] : memref<2097152xf32, #tpu.memory_space<hbm>> -> memref<1024xf32, #tpu.memory_space<hbm>>
    tpu.wait_dma2 semaphore(%arg12 : memref<!tpu.dma_semaphore, #tpu.memory_space<semaphore_mem>>) src(%arg8 : memref<1024xf32, #tpu.memory_space<vmem>>) dst(%dma_wait3A_101 : memref<1024xf32, #tpu.memory_space<hbm>>)
    %dma_wait3A_102 = tpu.memref_slice %arg4[%add3A_80] : memref<2097152xf32, #tpu.memory_space<hbm>> -> memref<1024xf32, #tpu.memory_space<hbm>>
    %dma_wait3A_103 = tpu.memref_slice %arg4[%add3A_80] : memref<2097152xf32, #tpu.memory_space<hbm>> -> memref<1024xf32, #tpu.memory_space<hbm>>
    tpu.wait_dma2 semaphore(%arg13 : memref<!tpu.dma_semaphore, #tpu.memory_space<semaphore_mem>>) src(%arg9 : memref<1024xf32, #tpu.memory_space<vmem>>) dst(%dma_wait3A_103 : memref<1024xf32, #tpu.memory_space<hbm>>)
    %parallel_loop3A_104 = arith.constant 0 : i32
    %parallel_loop3A_105 = arith.constant 64 : i32
    %parallel_loop3A_106 = arith.constant 1 : i32
    scf.for %parallel_loop3A_550 = %parallel_loop3A_104 to %parallel_loop3A_105 step %parallel_loop3A_106  : i32 {
      %parallel_loop3A_551 = arith.constant 16 : i32
      %parallel_loop3A_552 = arith.muli %parallel_loop3A_550, %parallel_loop3A_551 : i32
      %parallel_loop3A_553 = arith.constant 6144 : i32
      %parallel_loop3A_554 = arith.addi %parallel_loop3A_553, %parallel_loop3A_552 : i32
      %parallel_loop3A_555 = arith.index_cast %parallel_loop3A_554 : i32 to index
      %parallel_loop3A_556 = tpu.vector_load %arg5[%parallel_loop3A_555] {strides = array<i32>} : memref<32768xi32, #tpu.memory_space<vmem>>, vector<16xi32>,
      %parallel_loop3A_557 = tpu.vector_load_idx %arg6[%parallel_loop3A_556] : memref<1024xf32, #tpu.memory_space<vmem>>[vector<16xi32>], vector<16xf32>,
      %parallel_loop3A_558 = arith.constant 16 : i32
      %parallel_loop3A_559 = arith.muli %parallel_loop3A_550, %parallel_loop3A_558 : i32
      %parallel_loop3A_560 = arith.index_cast %parallel_loop3A_559 : i32 to index
      %parallel_loop3A_561 = tpu.vector_load %arg8[%parallel_loop3A_560] {strides = array<i32>} : memref<1024xf32, #tpu.memory_space<vmem>>, vector<16xf32>,
      tpu.vector_store %arg8[%parallel_loop3A_560], %parallel_loop3A_557 {strides = array<i32>} : memref<1024xf32, #tpu.memory_space<vmem>>, vector<16xf32>,
      %parallel_loop3A_562 = tpu.vector_load_idx %arg7[%parallel_loop3A_556] : memref<1024xf32, #tpu.memory_space<vmem>>[vector<16xi32>], vector<16xf32>,
      %parallel_loop3A_563 = arith.constant 16 : i32
      %parallel_loop3A_564 = arith.muli %parallel_loop3A_550, %parallel_loop3A_563 : i32
      %parallel_loop3A_565 = arith.index_cast %parallel_loop3A_564 : i32 to index
      %parallel_loop3A_566 = tpu.vector_load %arg9[%parallel_loop3A_565] {strides = array<i32>} : memref<1024xf32, #tpu.memory_space<vmem>>, vector<16xf32>,
      tpu.vector_store %arg9[%parallel_loop3A_565], %parallel_loop3A_562 {strides = array<i32>} : memref<1024xf32, #tpu.memory_space<vmem>>, vector<16xf32>,
    } {sc.loop_unroll_factor = 8 : i64, sc.parallel_access}
    %add3A_107 = arith.constant 384 : i32
    %add3A_108 = arith.addi %add3A_107, %mul3A_2 : i32
    %mul3A_109 = arith.constant 1024 : i32
    %mul3A_110 = arith.muli %add3A_108, %mul3A_109 : i32
    %dma_start3A_111 = tpu.memref_slice %arg4[%mul3A_110] : memref<2097152xf32, #tpu.memory_space<hbm>> -> memref<1024xf32, #tpu.memory_space<hbm>>
    %dma_start3A_112 = tpu.memref_slice %arg4[%mul3A_110] : memref<2097152xf32, #tpu.memory_space<hbm>> -> memref<1024xf32, #tpu.memory_space<hbm>>
    tpu.enqueue_dma source(%arg8 : memref<1024xf32, #tpu.memory_space<vmem>>) target(%dma_start3A_112 : memref<1024xf32, #tpu.memory_space<hbm>>) target_semaphore(%arg12 : memref<!tpu.dma_semaphore, #tpu.memory_space<semaphore_mem>>)
    %add3A_113 = arith.constant 1024 : i32
    %add3A_114 = arith.addi %mul3A_110, %add3A_113 : i32
    %dma_start3A_115 = tpu.memref_slice %arg4[%add3A_114] : memref<2097152xf32, #tpu.memory_space<hbm>> -> memref<1024xf32, #tpu.memory_space<hbm>>
    %dma_start3A_116 = tpu.memref_slice %arg4[%add3A_114] : memref<2097152xf32, #tpu.memory_space<hbm>> -> memref<1024xf32, #tpu.memory_space<hbm>>
    tpu.enqueue_dma source(%arg9 : memref<1024xf32, #tpu.memory_space<vmem>>) target(%dma_start3A_116 : memref<1024xf32, #tpu.memory_space<hbm>>) target_semaphore(%arg13 : memref<!tpu.dma_semaphore, #tpu.memory_space<semaphore_mem>>)
    %dma_wait3A_117 = tpu.memref_slice %arg4[%mul3A_93] : memref<2097152xf32, #tpu.memory_space<hbm>> -> memref<1024xf32, #tpu.memory_space<hbm>>
    %dma_wait3A_118 = tpu.memref_slice %arg4[%mul3A_93] : memref<2097152xf32, #tpu.memory_space<hbm>> -> memref<1024xf32, #tpu.memory_space<hbm>>
    tpu.wait_dma2 semaphore(%arg14 : memref<!tpu.dma_semaphore, #tpu.memory_space<semaphore_mem>>) src(%arg10 : memref<1024xf32, #tpu.memory_space<vmem>>) dst(%dma_wait3A_118 : memref<1024xf32, #tpu.memory_space<hbm>>)
    %dma_wait3A_119 = tpu.memref_slice %arg4[%add3A_97] : memref<2097152xf32, #tpu.memory_space<hbm>> -> memref<1024xf32, #tpu.memory_space<hbm>>
    %dma_wait3A_120 = tpu.memref_slice %arg4[%add3A_97] : memref<2097152xf32, #tpu.memory_space<hbm>> -> memref<1024xf32, #tpu.memory_space<hbm>>
    tpu.wait_dma2 semaphore(%arg15 : memref<!tpu.dma_semaphore, #tpu.memory_space<semaphore_mem>>) src(%arg11 : memref<1024xf32, #tpu.memory_space<vmem>>) dst(%dma_wait3A_120 : memref<1024xf32, #tpu.memory_space<hbm>>)
    %parallel_loop3A_121 = arith.constant 0 : i32
    %parallel_loop3A_122 = arith.constant 64 : i32
    %parallel_loop3A_123 = arith.constant 1 : i32
    scf.for %parallel_loop3A_550 = %parallel_loop3A_121 to %parallel_loop3A_122 step %parallel_loop3A_123  : i32 {
      %parallel_loop3A_551 = arith.constant 16 : i32
      %parallel_loop3A_552 = arith.muli %parallel_loop3A_550, %parallel_loop3A_551 : i32
      %parallel_loop3A_553 = arith.constant 7168 : i32
      %parallel_loop3A_554 = arith.addi %parallel_loop3A_553, %parallel_loop3A_552 : i32
      %parallel_loop3A_555 = arith.index_cast %parallel_loop3A_554 : i32 to index
      %parallel_loop3A_556 = tpu.vector_load %arg5[%parallel_loop3A_555] {strides = array<i32>} : memref<32768xi32, #tpu.memory_space<vmem>>, vector<16xi32>,
      %parallel_loop3A_557 = tpu.vector_load_idx %arg6[%parallel_loop3A_556] : memref<1024xf32, #tpu.memory_space<vmem>>[vector<16xi32>], vector<16xf32>,
      %parallel_loop3A_558 = arith.constant 16 : i32
      %parallel_loop3A_559 = arith.muli %parallel_loop3A_550, %parallel_loop3A_558 : i32
      %parallel_loop3A_560 = arith.index_cast %parallel_loop3A_559 : i32 to index
      %parallel_loop3A_561 = tpu.vector_load %arg10[%parallel_loop3A_560] {strides = array<i32>} : memref<1024xf32, #tpu.memory_space<vmem>>, vector<16xf32>,
      tpu.vector_store %arg10[%parallel_loop3A_560], %parallel_loop3A_557 {strides = array<i32>} : memref<1024xf32, #tpu.memory_space<vmem>>, vector<16xf32>,
      %parallel_loop3A_562 = tpu.vector_load_idx %arg7[%parallel_loop3A_556] : memref<1024xf32, #tpu.memory_space<vmem>>[vector<16xi32>], vector<16xf32>,
      %parallel_loop3A_563 = arith.constant 16 : i32
      %parallel_loop3A_564 = arith.muli %parallel_loop3A_550, %parallel_loop3A_563 : i32
      %parallel_loop3A_565 = arith.index_cast %parallel_loop3A_564 : i32 to index
      %parallel_loop3A_566 = tpu.vector_load %arg11[%parallel_loop3A_565] {strides = array<i32>} : memref<1024xf32, #tpu.memory_space<vmem>>, vector<16xf32>,
      tpu.vector_store %arg11[%parallel_loop3A_565], %parallel_loop3A_562 {strides = array<i32>} : memref<1024xf32, #tpu.memory_space<vmem>>, vector<16xf32>,
    } {sc.loop_unroll_factor = 8 : i64, sc.parallel_access}
    %add3A_124 = arith.constant 448 : i32
    %add3A_125 = arith.addi %add3A_124, %mul3A_2 : i32
    %mul3A_126 = arith.constant 1024 : i32
    %mul3A_127 = arith.muli %add3A_125, %mul3A_126 : i32
    %dma_start3A_128 = tpu.memref_slice %arg4[%mul3A_127] : memref<2097152xf32, #tpu.memory_space<hbm>> -> memref<1024xf32, #tpu.memory_space<hbm>>
    %dma_start3A_129 = tpu.memref_slice %arg4[%mul3A_127] : memref<2097152xf32, #tpu.memory_space<hbm>> -> memref<1024xf32, #tpu.memory_space<hbm>>
    tpu.enqueue_dma source(%arg10 : memref<1024xf32, #tpu.memory_space<vmem>>) target(%dma_start3A_129 : memref<1024xf32, #tpu.memory_space<hbm>>) target_semaphore(%arg14 : memref<!tpu.dma_semaphore, #tpu.memory_space<semaphore_mem>>)
    %add3A_130 = arith.constant 1024 : i32
    %add3A_131 = arith.addi %mul3A_127, %add3A_130 : i32
    %dma_start3A_132 = tpu.memref_slice %arg4[%add3A_131] : memref<2097152xf32, #tpu.memory_space<hbm>> -> memref<1024xf32, #tpu.memory_space<hbm>>
    %dma_start3A_133 = tpu.memref_slice %arg4[%add3A_131] : memref<2097152xf32, #tpu.memory_space<hbm>> -> memref<1024xf32, #tpu.memory_space<hbm>>
    tpu.enqueue_dma source(%arg11 : memref<1024xf32, #tpu.memory_space<vmem>>) target(%dma_start3A_133 : memref<1024xf32, #tpu.memory_space<hbm>>) target_semaphore(%arg15 : memref<!tpu.dma_semaphore, #tpu.memory_space<semaphore_mem>>)
    %dma_wait3A_134 = tpu.memref_slice %arg4[%mul3A_110] : memref<2097152xf32, #tpu.memory_space<hbm>> -> memref<1024xf32, #tpu.memory_space<hbm>>
    %dma_wait3A_135 = tpu.memref_slice %arg4[%mul3A_110] : memref<2097152xf32, #tpu.memory_space<hbm>> -> memref<1024xf32, #tpu.memory_space<hbm>>
    tpu.wait_dma2 semaphore(%arg12 : memref<!tpu.dma_semaphore, #tpu.memory_space<semaphore_mem>>) src(%arg8 : memref<1024xf32, #tpu.memory_space<vmem>>) dst(%dma_wait3A_135 : memref<1024xf32, #tpu.memory_space<hbm>>)
    %dma_wait3A_136 = tpu.memref_slice %arg4[%add3A_114] : memref<2097152xf32, #tpu.memory_space<hbm>> -> memref<1024xf32, #tpu.memory_space<hbm>>
    %dma_wait3A_137 = tpu.memref_slice %arg4[%add3A_114] : memref<2097152xf32, #tpu.memory_space<hbm>> -> memref<1024xf32, #tpu.memory_space<hbm>>
    tpu.wait_dma2 semaphore(%arg13 : memref<!tpu.dma_semaphore, #tpu.memory_space<semaphore_mem>>) src(%arg9 : memref<1024xf32, #tpu.memory_space<vmem>>) dst(%dma_wait3A_137 : memref<1024xf32, #tpu.memory_space<hbm>>)
    %parallel_loop3A_138 = arith.constant 0 : i32
    %parallel_loop3A_139 = arith.constant 64 : i32
    %parallel_loop3A_140 = arith.constant 1 : i32
    scf.for %parallel_loop3A_550 = %parallel_loop3A_138 to %parallel_loop3A_139 step %parallel_loop3A_140  : i32 {
      %parallel_loop3A_551 = arith.constant 16 : i32
      %parallel_loop3A_552 = arith.muli %parallel_loop3A_550, %parallel_loop3A_551 : i32
      %parallel_loop3A_553 = arith.constant 8192 : i32
      %parallel_loop3A_554 = arith.addi %parallel_loop3A_553, %parallel_loop3A_552 : i32
      %parallel_loop3A_555 = arith.index_cast %parallel_loop3A_554 : i32 to index
      %parallel_loop3A_556 = tpu.vector_load %arg5[%parallel_loop3A_555] {strides = array<i32>} : memref<32768xi32, #tpu.memory_space<vmem>>, vector<16xi32>,
      %parallel_loop3A_557 = tpu.vector_load_idx %arg6[%parallel_loop3A_556] : memref<1024xf32, #tpu.memory_space<vmem>>[vector<16xi32>], vector<16xf32>,
      %parallel_loop3A_558 = arith.constant 16 : i32
      %parallel_loop3A_559 = arith.muli %parallel_loop3A_550, %parallel_loop3A_558 : i32
      %parallel_loop3A_560 = arith.index_cast %parallel_loop3A_559 : i32 to index
      %parallel_loop3A_561 = tpu.vector_load %arg8[%parallel_loop3A_560] {strides = array<i32>} : memref<1024xf32, #tpu.memory_space<vmem>>, vector<16xf32>,
      tpu.vector_store %arg8[%parallel_loop3A_560], %parallel_loop3A_557 {strides = array<i32>} : memref<1024xf32, #tpu.memory_space<vmem>>, vector<16xf32>,
      %parallel_loop3A_562 = tpu.vector_load_idx %arg7[%parallel_loop3A_556] : memref<1024xf32, #tpu.memory_space<vmem>>[vector<16xi32>], vector<16xf32>,
      %parallel_loop3A_563 = arith.constant 16 : i32
      %parallel_loop3A_564 = arith.muli %parallel_loop3A_550, %parallel_loop3A_563 : i32
      %parallel_loop3A_565 = arith.index_cast %parallel_loop3A_564 : i32 to index
      %parallel_loop3A_566 = tpu.vector_load %arg9[%parallel_loop3A_565] {strides = array<i32>} : memref<1024xf32, #tpu.memory_space<vmem>>, vector<16xf32>,
      tpu.vector_store %arg9[%parallel_loop3A_565], %parallel_loop3A_562 {strides = array<i32>} : memref<1024xf32, #tpu.memory_space<vmem>>, vector<16xf32>,
    } {sc.loop_unroll_factor = 8 : i64, sc.parallel_access}
    %add3A_141 = arith.constant 512 : i32
    %add3A_142 = arith.addi %add3A_141, %mul3A_2 : i32
    %mul3A_143 = arith.constant 1024 : i32
    %mul3A_144 = arith.muli %add3A_142, %mul3A_143 : i32
    %dma_start3A_145 = tpu.memref_slice %arg4[%mul3A_144] : memref<2097152xf32, #tpu.memory_space<hbm>> -> memref<1024xf32, #tpu.memory_space<hbm>>
    %dma_start3A_146 = tpu.memref_slice %arg4[%mul3A_144] : memref<2097152xf32, #tpu.memory_space<hbm>> -> memref<1024xf32, #tpu.memory_space<hbm>>
    tpu.enqueue_dma source(%arg8 : memref<1024xf32, #tpu.memory_space<vmem>>) target(%dma_start3A_146 : memref<1024xf32, #tpu.memory_space<hbm>>) target_semaphore(%arg12 : memref<!tpu.dma_semaphore, #tpu.memory_space<semaphore_mem>>)
    %add3A_147 = arith.constant 1024 : i32
    %add3A_148 = arith.addi %mul3A_144, %add3A_147 : i32
    %dma_start3A_149 = tpu.memref_slice %arg4[%add3A_148] : memref<2097152xf32, #tpu.memory_space<hbm>> -> memref<1024xf32, #tpu.memory_space<hbm>>
    %dma_start3A_150 = tpu.memref_slice %arg4[%add3A_148] : memref<2097152xf32, #tpu.memory_space<hbm>> -> memref<1024xf32, #tpu.memory_space<hbm>>
    tpu.enqueue_dma source(%arg9 : memref<1024xf32, #tpu.memory_space<vmem>>) target(%dma_start3A_150 : memref<1024xf32, #tpu.memory_space<hbm>>) target_semaphore(%arg13 : memref<!tpu.dma_semaphore, #tpu.memory_space<semaphore_mem>>)
    %dma_wait3A_151 = tpu.memref_slice %arg4[%mul3A_127] : memref<2097152xf32, #tpu.memory_space<hbm>> -> memref<1024xf32, #tpu.memory_space<hbm>>
    %dma_wait3A_152 = tpu.memref_slice %arg4[%mul3A_127] : memref<2097152xf32, #tpu.memory_space<hbm>> -> memref<1024xf32, #tpu.memory_space<hbm>>
    tpu.wait_dma2 semaphore(%arg14 : memref<!tpu.dma_semaphore, #tpu.memory_space<semaphore_mem>>) src(%arg10 : memref<1024xf32, #tpu.memory_space<vmem>>) dst(%dma_wait3A_152 : memref<1024xf32, #tpu.memory_space<hbm>>)
    %dma_wait3A_153 = tpu.memref_slice %arg4[%add3A_131] : memref<2097152xf32, #tpu.memory_space<hbm>> -> memref<1024xf32, #tpu.memory_space<hbm>>
    %dma_wait3A_154 = tpu.memref_slice %arg4[%add3A_131] : memref<2097152xf32, #tpu.memory_space<hbm>> -> memref<1024xf32, #tpu.memory_space<hbm>>
    tpu.wait_dma2 semaphore(%arg15 : memref<!tpu.dma_semaphore, #tpu.memory_space<semaphore_mem>>) src(%arg11 : memref<1024xf32, #tpu.memory_space<vmem>>) dst(%dma_wait3A_154 : memref<1024xf32, #tpu.memory_space<hbm>>)
    %parallel_loop3A_155 = arith.constant 0 : i32
    %parallel_loop3A_156 = arith.constant 64 : i32
    %parallel_loop3A_157 = arith.constant 1 : i32
    scf.for %parallel_loop3A_550 = %parallel_loop3A_155 to %parallel_loop3A_156 step %parallel_loop3A_157  : i32 {
      %parallel_loop3A_551 = arith.constant 16 : i32
      %parallel_loop3A_552 = arith.muli %parallel_loop3A_550, %parallel_loop3A_551 : i32
      %parallel_loop3A_553 = arith.constant 9216 : i32
      %parallel_loop3A_554 = arith.addi %parallel_loop3A_553, %parallel_loop3A_552 : i32
      %parallel_loop3A_555 = arith.index_cast %parallel_loop3A_554 : i32 to index
      %parallel_loop3A_556 = tpu.vector_load %arg5[%parallel_loop3A_555] {strides = array<i32>} : memref<32768xi32, #tpu.memory_space<vmem>>, vector<16xi32>,
      %parallel_loop3A_557 = tpu.vector_load_idx %arg6[%parallel_loop3A_556] : memref<1024xf32, #tpu.memory_space<vmem>>[vector<16xi32>], vector<16xf32>,
      %parallel_loop3A_558 = arith.constant 16 : i32
      %parallel_loop3A_559 = arith.muli %parallel_loop3A_550, %parallel_loop3A_558 : i32
      %parallel_loop3A_560 = arith.index_cast %parallel_loop3A_559 : i32 to index
      %parallel_loop3A_561 = tpu.vector_load %arg10[%parallel_loop3A_560] {strides = array<i32>} : memref<1024xf32, #tpu.memory_space<vmem>>, vector<16xf32>,
      tpu.vector_store %arg10[%parallel_loop3A_560], %parallel_loop3A_557 {strides = array<i32>} : memref<1024xf32, #tpu.memory_space<vmem>>, vector<16xf32>,
      %parallel_loop3A_562 = tpu.vector_load_idx %arg7[%parallel_loop3A_556] : memref<1024xf32, #tpu.memory_space<vmem>>[vector<16xi32>], vector<16xf32>,
      %parallel_loop3A_563 = arith.constant 16 : i32
      %parallel_loop3A_564 = arith.muli %parallel_loop3A_550, %parallel_loop3A_563 : i32
      %parallel_loop3A_565 = arith.index_cast %parallel_loop3A_564 : i32 to index
      %parallel_loop3A_566 = tpu.vector_load %arg11[%parallel_loop3A_565] {strides = array<i32>} : memref<1024xf32, #tpu.memory_space<vmem>>, vector<16xf32>,
      tpu.vector_store %arg11[%parallel_loop3A_565], %parallel_loop3A_562 {strides = array<i32>} : memref<1024xf32, #tpu.memory_space<vmem>>, vector<16xf32>,
    } {sc.loop_unroll_factor = 8 : i64, sc.parallel_access}
    %add3A_158 = arith.constant 576 : i32
    %add3A_159 = arith.addi %add3A_158, %mul3A_2 : i32
    %mul3A_160 = arith.constant 1024 : i32
    %mul3A_161 = arith.muli %add3A_159, %mul3A_160 : i32
    %dma_start3A_162 = tpu.memref_slice %arg4[%mul3A_161] : memref<2097152xf32, #tpu.memory_space<hbm>> -> memref<1024xf32, #tpu.memory_space<hbm>>
    %dma_start3A_163 = tpu.memref_slice %arg4[%mul3A_161] : memref<2097152xf32, #tpu.memory_space<hbm>> -> memref<1024xf32, #tpu.memory_space<hbm>>
    tpu.enqueue_dma source(%arg10 : memref<1024xf32, #tpu.memory_space<vmem>>) target(%dma_start3A_163 : memref<1024xf32, #tpu.memory_space<hbm>>) target_semaphore(%arg14 : memref<!tpu.dma_semaphore, #tpu.memory_space<semaphore_mem>>)
    %add3A_164 = arith.constant 1024 : i32
    %add3A_165 = arith.addi %mul3A_161, %add3A_164 : i32
    %dma_start3A_166 = tpu.memref_slice %arg4[%add3A_165] : memref<2097152xf32, #tpu.memory_space<hbm>> -> memref<1024xf32, #tpu.memory_space<hbm>>
    %dma_start3A_167 = tpu.memref_slice %arg4[%add3A_165] : memref<2097152xf32, #tpu.memory_space<hbm>> -> memref<1024xf32, #tpu.memory_space<hbm>>
    tpu.enqueue_dma source(%arg11 : memref<1024xf32, #tpu.memory_space<vmem>>) target(%dma_start3A_167 : memref<1024xf32, #tpu.memory_space<hbm>>) target_semaphore(%arg15 : memref<!tpu.dma_semaphore, #tpu.memory_space<semaphore_mem>>)
    %dma_wait3A_168 = tpu.memref_slice %arg4[%mul3A_144] : memref<2097152xf32, #tpu.memory_space<hbm>> -> memref<1024xf32, #tpu.memory_space<hbm>>
    %dma_wait3A_169 = tpu.memref_slice %arg4[%mul3A_144] : memref<2097152xf32, #tpu.memory_space<hbm>> -> memref<1024xf32, #tpu.memory_space<hbm>>
    tpu.wait_dma2 semaphore(%arg12 : memref<!tpu.dma_semaphore, #tpu.memory_space<semaphore_mem>>) src(%arg8 : memref<1024xf32, #tpu.memory_space<vmem>>) dst(%dma_wait3A_169 : memref<1024xf32, #tpu.memory_space<hbm>>)
    %dma_wait3A_170 = tpu.memref_slice %arg4[%add3A_148] : memref<2097152xf32, #tpu.memory_space<hbm>> -> memref<1024xf32, #tpu.memory_space<hbm>>
    %dma_wait3A_171 = tpu.memref_slice %arg4[%add3A_148] : memref<2097152xf32, #tpu.memory_space<hbm>> -> memref<1024xf32, #tpu.memory_space<hbm>>
    tpu.wait_dma2 semaphore(%arg13 : memref<!tpu.dma_semaphore, #tpu.memory_space<semaphore_mem>>) src(%arg9 : memref<1024xf32, #tpu.memory_space<vmem>>) dst(%dma_wait3A_171 : memref<1024xf32, #tpu.memory_space<hbm>>)
    %parallel_loop3A_172 = arith.constant 0 : i32
    %parallel_loop3A_173 = arith.constant 64 : i32
    %parallel_loop3A_174 = arith.constant 1 : i32
    scf.for %parallel_loop3A_550 = %parallel_loop3A_172 to %parallel_loop3A_173 step %parallel_loop3A_174  : i32 {
      %parallel_loop3A_551 = arith.constant 16 : i32
      %parallel_loop3A_552 = arith.muli %parallel_loop3A_550, %parallel_loop3A_551 : i32
      %parallel_loop3A_553 = arith.constant 10240 : i32
      %parallel_loop3A_554 = arith.addi %parallel_loop3A_553, %parallel_loop3A_552 : i32
      %parallel_loop3A_555 = arith.index_cast %parallel_loop3A_554 : i32 to index
      %parallel_loop3A_556 = tpu.vector_load %arg5[%parallel_loop3A_555] {strides = array<i32>} : memref<32768xi32, #tpu.memory_space<vmem>>, vector<16xi32>,
      %parallel_loop3A_557 = tpu.vector_load_idx %arg6[%parallel_loop3A_556] : memref<1024xf32, #tpu.memory_space<vmem>>[vector<16xi32>], vector<16xf32>,
      %parallel_loop3A_558 = arith.constant 16 : i32
      %parallel_loop3A_559 = arith.muli %parallel_loop3A_550, %parallel_loop3A_558 : i32
      %parallel_loop3A_560 = arith.index_cast %parallel_loop3A_559 : i32 to index
      %parallel_loop3A_561 = tpu.vector_load %arg8[%parallel_loop3A_560] {strides = array<i32>} : memref<1024xf32, #tpu.memory_space<vmem>>, vector<16xf32>,
      tpu.vector_store %arg8[%parallel_loop3A_560], %parallel_loop3A_557 {strides = array<i32>} : memref<1024xf32, #tpu.memory_space<vmem>>, vector<16xf32>,
      %parallel_loop3A_562 = tpu.vector_load_idx %arg7[%parallel_loop3A_556] : memref<1024xf32, #tpu.memory_space<vmem>>[vector<16xi32>], vector<16xf32>,
      %parallel_loop3A_563 = arith.constant 16 : i32
      %parallel_loop3A_564 = arith.muli %parallel_loop3A_550, %parallel_loop3A_563 : i32
      %parallel_loop3A_565 = arith.index_cast %parallel_loop3A_564 : i32 to index
      %parallel_loop3A_566 = tpu.vector_load %arg9[%parallel_loop3A_565] {strides = array<i32>} : memref<1024xf32, #tpu.memory_space<vmem>>, vector<16xf32>,
      tpu.vector_store %arg9[%parallel_loop3A_565], %parallel_loop3A_562 {strides = array<i32>} : memref<1024xf32, #tpu.memory_space<vmem>>, vector<16xf32>,
    } {sc.loop_unroll_factor = 8 : i64, sc.parallel_access}
    %add3A_175 = arith.constant 640 : i32
    %add3A_176 = arith.addi %add3A_175, %mul3A_2 : i32
    %mul3A_177 = arith.constant 1024 : i32
    %mul3A_178 = arith.muli %add3A_176, %mul3A_177 : i32
    %dma_start3A_179 = tpu.memref_slice %arg4[%mul3A_178] : memref<2097152xf32, #tpu.memory_space<hbm>> -> memref<1024xf32, #tpu.memory_space<hbm>>
    %dma_start3A_180 = tpu.memref_slice %arg4[%mul3A_178] : memref<2097152xf32, #tpu.memory_space<hbm>> -> memref<1024xf32, #tpu.memory_space<hbm>>
    tpu.enqueue_dma source(%arg8 : memref<1024xf32, #tpu.memory_space<vmem>>) target(%dma_start3A_180 : memref<1024xf32, #tpu.memory_space<hbm>>) target_semaphore(%arg12 : memref<!tpu.dma_semaphore, #tpu.memory_space<semaphore_mem>>)
    %add3A_181 = arith.constant 1024 : i32
    %add3A_182 = arith.addi %mul3A_178, %add3A_181 : i32
    %dma_start3A_183 = tpu.memref_slice %arg4[%add3A_182] : memref<2097152xf32, #tpu.memory_space<hbm>> -> memref<1024xf32, #tpu.memory_space<hbm>>
    %dma_start3A_184 = tpu.memref_slice %arg4[%add3A_182] : memref<2097152xf32, #tpu.memory_space<hbm>> -> memref<1024xf32, #tpu.memory_space<hbm>>
    tpu.enqueue_dma source(%arg9 : memref<1024xf32, #tpu.memory_space<vmem>>) target(%dma_start3A_184 : memref<1024xf32, #tpu.memory_space<hbm>>) target_semaphore(%arg13 : memref<!tpu.dma_semaphore, #tpu.memory_space<semaphore_mem>>)
    %dma_wait3A_185 = tpu.memref_slice %arg4[%mul3A_161] : memref<2097152xf32, #tpu.memory_space<hbm>> -> memref<1024xf32, #tpu.memory_space<hbm>>
    %dma_wait3A_186 = tpu.memref_slice %arg4[%mul3A_161] : memref<2097152xf32, #tpu.memory_space<hbm>> -> memref<1024xf32, #tpu.memory_space<hbm>>
    tpu.wait_dma2 semaphore(%arg14 : memref<!tpu.dma_semaphore, #tpu.memory_space<semaphore_mem>>) src(%arg10 : memref<1024xf32, #tpu.memory_space<vmem>>) dst(%dma_wait3A_186 : memref<1024xf32, #tpu.memory_space<hbm>>)
    %dma_wait3A_187 = tpu.memref_slice %arg4[%add3A_165] : memref<2097152xf32, #tpu.memory_space<hbm>> -> memref<1024xf32, #tpu.memory_space<hbm>>
    %dma_wait3A_188 = tpu.memref_slice %arg4[%add3A_165] : memref<2097152xf32, #tpu.memory_space<hbm>> -> memref<1024xf32, #tpu.memory_space<hbm>>
    tpu.wait_dma2 semaphore(%arg15 : memref<!tpu.dma_semaphore, #tpu.memory_space<semaphore_mem>>) src(%arg11 : memref<1024xf32, #tpu.memory_space<vmem>>) dst(%dma_wait3A_188 : memref<1024xf32, #tpu.memory_space<hbm>>)
    %parallel_loop3A_189 = arith.constant 0 : i32
    %parallel_loop3A_190 = arith.constant 64 : i32
    %parallel_loop3A_191 = arith.constant 1 : i32
    scf.for %parallel_loop3A_550 = %parallel_loop3A_189 to %parallel_loop3A_190 step %parallel_loop3A_191  : i32 {
      %parallel_loop3A_551 = arith.constant 16 : i32
      %parallel_loop3A_552 = arith.muli %parallel_loop3A_550, %parallel_loop3A_551 : i32
      %parallel_loop3A_553 = arith.constant 11264 : i32
      %parallel_loop3A_554 = arith.addi %parallel_loop3A_553, %parallel_loop3A_552 : i32
      %parallel_loop3A_555 = arith.index_cast %parallel_loop3A_554 : i32 to index
      %parallel_loop3A_556 = tpu.vector_load %arg5[%parallel_loop3A_555] {strides = array<i32>} : memref<32768xi32, #tpu.memory_space<vmem>>, vector<16xi32>,
      %parallel_loop3A_557 = tpu.vector_load_idx %arg6[%parallel_loop3A_556] : memref<1024xf32, #tpu.memory_space<vmem>>[vector<16xi32>], vector<16xf32>,
      %parallel_loop3A_558 = arith.constant 16 : i32
      %parallel_loop3A_559 = arith.muli %parallel_loop3A_550, %parallel_loop3A_558 : i32
      %parallel_loop3A_560 = arith.index_cast %parallel_loop3A_559 : i32 to index
      %parallel_loop3A_561 = tpu.vector_load %arg10[%parallel_loop3A_560] {strides = array<i32>} : memref<1024xf32, #tpu.memory_space<vmem>>, vector<16xf32>,
      tpu.vector_store %arg10[%parallel_loop3A_560], %parallel_loop3A_557 {strides = array<i32>} : memref<1024xf32, #tpu.memory_space<vmem>>, vector<16xf32>,
      %parallel_loop3A_562 = tpu.vector_load_idx %arg7[%parallel_loop3A_556] : memref<1024xf32, #tpu.memory_space<vmem>>[vector<16xi32>], vector<16xf32>,
      %parallel_loop3A_563 = arith.constant 16 : i32
      %parallel_loop3A_564 = arith.muli %parallel_loop3A_550, %parallel_loop3A_563 : i32
      %parallel_loop3A_565 = arith.index_cast %parallel_loop3A_564 : i32 to index
      %parallel_loop3A_566 = tpu.vector_load %arg11[%parallel_loop3A_565] {strides = array<i32>} : memref<1024xf32, #tpu.memory_space<vmem>>, vector<16xf32>,
      tpu.vector_store %arg11[%parallel_loop3A_565], %parallel_loop3A_562 {strides = array<i32>} : memref<1024xf32, #tpu.memory_space<vmem>>, vector<16xf32>,
    } {sc.loop_unroll_factor = 8 : i64, sc.parallel_access}
    %add3A_192 = arith.constant 704 : i32
    %add3A_193 = arith.addi %add3A_192, %mul3A_2 : i32
    %mul3A_194 = arith.constant 1024 : i32
    %mul3A_195 = arith.muli %add3A_193, %mul3A_194 : i32
    %dma_start3A_196 = tpu.memref_slice %arg4[%mul3A_195] : memref<2097152xf32, #tpu.memory_space<hbm>> -> memref<1024xf32, #tpu.memory_space<hbm>>
    %dma_start3A_197 = tpu.memref_slice %arg4[%mul3A_195] : memref<2097152xf32, #tpu.memory_space<hbm>> -> memref<1024xf32, #tpu.memory_space<hbm>>
    tpu.enqueue_dma source(%arg10 : memref<1024xf32, #tpu.memory_space<vmem>>) target(%dma_start3A_197 : memref<1024xf32, #tpu.memory_space<hbm>>) target_semaphore(%arg14 : memref<!tpu.dma_semaphore, #tpu.memory_space<semaphore_mem>>)
    %add3A_198 = arith.constant 1024 : i32
    %add3A_199 = arith.addi %mul3A_195, %add3A_198 : i32
    %dma_start3A_200 = tpu.memref_slice %arg4[%add3A_199] : memref<2097152xf32, #tpu.memory_space<hbm>> -> memref<1024xf32, #tpu.memory_space<hbm>>
    %dma_start3A_201 = tpu.memref_slice %arg4[%add3A_199] : memref<2097152xf32, #tpu.memory_space<hbm>> -> memref<1024xf32, #tpu.memory_space<hbm>>
    tpu.enqueue_dma source(%arg11 : memref<1024xf32, #tpu.memory_space<vmem>>) target(%dma_start3A_201 : memref<1024xf32, #tpu.memory_space<hbm>>) target_semaphore(%arg15 : memref<!tpu.dma_semaphore, #tpu.memory_space<semaphore_mem>>)
    %dma_wait3A_202 = tpu.memref_slice %arg4[%mul3A_178] : memref<2097152xf32, #tpu.memory_space<hbm>> -> memref<1024xf32, #tpu.memory_space<hbm>>
    %dma_wait3A_203 = tpu.memref_slice %arg4[%mul3A_178] : memref<2097152xf32, #tpu.memory_space<hbm>> -> memref<1024xf32, #tpu.memory_space<hbm>>
    tpu.wait_dma2 semaphore(%arg12 : memref<!tpu.dma_semaphore, #tpu.memory_space<semaphore_mem>>) src(%arg8 : memref<1024xf32, #tpu.memory_space<vmem>>) dst(%dma_wait3A_203 : memref<1024xf32, #tpu.memory_space<hbm>>)
    %dma_wait3A_204 = tpu.memref_slice %arg4[%add3A_182] : memref<2097152xf32, #tpu.memory_space<hbm>> -> memref<1024xf32, #tpu.memory_space<hbm>>
    %dma_wait3A_205 = tpu.memref_slice %arg4[%add3A_182] : memref<2097152xf32, #tpu.memory_space<hbm>> -> memref<1024xf32, #tpu.memory_space<hbm>>
    tpu.wait_dma2 semaphore(%arg13 : memref<!tpu.dma_semaphore, #tpu.memory_space<semaphore_mem>>) src(%arg9 : memref<1024xf32, #tpu.memory_space<vmem>>) dst(%dma_wait3A_205 : memref<1024xf32, #tpu.memory_space<hbm>>)
    %parallel_loop3A_206 = arith.constant 0 : i32
    %parallel_loop3A_207 = arith.constant 64 : i32
    %parallel_loop3A_208 = arith.constant 1 : i32
    scf.for %parallel_loop3A_550 = %parallel_loop3A_206 to %parallel_loop3A_207 step %parallel_loop3A_208  : i32 {
      %parallel_loop3A_551 = arith.constant 16 : i32
      %parallel_loop3A_552 = arith.muli %parallel_loop3A_550, %parallel_loop3A_551 : i32
      %parallel_loop3A_553 = arith.constant 12288 : i32
      %parallel_loop3A_554 = arith.addi %parallel_loop3A_553, %parallel_loop3A_552 : i32
      %parallel_loop3A_555 = arith.index_cast %parallel_loop3A_554 : i32 to index
      %parallel_loop3A_556 = tpu.vector_load %arg5[%parallel_loop3A_555] {strides = array<i32>} : memref<32768xi32, #tpu.memory_space<vmem>>, vector<16xi32>,
      %parallel_loop3A_557 = tpu.vector_load_idx %arg6[%parallel_loop3A_556] : memref<1024xf32, #tpu.memory_space<vmem>>[vector<16xi32>], vector<16xf32>,
      %parallel_loop3A_558 = arith.constant 16 : i32
      %parallel_loop3A_559 = arith.muli %parallel_loop3A_550, %parallel_loop3A_558 : i32
      %parallel_loop3A_560 = arith.index_cast %parallel_loop3A_559 : i32 to index
      %parallel_loop3A_561 = tpu.vector_load %arg8[%parallel_loop3A_560] {strides = array<i32>} : memref<1024xf32, #tpu.memory_space<vmem>>, vector<16xf32>,
      tpu.vector_store %arg8[%parallel_loop3A_560], %parallel_loop3A_557 {strides = array<i32>} : memref<1024xf32, #tpu.memory_space<vmem>>, vector<16xf32>,
      %parallel_loop3A_562 = tpu.vector_load_idx %arg7[%parallel_loop3A_556] : memref<1024xf32, #tpu.memory_space<vmem>>[vector<16xi32>], vector<16xf32>,
      %parallel_loop3A_563 = arith.constant 16 : i32
      %parallel_loop3A_564 = arith.muli %parallel_loop3A_550, %parallel_loop3A_563 : i32
      %parallel_loop3A_565 = arith.index_cast %parallel_loop3A_564 : i32 to index
      %parallel_loop3A_566 = tpu.vector_load %arg9[%parallel_loop3A_565] {strides = array<i32>} : memref<1024xf32, #tpu.memory_space<vmem>>, vector<16xf32>,
      tpu.vector_store %arg9[%parallel_loop3A_565], %parallel_loop3A_562 {strides = array<i32>} : memref<1024xf32, #tpu.memory_space<vmem>>, vector<16xf32>,
    } {sc.loop_unroll_factor = 8 : i64, sc.parallel_access}
    %add3A_209 = arith.constant 768 : i32
    %add3A_210 = arith.addi %add3A_209, %mul3A_2 : i32
    %mul3A_211 = arith.constant 1024 : i32
    %mul3A_212 = arith.muli %add3A_210, %mul3A_211 : i32
    %dma_start3A_213 = tpu.memref_slice %arg4[%mul3A_212] : memref<2097152xf32, #tpu.memory_space<hbm>> -> memref<1024xf32, #tpu.memory_space<hbm>>
    %dma_start3A_214 = tpu.memref_slice %arg4[%mul3A_212] : memref<2097152xf32, #tpu.memory_space<hbm>> -> memref<1024xf32, #tpu.memory_space<hbm>>
    tpu.enqueue_dma source(%arg8 : memref<1024xf32, #tpu.memory_space<vmem>>) target(%dma_start3A_214 : memref<1024xf32, #tpu.memory_space<hbm>>) target_semaphore(%arg12 : memref<!tpu.dma_semaphore, #tpu.memory_space<semaphore_mem>>)
    %add3A_215 = arith.constant 1024 : i32
    %add3A_216 = arith.addi %mul3A_212, %add3A_215 : i32
    %dma_start3A_217 = tpu.memref_slice %arg4[%add3A_216] : memref<2097152xf32, #tpu.memory_space<hbm>> -> memref<1024xf32, #tpu.memory_space<hbm>>
    %dma_start3A_218 = tpu.memref_slice %arg4[%add3A_216] : memref<2097152xf32, #tpu.memory_space<hbm>> -> memref<1024xf32, #tpu.memory_space<hbm>>
    tpu.enqueue_dma source(%arg9 : memref<1024xf32, #tpu.memory_space<vmem>>) target(%dma_start3A_218 : memref<1024xf32, #tpu.memory_space<hbm>>) target_semaphore(%arg13 : memref<!tpu.dma_semaphore, #tpu.memory_space<semaphore_mem>>)
    %dma_wait3A_219 = tpu.memref_slice %arg4[%mul3A_195] : memref<2097152xf32, #tpu.memory_space<hbm>> -> memref<1024xf32, #tpu.memory_space<hbm>>
    %dma_wait3A_220 = tpu.memref_slice %arg4[%mul3A_195] : memref<2097152xf32, #tpu.memory_space<hbm>> -> memref<1024xf32, #tpu.memory_space<hbm>>
    tpu.wait_dma2 semaphore(%arg14 : memref<!tpu.dma_semaphore, #tpu.memory_space<semaphore_mem>>) src(%arg10 : memref<1024xf32, #tpu.memory_space<vmem>>) dst(%dma_wait3A_220 : memref<1024xf32, #tpu.memory_space<hbm>>)
    %dma_wait3A_221 = tpu.memref_slice %arg4[%add3A_199] : memref<2097152xf32, #tpu.memory_space<hbm>> -> memref<1024xf32, #tpu.memory_space<hbm>>
    %dma_wait3A_222 = tpu.memref_slice %arg4[%add3A_199] : memref<2097152xf32, #tpu.memory_space<hbm>> -> memref<1024xf32, #tpu.memory_space<hbm>>
    tpu.wait_dma2 semaphore(%arg15 : memref<!tpu.dma_semaphore, #tpu.memory_space<semaphore_mem>>) src(%arg11 : memref<1024xf32, #tpu.memory_space<vmem>>) dst(%dma_wait3A_222 : memref<1024xf32, #tpu.memory_space<hbm>>)
    %parallel_loop3A_223 = arith.constant 0 : i32
    %parallel_loop3A_224 = arith.constant 64 : i32
    %parallel_loop3A_225 = arith.constant 1 : i32
    scf.for %parallel_loop3A_550 = %parallel_loop3A_223 to %parallel_loop3A_224 step %parallel_loop3A_225  : i32 {
      %parallel_loop3A_551 = arith.constant 16 : i32
      %parallel_loop3A_552 = arith.muli %parallel_loop3A_550, %parallel_loop3A_551 : i32
      %parallel_loop3A_553 = arith.constant 13312 : i32
      %parallel_loop3A_554 = arith.addi %parallel_loop3A_553, %parallel_loop3A_552 : i32
      %parallel_loop3A_555 = arith.index_cast %parallel_loop3A_554 : i32 to index
      %parallel_loop3A_556 = tpu.vector_load %arg5[%parallel_loop3A_555] {strides = array<i32>} : memref<32768xi32, #tpu.memory_space<vmem>>, vector<16xi32>,
      %parallel_loop3A_557 = tpu.vector_load_idx %arg6[%parallel_loop3A_556] : memref<1024xf32, #tpu.memory_space<vmem>>[vector<16xi32>], vector<16xf32>,
      %parallel_loop3A_558 = arith.constant 16 : i32
      %parallel_loop3A_559 = arith.muli %parallel_loop3A_550, %parallel_loop3A_558 : i32
      %parallel_loop3A_560 = arith.index_cast %parallel_loop3A_559 : i32 to index
      %parallel_loop3A_561 = tpu.vector_load %arg10[%parallel_loop3A_560] {strides = array<i32>} : memref<1024xf32, #tpu.memory_space<vmem>>, vector<16xf32>,
      tpu.vector_store %arg10[%parallel_loop3A_560], %parallel_loop3A_557 {strides = array<i32>} : memref<1024xf32, #tpu.memory_space<vmem>>, vector<16xf32>,
      %parallel_loop3A_562 = tpu.vector_load_idx %arg7[%parallel_loop3A_556] : memref<1024xf32, #tpu.memory_space<vmem>>[vector<16xi32>], vector<16xf32>,
      %parallel_loop3A_563 = arith.constant 16 : i32
      %parallel_loop3A_564 = arith.muli %parallel_loop3A_550, %parallel_loop3A_563 : i32
      %parallel_loop3A_565 = arith.index_cast %parallel_loop3A_564 : i32 to index
      %parallel_loop3A_566 = tpu.vector_load %arg11[%parallel_loop3A_565] {strides = array<i32>} : memref<1024xf32, #tpu.memory_space<vmem>>, vector<16xf32>,
      tpu.vector_store %arg11[%parallel_loop3A_565], %parallel_loop3A_562 {strides = array<i32>} : memref<1024xf32, #tpu.memory_space<vmem>>, vector<16xf32>,
    } {sc.loop_unroll_factor = 8 : i64, sc.parallel_access}
    %add3A_226 = arith.constant 832 : i32
    %add3A_227 = arith.addi %add3A_226, %mul3A_2 : i32
    %mul3A_228 = arith.constant 1024 : i32
    %mul3A_229 = arith.muli %add3A_227, %mul3A_228 : i32
    %dma_start3A_230 = tpu.memref_slice %arg4[%mul3A_229] : memref<2097152xf32, #tpu.memory_space<hbm>> -> memref<1024xf32, #tpu.memory_space<hbm>>
    %dma_start3A_231 = tpu.memref_slice %arg4[%mul3A_229] : memref<2097152xf32, #tpu.memory_space<hbm>> -> memref<1024xf32, #tpu.memory_space<hbm>>
    tpu.enqueue_dma source(%arg10 : memref<1024xf32, #tpu.memory_space<vmem>>) target(%dma_start3A_231 : memref<1024xf32, #tpu.memory_space<hbm>>) target_semaphore(%arg14 : memref<!tpu.dma_semaphore, #tpu.memory_space<semaphore_mem>>)
    %add3A_232 = arith.constant 1024 : i32
    %add3A_233 = arith.addi %mul3A_229, %add3A_232 : i32
    %dma_start3A_234 = tpu.memref_slice %arg4[%add3A_233] : memref<2097152xf32, #tpu.memory_space<hbm>> -> memref<1024xf32, #tpu.memory_space<hbm>>
    %dma_start3A_235 = tpu.memref_slice %arg4[%add3A_233] : memref<2097152xf32, #tpu.memory_space<hbm>> -> memref<1024xf32, #tpu.memory_space<hbm>>
    tpu.enqueue_dma source(%arg11 : memref<1024xf32, #tpu.memory_space<vmem>>) target(%dma_start3A_235 : memref<1024xf32, #tpu.memory_space<hbm>>) target_semaphore(%arg15 : memref<!tpu.dma_semaphore, #tpu.memory_space<semaphore_mem>>)
    %dma_wait3A_236 = tpu.memref_slice %arg4[%mul3A_212] : memref<2097152xf32, #tpu.memory_space<hbm>> -> memref<1024xf32, #tpu.memory_space<hbm>>
    %dma_wait3A_237 = tpu.memref_slice %arg4[%mul3A_212] : memref<2097152xf32, #tpu.memory_space<hbm>> -> memref<1024xf32, #tpu.memory_space<hbm>>
    tpu.wait_dma2 semaphore(%arg12 : memref<!tpu.dma_semaphore, #tpu.memory_space<semaphore_mem>>) src(%arg8 : memref<1024xf32, #tpu.memory_space<vmem>>) dst(%dma_wait3A_237 : memref<1024xf32, #tpu.memory_space<hbm>>)
    %dma_wait3A_238 = tpu.memref_slice %arg4[%add3A_216] : memref<2097152xf32, #tpu.memory_space<hbm>> -> memref<1024xf32, #tpu.memory_space<hbm>>
    %dma_wait3A_239 = tpu.memref_slice %arg4[%add3A_216] : memref<2097152xf32, #tpu.memory_space<hbm>> -> memref<1024xf32, #tpu.memory_space<hbm>>
    tpu.wait_dma2 semaphore(%arg13 : memref<!tpu.dma_semaphore, #tpu.memory_space<semaphore_mem>>) src(%arg9 : memref<1024xf32, #tpu.memory_space<vmem>>) dst(%dma_wait3A_239 : memref<1024xf32, #tpu.memory_space<hbm>>)
    %parallel_loop3A_240 = arith.constant 0 : i32
    %parallel_loop3A_241 = arith.constant 64 : i32
    %parallel_loop3A_242 = arith.constant 1 : i32
    scf.for %parallel_loop3A_550 = %parallel_loop3A_240 to %parallel_loop3A_241 step %parallel_loop3A_242  : i32 {
      %parallel_loop3A_551 = arith.constant 16 : i32
      %parallel_loop3A_552 = arith.muli %parallel_loop3A_550, %parallel_loop3A_551 : i32
      %parallel_loop3A_553 = arith.constant 14336 : i32
      %parallel_loop3A_554 = arith.addi %parallel_loop3A_553, %parallel_loop3A_552 : i32
      %parallel_loop3A_555 = arith.index_cast %parallel_loop3A_554 : i32 to index
      %parallel_loop3A_556 = tpu.vector_load %arg5[%parallel_loop3A_555] {strides = array<i32>} : memref<32768xi32, #tpu.memory_space<vmem>>, vector<16xi32>,
      %parallel_loop3A_557 = tpu.vector_load_idx %arg6[%parallel_loop3A_556] : memref<1024xf32, #tpu.memory_space<vmem>>[vector<16xi32>], vector<16xf32>,
      %parallel_loop3A_558 = arith.constant 16 : i32
      %parallel_loop3A_559 = arith.muli %parallel_loop3A_550, %parallel_loop3A_558 : i32
      %parallel_loop3A_560 = arith.index_cast %parallel_loop3A_559 : i32 to index
      %parallel_loop3A_561 = tpu.vector_load %arg8[%parallel_loop3A_560] {strides = array<i32>} : memref<1024xf32, #tpu.memory_space<vmem>>, vector<16xf32>,
      tpu.vector_store %arg8[%parallel_loop3A_560], %parallel_loop3A_557 {strides = array<i32>} : memref<1024xf32, #tpu.memory_space<vmem>>, vector<16xf32>,
      %parallel_loop3A_562 = tpu.vector_load_idx %arg7[%parallel_loop3A_556] : memref<1024xf32, #tpu.memory_space<vmem>>[vector<16xi32>], vector<16xf32>,
      %parallel_loop3A_563 = arith.constant 16 : i32
      %parallel_loop3A_564 = arith.muli %parallel_loop3A_550, %parallel_loop3A_563 : i32
      %parallel_loop3A_565 = arith.index_cast %parallel_loop3A_564 : i32 to index
      %parallel_loop3A_566 = tpu.vector_load %arg9[%parallel_loop3A_565] {strides = array<i32>} : memref<1024xf32, #tpu.memory_space<vmem>>, vector<16xf32>,
      tpu.vector_store %arg9[%parallel_loop3A_565], %parallel_loop3A_562 {strides = array<i32>} : memref<1024xf32, #tpu.memory_space<vmem>>, vector<16xf32>,
    } {sc.loop_unroll_factor = 8 : i64, sc.parallel_access}
    %add3A_243 = arith.constant 896 : i32
    %add3A_244 = arith.addi %add3A_243, %mul3A_2 : i32
    %mul3A_245 = arith.constant 1024 : i32
    %mul3A_246 = arith.muli %add3A_244, %mul3A_245 : i32
    %dma_start3A_247 = tpu.memref_slice %arg4[%mul3A_246] : memref<2097152xf32, #tpu.memory_space<hbm>> -> memref<1024xf32, #tpu.memory_space<hbm>>
    %dma_start3A_248 = tpu.memref_slice %arg4[%mul3A_246] : memref<2097152xf32, #tpu.memory_space<hbm>> -> memref<1024xf32, #tpu.memory_space<hbm>>
    tpu.enqueue_dma source(%arg8 : memref<1024xf32, #tpu.memory_space<vmem>>) target(%dma_start3A_248 : memref<1024xf32, #tpu.memory_space<hbm>>) target_semaphore(%arg12 : memref<!tpu.dma_semaphore, #tpu.memory_space<semaphore_mem>>)
    %add3A_249 = arith.constant 1024 : i32
    %add3A_250 = arith.addi %mul3A_246, %add3A_249 : i32
    %dma_start3A_251 = tpu.memref_slice %arg4[%add3A_250] : memref<2097152xf32, #tpu.memory_space<hbm>> -> memref<1024xf32, #tpu.memory_space<hbm>>
    %dma_start3A_252 = tpu.memref_slice %arg4[%add3A_250] : memref<2097152xf32, #tpu.memory_space<hbm>> -> memref<1024xf32, #tpu.memory_space<hbm>>
    tpu.enqueue_dma source(%arg9 : memref<1024xf32, #tpu.memory_space<vmem>>) target(%dma_start3A_252 : memref<1024xf32, #tpu.memory_space<hbm>>) target_semaphore(%arg13 : memref<!tpu.dma_semaphore, #tpu.memory_space<semaphore_mem>>)
    %dma_wait3A_253 = tpu.memref_slice %arg4[%mul3A_229] : memref<2097152xf32, #tpu.memory_space<hbm>> -> memref<1024xf32, #tpu.memory_space<hbm>>
    %dma_wait3A_254 = tpu.memref_slice %arg4[%mul3A_229] : memref<2097152xf32, #tpu.memory_space<hbm>> -> memref<1024xf32, #tpu.memory_space<hbm>>
    tpu.wait_dma2 semaphore(%arg14 : memref<!tpu.dma_semaphore, #tpu.memory_space<semaphore_mem>>) src(%arg10 : memref<1024xf32, #tpu.memory_space<vmem>>) dst(%dma_wait3A_254 : memref<1024xf32, #tpu.memory_space<hbm>>)
    %dma_wait3A_255 = tpu.memref_slice %arg4[%add3A_233] : memref<2097152xf32, #tpu.memory_space<hbm>> -> memref<1024xf32, #tpu.memory_space<hbm>>
    %dma_wait3A_256 = tpu.memref_slice %arg4[%add3A_233] : memref<2097152xf32, #tpu.memory_space<hbm>> -> memref<1024xf32, #tpu.memory_space<hbm>>
    tpu.wait_dma2 semaphore(%arg15 : memref<!tpu.dma_semaphore, #tpu.memory_space<semaphore_mem>>) src(%arg11 : memref<1024xf32, #tpu.memory_space<vmem>>) dst(%dma_wait3A_256 : memref<1024xf32, #tpu.memory_space<hbm>>)
    %parallel_loop3A_257 = arith.constant 0 : i32
    %parallel_loop3A_258 = arith.constant 64 : i32
    %parallel_loop3A_259 = arith.constant 1 : i32
    scf.for %parallel_loop3A_550 = %parallel_loop3A_257 to %parallel_loop3A_258 step %parallel_loop3A_259  : i32 {
      %parallel_loop3A_551 = arith.constant 16 : i32
      %parallel_loop3A_552 = arith.muli %parallel_loop3A_550, %parallel_loop3A_551 : i32
      %parallel_loop3A_553 = arith.constant 15360 : i32
      %parallel_loop3A_554 = arith.addi %parallel_loop3A_553, %parallel_loop3A_552 : i32
      %parallel_loop3A_555 = arith.index_cast %parallel_loop3A_554 : i32 to index
      %parallel_loop3A_556 = tpu.vector_load %arg5[%parallel_loop3A_555] {strides = array<i32>} : memref<32768xi32, #tpu.memory_space<vmem>>, vector<16xi32>,
      %parallel_loop3A_557 = tpu.vector_load_idx %arg6[%parallel_loop3A_556] : memref<1024xf32, #tpu.memory_space<vmem>>[vector<16xi32>], vector<16xf32>,
      %parallel_loop3A_558 = arith.constant 16 : i32
      %parallel_loop3A_559 = arith.muli %parallel_loop3A_550, %parallel_loop3A_558 : i32
      %parallel_loop3A_560 = arith.index_cast %parallel_loop3A_559 : i32 to index
      %parallel_loop3A_561 = tpu.vector_load %arg10[%parallel_loop3A_560] {strides = array<i32>} : memref<1024xf32, #tpu.memory_space<vmem>>, vector<16xf32>,
      tpu.vector_store %arg10[%parallel_loop3A_560], %parallel_loop3A_557 {strides = array<i32>} : memref<1024xf32, #tpu.memory_space<vmem>>, vector<16xf32>,
      %parallel_loop3A_562 = tpu.vector_load_idx %arg7[%parallel_loop3A_556] : memref<1024xf32, #tpu.memory_space<vmem>>[vector<16xi32>], vector<16xf32>,
      %parallel_loop3A_563 = arith.constant 16 : i32
      %parallel_loop3A_564 = arith.muli %parallel_loop3A_550, %parallel_loop3A_563 : i32
      %parallel_loop3A_565 = arith.index_cast %parallel_loop3A_564 : i32 to index
      %parallel_loop3A_566 = tpu.vector_load %arg11[%parallel_loop3A_565] {strides = array<i32>} : memref<1024xf32, #tpu.memory_space<vmem>>, vector<16xf32>,
      tpu.vector_store %arg11[%parallel_loop3A_565], %parallel_loop3A_562 {strides = array<i32>} : memref<1024xf32, #tpu.memory_space<vmem>>, vector<16xf32>,
    } {sc.loop_unroll_factor = 8 : i64, sc.parallel_access}
    %add3A_260 = arith.constant 960 : i32
    %add3A_261 = arith.addi %add3A_260, %mul3A_2 : i32
    %mul3A_262 = arith.constant 1024 : i32
    %mul3A_263 = arith.muli %add3A_261, %mul3A_262 : i32
    %dma_start3A_264 = tpu.memref_slice %arg4[%mul3A_263] : memref<2097152xf32, #tpu.memory_space<hbm>> -> memref<1024xf32, #tpu.memory_space<hbm>>
    %dma_start3A_265 = tpu.memref_slice %arg4[%mul3A_263] : memref<2097152xf32, #tpu.memory_space<hbm>> -> memref<1024xf32, #tpu.memory_space<hbm>>
    tpu.enqueue_dma source(%arg10 : memref<1024xf32, #tpu.memory_space<vmem>>) target(%dma_start3A_265 : memref<1024xf32, #tpu.memory_space<hbm>>) target_semaphore(%arg14 : memref<!tpu.dma_semaphore, #tpu.memory_space<semaphore_mem>>)
    %add3A_266 = arith.constant 1024 : i32
    %add3A_267 = arith.addi %mul3A_263, %add3A_266 : i32
    %dma_start3A_268 = tpu.memref_slice %arg4[%add3A_267] : memref<2097152xf32, #tpu.memory_space<hbm>> -> memref<1024xf32, #tpu.memory_space<hbm>>
    %dma_start3A_269 = tpu.memref_slice %arg4[%add3A_267] : memref<2097152xf32, #tpu.memory_space<hbm>> -> memref<1024xf32, #tpu.memory_space<hbm>>
    tpu.enqueue_dma source(%arg11 : memref<1024xf32, #tpu.memory_space<vmem>>) target(%dma_start3A_269 : memref<1024xf32, #tpu.memory_space<hbm>>) target_semaphore(%arg15 : memref<!tpu.dma_semaphore, #tpu.memory_space<semaphore_mem>>)
    %dma_wait3A_270 = tpu.memref_slice %arg4[%mul3A_246] : memref<2097152xf32, #tpu.memory_space<hbm>> -> memref<1024xf32, #tpu.memory_space<hbm>>
    %dma_wait3A_271 = tpu.memref_slice %arg4[%mul3A_246] : memref<2097152xf32, #tpu.memory_space<hbm>> -> memref<1024xf32, #tpu.memory_space<hbm>>
    tpu.wait_dma2 semaphore(%arg12 : memref<!tpu.dma_semaphore, #tpu.memory_space<semaphore_mem>>) src(%arg8 : memref<1024xf32, #tpu.memory_space<vmem>>) dst(%dma_wait3A_271 : memref<1024xf32, #tpu.memory_space<hbm>>)
    %dma_wait3A_272 = tpu.memref_slice %arg4[%add3A_250] : memref<2097152xf32, #tpu.memory_space<hbm>> -> memref<1024xf32, #tpu.memory_space<hbm>>
    %dma_wait3A_273 = tpu.memref_slice %arg4[%add3A_250] : memref<2097152xf32, #tpu.memory_space<hbm>> -> memref<1024xf32, #tpu.memory_space<hbm>>
    tpu.wait_dma2 semaphore(%arg13 : memref<!tpu.dma_semaphore, #tpu.memory_space<semaphore_mem>>) src(%arg9 : memref<1024xf32, #tpu.memory_space<vmem>>) dst(%dma_wait3A_273 : memref<1024xf32, #tpu.memory_space<hbm>>)
    %parallel_loop3A_274 = arith.constant 0 : i32
    %parallel_loop3A_275 = arith.constant 64 : i32
    %parallel_loop3A_276 = arith.constant 1 : i32
    scf.for %parallel_loop3A_550 = %parallel_loop3A_274 to %parallel_loop3A_275 step %parallel_loop3A_276  : i32 {
      %parallel_loop3A_551 = arith.constant 16 : i32
      %parallel_loop3A_552 = arith.muli %parallel_loop3A_550, %parallel_loop3A_551 : i32
      %parallel_loop3A_553 = arith.constant 16384 : i32
      %parallel_loop3A_554 = arith.addi %parallel_loop3A_553, %parallel_loop3A_552 : i32
      %parallel_loop3A_555 = arith.index_cast %parallel_loop3A_554 : i32 to index
      %parallel_loop3A_556 = tpu.vector_load %arg5[%parallel_loop3A_555] {strides = array<i32>} : memref<32768xi32, #tpu.memory_space<vmem>>, vector<16xi32>,
      %parallel_loop3A_557 = tpu.vector_load_idx %arg6[%parallel_loop3A_556] : memref<1024xf32, #tpu.memory_space<vmem>>[vector<16xi32>], vector<16xf32>,
      %parallel_loop3A_558 = arith.constant 16 : i32
      %parallel_loop3A_559 = arith.muli %parallel_loop3A_550, %parallel_loop3A_558 : i32
      %parallel_loop3A_560 = arith.index_cast %parallel_loop3A_559 : i32 to index
      %parallel_loop3A_561 = tpu.vector_load %arg8[%parallel_loop3A_560] {strides = array<i32>} : memref<1024xf32, #tpu.memory_space<vmem>>, vector<16xf32>,
      tpu.vector_store %arg8[%parallel_loop3A_560], %parallel_loop3A_557 {strides = array<i32>} : memref<1024xf32, #tpu.memory_space<vmem>>, vector<16xf32>,
      %parallel_loop3A_562 = tpu.vector_load_idx %arg7[%parallel_loop3A_556] : memref<1024xf32, #tpu.memory_space<vmem>>[vector<16xi32>], vector<16xf32>,
      %parallel_loop3A_563 = arith.constant 16 : i32
      %parallel_loop3A_564 = arith.muli %parallel_loop3A_550, %parallel_loop3A_563 : i32
      %parallel_loop3A_565 = arith.index_cast %parallel_loop3A_564 : i32 to index
      %parallel_loop3A_566 = tpu.vector_load %arg9[%parallel_loop3A_565] {strides = array<i32>} : memref<1024xf32, #tpu.memory_space<vmem>>, vector<16xf32>,
      tpu.vector_store %arg9[%parallel_loop3A_565], %parallel_loop3A_562 {strides = array<i32>} : memref<1024xf32, #tpu.memory_space<vmem>>, vector<16xf32>,
    } {sc.loop_unroll_factor = 8 : i64, sc.parallel_access}
    %add3A_277 = arith.constant 1024 : i32
    %add3A_278 = arith.addi %add3A_277, %mul3A_2 : i32
    %mul3A_279 = arith.constant 1024 : i32
    %mul3A_280 = arith.muli %add3A_278, %mul3A_279 : i32
    %dma_start3A_281 = tpu.memref_slice %arg4[%mul3A_280] : memref<2097152xf32, #tpu.memory_space<hbm>> -> memref<1024xf32, #tpu.memory_space<hbm>>
    %dma_start3A_282 = tpu.memref_slice %arg4[%mul3A_280] : memref<2097152xf32, #tpu.memory_space<hbm>> -> memref<1024xf32, #tpu.memory_space<hbm>>
    tpu.enqueue_dma source(%arg8 : memref<1024xf32, #tpu.memory_space<vmem>>) target(%dma_start3A_282 : memref<1024xf32, #tpu.memory_space<hbm>>) target_semaphore(%arg12 : memref<!tpu.dma_semaphore, #tpu.memory_space<semaphore_mem>>)
    %add3A_283 = arith.constant 1024 : i32
    %add3A_284 = arith.addi %mul3A_280, %add3A_283 : i32
    %dma_start3A_285 = tpu.memref_slice %arg4[%add3A_284] : memref<2097152xf32, #tpu.memory_space<hbm>> -> memref<1024xf32, #tpu.memory_space<hbm>>
    %dma_start3A_286 = tpu.memref_slice %arg4[%add3A_284] : memref<2097152xf32, #tpu.memory_space<hbm>> -> memref<1024xf32, #tpu.memory_space<hbm>>
    tpu.enqueue_dma source(%arg9 : memref<1024xf32, #tpu.memory_space<vmem>>) target(%dma_start3A_286 : memref<1024xf32, #tpu.memory_space<hbm>>) target_semaphore(%arg13 : memref<!tpu.dma_semaphore, #tpu.memory_space<semaphore_mem>>)
    %dma_wait3A_287 = tpu.memref_slice %arg4[%mul3A_263] : memref<2097152xf32, #tpu.memory_space<hbm>> -> memref<1024xf32, #tpu.memory_space<hbm>>
    %dma_wait3A_288 = tpu.memref_slice %arg4[%mul3A_263] : memref<2097152xf32, #tpu.memory_space<hbm>> -> memref<1024xf32, #tpu.memory_space<hbm>>
    tpu.wait_dma2 semaphore(%arg14 : memref<!tpu.dma_semaphore, #tpu.memory_space<semaphore_mem>>) src(%arg10 : memref<1024xf32, #tpu.memory_space<vmem>>) dst(%dma_wait3A_288 : memref<1024xf32, #tpu.memory_space<hbm>>)
    %dma_wait3A_289 = tpu.memref_slice %arg4[%add3A_267] : memref<2097152xf32, #tpu.memory_space<hbm>> -> memref<1024xf32, #tpu.memory_space<hbm>>
    %dma_wait3A_290 = tpu.memref_slice %arg4[%add3A_267] : memref<2097152xf32, #tpu.memory_space<hbm>> -> memref<1024xf32, #tpu.memory_space<hbm>>
    tpu.wait_dma2 semaphore(%arg15 : memref<!tpu.dma_semaphore, #tpu.memory_space<semaphore_mem>>) src(%arg11 : memref<1024xf32, #tpu.memory_space<vmem>>) dst(%dma_wait3A_290 : memref<1024xf32, #tpu.memory_space<hbm>>)
    %parallel_loop3A_291 = arith.constant 0 : i32
    %parallel_loop3A_292 = arith.constant 64 : i32
    %parallel_loop3A_293 = arith.constant 1 : i32
    scf.for %parallel_loop3A_550 = %parallel_loop3A_291 to %parallel_loop3A_292 step %parallel_loop3A_293  : i32 {
      %parallel_loop3A_551 = arith.constant 16 : i32
      %parallel_loop3A_552 = arith.muli %parallel_loop3A_550, %parallel_loop3A_551 : i32
      %parallel_loop3A_553 = arith.constant 17408 : i32
      %parallel_loop3A_554 = arith.addi %parallel_loop3A_553, %parallel_loop3A_552 : i32
      %parallel_loop3A_555 = arith.index_cast %parallel_loop3A_554 : i32 to index
      %parallel_loop3A_556 = tpu.vector_load %arg5[%parallel_loop3A_555] {strides = array<i32>} : memref<32768xi32, #tpu.memory_space<vmem>>, vector<16xi32>,
      %parallel_loop3A_557 = tpu.vector_load_idx %arg6[%parallel_loop3A_556] : memref<1024xf32, #tpu.memory_space<vmem>>[vector<16xi32>], vector<16xf32>,
      %parallel_loop3A_558 = arith.constant 16 : i32
      %parallel_loop3A_559 = arith.muli %parallel_loop3A_550, %parallel_loop3A_558 : i32
      %parallel_loop3A_560 = arith.index_cast %parallel_loop3A_559 : i32 to index
      %parallel_loop3A_561 = tpu.vector_load %arg10[%parallel_loop3A_560] {strides = array<i32>} : memref<1024xf32, #tpu.memory_space<vmem>>, vector<16xf32>,
      tpu.vector_store %arg10[%parallel_loop3A_560], %parallel_loop3A_557 {strides = array<i32>} : memref<1024xf32, #tpu.memory_space<vmem>>, vector<16xf32>,
      %parallel_loop3A_562 = tpu.vector_load_idx %arg7[%parallel_loop3A_556] : memref<1024xf32, #tpu.memory_space<vmem>>[vector<16xi32>], vector<16xf32>,
      %parallel_loop3A_563 = arith.constant 16 : i32
      %parallel_loop3A_564 = arith.muli %parallel_loop3A_550, %parallel_loop3A_563 : i32
      %parallel_loop3A_565 = arith.index_cast %parallel_loop3A_564 : i32 to index
      %parallel_loop3A_566 = tpu.vector_load %arg11[%parallel_loop3A_565] {strides = array<i32>} : memref<1024xf32, #tpu.memory_space<vmem>>, vector<16xf32>,
      tpu.vector_store %arg11[%parallel_loop3A_565], %parallel_loop3A_562 {strides = array<i32>} : memref<1024xf32, #tpu.memory_space<vmem>>, vector<16xf32>,
    } {sc.loop_unroll_factor = 8 : i64, sc.parallel_access}
    %add3A_294 = arith.constant 1088 : i32
    %add3A_295 = arith.addi %add3A_294, %mul3A_2 : i32
    %mul3A_296 = arith.constant 1024 : i32
    %mul3A_297 = arith.muli %add3A_295, %mul3A_296 : i32
    %dma_start3A_298 = tpu.memref_slice %arg4[%mul3A_297] : memref<2097152xf32, #tpu.memory_space<hbm>> -> memref<1024xf32, #tpu.memory_space<hbm>>
    %dma_start3A_299 = tpu.memref_slice %arg4[%mul3A_297] : memref<2097152xf32, #tpu.memory_space<hbm>> -> memref<1024xf32, #tpu.memory_space<hbm>>
    tpu.enqueue_dma source(%arg10 : memref<1024xf32, #tpu.memory_space<vmem>>) target(%dma_start3A_299 : memref<1024xf32, #tpu.memory_space<hbm>>) target_semaphore(%arg14 : memref<!tpu.dma_semaphore, #tpu.memory_space<semaphore_mem>>)
    %add3A_300 = arith.constant 1024 : i32
    %add3A_301 = arith.addi %mul3A_297, %add3A_300 : i32
    %dma_start3A_302 = tpu.memref_slice %arg4[%add3A_301] : memref<2097152xf32, #tpu.memory_space<hbm>> -> memref<1024xf32, #tpu.memory_space<hbm>>
    %dma_start3A_303 = tpu.memref_slice %arg4[%add3A_301] : memref<2097152xf32, #tpu.memory_space<hbm>> -> memref<1024xf32, #tpu.memory_space<hbm>>
    tpu.enqueue_dma source(%arg11 : memref<1024xf32, #tpu.memory_space<vmem>>) target(%dma_start3A_303 : memref<1024xf32, #tpu.memory_space<hbm>>) target_semaphore(%arg15 : memref<!tpu.dma_semaphore, #tpu.memory_space<semaphore_mem>>)
    %dma_wait3A_304 = tpu.memref_slice %arg4[%mul3A_280] : memref<2097152xf32, #tpu.memory_space<hbm>> -> memref<1024xf32, #tpu.memory_space<hbm>>
    %dma_wait3A_305 = tpu.memref_slice %arg4[%mul3A_280] : memref<2097152xf32, #tpu.memory_space<hbm>> -> memref<1024xf32, #tpu.memory_space<hbm>>
    tpu.wait_dma2 semaphore(%arg12 : memref<!tpu.dma_semaphore, #tpu.memory_space<semaphore_mem>>) src(%arg8 : memref<1024xf32, #tpu.memory_space<vmem>>) dst(%dma_wait3A_305 : memref<1024xf32, #tpu.memory_space<hbm>>)
    %dma_wait3A_306 = tpu.memref_slice %arg4[%add3A_284] : memref<2097152xf32, #tpu.memory_space<hbm>> -> memref<1024xf32, #tpu.memory_space<hbm>>
    %dma_wait3A_307 = tpu.memref_slice %arg4[%add3A_284] : memref<2097152xf32, #tpu.memory_space<hbm>> -> memref<1024xf32, #tpu.memory_space<hbm>>
    tpu.wait_dma2 semaphore(%arg13 : memref<!tpu.dma_semaphore, #tpu.memory_space<semaphore_mem>>) src(%arg9 : memref<1024xf32, #tpu.memory_space<vmem>>) dst(%dma_wait3A_307 : memref<1024xf32, #tpu.memory_space<hbm>>)
    %parallel_loop3A_308 = arith.constant 0 : i32
    %parallel_loop3A_309 = arith.constant 64 : i32
    %parallel_loop3A_310 = arith.constant 1 : i32
    scf.for %parallel_loop3A_550 = %parallel_loop3A_308 to %parallel_loop3A_309 step %parallel_loop3A_310  : i32 {
      %parallel_loop3A_551 = arith.constant 16 : i32
      %parallel_loop3A_552 = arith.muli %parallel_loop3A_550, %parallel_loop3A_551 : i32
      %parallel_loop3A_553 = arith.constant 18432 : i32
      %parallel_loop3A_554 = arith.addi %parallel_loop3A_553, %parallel_loop3A_552 : i32
      %parallel_loop3A_555 = arith.index_cast %parallel_loop3A_554 : i32 to index
      %parallel_loop3A_556 = tpu.vector_load %arg5[%parallel_loop3A_555] {strides = array<i32>} : memref<32768xi32, #tpu.memory_space<vmem>>, vector<16xi32>,
      %parallel_loop3A_557 = tpu.vector_load_idx %arg6[%parallel_loop3A_556] : memref<1024xf32, #tpu.memory_space<vmem>>[vector<16xi32>], vector<16xf32>,
      %parallel_loop3A_558 = arith.constant 16 : i32
      %parallel_loop3A_559 = arith.muli %parallel_loop3A_550, %parallel_loop3A_558 : i32
      %parallel_loop3A_560 = arith.index_cast %parallel_loop3A_559 : i32 to index
      %parallel_loop3A_561 = tpu.vector_load %arg8[%parallel_loop3A_560] {strides = array<i32>} : memref<1024xf32, #tpu.memory_space<vmem>>, vector<16xf32>,
      tpu.vector_store %arg8[%parallel_loop3A_560], %parallel_loop3A_557 {strides = array<i32>} : memref<1024xf32, #tpu.memory_space<vmem>>, vector<16xf32>,
      %parallel_loop3A_562 = tpu.vector_load_idx %arg7[%parallel_loop3A_556] : memref<1024xf32, #tpu.memory_space<vmem>>[vector<16xi32>], vector<16xf32>,
      %parallel_loop3A_563 = arith.constant 16 : i32
      %parallel_loop3A_564 = arith.muli %parallel_loop3A_550, %parallel_loop3A_563 : i32
      %parallel_loop3A_565 = arith.index_cast %parallel_loop3A_564 : i32 to index
      %parallel_loop3A_566 = tpu.vector_load %arg9[%parallel_loop3A_565] {strides = array<i32>} : memref<1024xf32, #tpu.memory_space<vmem>>, vector<16xf32>,
      tpu.vector_store %arg9[%parallel_loop3A_565], %parallel_loop3A_562 {strides = array<i32>} : memref<1024xf32, #tpu.memory_space<vmem>>, vector<16xf32>,
    } {sc.loop_unroll_factor = 8 : i64, sc.parallel_access}
    %add3A_311 = arith.constant 1152 : i32
    %add3A_312 = arith.addi %add3A_311, %mul3A_2 : i32
    %mul3A_313 = arith.constant 1024 : i32
    %mul3A_314 = arith.muli %add3A_312, %mul3A_313 : i32
    %dma_start3A_315 = tpu.memref_slice %arg4[%mul3A_314] : memref<2097152xf32, #tpu.memory_space<hbm>> -> memref<1024xf32, #tpu.memory_space<hbm>>
    %dma_start3A_316 = tpu.memref_slice %arg4[%mul3A_314] : memref<2097152xf32, #tpu.memory_space<hbm>> -> memref<1024xf32, #tpu.memory_space<hbm>>
    tpu.enqueue_dma source(%arg8 : memref<1024xf32, #tpu.memory_space<vmem>>) target(%dma_start3A_316 : memref<1024xf32, #tpu.memory_space<hbm>>) target_semaphore(%arg12 : memref<!tpu.dma_semaphore, #tpu.memory_space<semaphore_mem>>)
    %add3A_317 = arith.constant 1024 : i32
    %add3A_318 = arith.addi %mul3A_314, %add3A_317 : i32
    %dma_start3A_319 = tpu.memref_slice %arg4[%add3A_318] : memref<2097152xf32, #tpu.memory_space<hbm>> -> memref<1024xf32, #tpu.memory_space<hbm>>
    %dma_start3A_320 = tpu.memref_slice %arg4[%add3A_318] : memref<2097152xf32, #tpu.memory_space<hbm>> -> memref<1024xf32, #tpu.memory_space<hbm>>
    tpu.enqueue_dma source(%arg9 : memref<1024xf32, #tpu.memory_space<vmem>>) target(%dma_start3A_320 : memref<1024xf32, #tpu.memory_space<hbm>>) target_semaphore(%arg13 : memref<!tpu.dma_semaphore, #tpu.memory_space<semaphore_mem>>)
    %dma_wait3A_321 = tpu.memref_slice %arg4[%mul3A_297] : memref<2097152xf32, #tpu.memory_space<hbm>> -> memref<1024xf32, #tpu.memory_space<hbm>>
    %dma_wait3A_322 = tpu.memref_slice %arg4[%mul3A_297] : memref<2097152xf32, #tpu.memory_space<hbm>> -> memref<1024xf32, #tpu.memory_space<hbm>>
    tpu.wait_dma2 semaphore(%arg14 : memref<!tpu.dma_semaphore, #tpu.memory_space<semaphore_mem>>) src(%arg10 : memref<1024xf32, #tpu.memory_space<vmem>>) dst(%dma_wait3A_322 : memref<1024xf32, #tpu.memory_space<hbm>>)
    %dma_wait3A_323 = tpu.memref_slice %arg4[%add3A_301] : memref<2097152xf32, #tpu.memory_space<hbm>> -> memref<1024xf32, #tpu.memory_space<hbm>>
    %dma_wait3A_324 = tpu.memref_slice %arg4[%add3A_301] : memref<2097152xf32, #tpu.memory_space<hbm>> -> memref<1024xf32, #tpu.memory_space<hbm>>
    tpu.wait_dma2 semaphore(%arg15 : memref<!tpu.dma_semaphore, #tpu.memory_space<semaphore_mem>>) src(%arg11 : memref<1024xf32, #tpu.memory_space<vmem>>) dst(%dma_wait3A_324 : memref<1024xf32, #tpu.memory_space<hbm>>)
    %parallel_loop3A_325 = arith.constant 0 : i32
    %parallel_loop3A_326 = arith.constant 64 : i32
    %parallel_loop3A_327 = arith.constant 1 : i32
    scf.for %parallel_loop3A_550 = %parallel_loop3A_325 to %parallel_loop3A_326 step %parallel_loop3A_327  : i32 {
      %parallel_loop3A_551 = arith.constant 16 : i32
      %parallel_loop3A_552 = arith.muli %parallel_loop3A_550, %parallel_loop3A_551 : i32
      %parallel_loop3A_553 = arith.constant 19456 : i32
      %parallel_loop3A_554 = arith.addi %parallel_loop3A_553, %parallel_loop3A_552 : i32
      %parallel_loop3A_555 = arith.index_cast %parallel_loop3A_554 : i32 to index
      %parallel_loop3A_556 = tpu.vector_load %arg5[%parallel_loop3A_555] {strides = array<i32>} : memref<32768xi32, #tpu.memory_space<vmem>>, vector<16xi32>,
      %parallel_loop3A_557 = tpu.vector_load_idx %arg6[%parallel_loop3A_556] : memref<1024xf32, #tpu.memory_space<vmem>>[vector<16xi32>], vector<16xf32>,
      %parallel_loop3A_558 = arith.constant 16 : i32
      %parallel_loop3A_559 = arith.muli %parallel_loop3A_550, %parallel_loop3A_558 : i32
      %parallel_loop3A_560 = arith.index_cast %parallel_loop3A_559 : i32 to index
      %parallel_loop3A_561 = tpu.vector_load %arg10[%parallel_loop3A_560] {strides = array<i32>} : memref<1024xf32, #tpu.memory_space<vmem>>, vector<16xf32>,
      tpu.vector_store %arg10[%parallel_loop3A_560], %parallel_loop3A_557 {strides = array<i32>} : memref<1024xf32, #tpu.memory_space<vmem>>, vector<16xf32>,
      %parallel_loop3A_562 = tpu.vector_load_idx %arg7[%parallel_loop3A_556] : memref<1024xf32, #tpu.memory_space<vmem>>[vector<16xi32>], vector<16xf32>,
      %parallel_loop3A_563 = arith.constant 16 : i32
      %parallel_loop3A_564 = arith.muli %parallel_loop3A_550, %parallel_loop3A_563 : i32
      %parallel_loop3A_565 = arith.index_cast %parallel_loop3A_564 : i32 to index
      %parallel_loop3A_566 = tpu.vector_load %arg11[%parallel_loop3A_565] {strides = array<i32>} : memref<1024xf32, #tpu.memory_space<vmem>>, vector<16xf32>,
      tpu.vector_store %arg11[%parallel_loop3A_565], %parallel_loop3A_562 {strides = array<i32>} : memref<1024xf32, #tpu.memory_space<vmem>>, vector<16xf32>,
    } {sc.loop_unroll_factor = 8 : i64, sc.parallel_access}
    %add3A_328 = arith.constant 1216 : i32
    %add3A_329 = arith.addi %add3A_328, %mul3A_2 : i32
    %mul3A_330 = arith.constant 1024 : i32
    %mul3A_331 = arith.muli %add3A_329, %mul3A_330 : i32
    %dma_start3A_332 = tpu.memref_slice %arg4[%mul3A_331] : memref<2097152xf32, #tpu.memory_space<hbm>> -> memref<1024xf32, #tpu.memory_space<hbm>>
    %dma_start3A_333 = tpu.memref_slice %arg4[%mul3A_331] : memref<2097152xf32, #tpu.memory_space<hbm>> -> memref<1024xf32, #tpu.memory_space<hbm>>
    tpu.enqueue_dma source(%arg10 : memref<1024xf32, #tpu.memory_space<vmem>>) target(%dma_start3A_333 : memref<1024xf32, #tpu.memory_space<hbm>>) target_semaphore(%arg14 : memref<!tpu.dma_semaphore, #tpu.memory_space<semaphore_mem>>)
    %add3A_334 = arith.constant 1024 : i32
    %add3A_335 = arith.addi %mul3A_331, %add3A_334 : i32
    %dma_start3A_336 = tpu.memref_slice %arg4[%add3A_335] : memref<2097152xf32, #tpu.memory_space<hbm>> -> memref<1024xf32, #tpu.memory_space<hbm>>
    %dma_start3A_337 = tpu.memref_slice %arg4[%add3A_335] : memref<2097152xf32, #tpu.memory_space<hbm>> -> memref<1024xf32, #tpu.memory_space<hbm>>
    tpu.enqueue_dma source(%arg11 : memref<1024xf32, #tpu.memory_space<vmem>>) target(%dma_start3A_337 : memref<1024xf32, #tpu.memory_space<hbm>>) target_semaphore(%arg15 : memref<!tpu.dma_semaphore, #tpu.memory_space<semaphore_mem>>)
    %dma_wait3A_338 = tpu.memref_slice %arg4[%mul3A_314] : memref<2097152xf32, #tpu.memory_space<hbm>> -> memref<1024xf32, #tpu.memory_space<hbm>>
    %dma_wait3A_339 = tpu.memref_slice %arg4[%mul3A_314] : memref<2097152xf32, #tpu.memory_space<hbm>> -> memref<1024xf32, #tpu.memory_space<hbm>>
    tpu.wait_dma2 semaphore(%arg12 : memref<!tpu.dma_semaphore, #tpu.memory_space<semaphore_mem>>) src(%arg8 : memref<1024xf32, #tpu.memory_space<vmem>>) dst(%dma_wait3A_339 : memref<1024xf32, #tpu.memory_space<hbm>>)
    %dma_wait3A_340 = tpu.memref_slice %arg4[%add3A_318] : memref<2097152xf32, #tpu.memory_space<hbm>> -> memref<1024xf32, #tpu.memory_space<hbm>>
    %dma_wait3A_341 = tpu.memref_slice %arg4[%add3A_318] : memref<2097152xf32, #tpu.memory_space<hbm>> -> memref<1024xf32, #tpu.memory_space<hbm>>
    tpu.wait_dma2 semaphore(%arg13 : memref<!tpu.dma_semaphore, #tpu.memory_space<semaphore_mem>>) src(%arg9 : memref<1024xf32, #tpu.memory_space<vmem>>) dst(%dma_wait3A_341 : memref<1024xf32, #tpu.memory_space<hbm>>)
    %parallel_loop3A_342 = arith.constant 0 : i32
    %parallel_loop3A_343 = arith.constant 64 : i32
    %parallel_loop3A_344 = arith.constant 1 : i32
    scf.for %parallel_loop3A_550 = %parallel_loop3A_342 to %parallel_loop3A_343 step %parallel_loop3A_344  : i32 {
      %parallel_loop3A_551 = arith.constant 16 : i32
      %parallel_loop3A_552 = arith.muli %parallel_loop3A_550, %parallel_loop3A_551 : i32
      %parallel_loop3A_553 = arith.constant 20480 : i32
      %parallel_loop3A_554 = arith.addi %parallel_loop3A_553, %parallel_loop3A_552 : i32
      %parallel_loop3A_555 = arith.index_cast %parallel_loop3A_554 : i32 to index
      %parallel_loop3A_556 = tpu.vector_load %arg5[%parallel_loop3A_555] {strides = array<i32>} : memref<32768xi32, #tpu.memory_space<vmem>>, vector<16xi32>,
      %parallel_loop3A_557 = tpu.vector_load_idx %arg6[%parallel_loop3A_556] : memref<1024xf32, #tpu.memory_space<vmem>>[vector<16xi32>], vector<16xf32>,
      %parallel_loop3A_558 = arith.constant 16 : i32
      %parallel_loop3A_559 = arith.muli %parallel_loop3A_550, %parallel_loop3A_558 : i32
      %parallel_loop3A_560 = arith.index_cast %parallel_loop3A_559 : i32 to index
      %parallel_loop3A_561 = tpu.vector_load %arg8[%parallel_loop3A_560] {strides = array<i32>} : memref<1024xf32, #tpu.memory_space<vmem>>, vector<16xf32>,
      tpu.vector_store %arg8[%parallel_loop3A_560], %parallel_loop3A_557 {strides = array<i32>} : memref<1024xf32, #tpu.memory_space<vmem>>, vector<16xf32>,
      %parallel_loop3A_562 = tpu.vector_load_idx %arg7[%parallel_loop3A_556] : memref<1024xf32, #tpu.memory_space<vmem>>[vector<16xi32>], vector<16xf32>,
      %parallel_loop3A_563 = arith.constant 16 : i32
      %parallel_loop3A_564 = arith.muli %parallel_loop3A_550, %parallel_loop3A_563 : i32
      %parallel_loop3A_565 = arith.index_cast %parallel_loop3A_564 : i32 to index
      %parallel_loop3A_566 = tpu.vector_load %arg9[%parallel_loop3A_565] {strides = array<i32>} : memref<1024xf32, #tpu.memory_space<vmem>>, vector<16xf32>,
      tpu.vector_store %arg9[%parallel_loop3A_565], %parallel_loop3A_562 {strides = array<i32>} : memref<1024xf32, #tpu.memory_space<vmem>>, vector<16xf32>,
    } {sc.loop_unroll_factor = 8 : i64, sc.parallel_access}
    %add3A_345 = arith.constant 1280 : i32
    %add3A_346 = arith.addi %add3A_345, %mul3A_2 : i32
    %mul3A_347 = arith.constant 1024 : i32
    %mul3A_348 = arith.muli %add3A_346, %mul3A_347 : i32
    %dma_start3A_349 = tpu.memref_slice %arg4[%mul3A_348] : memref<2097152xf32, #tpu.memory_space<hbm>> -> memref<1024xf32, #tpu.memory_space<hbm>>
    %dma_start3A_350 = tpu.memref_slice %arg4[%mul3A_348] : memref<2097152xf32, #tpu.memory_space<hbm>> -> memref<1024xf32, #tpu.memory_space<hbm>>
    tpu.enqueue_dma source(%arg8 : memref<1024xf32, #tpu.memory_space<vmem>>) target(%dma_start3A_350 : memref<1024xf32, #tpu.memory_space<hbm>>) target_semaphore(%arg12 : memref<!tpu.dma_semaphore, #tpu.memory_space<semaphore_mem>>)
    %add3A_351 = arith.constant 1024 : i32
    %add3A_352 = arith.addi %mul3A_348, %add3A_351 : i32
    %dma_start3A_353 = tpu.memref_slice %arg4[%add3A_352] : memref<2097152xf32, #tpu.memory_space<hbm>> -> memref<1024xf32, #tpu.memory_space<hbm>>
    %dma_start3A_354 = tpu.memref_slice %arg4[%add3A_352] : memref<2097152xf32, #tpu.memory_space<hbm>> -> memref<1024xf32, #tpu.memory_space<hbm>>
    tpu.enqueue_dma source(%arg9 : memref<1024xf32, #tpu.memory_space<vmem>>) target(%dma_start3A_354 : memref<1024xf32, #tpu.memory_space<hbm>>) target_semaphore(%arg13 : memref<!tpu.dma_semaphore, #tpu.memory_space<semaphore_mem>>)
    %dma_wait3A_355 = tpu.memref_slice %arg4[%mul3A_331] : memref<2097152xf32, #tpu.memory_space<hbm>> -> memref<1024xf32, #tpu.memory_space<hbm>>
    %dma_wait3A_356 = tpu.memref_slice %arg4[%mul3A_331] : memref<2097152xf32, #tpu.memory_space<hbm>> -> memref<1024xf32, #tpu.memory_space<hbm>>
    tpu.wait_dma2 semaphore(%arg14 : memref<!tpu.dma_semaphore, #tpu.memory_space<semaphore_mem>>) src(%arg10 : memref<1024xf32, #tpu.memory_space<vmem>>) dst(%dma_wait3A_356 : memref<1024xf32, #tpu.memory_space<hbm>>)
    %dma_wait3A_357 = tpu.memref_slice %arg4[%add3A_335] : memref<2097152xf32, #tpu.memory_space<hbm>> -> memref<1024xf32, #tpu.memory_space<hbm>>
    %dma_wait3A_358 = tpu.memref_slice %arg4[%add3A_335] : memref<2097152xf32, #tpu.memory_space<hbm>> -> memref<1024xf32, #tpu.memory_space<hbm>>
    tpu.wait_dma2 semaphore(%arg15 : memref<!tpu.dma_semaphore, #tpu.memory_space<semaphore_mem>>) src(%arg11 : memref<1024xf32, #tpu.memory_space<vmem>>) dst(%dma_wait3A_358 : memref<1024xf32, #tpu.memory_space<hbm>>)
    %parallel_loop3A_359 = arith.constant 0 : i32
    %parallel_loop3A_360 = arith.constant 64 : i32
    %parallel_loop3A_361 = arith.constant 1 : i32
    scf.for %parallel_loop3A_550 = %parallel_loop3A_359 to %parallel_loop3A_360 step %parallel_loop3A_361  : i32 {
      %parallel_loop3A_551 = arith.constant 16 : i32
      %parallel_loop3A_552 = arith.muli %parallel_loop3A_550, %parallel_loop3A_551 : i32
      %parallel_loop3A_553 = arith.constant 21504 : i32
      %parallel_loop3A_554 = arith.addi %parallel_loop3A_553, %parallel_loop3A_552 : i32
      %parallel_loop3A_555 = arith.index_cast %parallel_loop3A_554 : i32 to index
      %parallel_loop3A_556 = tpu.vector_load %arg5[%parallel_loop3A_555] {strides = array<i32>} : memref<32768xi32, #tpu.memory_space<vmem>>, vector<16xi32>,
      %parallel_loop3A_557 = tpu.vector_load_idx %arg6[%parallel_loop3A_556] : memref<1024xf32, #tpu.memory_space<vmem>>[vector<16xi32>], vector<16xf32>,
      %parallel_loop3A_558 = arith.constant 16 : i32
      %parallel_loop3A_559 = arith.muli %parallel_loop3A_550, %parallel_loop3A_558 : i32
      %parallel_loop3A_560 = arith.index_cast %parallel_loop3A_559 : i32 to index
      %parallel_loop3A_561 = tpu.vector_load %arg10[%parallel_loop3A_560] {strides = array<i32>} : memref<1024xf32, #tpu.memory_space<vmem>>, vector<16xf32>,
      tpu.vector_store %arg10[%parallel_loop3A_560], %parallel_loop3A_557 {strides = array<i32>} : memref<1024xf32, #tpu.memory_space<vmem>>, vector<16xf32>,
      %parallel_loop3A_562 = tpu.vector_load_idx %arg7[%parallel_loop3A_556] : memref<1024xf32, #tpu.memory_space<vmem>>[vector<16xi32>], vector<16xf32>,
      %parallel_loop3A_563 = arith.constant 16 : i32
      %parallel_loop3A_564 = arith.muli %parallel_loop3A_550, %parallel_loop3A_563 : i32
      %parallel_loop3A_565 = arith.index_cast %parallel_loop3A_564 : i32 to index
      %parallel_loop3A_566 = tpu.vector_load %arg11[%parallel_loop3A_565] {strides = array<i32>} : memref<1024xf32, #tpu.memory_space<vmem>>, vector<16xf32>,
      tpu.vector_store %arg11[%parallel_loop3A_565], %parallel_loop3A_562 {strides = array<i32>} : memref<1024xf32, #tpu.memory_space<vmem>>, vector<16xf32>,
    } {sc.loop_unroll_factor = 8 : i64, sc.parallel_access}
    %add3A_362 = arith.constant 1344 : i32
    %add3A_363 = arith.addi %add3A_362, %mul3A_2 : i32
    %mul3A_364 = arith.constant 1024 : i32
    %mul3A_365 = arith.muli %add3A_363, %mul3A_364 : i32
    %dma_start3A_366 = tpu.memref_slice %arg4[%mul3A_365] : memref<2097152xf32, #tpu.memory_space<hbm>> -> memref<1024xf32, #tpu.memory_space<hbm>>
    %dma_start3A_367 = tpu.memref_slice %arg4[%mul3A_365] : memref<2097152xf32, #tpu.memory_space<hbm>> -> memref<1024xf32, #tpu.memory_space<hbm>>
    tpu.enqueue_dma source(%arg10 : memref<1024xf32, #tpu.memory_space<vmem>>) target(%dma_start3A_367 : memref<1024xf32, #tpu.memory_space<hbm>>) target_semaphore(%arg14 : memref<!tpu.dma_semaphore, #tpu.memory_space<semaphore_mem>>)
    %add3A_368 = arith.constant 1024 : i32
    %add3A_369 = arith.addi %mul3A_365, %add3A_368 : i32
    %dma_start3A_370 = tpu.memref_slice %arg4[%add3A_369] : memref<2097152xf32, #tpu.memory_space<hbm>> -> memref<1024xf32, #tpu.memory_space<hbm>>
    %dma_start3A_371 = tpu.memref_slice %arg4[%add3A_369] : memref<2097152xf32, #tpu.memory_space<hbm>> -> memref<1024xf32, #tpu.memory_space<hbm>>
    tpu.enqueue_dma source(%arg11 : memref<1024xf32, #tpu.memory_space<vmem>>) target(%dma_start3A_371 : memref<1024xf32, #tpu.memory_space<hbm>>) target_semaphore(%arg15 : memref<!tpu.dma_semaphore, #tpu.memory_space<semaphore_mem>>)
    %dma_wait3A_372 = tpu.memref_slice %arg4[%mul3A_348] : memref<2097152xf32, #tpu.memory_space<hbm>> -> memref<1024xf32, #tpu.memory_space<hbm>>
    %dma_wait3A_373 = tpu.memref_slice %arg4[%mul3A_348] : memref<2097152xf32, #tpu.memory_space<hbm>> -> memref<1024xf32, #tpu.memory_space<hbm>>
    tpu.wait_dma2 semaphore(%arg12 : memref<!tpu.dma_semaphore, #tpu.memory_space<semaphore_mem>>) src(%arg8 : memref<1024xf32, #tpu.memory_space<vmem>>) dst(%dma_wait3A_373 : memref<1024xf32, #tpu.memory_space<hbm>>)
    %dma_wait3A_374 = tpu.memref_slice %arg4[%add3A_352] : memref<2097152xf32, #tpu.memory_space<hbm>> -> memref<1024xf32, #tpu.memory_space<hbm>>
    %dma_wait3A_375 = tpu.memref_slice %arg4[%add3A_352] : memref<2097152xf32, #tpu.memory_space<hbm>> -> memref<1024xf32, #tpu.memory_space<hbm>>
    tpu.wait_dma2 semaphore(%arg13 : memref<!tpu.dma_semaphore, #tpu.memory_space<semaphore_mem>>) src(%arg9 : memref<1024xf32, #tpu.memory_space<vmem>>) dst(%dma_wait3A_375 : memref<1024xf32, #tpu.memory_space<hbm>>)
    %parallel_loop3A_376 = arith.constant 0 : i32
    %parallel_loop3A_377 = arith.constant 64 : i32
    %parallel_loop3A_378 = arith.constant 1 : i32
    scf.for %parallel_loop3A_550 = %parallel_loop3A_376 to %parallel_loop3A_377 step %parallel_loop3A_378  : i32 {
      %parallel_loop3A_551 = arith.constant 16 : i32
      %parallel_loop3A_552 = arith.muli %parallel_loop3A_550, %parallel_loop3A_551 : i32
      %parallel_loop3A_553 = arith.constant 22528 : i32
      %parallel_loop3A_554 = arith.addi %parallel_loop3A_553, %parallel_loop3A_552 : i32
      %parallel_loop3A_555 = arith.index_cast %parallel_loop3A_554 : i32 to index
      %parallel_loop3A_556 = tpu.vector_load %arg5[%parallel_loop3A_555] {strides = array<i32>} : memref<32768xi32, #tpu.memory_space<vmem>>, vector<16xi32>,
      %parallel_loop3A_557 = tpu.vector_load_idx %arg6[%parallel_loop3A_556] : memref<1024xf32, #tpu.memory_space<vmem>>[vector<16xi32>], vector<16xf32>,
      %parallel_loop3A_558 = arith.constant 16 : i32
      %parallel_loop3A_559 = arith.muli %parallel_loop3A_550, %parallel_loop3A_558 : i32
      %parallel_loop3A_560 = arith.index_cast %parallel_loop3A_559 : i32 to index
      %parallel_loop3A_561 = tpu.vector_load %arg8[%parallel_loop3A_560] {strides = array<i32>} : memref<1024xf32, #tpu.memory_space<vmem>>, vector<16xf32>,
      tpu.vector_store %arg8[%parallel_loop3A_560], %parallel_loop3A_557 {strides = array<i32>} : memref<1024xf32, #tpu.memory_space<vmem>>, vector<16xf32>,
      %parallel_loop3A_562 = tpu.vector_load_idx %arg7[%parallel_loop3A_556] : memref<1024xf32, #tpu.memory_space<vmem>>[vector<16xi32>], vector<16xf32>,
      %parallel_loop3A_563 = arith.constant 16 : i32
      %parallel_loop3A_564 = arith.muli %parallel_loop3A_550, %parallel_loop3A_563 : i32
      %parallel_loop3A_565 = arith.index_cast %parallel_loop3A_564 : i32 to index
      %parallel_loop3A_566 = tpu.vector_load %arg9[%parallel_loop3A_565] {strides = array<i32>} : memref<1024xf32, #tpu.memory_space<vmem>>, vector<16xf32>,
      tpu.vector_store %arg9[%parallel_loop3A_565], %parallel_loop3A_562 {strides = array<i32>} : memref<1024xf32, #tpu.memory_space<vmem>>, vector<16xf32>,
    } {sc.loop_unroll_factor = 8 : i64, sc.parallel_access}
    %add3A_379 = arith.constant 1408 : i32
    %add3A_380 = arith.addi %add3A_379, %mul3A_2 : i32
    %mul3A_381 = arith.constant 1024 : i32
    %mul3A_382 = arith.muli %add3A_380, %mul3A_381 : i32
    %dma_start3A_383 = tpu.memref_slice %arg4[%mul3A_382] : memref<2097152xf32, #tpu.memory_space<hbm>> -> memref<1024xf32, #tpu.memory_space<hbm>>
    %dma_start3A_384 = tpu.memref_slice %arg4[%mul3A_382] : memref<2097152xf32, #tpu.memory_space<hbm>> -> memref<1024xf32, #tpu.memory_space<hbm>>
    tpu.enqueue_dma source(%arg8 : memref<1024xf32, #tpu.memory_space<vmem>>) target(%dma_start3A_384 : memref<1024xf32, #tpu.memory_space<hbm>>) target_semaphore(%arg12 : memref<!tpu.dma_semaphore, #tpu.memory_space<semaphore_mem>>)
    %add3A_385 = arith.constant 1024 : i32
    %add3A_386 = arith.addi %mul3A_382, %add3A_385 : i32
    %dma_start3A_387 = tpu.memref_slice %arg4[%add3A_386] : memref<2097152xf32, #tpu.memory_space<hbm>> -> memref<1024xf32, #tpu.memory_space<hbm>>
    %dma_start3A_388 = tpu.memref_slice %arg4[%add3A_386] : memref<2097152xf32, #tpu.memory_space<hbm>> -> memref<1024xf32, #tpu.memory_space<hbm>>
    tpu.enqueue_dma source(%arg9 : memref<1024xf32, #tpu.memory_space<vmem>>) target(%dma_start3A_388 : memref<1024xf32, #tpu.memory_space<hbm>>) target_semaphore(%arg13 : memref<!tpu.dma_semaphore, #tpu.memory_space<semaphore_mem>>)
    %dma_wait3A_389 = tpu.memref_slice %arg4[%mul3A_365] : memref<2097152xf32, #tpu.memory_space<hbm>> -> memref<1024xf32, #tpu.memory_space<hbm>>
    %dma_wait3A_390 = tpu.memref_slice %arg4[%mul3A_365] : memref<2097152xf32, #tpu.memory_space<hbm>> -> memref<1024xf32, #tpu.memory_space<hbm>>
    tpu.wait_dma2 semaphore(%arg14 : memref<!tpu.dma_semaphore, #tpu.memory_space<semaphore_mem>>) src(%arg10 : memref<1024xf32, #tpu.memory_space<vmem>>) dst(%dma_wait3A_390 : memref<1024xf32, #tpu.memory_space<hbm>>)
    %dma_wait3A_391 = tpu.memref_slice %arg4[%add3A_369] : memref<2097152xf32, #tpu.memory_space<hbm>> -> memref<1024xf32, #tpu.memory_space<hbm>>
    %dma_wait3A_392 = tpu.memref_slice %arg4[%add3A_369] : memref<2097152xf32, #tpu.memory_space<hbm>> -> memref<1024xf32, #tpu.memory_space<hbm>>
    tpu.wait_dma2 semaphore(%arg15 : memref<!tpu.dma_semaphore, #tpu.memory_space<semaphore_mem>>) src(%arg11 : memref<1024xf32, #tpu.memory_space<vmem>>) dst(%dma_wait3A_392 : memref<1024xf32, #tpu.memory_space<hbm>>)
    %parallel_loop3A_393 = arith.constant 0 : i32
    %parallel_loop3A_394 = arith.constant 64 : i32
    %parallel_loop3A_395 = arith.constant 1 : i32
    scf.for %parallel_loop3A_550 = %parallel_loop3A_393 to %parallel_loop3A_394 step %parallel_loop3A_395  : i32 {
      %parallel_loop3A_551 = arith.constant 16 : i32
      %parallel_loop3A_552 = arith.muli %parallel_loop3A_550, %parallel_loop3A_551 : i32
      %parallel_loop3A_553 = arith.constant 23552 : i32
      %parallel_loop3A_554 = arith.addi %parallel_loop3A_553, %parallel_loop3A_552 : i32
      %parallel_loop3A_555 = arith.index_cast %parallel_loop3A_554 : i32 to index
      %parallel_loop3A_556 = tpu.vector_load %arg5[%parallel_loop3A_555] {strides = array<i32>} : memref<32768xi32, #tpu.memory_space<vmem>>, vector<16xi32>,
      %parallel_loop3A_557 = tpu.vector_load_idx %arg6[%parallel_loop3A_556] : memref<1024xf32, #tpu.memory_space<vmem>>[vector<16xi32>], vector<16xf32>,
      %parallel_loop3A_558 = arith.constant 16 : i32
      %parallel_loop3A_559 = arith.muli %parallel_loop3A_550, %parallel_loop3A_558 : i32
      %parallel_loop3A_560 = arith.index_cast %parallel_loop3A_559 : i32 to index
      %parallel_loop3A_561 = tpu.vector_load %arg10[%parallel_loop3A_560] {strides = array<i32>} : memref<1024xf32, #tpu.memory_space<vmem>>, vector<16xf32>,
      tpu.vector_store %arg10[%parallel_loop3A_560], %parallel_loop3A_557 {strides = array<i32>} : memref<1024xf32, #tpu.memory_space<vmem>>, vector<16xf32>,
      %parallel_loop3A_562 = tpu.vector_load_idx %arg7[%parallel_loop3A_556] : memref<1024xf32, #tpu.memory_space<vmem>>[vector<16xi32>], vector<16xf32>,
      %parallel_loop3A_563 = arith.constant 16 : i32
      %parallel_loop3A_564 = arith.muli %parallel_loop3A_550, %parallel_loop3A_563 : i32
      %parallel_loop3A_565 = arith.index_cast %parallel_loop3A_564 : i32 to index
      %parallel_loop3A_566 = tpu.vector_load %arg11[%parallel_loop3A_565] {strides = array<i32>} : memref<1024xf32, #tpu.memory_space<vmem>>, vector<16xf32>,
      tpu.vector_store %arg11[%parallel_loop3A_565], %parallel_loop3A_562 {strides = array<i32>} : memref<1024xf32, #tpu.memory_space<vmem>>, vector<16xf32>,
    } {sc.loop_unroll_factor = 8 : i64, sc.parallel_access}
    %add3A_396 = arith.constant 1472 : i32
    %add3A_397 = arith.addi %add3A_396, %mul3A_2 : i32
    %mul3A_398 = arith.constant 1024 : i32
    %mul3A_399 = arith.muli %add3A_397, %mul3A_398 : i32
    %dma_start3A_400 = tpu.memref_slice %arg4[%mul3A_399] : memref<2097152xf32, #tpu.memory_space<hbm>> -> memref<1024xf32, #tpu.memory_space<hbm>>
    %dma_start3A_401 = tpu.memref_slice %arg4[%mul3A_399] : memref<2097152xf32, #tpu.memory_space<hbm>> -> memref<1024xf32, #tpu.memory_space<hbm>>
    tpu.enqueue_dma source(%arg10 : memref<1024xf32, #tpu.memory_space<vmem>>) target(%dma_start3A_401 : memref<1024xf32, #tpu.memory_space<hbm>>) target_semaphore(%arg14 : memref<!tpu.dma_semaphore, #tpu.memory_space<semaphore_mem>>)
    %add3A_402 = arith.constant 1024 : i32
    %add3A_403 = arith.addi %mul3A_399, %add3A_402 : i32
    %dma_start3A_404 = tpu.memref_slice %arg4[%add3A_403] : memref<2097152xf32, #tpu.memory_space<hbm>> -> memref<1024xf32, #tpu.memory_space<hbm>>
    %dma_start3A_405 = tpu.memref_slice %arg4[%add3A_403] : memref<2097152xf32, #tpu.memory_space<hbm>> -> memref<1024xf32, #tpu.memory_space<hbm>>
    tpu.enqueue_dma source(%arg11 : memref<1024xf32, #tpu.memory_space<vmem>>) target(%dma_start3A_405 : memref<1024xf32, #tpu.memory_space<hbm>>) target_semaphore(%arg15 : memref<!tpu.dma_semaphore, #tpu.memory_space<semaphore_mem>>)
    %dma_wait3A_406 = tpu.memref_slice %arg4[%mul3A_382] : memref<2097152xf32, #tpu.memory_space<hbm>> -> memref<1024xf32, #tpu.memory_space<hbm>>
    %dma_wait3A_407 = tpu.memref_slice %arg4[%mul3A_382] : memref<2097152xf32, #tpu.memory_space<hbm>> -> memref<1024xf32, #tpu.memory_space<hbm>>
    tpu.wait_dma2 semaphore(%arg12 : memref<!tpu.dma_semaphore, #tpu.memory_space<semaphore_mem>>) src(%arg8 : memref<1024xf32, #tpu.memory_space<vmem>>) dst(%dma_wait3A_407 : memref<1024xf32, #tpu.memory_space<hbm>>)
    %dma_wait3A_408 = tpu.memref_slice %arg4[%add3A_386] : memref<2097152xf32, #tpu.memory_space<hbm>> -> memref<1024xf32, #tpu.memory_space<hbm>>
    %dma_wait3A_409 = tpu.memref_slice %arg4[%add3A_386] : memref<2097152xf32, #tpu.memory_space<hbm>> -> memref<1024xf32, #tpu.memory_space<hbm>>
    tpu.wait_dma2 semaphore(%arg13 : memref<!tpu.dma_semaphore, #tpu.memory_space<semaphore_mem>>) src(%arg9 : memref<1024xf32, #tpu.memory_space<vmem>>) dst(%dma_wait3A_409 : memref<1024xf32, #tpu.memory_space<hbm>>)
    %parallel_loop3A_410 = arith.constant 0 : i32
    %parallel_loop3A_411 = arith.constant 64 : i32
    %parallel_loop3A_412 = arith.constant 1 : i32
    scf.for %parallel_loop3A_550 = %parallel_loop3A_410 to %parallel_loop3A_411 step %parallel_loop3A_412  : i32 {
      %parallel_loop3A_551 = arith.constant 16 : i32
      %parallel_loop3A_552 = arith.muli %parallel_loop3A_550, %parallel_loop3A_551 : i32
      %parallel_loop3A_553 = arith.constant 24576 : i32
      %parallel_loop3A_554 = arith.addi %parallel_loop3A_553, %parallel_loop3A_552 : i32
      %parallel_loop3A_555 = arith.index_cast %parallel_loop3A_554 : i32 to index
      %parallel_loop3A_556 = tpu.vector_load %arg5[%parallel_loop3A_555] {strides = array<i32>} : memref<32768xi32, #tpu.memory_space<vmem>>, vector<16xi32>,
      %parallel_loop3A_557 = tpu.vector_load_idx %arg6[%parallel_loop3A_556] : memref<1024xf32, #tpu.memory_space<vmem>>[vector<16xi32>], vector<16xf32>,
      %parallel_loop3A_558 = arith.constant 16 : i32
      %parallel_loop3A_559 = arith.muli %parallel_loop3A_550, %parallel_loop3A_558 : i32
      %parallel_loop3A_560 = arith.index_cast %parallel_loop3A_559 : i32 to index
      %parallel_loop3A_561 = tpu.vector_load %arg8[%parallel_loop3A_560] {strides = array<i32>} : memref<1024xf32, #tpu.memory_space<vmem>>, vector<16xf32>,
      tpu.vector_store %arg8[%parallel_loop3A_560], %parallel_loop3A_557 {strides = array<i32>} : memref<1024xf32, #tpu.memory_space<vmem>>, vector<16xf32>,
      %parallel_loop3A_562 = tpu.vector_load_idx %arg7[%parallel_loop3A_556] : memref<1024xf32, #tpu.memory_space<vmem>>[vector<16xi32>], vector<16xf32>,
      %parallel_loop3A_563 = arith.constant 16 : i32
      %parallel_loop3A_564 = arith.muli %parallel_loop3A_550, %parallel_loop3A_563 : i32
      %parallel_loop3A_565 = arith.index_cast %parallel_loop3A_564 : i32 to index
      %parallel_loop3A_566 = tpu.vector_load %arg9[%parallel_loop3A_565] {strides = array<i32>} : memref<1024xf32, #tpu.memory_space<vmem>>, vector<16xf32>,
      tpu.vector_store %arg9[%parallel_loop3A_565], %parallel_loop3A_562 {strides = array<i32>} : memref<1024xf32, #tpu.memory_space<vmem>>, vector<16xf32>,
    } {sc.loop_unroll_factor = 8 : i64, sc.parallel_access}
    %add3A_413 = arith.constant 1536 : i32
    %add3A_414 = arith.addi %add3A_413, %mul3A_2 : i32
    %mul3A_415 = arith.constant 1024 : i32
    %mul3A_416 = arith.muli %add3A_414, %mul3A_415 : i32
    %dma_start3A_417 = tpu.memref_slice %arg4[%mul3A_416] : memref<2097152xf32, #tpu.memory_space<hbm>> -> memref<1024xf32, #tpu.memory_space<hbm>>
    %dma_start3A_418 = tpu.memref_slice %arg4[%mul3A_416] : memref<2097152xf32, #tpu.memory_space<hbm>> -> memref<1024xf32, #tpu.memory_space<hbm>>
    tpu.enqueue_dma source(%arg8 : memref<1024xf32, #tpu.memory_space<vmem>>) target(%dma_start3A_418 : memref<1024xf32, #tpu.memory_space<hbm>>) target_semaphore(%arg12 : memref<!tpu.dma_semaphore, #tpu.memory_space<semaphore_mem>>)
    %add3A_419 = arith.constant 1024 : i32
    %add3A_420 = arith.addi %mul3A_416, %add3A_419 : i32
    %dma_start3A_421 = tpu.memref_slice %arg4[%add3A_420] : memref<2097152xf32, #tpu.memory_space<hbm>> -> memref<1024xf32, #tpu.memory_space<hbm>>
    %dma_start3A_422 = tpu.memref_slice %arg4[%add3A_420] : memref<2097152xf32, #tpu.memory_space<hbm>> -> memref<1024xf32, #tpu.memory_space<hbm>>
    tpu.enqueue_dma source(%arg9 : memref<1024xf32, #tpu.memory_space<vmem>>) target(%dma_start3A_422 : memref<1024xf32, #tpu.memory_space<hbm>>) target_semaphore(%arg13 : memref<!tpu.dma_semaphore, #tpu.memory_space<semaphore_mem>>)
    %dma_wait3A_423 = tpu.memref_slice %arg4[%mul3A_399] : memref<2097152xf32, #tpu.memory_space<hbm>> -> memref<1024xf32, #tpu.memory_space<hbm>>
    %dma_wait3A_424 = tpu.memref_slice %arg4[%mul3A_399] : memref<2097152xf32, #tpu.memory_space<hbm>> -> memref<1024xf32, #tpu.memory_space<hbm>>
    tpu.wait_dma2 semaphore(%arg14 : memref<!tpu.dma_semaphore, #tpu.memory_space<semaphore_mem>>) src(%arg10 : memref<1024xf32, #tpu.memory_space<vmem>>) dst(%dma_wait3A_424 : memref<1024xf32, #tpu.memory_space<hbm>>)
    %dma_wait3A_425 = tpu.memref_slice %arg4[%add3A_403] : memref<2097152xf32, #tpu.memory_space<hbm>> -> memref<1024xf32, #tpu.memory_space<hbm>>
    %dma_wait3A_426 = tpu.memref_slice %arg4[%add3A_403] : memref<2097152xf32, #tpu.memory_space<hbm>> -> memref<1024xf32, #tpu.memory_space<hbm>>
    tpu.wait_dma2 semaphore(%arg15 : memref<!tpu.dma_semaphore, #tpu.memory_space<semaphore_mem>>) src(%arg11 : memref<1024xf32, #tpu.memory_space<vmem>>) dst(%dma_wait3A_426 : memref<1024xf32, #tpu.memory_space<hbm>>)
    %parallel_loop3A_427 = arith.constant 0 : i32
    %parallel_loop3A_428 = arith.constant 64 : i32
    %parallel_loop3A_429 = arith.constant 1 : i32
    scf.for %parallel_loop3A_550 = %parallel_loop3A_427 to %parallel_loop3A_428 step %parallel_loop3A_429  : i32 {
      %parallel_loop3A_551 = arith.constant 16 : i32
      %parallel_loop3A_552 = arith.muli %parallel_loop3A_550, %parallel_loop3A_551 : i32
      %parallel_loop3A_553 = arith.constant 25600 : i32
      %parallel_loop3A_554 = arith.addi %parallel_loop3A_553, %parallel_loop3A_552 : i32
      %parallel_loop3A_555 = arith.index_cast %parallel_loop3A_554 : i32 to index
      %parallel_loop3A_556 = tpu.vector_load %arg5[%parallel_loop3A_555] {strides = array<i32>} : memref<32768xi32, #tpu.memory_space<vmem>>, vector<16xi32>,
      %parallel_loop3A_557 = tpu.vector_load_idx %arg6[%parallel_loop3A_556] : memref<1024xf32, #tpu.memory_space<vmem>>[vector<16xi32>], vector<16xf32>,
      %parallel_loop3A_558 = arith.constant 16 : i32
      %parallel_loop3A_559 = arith.muli %parallel_loop3A_550, %parallel_loop3A_558 : i32
      %parallel_loop3A_560 = arith.index_cast %parallel_loop3A_559 : i32 to index
      %parallel_loop3A_561 = tpu.vector_load %arg10[%parallel_loop3A_560] {strides = array<i32>} : memref<1024xf32, #tpu.memory_space<vmem>>, vector<16xf32>,
      tpu.vector_store %arg10[%parallel_loop3A_560], %parallel_loop3A_557 {strides = array<i32>} : memref<1024xf32, #tpu.memory_space<vmem>>, vector<16xf32>,
      %parallel_loop3A_562 = tpu.vector_load_idx %arg7[%parallel_loop3A_556] : memref<1024xf32, #tpu.memory_space<vmem>>[vector<16xi32>], vector<16xf32>,
      %parallel_loop3A_563 = arith.constant 16 : i32
      %parallel_loop3A_564 = arith.muli %parallel_loop3A_550, %parallel_loop3A_563 : i32
      %parallel_loop3A_565 = arith.index_cast %parallel_loop3A_564 : i32 to index
      %parallel_loop3A_566 = tpu.vector_load %arg11[%parallel_loop3A_565] {strides = array<i32>} : memref<1024xf32, #tpu.memory_space<vmem>>, vector<16xf32>,
      tpu.vector_store %arg11[%parallel_loop3A_565], %parallel_loop3A_562 {strides = array<i32>} : memref<1024xf32, #tpu.memory_space<vmem>>, vector<16xf32>,
    } {sc.loop_unroll_factor = 8 : i64, sc.parallel_access}
    %add3A_430 = arith.constant 1600 : i32
    %add3A_431 = arith.addi %add3A_430, %mul3A_2 : i32
    %mul3A_432 = arith.constant 1024 : i32
    %mul3A_433 = arith.muli %add3A_431, %mul3A_432 : i32
    %dma_start3A_434 = tpu.memref_slice %arg4[%mul3A_433] : memref<2097152xf32, #tpu.memory_space<hbm>> -> memref<1024xf32, #tpu.memory_space<hbm>>
    %dma_start3A_435 = tpu.memref_slice %arg4[%mul3A_433] : memref<2097152xf32, #tpu.memory_space<hbm>> -> memref<1024xf32, #tpu.memory_space<hbm>>
    tpu.enqueue_dma source(%arg10 : memref<1024xf32, #tpu.memory_space<vmem>>) target(%dma_start3A_435 : memref<1024xf32, #tpu.memory_space<hbm>>) target_semaphore(%arg14 : memref<!tpu.dma_semaphore, #tpu.memory_space<semaphore_mem>>)
    %add3A_436 = arith.constant 1024 : i32
    %add3A_437 = arith.addi %mul3A_433, %add3A_436 : i32
    %dma_start3A_438 = tpu.memref_slice %arg4[%add3A_437] : memref<2097152xf32, #tpu.memory_space<hbm>> -> memref<1024xf32, #tpu.memory_space<hbm>>
    %dma_start3A_439 = tpu.memref_slice %arg4[%add3A_437] : memref<2097152xf32, #tpu.memory_space<hbm>> -> memref<1024xf32, #tpu.memory_space<hbm>>
    tpu.enqueue_dma source(%arg11 : memref<1024xf32, #tpu.memory_space<vmem>>) target(%dma_start3A_439 : memref<1024xf32, #tpu.memory_space<hbm>>) target_semaphore(%arg15 : memref<!tpu.dma_semaphore, #tpu.memory_space<semaphore_mem>>)
    %dma_wait3A_440 = tpu.memref_slice %arg4[%mul3A_416] : memref<2097152xf32, #tpu.memory_space<hbm>> -> memref<1024xf32, #tpu.memory_space<hbm>>
    %dma_wait3A_441 = tpu.memref_slice %arg4[%mul3A_416] : memref<2097152xf32, #tpu.memory_space<hbm>> -> memref<1024xf32, #tpu.memory_space<hbm>>
    tpu.wait_dma2 semaphore(%arg12 : memref<!tpu.dma_semaphore, #tpu.memory_space<semaphore_mem>>) src(%arg8 : memref<1024xf32, #tpu.memory_space<vmem>>) dst(%dma_wait3A_441 : memref<1024xf32, #tpu.memory_space<hbm>>)
    %dma_wait3A_442 = tpu.memref_slice %arg4[%add3A_420] : memref<2097152xf32, #tpu.memory_space<hbm>> -> memref<1024xf32, #tpu.memory_space<hbm>>
    %dma_wait3A_443 = tpu.memref_slice %arg4[%add3A_420] : memref<2097152xf32, #tpu.memory_space<hbm>> -> memref<1024xf32, #tpu.memory_space<hbm>>
    tpu.wait_dma2 semaphore(%arg13 : memref<!tpu.dma_semaphore, #tpu.memory_space<semaphore_mem>>) src(%arg9 : memref<1024xf32, #tpu.memory_space<vmem>>) dst(%dma_wait3A_443 : memref<1024xf32, #tpu.memory_space<hbm>>)
    %parallel_loop3A_444 = arith.constant 0 : i32
    %parallel_loop3A_445 = arith.constant 64 : i32
    %parallel_loop3A_446 = arith.constant 1 : i32
    scf.for %parallel_loop3A_550 = %parallel_loop3A_444 to %parallel_loop3A_445 step %parallel_loop3A_446  : i32 {
      %parallel_loop3A_551 = arith.constant 16 : i32
      %parallel_loop3A_552 = arith.muli %parallel_loop3A_550, %parallel_loop3A_551 : i32
      %parallel_loop3A_553 = arith.constant 26624 : i32
      %parallel_loop3A_554 = arith.addi %parallel_loop3A_553, %parallel_loop3A_552 : i32
      %parallel_loop3A_555 = arith.index_cast %parallel_loop3A_554 : i32 to index
      %parallel_loop3A_556 = tpu.vector_load %arg5[%parallel_loop3A_555] {strides = array<i32>} : memref<32768xi32, #tpu.memory_space<vmem>>, vector<16xi32>,
      %parallel_loop3A_557 = tpu.vector_load_idx %arg6[%parallel_loop3A_556] : memref<1024xf32, #tpu.memory_space<vmem>>[vector<16xi32>], vector<16xf32>,
      %parallel_loop3A_558 = arith.constant 16 : i32
      %parallel_loop3A_559 = arith.muli %parallel_loop3A_550, %parallel_loop3A_558 : i32
      %parallel_loop3A_560 = arith.index_cast %parallel_loop3A_559 : i32 to index
      %parallel_loop3A_561 = tpu.vector_load %arg8[%parallel_loop3A_560] {strides = array<i32>} : memref<1024xf32, #tpu.memory_space<vmem>>, vector<16xf32>,
      tpu.vector_store %arg8[%parallel_loop3A_560], %parallel_loop3A_557 {strides = array<i32>} : memref<1024xf32, #tpu.memory_space<vmem>>, vector<16xf32>,
      %parallel_loop3A_562 = tpu.vector_load_idx %arg7[%parallel_loop3A_556] : memref<1024xf32, #tpu.memory_space<vmem>>[vector<16xi32>], vector<16xf32>,
      %parallel_loop3A_563 = arith.constant 16 : i32
      %parallel_loop3A_564 = arith.muli %parallel_loop3A_550, %parallel_loop3A_563 : i32
      %parallel_loop3A_565 = arith.index_cast %parallel_loop3A_564 : i32 to index
      %parallel_loop3A_566 = tpu.vector_load %arg9[%parallel_loop3A_565] {strides = array<i32>} : memref<1024xf32, #tpu.memory_space<vmem>>, vector<16xf32>,
      tpu.vector_store %arg9[%parallel_loop3A_565], %parallel_loop3A_562 {strides = array<i32>} : memref<1024xf32, #tpu.memory_space<vmem>>, vector<16xf32>,
    } {sc.loop_unroll_factor = 8 : i64, sc.parallel_access}
    %add3A_447 = arith.constant 1664 : i32
    %add3A_448 = arith.addi %add3A_447, %mul3A_2 : i32
    %mul3A_449 = arith.constant 1024 : i32
    %mul3A_450 = arith.muli %add3A_448, %mul3A_449 : i32
    %dma_start3A_451 = tpu.memref_slice %arg4[%mul3A_450] : memref<2097152xf32, #tpu.memory_space<hbm>> -> memref<1024xf32, #tpu.memory_space<hbm>>
    %dma_start3A_452 = tpu.memref_slice %arg4[%mul3A_450] : memref<2097152xf32, #tpu.memory_space<hbm>> -> memref<1024xf32, #tpu.memory_space<hbm>>
    tpu.enqueue_dma source(%arg8 : memref<1024xf32, #tpu.memory_space<vmem>>) target(%dma_start3A_452 : memref<1024xf32, #tpu.memory_space<hbm>>) target_semaphore(%arg12 : memref<!tpu.dma_semaphore, #tpu.memory_space<semaphore_mem>>)
    %add3A_453 = arith.constant 1024 : i32
    %add3A_454 = arith.addi %mul3A_450, %add3A_453 : i32
    %dma_start3A_455 = tpu.memref_slice %arg4[%add3A_454] : memref<2097152xf32, #tpu.memory_space<hbm>> -> memref<1024xf32, #tpu.memory_space<hbm>>
    %dma_start3A_456 = tpu.memref_slice %arg4[%add3A_454] : memref<2097152xf32, #tpu.memory_space<hbm>> -> memref<1024xf32, #tpu.memory_space<hbm>>
    tpu.enqueue_dma source(%arg9 : memref<1024xf32, #tpu.memory_space<vmem>>) target(%dma_start3A_456 : memref<1024xf32, #tpu.memory_space<hbm>>) target_semaphore(%arg13 : memref<!tpu.dma_semaphore, #tpu.memory_space<semaphore_mem>>)
    %dma_wait3A_457 = tpu.memref_slice %arg4[%mul3A_433] : memref<2097152xf32, #tpu.memory_space<hbm>> -> memref<1024xf32, #tpu.memory_space<hbm>>
    %dma_wait3A_458 = tpu.memref_slice %arg4[%mul3A_433] : memref<2097152xf32, #tpu.memory_space<hbm>> -> memref<1024xf32, #tpu.memory_space<hbm>>
    tpu.wait_dma2 semaphore(%arg14 : memref<!tpu.dma_semaphore, #tpu.memory_space<semaphore_mem>>) src(%arg10 : memref<1024xf32, #tpu.memory_space<vmem>>) dst(%dma_wait3A_458 : memref<1024xf32, #tpu.memory_space<hbm>>)
    %dma_wait3A_459 = tpu.memref_slice %arg4[%add3A_437] : memref<2097152xf32, #tpu.memory_space<hbm>> -> memref<1024xf32, #tpu.memory_space<hbm>>
    %dma_wait3A_460 = tpu.memref_slice %arg4[%add3A_437] : memref<2097152xf32, #tpu.memory_space<hbm>> -> memref<1024xf32, #tpu.memory_space<hbm>>
    tpu.wait_dma2 semaphore(%arg15 : memref<!tpu.dma_semaphore, #tpu.memory_space<semaphore_mem>>) src(%arg11 : memref<1024xf32, #tpu.memory_space<vmem>>) dst(%dma_wait3A_460 : memref<1024xf32, #tpu.memory_space<hbm>>)
    %parallel_loop3A_461 = arith.constant 0 : i32
    %parallel_loop3A_462 = arith.constant 64 : i32
    %parallel_loop3A_463 = arith.constant 1 : i32
    scf.for %parallel_loop3A_550 = %parallel_loop3A_461 to %parallel_loop3A_462 step %parallel_loop3A_463  : i32 {
      %parallel_loop3A_551 = arith.constant 16 : i32
      %parallel_loop3A_552 = arith.muli %parallel_loop3A_550, %parallel_loop3A_551 : i32
      %parallel_loop3A_553 = arith.constant 27648 : i32
      %parallel_loop3A_554 = arith.addi %parallel_loop3A_553, %parallel_loop3A_552 : i32
      %parallel_loop3A_555 = arith.index_cast %parallel_loop3A_554 : i32 to index
      %parallel_loop3A_556 = tpu.vector_load %arg5[%parallel_loop3A_555] {strides = array<i32>} : memref<32768xi32, #tpu.memory_space<vmem>>, vector<16xi32>,
      %parallel_loop3A_557 = tpu.vector_load_idx %arg6[%parallel_loop3A_556] : memref<1024xf32, #tpu.memory_space<vmem>>[vector<16xi32>], vector<16xf32>,
      %parallel_loop3A_558 = arith.constant 16 : i32
      %parallel_loop3A_559 = arith.muli %parallel_loop3A_550, %parallel_loop3A_558 : i32
      %parallel_loop3A_560 = arith.index_cast %parallel_loop3A_559 : i32 to index
      %parallel_loop3A_561 = tpu.vector_load %arg10[%parallel_loop3A_560] {strides = array<i32>} : memref<1024xf32, #tpu.memory_space<vmem>>, vector<16xf32>,
      tpu.vector_store %arg10[%parallel_loop3A_560], %parallel_loop3A_557 {strides = array<i32>} : memref<1024xf32, #tpu.memory_space<vmem>>, vector<16xf32>,
      %parallel_loop3A_562 = tpu.vector_load_idx %arg7[%parallel_loop3A_556] : memref<1024xf32, #tpu.memory_space<vmem>>[vector<16xi32>], vector<16xf32>,
      %parallel_loop3A_563 = arith.constant 16 : i32
      %parallel_loop3A_564 = arith.muli %parallel_loop3A_550, %parallel_loop3A_563 : i32
      %parallel_loop3A_565 = arith.index_cast %parallel_loop3A_564 : i32 to index
      %parallel_loop3A_566 = tpu.vector_load %arg11[%parallel_loop3A_565] {strides = array<i32>} : memref<1024xf32, #tpu.memory_space<vmem>>, vector<16xf32>,
      tpu.vector_store %arg11[%parallel_loop3A_565], %parallel_loop3A_562 {strides = array<i32>} : memref<1024xf32, #tpu.memory_space<vmem>>, vector<16xf32>,
    } {sc.loop_unroll_factor = 8 : i64, sc.parallel_access}
    %add3A_464 = arith.constant 1728 : i32
    %add3A_465 = arith.addi %add3A_464, %mul3A_2 : i32
    %mul3A_466 = arith.constant 1024 : i32
    %mul3A_467 = arith.muli %add3A_465, %mul3A_466 : i32
    %dma_start3A_468 = tpu.memref_slice %arg4[%mul3A_467] : memref<2097152xf32, #tpu.memory_space<hbm>> -> memref<1024xf32, #tpu.memory_space<hbm>>
    %dma_start3A_469 = tpu.memref_slice %arg4[%mul3A_467] : memref<2097152xf32, #tpu.memory_space<hbm>> -> memref<1024xf32, #tpu.memory_space<hbm>>
    tpu.enqueue_dma source(%arg10 : memref<1024xf32, #tpu.memory_space<vmem>>) target(%dma_start3A_469 : memref<1024xf32, #tpu.memory_space<hbm>>) target_semaphore(%arg14 : memref<!tpu.dma_semaphore, #tpu.memory_space<semaphore_mem>>)
    %add3A_470 = arith.constant 1024 : i32
    %add3A_471 = arith.addi %mul3A_467, %add3A_470 : i32
    %dma_start3A_472 = tpu.memref_slice %arg4[%add3A_471] : memref<2097152xf32, #tpu.memory_space<hbm>> -> memref<1024xf32, #tpu.memory_space<hbm>>
    %dma_start3A_473 = tpu.memref_slice %arg4[%add3A_471] : memref<2097152xf32, #tpu.memory_space<hbm>> -> memref<1024xf32, #tpu.memory_space<hbm>>
    tpu.enqueue_dma source(%arg11 : memref<1024xf32, #tpu.memory_space<vmem>>) target(%dma_start3A_473 : memref<1024xf32, #tpu.memory_space<hbm>>) target_semaphore(%arg15 : memref<!tpu.dma_semaphore, #tpu.memory_space<semaphore_mem>>)
    %dma_wait3A_474 = tpu.memref_slice %arg4[%mul3A_450] : memref<2097152xf32, #tpu.memory_space<hbm>> -> memref<1024xf32, #tpu.memory_space<hbm>>
    %dma_wait3A_475 = tpu.memref_slice %arg4[%mul3A_450] : memref<2097152xf32, #tpu.memory_space<hbm>> -> memref<1024xf32, #tpu.memory_space<hbm>>
    tpu.wait_dma2 semaphore(%arg12 : memref<!tpu.dma_semaphore, #tpu.memory_space<semaphore_mem>>) src(%arg8 : memref<1024xf32, #tpu.memory_space<vmem>>) dst(%dma_wait3A_475 : memref<1024xf32, #tpu.memory_space<hbm>>)
    %dma_wait3A_476 = tpu.memref_slice %arg4[%add3A_454] : memref<2097152xf32, #tpu.memory_space<hbm>> -> memref<1024xf32, #tpu.memory_space<hbm>>
    %dma_wait3A_477 = tpu.memref_slice %arg4[%add3A_454] : memref<2097152xf32, #tpu.memory_space<hbm>> -> memref<1024xf32, #tpu.memory_space<hbm>>
    tpu.wait_dma2 semaphore(%arg13 : memref<!tpu.dma_semaphore, #tpu.memory_space<semaphore_mem>>) src(%arg9 : memref<1024xf32, #tpu.memory_space<vmem>>) dst(%dma_wait3A_477 : memref<1024xf32, #tpu.memory_space<hbm>>)
    %parallel_loop3A_478 = arith.constant 0 : i32
    %parallel_loop3A_479 = arith.constant 64 : i32
    %parallel_loop3A_480 = arith.constant 1 : i32
    scf.for %parallel_loop3A_550 = %parallel_loop3A_478 to %parallel_loop3A_479 step %parallel_loop3A_480  : i32 {
      %parallel_loop3A_551 = arith.constant 16 : i32
      %parallel_loop3A_552 = arith.muli %parallel_loop3A_550, %parallel_loop3A_551 : i32
      %parallel_loop3A_553 = arith.constant 28672 : i32
      %parallel_loop3A_554 = arith.addi %parallel_loop3A_553, %parallel_loop3A_552 : i32
      %parallel_loop3A_555 = arith.index_cast %parallel_loop3A_554 : i32 to index
      %parallel_loop3A_556 = tpu.vector_load %arg5[%parallel_loop3A_555] {strides = array<i32>} : memref<32768xi32, #tpu.memory_space<vmem>>, vector<16xi32>,
      %parallel_loop3A_557 = tpu.vector_load_idx %arg6[%parallel_loop3A_556] : memref<1024xf32, #tpu.memory_space<vmem>>[vector<16xi32>], vector<16xf32>,
      %parallel_loop3A_558 = arith.constant 16 : i32
      %parallel_loop3A_559 = arith.muli %parallel_loop3A_550, %parallel_loop3A_558 : i32
      %parallel_loop3A_560 = arith.index_cast %parallel_loop3A_559 : i32 to index
      %parallel_loop3A_561 = tpu.vector_load %arg8[%parallel_loop3A_560] {strides = array<i32>} : memref<1024xf32, #tpu.memory_space<vmem>>, vector<16xf32>,
      tpu.vector_store %arg8[%parallel_loop3A_560], %parallel_loop3A_557 {strides = array<i32>} : memref<1024xf32, #tpu.memory_space<vmem>>, vector<16xf32>,
      %parallel_loop3A_562 = tpu.vector_load_idx %arg7[%parallel_loop3A_556] : memref<1024xf32, #tpu.memory_space<vmem>>[vector<16xi32>], vector<16xf32>,
      %parallel_loop3A_563 = arith.constant 16 : i32
      %parallel_loop3A_564 = arith.muli %parallel_loop3A_550, %parallel_loop3A_563 : i32
      %parallel_loop3A_565 = arith.index_cast %parallel_loop3A_564 : i32 to index
      %parallel_loop3A_566 = tpu.vector_load %arg9[%parallel_loop3A_565] {strides = array<i32>} : memref<1024xf32, #tpu.memory_space<vmem>>, vector<16xf32>,
      tpu.vector_store %arg9[%parallel_loop3A_565], %parallel_loop3A_562 {strides = array<i32>} : memref<1024xf32, #tpu.memory_space<vmem>>, vector<16xf32>,
    } {sc.loop_unroll_factor = 8 : i64, sc.parallel_access}
    %add3A_481 = arith.constant 1792 : i32
    %add3A_482 = arith.addi %add3A_481, %mul3A_2 : i32
    %mul3A_483 = arith.constant 1024 : i32
    %mul3A_484 = arith.muli %add3A_482, %mul3A_483 : i32
    %dma_start3A_485 = tpu.memref_slice %arg4[%mul3A_484] : memref<2097152xf32, #tpu.memory_space<hbm>> -> memref<1024xf32, #tpu.memory_space<hbm>>
    %dma_start3A_486 = tpu.memref_slice %arg4[%mul3A_484] : memref<2097152xf32, #tpu.memory_space<hbm>> -> memref<1024xf32, #tpu.memory_space<hbm>>
    tpu.enqueue_dma source(%arg8 : memref<1024xf32, #tpu.memory_space<vmem>>) target(%dma_start3A_486 : memref<1024xf32, #tpu.memory_space<hbm>>) target_semaphore(%arg12 : memref<!tpu.dma_semaphore, #tpu.memory_space<semaphore_mem>>)
    %add3A_487 = arith.constant 1024 : i32
    %add3A_488 = arith.addi %mul3A_484, %add3A_487 : i32
    %dma_start3A_489 = tpu.memref_slice %arg4[%add3A_488] : memref<2097152xf32, #tpu.memory_space<hbm>> -> memref<1024xf32, #tpu.memory_space<hbm>>
    %dma_start3A_490 = tpu.memref_slice %arg4[%add3A_488] : memref<2097152xf32, #tpu.memory_space<hbm>> -> memref<1024xf32, #tpu.memory_space<hbm>>
    tpu.enqueue_dma source(%arg9 : memref<1024xf32, #tpu.memory_space<vmem>>) target(%dma_start3A_490 : memref<1024xf32, #tpu.memory_space<hbm>>) target_semaphore(%arg13 : memref<!tpu.dma_semaphore, #tpu.memory_space<semaphore_mem>>)
    %dma_wait3A_491 = tpu.memref_slice %arg4[%mul3A_467] : memref<2097152xf32, #tpu.memory_space<hbm>> -> memref<1024xf32, #tpu.memory_space<hbm>>
    %dma_wait3A_492 = tpu.memref_slice %arg4[%mul3A_467] : memref<2097152xf32, #tpu.memory_space<hbm>> -> memref<1024xf32, #tpu.memory_space<hbm>>
    tpu.wait_dma2 semaphore(%arg14 : memref<!tpu.dma_semaphore, #tpu.memory_space<semaphore_mem>>) src(%arg10 : memref<1024xf32, #tpu.memory_space<vmem>>) dst(%dma_wait3A_492 : memref<1024xf32, #tpu.memory_space<hbm>>)
    %dma_wait3A_493 = tpu.memref_slice %arg4[%add3A_471] : memref<2097152xf32, #tpu.memory_space<hbm>> -> memref<1024xf32, #tpu.memory_space<hbm>>
    %dma_wait3A_494 = tpu.memref_slice %arg4[%add3A_471] : memref<2097152xf32, #tpu.memory_space<hbm>> -> memref<1024xf32, #tpu.memory_space<hbm>>
    tpu.wait_dma2 semaphore(%arg15 : memref<!tpu.dma_semaphore, #tpu.memory_space<semaphore_mem>>) src(%arg11 : memref<1024xf32, #tpu.memory_space<vmem>>) dst(%dma_wait3A_494 : memref<1024xf32, #tpu.memory_space<hbm>>)
    %parallel_loop3A_495 = arith.constant 0 : i32
    %parallel_loop3A_496 = arith.constant 64 : i32
    %parallel_loop3A_497 = arith.constant 1 : i32
    scf.for %parallel_loop3A_550 = %parallel_loop3A_495 to %parallel_loop3A_496 step %parallel_loop3A_497  : i32 {
      %parallel_loop3A_551 = arith.constant 16 : i32
      %parallel_loop3A_552 = arith.muli %parallel_loop3A_550, %parallel_loop3A_551 : i32
      %parallel_loop3A_553 = arith.constant 29696 : i32
      %parallel_loop3A_554 = arith.addi %parallel_loop3A_553, %parallel_loop3A_552 : i32
      %parallel_loop3A_555 = arith.index_cast %parallel_loop3A_554 : i32 to index
      %parallel_loop3A_556 = tpu.vector_load %arg5[%parallel_loop3A_555] {strides = array<i32>} : memref<32768xi32, #tpu.memory_space<vmem>>, vector<16xi32>,
      %parallel_loop3A_557 = tpu.vector_load_idx %arg6[%parallel_loop3A_556] : memref<1024xf32, #tpu.memory_space<vmem>>[vector<16xi32>], vector<16xf32>,
      %parallel_loop3A_558 = arith.constant 16 : i32
      %parallel_loop3A_559 = arith.muli %parallel_loop3A_550, %parallel_loop3A_558 : i32
      %parallel_loop3A_560 = arith.index_cast %parallel_loop3A_559 : i32 to index
      %parallel_loop3A_561 = tpu.vector_load %arg10[%parallel_loop3A_560] {strides = array<i32>} : memref<1024xf32, #tpu.memory_space<vmem>>, vector<16xf32>,
      tpu.vector_store %arg10[%parallel_loop3A_560], %parallel_loop3A_557 {strides = array<i32>} : memref<1024xf32, #tpu.memory_space<vmem>>, vector<16xf32>,
      %parallel_loop3A_562 = tpu.vector_load_idx %arg7[%parallel_loop3A_556] : memref<1024xf32, #tpu.memory_space<vmem>>[vector<16xi32>], vector<16xf32>,
      %parallel_loop3A_563 = arith.constant 16 : i32
      %parallel_loop3A_564 = arith.muli %parallel_loop3A_550, %parallel_loop3A_563 : i32
      %parallel_loop3A_565 = arith.index_cast %parallel_loop3A_564 : i32 to index
      %parallel_loop3A_566 = tpu.vector_load %arg11[%parallel_loop3A_565] {strides = array<i32>} : memref<1024xf32, #tpu.memory_space<vmem>>, vector<16xf32>,
      tpu.vector_store %arg11[%parallel_loop3A_565], %parallel_loop3A_562 {strides = array<i32>} : memref<1024xf32, #tpu.memory_space<vmem>>, vector<16xf32>,
    } {sc.loop_unroll_factor = 8 : i64, sc.parallel_access}
    %add3A_498 = arith.constant 1856 : i32
    %add3A_499 = arith.addi %add3A_498, %mul3A_2 : i32
    %mul3A_500 = arith.constant 1024 : i32
    %mul3A_501 = arith.muli %add3A_499, %mul3A_500 : i32
    %dma_start3A_502 = tpu.memref_slice %arg4[%mul3A_501] : memref<2097152xf32, #tpu.memory_space<hbm>> -> memref<1024xf32, #tpu.memory_space<hbm>>
    %dma_start3A_503 = tpu.memref_slice %arg4[%mul3A_501] : memref<2097152xf32, #tpu.memory_space<hbm>> -> memref<1024xf32, #tpu.memory_space<hbm>>
    tpu.enqueue_dma source(%arg10 : memref<1024xf32, #tpu.memory_space<vmem>>) target(%dma_start3A_503 : memref<1024xf32, #tpu.memory_space<hbm>>) target_semaphore(%arg14 : memref<!tpu.dma_semaphore, #tpu.memory_space<semaphore_mem>>)
    %add3A_504 = arith.constant 1024 : i32
    %add3A_505 = arith.addi %mul3A_501, %add3A_504 : i32
    %dma_start3A_506 = tpu.memref_slice %arg4[%add3A_505] : memref<2097152xf32, #tpu.memory_space<hbm>> -> memref<1024xf32, #tpu.memory_space<hbm>>
    %dma_start3A_507 = tpu.memref_slice %arg4[%add3A_505] : memref<2097152xf32, #tpu.memory_space<hbm>> -> memref<1024xf32, #tpu.memory_space<hbm>>
    tpu.enqueue_dma source(%arg11 : memref<1024xf32, #tpu.memory_space<vmem>>) target(%dma_start3A_507 : memref<1024xf32, #tpu.memory_space<hbm>>) target_semaphore(%arg15 : memref<!tpu.dma_semaphore, #tpu.memory_space<semaphore_mem>>)
    %dma_wait3A_508 = tpu.memref_slice %arg4[%mul3A_484] : memref<2097152xf32, #tpu.memory_space<hbm>> -> memref<1024xf32, #tpu.memory_space<hbm>>
    %dma_wait3A_509 = tpu.memref_slice %arg4[%mul3A_484] : memref<2097152xf32, #tpu.memory_space<hbm>> -> memref<1024xf32, #tpu.memory_space<hbm>>
    tpu.wait_dma2 semaphore(%arg12 : memref<!tpu.dma_semaphore, #tpu.memory_space<semaphore_mem>>) src(%arg8 : memref<1024xf32, #tpu.memory_space<vmem>>) dst(%dma_wait3A_509 : memref<1024xf32, #tpu.memory_space<hbm>>)
    %dma_wait3A_510 = tpu.memref_slice %arg4[%add3A_488] : memref<2097152xf32, #tpu.memory_space<hbm>> -> memref<1024xf32, #tpu.memory_space<hbm>>
    %dma_wait3A_511 = tpu.memref_slice %arg4[%add3A_488] : memref<2097152xf32, #tpu.memory_space<hbm>> -> memref<1024xf32, #tpu.memory_space<hbm>>
    tpu.wait_dma2 semaphore(%arg13 : memref<!tpu.dma_semaphore, #tpu.memory_space<semaphore_mem>>) src(%arg9 : memref<1024xf32, #tpu.memory_space<vmem>>) dst(%dma_wait3A_511 : memref<1024xf32, #tpu.memory_space<hbm>>)
    %parallel_loop3A_512 = arith.constant 0 : i32
    %parallel_loop3A_513 = arith.constant 64 : i32
    %parallel_loop3A_514 = arith.constant 1 : i32
    scf.for %parallel_loop3A_550 = %parallel_loop3A_512 to %parallel_loop3A_513 step %parallel_loop3A_514  : i32 {
      %parallel_loop3A_551 = arith.constant 16 : i32
      %parallel_loop3A_552 = arith.muli %parallel_loop3A_550, %parallel_loop3A_551 : i32
      %parallel_loop3A_553 = arith.constant 30720 : i32
      %parallel_loop3A_554 = arith.addi %parallel_loop3A_553, %parallel_loop3A_552 : i32
      %parallel_loop3A_555 = arith.index_cast %parallel_loop3A_554 : i32 to index
      %parallel_loop3A_556 = tpu.vector_load %arg5[%parallel_loop3A_555] {strides = array<i32>} : memref<32768xi32, #tpu.memory_space<vmem>>, vector<16xi32>,
      %parallel_loop3A_557 = tpu.vector_load_idx %arg6[%parallel_loop3A_556] : memref<1024xf32, #tpu.memory_space<vmem>>[vector<16xi32>], vector<16xf32>,
      %parallel_loop3A_558 = arith.constant 16 : i32
      %parallel_loop3A_559 = arith.muli %parallel_loop3A_550, %parallel_loop3A_558 : i32
      %parallel_loop3A_560 = arith.index_cast %parallel_loop3A_559 : i32 to index
      %parallel_loop3A_561 = tpu.vector_load %arg8[%parallel_loop3A_560] {strides = array<i32>} : memref<1024xf32, #tpu.memory_space<vmem>>, vector<16xf32>,
      tpu.vector_store %arg8[%parallel_loop3A_560], %parallel_loop3A_557 {strides = array<i32>} : memref<1024xf32, #tpu.memory_space<vmem>>, vector<16xf32>,
      %parallel_loop3A_562 = tpu.vector_load_idx %arg7[%parallel_loop3A_556] : memref<1024xf32, #tpu.memory_space<vmem>>[vector<16xi32>], vector<16xf32>,
      %parallel_loop3A_563 = arith.constant 16 : i32
      %parallel_loop3A_564 = arith.muli %parallel_loop3A_550, %parallel_loop3A_563 : i32
      %parallel_loop3A_565 = arith.index_cast %parallel_loop3A_564 : i32 to index
      %parallel_loop3A_566 = tpu.vector_load %arg9[%parallel_loop3A_565] {strides = array<i32>} : memref<1024xf32, #tpu.memory_space<vmem>>, vector<16xf32>,
      tpu.vector_store %arg9[%parallel_loop3A_565], %parallel_loop3A_562 {strides = array<i32>} : memref<1024xf32, #tpu.memory_space<vmem>>, vector<16xf32>,
    } {sc.loop_unroll_factor = 8 : i64, sc.parallel_access}
    %add3A_515 = arith.constant 1920 : i32
    %add3A_516 = arith.addi %add3A_515, %mul3A_2 : i32
    %mul3A_517 = arith.constant 1024 : i32
    %mul3A_518 = arith.muli %add3A_516, %mul3A_517 : i32
    %dma_start3A_519 = tpu.memref_slice %arg4[%mul3A_518] : memref<2097152xf32, #tpu.memory_space<hbm>> -> memref<1024xf32, #tpu.memory_space<hbm>>
    %dma_start3A_520 = tpu.memref_slice %arg4[%mul3A_518] : memref<2097152xf32, #tpu.memory_space<hbm>> -> memref<1024xf32, #tpu.memory_space<hbm>>
    tpu.enqueue_dma source(%arg8 : memref<1024xf32, #tpu.memory_space<vmem>>) target(%dma_start3A_520 : memref<1024xf32, #tpu.memory_space<hbm>>) target_semaphore(%arg12 : memref<!tpu.dma_semaphore, #tpu.memory_space<semaphore_mem>>)
    %add3A_521 = arith.constant 1024 : i32
    %add3A_522 = arith.addi %mul3A_518, %add3A_521 : i32
    %dma_start3A_523 = tpu.memref_slice %arg4[%add3A_522] : memref<2097152xf32, #tpu.memory_space<hbm>> -> memref<1024xf32, #tpu.memory_space<hbm>>
    %dma_start3A_524 = tpu.memref_slice %arg4[%add3A_522] : memref<2097152xf32, #tpu.memory_space<hbm>> -> memref<1024xf32, #tpu.memory_space<hbm>>
    tpu.enqueue_dma source(%arg9 : memref<1024xf32, #tpu.memory_space<vmem>>) target(%dma_start3A_524 : memref<1024xf32, #tpu.memory_space<hbm>>) target_semaphore(%arg13 : memref<!tpu.dma_semaphore, #tpu.memory_space<semaphore_mem>>)
    %dma_wait3A_525 = tpu.memref_slice %arg4[%mul3A_501] : memref<2097152xf32, #tpu.memory_space<hbm>> -> memref<1024xf32, #tpu.memory_space<hbm>>
    %dma_wait3A_526 = tpu.memref_slice %arg4[%mul3A_501] : memref<2097152xf32, #tpu.memory_space<hbm>> -> memref<1024xf32, #tpu.memory_space<hbm>>
    tpu.wait_dma2 semaphore(%arg14 : memref<!tpu.dma_semaphore, #tpu.memory_space<semaphore_mem>>) src(%arg10 : memref<1024xf32, #tpu.memory_space<vmem>>) dst(%dma_wait3A_526 : memref<1024xf32, #tpu.memory_space<hbm>>)
    %dma_wait3A_527 = tpu.memref_slice %arg4[%add3A_505] : memref<2097152xf32, #tpu.memory_space<hbm>> -> memref<1024xf32, #tpu.memory_space<hbm>>
    %dma_wait3A_528 = tpu.memref_slice %arg4[%add3A_505] : memref<2097152xf32, #tpu.memory_space<hbm>> -> memref<1024xf32, #tpu.memory_space<hbm>>
    tpu.wait_dma2 semaphore(%arg15 : memref<!tpu.dma_semaphore, #tpu.memory_space<semaphore_mem>>) src(%arg11 : memref<1024xf32, #tpu.memory_space<vmem>>) dst(%dma_wait3A_528 : memref<1024xf32, #tpu.memory_space<hbm>>)
    %parallel_loop3A_529 = arith.constant 0 : i32
    %parallel_loop3A_530 = arith.constant 64 : i32
    %parallel_loop3A_531 = arith.constant 1 : i32
    scf.for %parallel_loop3A_550 = %parallel_loop3A_529 to %parallel_loop3A_530 step %parallel_loop3A_531  : i32 {
      %parallel_loop3A_551 = arith.constant 16 : i32
      %parallel_loop3A_552 = arith.muli %parallel_loop3A_550, %parallel_loop3A_551 : i32
      %parallel_loop3A_553 = arith.constant 31744 : i32
      %parallel_loop3A_554 = arith.addi %parallel_loop3A_553, %parallel_loop3A_552 : i32
      %parallel_loop3A_555 = arith.index_cast %parallel_loop3A_554 : i32 to index
      %parallel_loop3A_556 = tpu.vector_load %arg5[%parallel_loop3A_555] {strides = array<i32>} : memref<32768xi32, #tpu.memory_space<vmem>>, vector<16xi32>,
      %parallel_loop3A_557 = tpu.vector_load_idx %arg6[%parallel_loop3A_556] : memref<1024xf32, #tpu.memory_space<vmem>>[vector<16xi32>], vector<16xf32>,
      %parallel_loop3A_558 = arith.constant 16 : i32
      %parallel_loop3A_559 = arith.muli %parallel_loop3A_550, %parallel_loop3A_558 : i32
      %parallel_loop3A_560 = arith.index_cast %parallel_loop3A_559 : i32 to index
      %parallel_loop3A_561 = tpu.vector_load %arg10[%parallel_loop3A_560] {strides = array<i32>} : memref<1024xf32, #tpu.memory_space<vmem>>, vector<16xf32>,
      tpu.vector_store %arg10[%parallel_loop3A_560], %parallel_loop3A_557 {strides = array<i32>} : memref<1024xf32, #tpu.memory_space<vmem>>, vector<16xf32>,
      %parallel_loop3A_562 = tpu.vector_load_idx %arg7[%parallel_loop3A_556] : memref<1024xf32, #tpu.memory_space<vmem>>[vector<16xi32>], vector<16xf32>,
      %parallel_loop3A_563 = arith.constant 16 : i32
      %parallel_loop3A_564 = arith.muli %parallel_loop3A_550, %parallel_loop3A_563 : i32
      %parallel_loop3A_565 = arith.index_cast %parallel_loop3A_564 : i32 to index
      %parallel_loop3A_566 = tpu.vector_load %arg11[%parallel_loop3A_565] {strides = array<i32>} : memref<1024xf32, #tpu.memory_space<vmem>>, vector<16xf32>,
      tpu.vector_store %arg11[%parallel_loop3A_565], %parallel_loop3A_562 {strides = array<i32>} : memref<1024xf32, #tpu.memory_space<vmem>>, vector<16xf32>,
    } {sc.loop_unroll_factor = 8 : i64, sc.parallel_access}
    %add3A_532 = arith.constant 1984 : i32
    %add3A_533 = arith.addi %add3A_532, %mul3A_2 : i32
    %mul3A_534 = arith.constant 1024 : i32
    %mul3A_535 = arith.muli %add3A_533, %mul3A_534 : i32
    %dma_start3A_536 = tpu.memref_slice %arg4[%mul3A_535] : memref<2097152xf32, #tpu.memory_space<hbm>> -> memref<1024xf32, #tpu.memory_space<hbm>>
    %dma_start3A_537 = tpu.memref_slice %arg4[%mul3A_535] : memref<2097152xf32, #tpu.memory_space<hbm>> -> memref<1024xf32, #tpu.memory_space<hbm>>
    tpu.enqueue_dma source(%arg10 : memref<1024xf32, #tpu.memory_space<vmem>>) target(%dma_start3A_537 : memref<1024xf32, #tpu.memory_space<hbm>>) target_semaphore(%arg14 : memref<!tpu.dma_semaphore, #tpu.memory_space<semaphore_mem>>)
    %add3A_538 = arith.constant 1024 : i32
    %add3A_539 = arith.addi %mul3A_535, %add3A_538 : i32
    %dma_start3A_540 = tpu.memref_slice %arg4[%add3A_539] : memref<2097152xf32, #tpu.memory_space<hbm>> -> memref<1024xf32, #tpu.memory_space<hbm>>
    %dma_start3A_541 = tpu.memref_slice %arg4[%add3A_539] : memref<2097152xf32, #tpu.memory_space<hbm>> -> memref<1024xf32, #tpu.memory_space<hbm>>
    tpu.enqueue_dma source(%arg11 : memref<1024xf32, #tpu.memory_space<vmem>>) target(%dma_start3A_541 : memref<1024xf32, #tpu.memory_space<hbm>>) target_semaphore(%arg15 : memref<!tpu.dma_semaphore, #tpu.memory_space<semaphore_mem>>)
    %dma_wait3A_542 = tpu.memref_slice %arg4[%mul3A_518] : memref<2097152xf32, #tpu.memory_space<hbm>> -> memref<1024xf32, #tpu.memory_space<hbm>>
    %dma_wait3A_543 = tpu.memref_slice %arg4[%mul3A_518] : memref<2097152xf32, #tpu.memory_space<hbm>> -> memref<1024xf32, #tpu.memory_space<hbm>>
    tpu.wait_dma2 semaphore(%arg12 : memref<!tpu.dma_semaphore, #tpu.memory_space<semaphore_mem>>) src(%arg8 : memref<1024xf32, #tpu.memory_space<vmem>>) dst(%dma_wait3A_543 : memref<1024xf32, #tpu.memory_space<hbm>>)
    %dma_wait3A_544 = tpu.memref_slice %arg4[%add3A_522] : memref<2097152xf32, #tpu.memory_space<hbm>> -> memref<1024xf32, #tpu.memory_space<hbm>>
    %dma_wait3A_545 = tpu.memref_slice %arg4[%add3A_522] : memref<2097152xf32, #tpu.memory_space<hbm>> -> memref<1024xf32, #tpu.memory_space<hbm>>
    tpu.wait_dma2 semaphore(%arg13 : memref<!tpu.dma_semaphore, #tpu.memory_space<semaphore_mem>>) src(%arg9 : memref<1024xf32, #tpu.memory_space<vmem>>) dst(%dma_wait3A_545 : memref<1024xf32, #tpu.memory_space<hbm>>)
    %dma_wait3A_546 = tpu.memref_slice %arg4[%mul3A_535] : memref<2097152xf32, #tpu.memory_space<hbm>> -> memref<1024xf32, #tpu.memory_space<hbm>>
    %dma_wait3A_547 = tpu.memref_slice %arg4[%mul3A_535] : memref<2097152xf32, #tpu.memory_space<hbm>> -> memref<1024xf32, #tpu.memory_space<hbm>>
    tpu.wait_dma2 semaphore(%arg14 : memref<!tpu.dma_semaphore, #tpu.memory_space<semaphore_mem>>) src(%arg10 : memref<1024xf32, #tpu.memory_space<vmem>>) dst(%dma_wait3A_547 : memref<1024xf32, #tpu.memory_space<hbm>>)
    %dma_wait3A_548 = tpu.memref_slice %arg4[%add3A_539] : memref<2097152xf32, #tpu.memory_space<hbm>> -> memref<1024xf32, #tpu.memory_space<hbm>>
    %dma_wait3A_549 = tpu.memref_slice %arg4[%add3A_539] : memref<2097152xf32, #tpu.memory_space<hbm>> -> memref<1024xf32, #tpu.memory_space<hbm>>
    tpu.wait_dma2 semaphore(%arg15 : memref<!tpu.dma_semaphore, #tpu.memory_space<semaphore_mem>>) src(%arg11 : memref<1024xf32, #tpu.memory_space<vmem>>) dst(%dma_wait3A_549 : memref<1024xf32, #tpu.memory_space<hbm>>)
    return
  }
}

module attributes {stable_mosaic.version = 14 : i64} {
  func.func @_vq_dist_body(%arg0: i32, %arg1: i32, %arg2: memref<1x64x1024xf32, #tpu.memory_space<vmem>>, %arg3: memref<1024x64xf32, #tpu.memory_space<vmem>>, %arg4: memref<1x1x1024xi32, #tpu.memory_space<vmem>>, %arg5: memref<1x1xf32, #tpu.memory_space<smem>>, %arg6: memref<1024x1024xf32, #tpu.memory_space<vmem>>, %arg7: memref<1024x1024xf32, #tpu.memory_space<vmem>>) attributes {dimension_semantics = [#tpu.dimension_semantics<arbitrary>, #tpu.dimension_semantics<arbitrary>], iteration_bounds = array<i64: 32, 1>, scalar_prefetch = 0 : i64, scratch_operands = 2 : i64, tpu.core_type = #tpu.core_type<tc>, window_params = [{transform_indices = @transform_0, window_bounds = array<i64: 1, 64, 1024>}, {pipeline_mode = #tpu.pipeline_mode<synchronous>, transform_indices = @transform_1, window_bounds = array<i64: 1024, 64>}, {transform_indices = @transform_2, window_bounds = array<i64: 1, 1, 1024>}, {transform_indices = @transform_3, window_bounds = array<i64: 1, 1>}]} {
    %eq3A = arith.constant 0 : i32
    %eq3A_0 = arith.cmpi eq, %arg0, %eq3A : i32
    %eq3A_1 = arith.constant 0 : i32
    %eq3A_2 = arith.cmpi eq, %arg1, %eq3A_1 : i32
    %and3A = arith.andi %eq3A_0, %eq3A_2 : i1
    %get3A = arith.constant 0 : index
    %get3A_3 = arith.constant 0 : index
    %get3A_4 = arith.constant 0 : index
    %get3A_5 = vector.load %arg2[%get3A, %get3A_3, %get3A_4] : memref<1x64x1024xf32, #tpu.memory_space<vmem>>, vector<1x64x1024xf32>
    %get3A_6 = vector.shape_cast %get3A_5 : vector<1x64x1024xf32> to vector<64x1024xf32>
    %get3A_7 = arith.constant 0 : index
    %get3A_8 = arith.constant 0 : index
    %get3A_9 = vector.load %arg3[%get3A_7, %get3A_8] : memref<1024x64xf32, #tpu.memory_space<vmem>>, vector<1024x64xf32>
    %convert_element_type3A = arith.extui %and3A : i1 to i32
    %cond3A = arith.constant 0 : i32
    %cond3A_10 = arith.cmpi ne, %convert_element_type3A, %cond3A : i32
    scf.if %cond3A_10 {
      %mul3A_47 = arith.mulf %get3A_9, %get3A_9 : vector<1024x64xf32>
      %reduce_sum3A_48 = arith.constant dense<0.000000e+00> : vector<1024xf32>
      %reduce_sum3A_49 = vector.multi_reduction <add>, %mul3A_47, %reduce_sum3A_48 [1] : vector<1024x64xf32> to vector<1024xf32>
      %broadcast_in_dim3A_50 = vector.shape_cast %reduce_sum3A_49 : vector<1024xf32> to vector<1024x1xf32>
      %broadcast_in_dim3A_51 = vector.shape_cast %broadcast_in_dim3A_50 : vector<1024x1xf32> to vector<1024x1xf32>
      %broadcast_in_dim3A_52 = vector.broadcast %broadcast_in_dim3A_51 : vector<1024x1xf32> to vector<1024x1024xf32>
      %swap3A_53 = arith.constant 0 : index
      %swap3A_54 = arith.constant 0 : index
      %swap3A_55 = vector.load %arg6[%swap3A_53, %swap3A_54] : memref<1024x1024xf32, #tpu.memory_space<vmem>>, vector<1024x1024xf32>
      tpu.vector_store %arg6[%swap3A_53, %swap3A_54], %broadcast_in_dim3A_52 {strides = array<i32>} : memref<1024x1024xf32, #tpu.memory_space<vmem>>, vector<1024x1024xf32>,
      %iota3A = tpu.iota {dimensions = array<i32: 0>} : vector<1024x1024xi32>
      %convert_element_type3A_56 = arith.sitofp %iota3A : vector<1024x1024xi32> to vector<1024x1024xf32>
      %swap3A_57 = arith.constant 0 : index
      %swap3A_58 = arith.constant 0 : index
      %swap3A_59 = vector.load %arg7[%swap3A_57, %swap3A_58] : memref<1024x1024xf32, #tpu.memory_space<vmem>>, vector<1024x1024xf32>
      tpu.vector_store %arg7[%swap3A_57, %swap3A_58], %convert_element_type3A_56 {strides = array<i32>} : memref<1024x1024xf32, #tpu.memory_space<vmem>>, vector<1024x1024xf32>,
      %swap3A_60 = arith.constant 0.000000e+00 : f32
      %swap3A_61 = arith.constant 0 : index
      %swap3A_62 = arith.constant 0 : index
      %swap3A_63 = memref.load %arg5[%swap3A_61, %swap3A_62] : memref<1x1xf32, #tpu.memory_space<smem>>
      memref.store %swap3A_60, %arg5[%swap3A_61, %swap3A_62] : memref<1x1xf32, #tpu.memory_space<smem>>
    } else {
    }
    %mul3A = arith.mulf %get3A_6, %get3A_6 : vector<64x1024xf32>
    %reduce_sum3A = arith.constant dense<0.000000e+00> : vector<1024xf32>
    %reduce_sum3A_11 = vector.multi_reduction <add>, %mul3A, %reduce_sum3A [0] : vector<64x1024xf32> to vector<1024xf32>
    %broadcast_in_dim3A = vector.shape_cast %reduce_sum3A_11 : vector<1024xf32> to vector<1x1024xf32>
    %add3A = arith.addf %get3A_9, %get3A_9 : vector<1024x64xf32>
    %dot_general3A = arith.constant dense<0.000000e+00> : vector<1024x1024xf32>
    %dot_general3A_12 = tpu.matmul %add3A, %get3A_6, %dot_general3A {dimension_numbers = #tpu.dot_dimension_numbers<[1], [0], [0], [1], [0, 0, 1, 1], [], []>, transpose_lhs_hint = false} : vector<1024x64xf32>, vector<64x1024xf32>, vector<1024x1024xf32> -> vector<1024x1024xf32>
    %sub3A = vector.broadcast %broadcast_in_dim3A : vector<1x1024xf32> to vector<1024x1024xf32>
    %sub3A_13 = arith.subf %sub3A, %dot_general3A_12 : vector<1024x1024xf32>
    %get3A_14 = arith.constant 0 : index
    %get3A_15 = arith.constant 0 : index
    %get3A_16 = vector.load %arg6[%get3A_14, %get3A_15] : memref<1024x1024xf32, #tpu.memory_space<vmem>>, vector<1024x1024xf32>
    %add3A_17 = arith.addf %sub3A_13, %get3A_16 : vector<1024x1024xf32>
    %reduce_min3A = arith.constant dense<0x7F800000> : vector<1024xf32>
    %reduce_min3A_18 = vector.multi_reduction <minimumf>, %add3A_17, %reduce_min3A [0] : vector<1024x1024xf32> to vector<1024xf32>
    %broadcast_in_dim3A_19 = vector.shape_cast %reduce_min3A_18 : vector<1024xf32> to vector<1x1024xf32>
    %eq3A_20 = vector.broadcast %broadcast_in_dim3A_19 : vector<1x1024xf32> to vector<1024x1024xf32>
    %eq3A_21 = arith.cmpf oeq, %add3A_17, %eq3A_20 : vector<1024x1024xf32>
    %get3A_22 = arith.constant 0 : index
    %get3A_23 = arith.constant 0 : index
    %get3A_24 = vector.load %arg7[%get3A_22, %get3A_23] : memref<1024x1024xf32, #tpu.memory_space<vmem>>, vector<1024x1024xf32>
    %jit3A = arith.constant 1.024000e+03 : f32
    %broadcast_in_dim3A_25 = vector.broadcast %jit3A : f32 to vector<1024x1024xf32>
    %select_n3A = arith.select %eq3A_21, %get3A_24, %broadcast_in_dim3A_25 : vector<1024x1024xi1>, vector<1024x1024xf32>
    %reduce_min3A_26 = arith.constant dense<0x7F800000> : vector<1024xf32>
    %reduce_min3A_27 = vector.multi_reduction <minimumf>, %select_n3A, %reduce_min3A_26 [0] : vector<1024x1024xf32> to vector<1024xf32>
    %broadcast_in_dim3A_28 = vector.shape_cast %reduce_min3A_27 : vector<1024xf32> to vector<1x1024xf32>
    %convert_element_type3A_29 = arith.fptosi %broadcast_in_dim3A_28 : vector<1x1024xf32> to vector<1x1024xi32>
    %swap3A = arith.constant 0 : index
    %swap3A_30 = arith.constant 0 : index
    %swap3A_31 = arith.constant 0 : index
    %swap3A_32 = vector.load %arg4[%swap3A, %swap3A_30, %swap3A_31] : memref<1x1x1024xi32, #tpu.memory_space<vmem>>, vector<1x1x1024xi32>
    %swap3A_33 = vector.shape_cast %swap3A_32 : vector<1x1x1024xi32> to vector<1x1024xi32>
    %swap3A_34 = vector.shape_cast %convert_element_type3A_29 : vector<1x1024xi32> to vector<1x1x1024xi32>
    tpu.vector_store %arg4[%swap3A, %swap3A_30, %swap3A_31], %swap3A_34 {strides = array<i32>} : memref<1x1x1024xi32, #tpu.memory_space<vmem>>, vector<1x1x1024xi32>,
    %get3A_35 = arith.constant 0 : index
    %get3A_36 = arith.constant 0 : index
    %get3A_37 = memref.load %arg5[%get3A_35, %get3A_36] : memref<1x1xf32, #tpu.memory_space<smem>>
    %reduce_sum3A_38 = vector.shape_cast %broadcast_in_dim3A_19 : vector<1x1024xf32> to vector<1x1x1024xf32>
    %reduce_sum3A_39 = arith.constant dense<0.000000e+00> : vector<1xf32>
    %reduce_sum3A_40 = vector.multi_reduction <add>, %reduce_sum3A_38, %reduce_sum3A_39 [1, 2] : vector<1x1x1024xf32> to vector<1xf32>
    %reduce_sum3A_41 = vector.shape_cast %reduce_sum3A_40 : vector<1xf32> to vector<1x1x1xf32>
    %reduce_sum3A_42 = vector.extract %reduce_sum3A_41[0, 0, 0] : f32 from vector<1x1x1xf32>
    %add3A_43 = arith.addf %get3A_37, %reduce_sum3A_42 : f32
    %swap3A_44 = arith.constant 0 : index
    %swap3A_45 = arith.constant 0 : index
    %swap3A_46 = memref.load %arg5[%swap3A_44, %swap3A_45] : memref<1x1xf32, #tpu.memory_space<smem>>
    memref.store %add3A_43, %arg5[%swap3A_44, %swap3A_45] : memref<1x1xf32, #tpu.memory_space<smem>>
    return
  }
  func.func @transform_0(%arg0: i32, %arg1: i32) -> (i32, i32, i32) {
    %c0_i32 = arith.constant 0 : i32
    %c0_i32_0 = arith.constant 0 : i32
    return %arg0, %c0_i32, %arg1 : i32, i32, i32
  }
  func.func @transform_1(%arg0: i32, %arg1: i32) -> (i32, i32) {
    %c0_i32 = arith.constant 0 : i32
    %c0_i32_0 = arith.constant 0 : i32
    %c0_i32_1 = arith.constant 0 : i32
    return %c0_i32, %c0_i32_0 : i32, i32
  }
  func.func @transform_2(%arg0: i32, %arg1: i32) -> (i32, i32, i32) {
    %c0_i32 = arith.constant 0 : i32
    %c0_i32_0 = arith.constant 0 : i32
    return %arg0, %c0_i32, %arg1 : i32, i32, i32
  }
  func.func @transform_3(%arg0: i32, %arg1: i32) -> (i32, i32) {
    %c0_i32 = arith.constant 0 : i32
    %c0_i32_0 = arith.constant 0 : i32
    %c0_i32_1 = arith.constant 0 : i32
    return %c0_i32, %c0_i32_0 : i32, i32
  }
}

</mosaic_0001>

<sc_bundles>
// kernel: kernel.4.cloned.1.call-start
scs
__scs_entry_jumppad:
0x0: {  	(pc) =	sbr.rel $0x88, $3  }
0x1: {  	(tag) =	ssettag $0x0;
	lr =	simm.s32 $0x1  }
0x2: {  	[smem:$0x3F9F] =	sst lr;
	_ =	strace $0xD0000000  }
0x3: {  	_ = 	snop  }
0x4: {  	_ = 	snop  }
0x5: {  	_ = 	snop  }
0x6: {  	_ = 	snop  }
0x7: {  	_ = 	snop  }
__scs_overlays_trampoline_lowered:
0x8: {  	[smem:$0x3FAE] =	sst s0  }
0x9: {  	[smem:$0x3FAF] =	sst s1  }
0xa: {  	[smem:$0x3FB0] =	sst s2  }
0xb: {  	[smem:$0x3FB1] =	sst s3  }
0xc: {  	[smem:$0x3FB2] =	sst s4  }
0xd: {  	[smem:$0x3FB3] =	sst s5  }
0xe: {  	[smem:$0x3FB4] =	sst s6  }
0xf: {  	[smem:$0x3FB5] =	sst s7  }
0x10: {  	[smem:$0x3FB6] =	sst s8  }
0x11: {  	[smem:$0x3FB7] =	sst s9;
	s0 =	simm.s32 @!p0 $0x0  }
0x12: {  	s1 =	sld [smem:$0x3F9D];
	s0 =	simm.s32 @p0 $0x1  }
0x13: {  	[smem:$0x3FB8] =	sst s0;
	s0 =	simm.s32 @!p1 $0x0  }
0x14: {  	s2 =	sld [smem:$0x3F9C];
	s0 =	simm.s32 @p1 $0x1  }
0x15: {  	[smem:$0x3FB9] =	sst s0;
	s0 =	simm.s32 @!p2 $0x0  }
0x16: {  	s3 =	sld [smem:$0x3FDB];
	s0 =	simm.s32 @p2 $0x1  }
0x17: {  	s4 =	simm.s32 $0x1BF5;
	[smem:$0x3FBB] =	sst s0  }
0x18: {  	s0 =	sld [smem:$0x3F9E];
	_ =	swait.ge [sflag:s4], $0x0  }
0x19: {  	s7 =	sld [smem:$0x3F9F]  }
0x1a: {  	s8 =	sadd.s32 $0xFFFFE003, lr  }
0x1b: {  	s9 =	sadd.s32 $0xFFFFFEF7, lr;
	s5 =	simm.s32 $0xFFFFFFFF;
	p2 =	slt.u32 s8, $0xFFFFF086  }
0x1c: {  	p1 =	slt.u32 s9, $0xF7A;
	s5 =	simm.s32 @!p2 $0x0  }
0x1d: {  	s5 =	simm.s32 @p1 $0x1;
	p0 =	seq.s32 s7, s2  }
0x1e: {  	s7 =	smul.u32 @!p0 $0xF7A, s2;
	p2 =	seq.s32 @!p0 s5, $0x0  }
0x1f: {  	s9 =	smul.u32 $0xF7A, s1;
	s8 =	simm.s32 @!p0 $0x1BF5;
	p2 =	por !p2, p0  }
0x20: {  	[sflag:s8] =	ssyncset.s32 @!p0 $0xFFFFF086;
	s6 =	sadd.s32 @!p0 s3, s7;
	s7 =	simm.s32 @!p0 $0x108  }
0x21: {  	s3 =	sadd.s32 s3, s9;
	s6 =	sadd.s32 @!p0 $0x88, s6;
	s7 =	simm.s32 @p2 $0x1082  }
0x22: {  	[simem:s7], [sflag:s8] =	dma.local @!p0 [hbm:s6], $0xF7A  }
0x23: {  	s9 =	sor.u32 $0xD0000000, s2;
	s6 =	simm.s32 $0x108;
	_ =	swait.ge @!p0 [sflag:s8], $0x0  }
0x24: {  	s3 =	sadd.s32 $0x88, s3;
	s6 =	simm.s32 @!p1 $0x1082;
	[sflag:s4] =	ssyncset.s32 $0xFFFFF086  }
0x25: {  	[simem:s6], [sflag:s4] =	dma.local [hbm:s3], $0xF7A  }
0x26: {  	[smem:$0x3F9F] =	sst s1;
	(tag) =	ssettag s2;
	_ =	strace s9  }
0x27: {  	s1 =	sld [smem:$0x3FAF]  }
0x28: {  	s2 =	sld [smem:$0x3FB0]  }
0x29: {  	s4 =	sld [smem:$0x3FB2]  }
0x2a: {  	p0 =	seq.s32 s5, $0x0;
	s5 =	sld [smem:$0x3FB3]  }
0x2b: {  	s6 =	sld [smem:$0x3FB4]  }
0x2c: {  	s7 =	sld [smem:$0x3FB5]  }
0x2d: {  	s3 =	simm.s32 $0x108;
	s8 =	sld [smem:$0x3FB6]  }
0x2e: {  	s3 =	simm.s32 @!p0 $0x1082;
	s9 =	sld [smem:$0x3FB7]  }
0x2f: {  	lr =	sadd.s32 s0, s3;
	s0 =	sld [smem:$0x3FAE]  }
0x30: {  	s3 =	sld [smem:$0x3FB1]  }
0x31: {  	[smem:$0x3FBA] =	sst s10  }
0x32: {  	s10 =	sld [smem:$0x3FB8];
	_ =	sdelay $0x3  }
0x33: {  	p0 =	seq.s32 s10, $0x1;
	s10 =	sld [smem:$0x3FBA];
	_ =	sdelay $0x3  }
0x34: {  	[smem:$0x3FBA] =	sst s10  }
0x35: {  	s10 =	sld [smem:$0x3FB9];
	_ =	sdelay $0x3  }
0x36: {  	p1 =	seq.s32 s10, $0x1;
	s10 =	sld [smem:$0x3FBA];
	_ =	sdelay $0x3  }
0x37: {  	[smem:$0x3FBA] =	sst s10  }
0x38: {  	s10 =	sld [smem:$0x3FBB]  }
0x39: {  	_ = 	snop;
	(pc) =	sbr.ind lr, $3  }
0x3a: {  	_ = 	snop  }
0x3b: {  	_ = 	snop  }
0x3c: {  	p2 =	seq.s32 s10, $0x1;
	s10 =	sld [smem:$0x3FBA]  }
0x3d: {  	_ =	shalt  }
0x3e: {  	_ =	shalt  }
0x3f: {  	_ =	shalt  }
0x40: {  	_ =	shalt  }
0x41: {  	_ =	shalt  }
0x42: {  	_ =	shalt  }
0x43: {  	_ =	shalt  }
0x44: {  	_ =	shalt  }
0x45: {  	_ =	shalt  }
0x46: {  	_ =	shalt  }
0x47: {  	_ =	shalt  }
0x48: {  	_ =	shalt  }
0x49: {  	_ =	shalt  }
0x4a: {  	_ =	shalt  }
0x4b: {  	_ =	shalt  }
0x4c: {  	_ =	shalt  }
0x4d: {  	_ =	shalt  }
0x4e: {  	_ =	shalt  }
0x4f: {  	_ =	shalt  }
0x50: {  	_ =	shalt  }
0x51: {  	_ =	shalt  }
0x52: {  	_ =	shalt  }
0x53: {  	_ =	shalt  }
0x54: {  	_ =	shalt  }
0x55: {  	_ =	shalt  }
0x56: {  	_ =	shalt  }
0x57: {  	_ =	shalt  }
0x58: {  	_ =	shalt  }
0x59: {  	_ =	shalt  }
0x5a: {  	_ =	shalt  }
0x5b: {  	_ =	shalt  }
0x5c: {  	_ =	shalt  }
0x5d: {  	_ =	shalt  }
0x5e: {  	_ =	shalt  }
0x5f: {  	_ =	shalt  }
0x60: {  	_ =	shalt  }
0x61: {  	_ =	shalt  }
0x62: {  	_ =	shalt  }
0x63: {  	_ =	shalt  }
0x64: {  	_ =	shalt  }
0x65: {  	_ =	shalt  }
0x66: {  	_ =	shalt  }
0x67: {  	_ =	shalt  }
0x68: {  	_ =	shalt  }
0x69: {  	_ =	shalt  }
0x6a: {  	_ =	shalt  }
0x6b: {  	_ =	shalt  }
0x6c: {  	_ =	shalt  }
0x6d: {  	_ =	shalt  }
0x6e: {  	_ =	shalt  }
0x6f: {  	_ =	shalt  }
0x70: {  	_ =	shalt  }
0x71: {  	_ =	shalt  }
0x72: {  	_ =	shalt  }
0x73: {  	_ =	shalt  }
0x74: {  	_ =	shalt  }
0x75: {  	_ =	shalt  }
0x76: {  	_ =	shalt  }
0x77: {  	_ =	shalt  }
0x78: {  	_ =	shalt  }
0x79: {  	_ =	shalt  }
0x7a: {  	_ =	shalt  }
0x7b: {  	_ =	shalt  }
0x7c: {  	_ =	shalt  }
0x7d: {  	_ =	shalt  }
0x7e: {  	_ =	shalt  }
0x7f: {  	_ =	shalt  }
0x80: {  	_ =	shalt  }
0x81: {  	_ =	shalt  }
0x82: {  	_ =	shalt  }
0x83: {  	_ =	shalt  }
0x84: {  	_ =	shalt  }
0x85: {  	_ =	shalt  }
0x86: {  	_ =	shalt  }
0x87: {  	_ =	shalt  }
.Lfunc_end0:
.L_simem_size_0:
called_computation_lowered:
.L_overlay_start_0:
0x88: {  	s2 =	sld [smem:$0x3FD9]  }
0x89: {  	s3 =	sld [smem:$0x3FFE];
	_ =	sdelay $0x1  }
0x8a: {  	s1 =	srdreg.scid  }
0x8b: {  	s0 =	sand.u32 $0x1, s1  }
0x8c: {  	s14 =	sshll.u32 s0, $0xA;
	s2 =	sadd.s32 s3, s2  }
0x8d: {  	s2 =	sadd.s32 s2, s14  }
0x8e: {  	[smem:$0x3FC6] =	sst s2  }
0x8f: {  	_ = 	snop  }
0x90: {  	s2 =	sld [smem:$0x3FD0];
	_ =	sdelay $0x2  }
0x91: {  	s15 =	simm.s32 $0xA;
	s4 =	simm.s32 $0x10  }
0x92: {  	[smem:s4], [sflag:s15] =	dma.local [hbm:s2], $0x1  }
0x93: {  	_ =	swait.eq [sflag:s15], $0x1  }
0x94: {  	[sflag:s15] =	ssyncset.done $0x0  }
0x95: {  	[sflag:s15] =	ssyncadd.s32 $0xFFFFFFFF  }
0x96: {  	s16 =	sld [smem:$0x10];
	(tm) =	ssettm $0x1  }
0x97: {  	s17 =	sld [smem:$0x3FFB];
	_ =	sdelay $0x3  }
0x98: {  	_ =	strace s17  }
0x99: {  	s3 =	sld [smem:$0x3FFC];
	_ =	sdelay $0x3  }
0x9a: {  	_ =	strace s3  }
0x9b: {  	s3 =	sld [smem:$0x3FFD];
	_ =	sdelay $0x3  }
0x9c: {  	_ =	strace s3  }
0x9d: {  	_ =	strace $0x8FFFFFFF  }
0x9e: {  	s18 =	sld [smem:$0x3FDB];
	_ =	sdelay $0x1  }
0x9f: {  	s19 =	simm.s32 $_scs_section_size  }
0xa0: {  	s5 =	simm.s32 $_size__tile_overlayer_lowered;
	s6 =	simm.s32 $_tile_overlayer_lowered  }
0xa1: {  	s22 =	simm.s32 $0x1BFF;
	s21 =	sshll.u32 s6, $0x1;
	s3 =	sadd.s32 s19, s18  }
0xa2: {  	s7 =	simm.s32 $0x0;
	s20 =	sshll.u32 s5, $0x1;
	s5 =	sadd.s32 s21, s3  }
0xa3: {  	[timem:s7], [sflag:s22] =	dma.local [hbm:s5], s20  }
0xa4: {  	_ =	swait.ge [sflag:s22], s20  }
0xa5: {  	s4 =	ssub.s32 $0x0, s20;
	[sflag:s22] =	ssyncset.done $0x0  }
0xa6: {  	[sflag:s22] =	ssyncadd.s32 s4;
	_ =	sdelay $0x1  }
0xa7: {  	s23 =	simm.s32 $0x1B8B  }
0xa8: {  	_ =	swait.ge [sflag:s23], $0x1  }
0xa9: {  	[sflag:s23] =	ssyncset.done $0x0  }
0xaa: {  	s25 =	simm.s32 $0x1B8E;
	s24 =	sld [smem:$0x3FFE];
	[sflag:s23] =	ssyncadd.s32 $0xFFFFFFFF  }
0xab: {  	s26 =	simm.s32 $execute0_lowered;
	[smem:$0x3FD2] =	sst s25  }
0xac: {  	s5 =	sshll.u32 s26, $0x1;
	_ =	strace $0x80000046;
	[dreg:$0x1] =	wrdreg $0xFFFFFFFF  }
0xad: {  	s28 =	simm.s32 $_size_execute0_lowered;
	s3 =	sadd.s32 s3, s5;
	[dreg:$0x0] =	wrdreg $0x0  }
0xae: {  	s5 =	sshll.u32 s28, $0x1;
	[dreg:$0x2] =	wrdreg s3  }
0xaf: {  	[dreg:$0x3] =	wrdreg s5  }
0xb0: {  	[dreg:$0x4] =	wrdreg $0xC0  }
0xb1: {  	_ =	task [dreg:s7], $0x5FFFF  }
0xb2: {  	[dreg:$0x1] =	wrdreg $0xFFFFFFFF  }
0xb3: {  	[dreg:$0x0] =	wrdreg $0x60  }
0xb4: {  	[dreg:$0x2] =	wrdreg s16  }
0xb5: {  	[dreg:$0x3] =	wrdreg s24  }
0xb6: {  	[dreg:$0x4] =	wrdreg $0x9  }
0xb7: {  	_ =	task.clear_ibuf [dreg:s7], $0x5FFFF;
	_ =	strace $0x90000046  }
0xb8: {  	s29 =	simm.s32 $0x9;
	_ =	strace $0x80000048  }
0xb9: {  	_ =	swait.ge [sflag:s29], $0x1  }
0xba: {  	[sflag:s29] =	ssyncadd.s32 $0xFFFFFFFF  }
0xbb: {  	_ =	strace $0x90000048  }
0xbc: {  	_ =	sfence  }
0xbd: {  	s30 =	sld [smem:$0x0];
	_ =	sdelay $0x2  }
0xbe: {  	s31 =	sshll.u32 s1, $0xD;
	s1 =	sshrl.u32 s1, $0x2  }
0xbf: {  	s3 =	sand.u32 $0x4000, s31;
	s1 =	sadd.s32 s1, s30  }
0xc0: {  	s0 =	sor.u32 s3, s0;
	s1 =	sshll.u32 s1, $0x11  }
0xc1: {  	s0 =	sor.u32 s1, s0  }
0xc2: {  	s0 =	sadd.s32 $0x8F2B, s0  }
0xc3: {  	[sflag:s0] =	ssyncadd.remote.s32 $0x1  }
0xc4: {  	_ =	sfence.sel $0xFFFF  }
0xc5: {  	[dreg:$0x0] =	wrdreg $0xFFFFFFFF;
	(pc) =	sbr.abs _section_cstart, $3  }
0xc6: {  	[dreg:$0x1] =	wrdreg $0xFFFFFFFF  }
0xc7: {  	_ =	task.clear_ibuf [dreg:s7], $0x2FFFF;
	_ =	strace $0x9FFFFFFF  }
0xc8: {  	(tm) =	ssettm $0x7FFFFFFF  }
0xc9: {  	_ =	shalt  }
tec
execute0_lowered:
.L_overlay_start_1:
0x0: {  	(tag) =	ssettag $0x1  }
0x1: {  	s3 =	srdreg.scid  }
0x2: {  	s4 =	stileid.u32;
	s3 =	sand.u32 $0x1, s3  }
0x3: {  	s0 =	rddreg [dreg:$0x0];
	s4 =	sshll.u32 s4, $0x9;
	s5 =	sshll.u32 s3, $0x8  }
0x4: {  	s1 =	rddreg [dreg:$0x1];
	s2 =	simm.s32 $0x0;
	s4 =	sor.u32 s5, s4  }
0x5: {  	[smem:$0x7FF] =	sst s2;
	s6 =	sadd.s32 $0xC00, s1;
	s10 =	sadd.s32 s4, s1  }
0x6: {  	_ =	strace $0x80000047;
	[dreg:$0x3] =	wrdreg s6;
	s24 =	sadd.s32 $0x1C00, s10  }
0x7: {  	s25 =	sadd.s32 $0x1C80, s10;
	[dreg:$0x4] =	wrdreg s24  }
0x8: {  	s26 =	sadd.s32 $0x3C00, s10;
	[dreg:$0x5] =	wrdreg s25  }
0x9: {  	s28 =	sadd.s32 $0x3C80, s10;
	[dreg:$0x6] =	wrdreg s26  }
0xa: {  	s3 =	ssub.s32 $0x2, s3;
	s29 =	sadd.s32 $0x5C00, s10;
	[dreg:$0x7] =	wrdreg s28  }
0xb: {  	s23 =	sshrl.u32 s3, $0x1;
	s1 =	sadd.s32 $0x5C80, s10;
	[dreg:$0x8] =	wrdreg s29  }
0xc: {  	s11 =	ssub.s32 s3, s23;
	s3 =	sadd.s32 $0x7C00, s10;
	[dreg:$0x9] =	wrdreg s1  }
0xd: {  	s5 =	sadd.s32 $0x7C80, s10;
	[dreg:$0xa] =	wrdreg s3  }
0xe: {  	s6 =	sadd.s32 $0x9C00, s10;
	[dreg:$0xb] =	wrdreg s5  }
0xf: {  	s7 =	sadd.s32 $0x9C80, s10;
	[dreg:$0xc] =	wrdreg s6  }
0x10: {  	s8 =	sadd.s32 $0xBC00, s10;
	[dreg:$0xd] =	wrdreg s7  }
0x11: {  	s9 =	sadd.s32 $0xBC80, s10;
	[dreg:$0xe] =	wrdreg s8  }
0x12: {  	s12 =	sadd.s32 $0xDC00, s10;
	[dreg:$0xf] =	wrdreg s9  }
0x13: {  	s13 =	sadd.s32 $0xDC80, s10;
	[dreg:$0x10] =	wrdreg s12  }
0x14: {  	s14 =	sadd.s32 $0xFC00, s10;
	[dreg:$0x11] =	wrdreg s13  }
0x15: {  	s15 =	sadd.s32 $0xFC80, s10;
	[dreg:$0x12] =	wrdreg s14  }
0x16: {  	s16 =	sadd.s32 $0x11C00, s10;
	[dreg:$0x13] =	wrdreg s15  }
0x17: {  	s17 =	sadd.s32 $0x11C80, s10;
	[dreg:$0x14] =	wrdreg s16  }
0x18: {  	s18 =	sadd.s32 $0x13C00, s10;
	[dreg:$0x15] =	wrdreg s17  }
0x19: {  	s19 =	sadd.s32 $0x13C80, s10;
	[dreg:$0x16] =	wrdreg s18  }
0x1a: {  	s20 =	sadd.s32 $0x15C00, s10;
	[dreg:$0x17] =	wrdreg s19  }
0x1b: {  	s21 =	sadd.s32 $0x15C80, s10;
	[dreg:$0x18] =	wrdreg s20  }
0x1c: {  	s22 =	sadd.s32 $0x17C00, s10;
	[dreg:$0x19] =	wrdreg s21  }
0x1d: {  	s23 =	sadd.s32 $0x17C80, s10;
	[dreg:$0x1a] =	wrdreg s22  }
0x1e: {  	[dreg:$0x1b] =	wrdreg s23;
	s24 =	sadd.s32 $0x19C00, s10  }
0x1f: {  	s25 =	sadd.s32 $0x19C80, s10;
	[dreg:$0x1c] =	wrdreg s24  }
0x20: {  	s26 =	sadd.s32 $0x1BC00, s10;
	[dreg:$0x1d] =	wrdreg s25  }
0x21: {  	s28 =	sadd.s32 $0x1BC80, s10;
	[dreg:$0x1e] =	wrdreg s26  }
0x22: {  	s29 =	sadd.s32 $0x1DC00, s10;
	[dreg:$0x1f] =	wrdreg s28  }
0x23: {  	s1 =	sadd.s32 $0x1DC80, s10;
	[smem:$0x7E5] =	sst s29  }
0x24: {  	s3 =	sadd.s32 $0x1FC00, s10;
	[smem:$0x7E6] =	sst s1  }
0x25: {  	s5 =	sadd.s32 $0x1FC80, s10;
	[smem:$0x7E7] =	sst s3  }
0x26: {  	s6 =	sadd.s32 $0x21C00, s10;
	[smem:$0x7E8] =	sst s5  }
0x27: {  	s7 =	sadd.s32 $0x21C80, s10;
	[smem:$0x7E9] =	sst s6  }
0x28: {  	s8 =	sadd.s32 $0x23C00, s10;
	[smem:$0x7EA] =	sst s7  }
0x29: {  	s9 =	sadd.s32 $0x23C80, s10;
	[smem:$0x7EB] =	sst s8  }
0x2a: {  	s12 =	sadd.s32 $0x25C00, s10;
	[smem:$0x7EC] =	sst s9  }
0x2b: {  	s13 =	sadd.s32 $0x25C80, s10;
	[smem:$0x7ED] =	sst s12  }
0x2c: {  	s14 =	sadd.s32 $0x27C00, s10;
	[smem:$0x7EE] =	sst s13  }
0x2d: {  	s15 =	sadd.s32 $0x27C80, s10;
	[smem:$0x7EF] =	sst s14  }
0x2e: {  	s16 =	sadd.s32 $0x29C00, s10;
	[smem:$0x7F0] =	sst s15  }
0x2f: {  	s17 =	sadd.s32 $0x29C80, s10;
	[smem:$0x7F1] =	sst s16  }
0x30: {  	s18 =	sadd.s32 $0x2BC00, s10;
	[smem:$0x7F2] =	sst s17  }
0x31: {  	s19 =	sadd.s32 $0x2BC80, s10;
	[smem:$0x7F3] =	sst s18  }
0x32: {  	s4 =	sadd.s32 s0, s4;
	s20 =	sadd.s32 $0x2DC00, s10;
	[smem:$0x7F4] =	sst s19  }
0x33: {  	s30 =	sadd.s32 $0x35C80, s10;
	s21 =	sadd.s32 $0x2DC80, s10;
	[smem:$0x7F5] =	sst s20  }
0x34: {  	s31 =	sadd.s32 $0x37C00, s10;
	s22 =	sadd.s32 $0x2FC00, s10;
	[smem:$0x7F6] =	sst s21  }
0x35: {  	s0 =	sadd.s32 $0x37C80, s10;
	s23 =	sadd.s32 $0x2FC80, s10;
	[smem:$0x7F7] =	sst s22  }
0x36: {  	s11 =	smax.u32 s11, $0x1;
	[smem:$0x7F8] =	sst s23;
	s24 =	sadd.s32 $0x31C00, s10  }
0x37: {  	s25 =	sadd.s32 $0x31C80, s10;
	s26 =	sadd.s32 $0x33C00, s10;
	s28 =	sadd.s32 $0x33C80, s10  }
0x38: {  	s29 =	sadd.s32 $0x35C00, s10;
	s1 =	sadd.s32 $0x39C00, s10;
	s3 =	sadd.s32 $0x39C80, s10  }
0x39: {  	s5 =	sadd.s32 $0x3BC00, s10;
	s6 =	sadd.s32 $0x3BC80, s10;
	s7 =	sadd.s32 $0x3DC00, s10  }
0x3a: {  	s8 =	sadd.s32 $0x3DC80, s10;
	s9 =	sadd.s32 $0x3FC00, s10;
	s10 =	sadd.s32 $0x3FC80, s10  }
0x3b: {  	s12 =	sadd.s32 $0x80, s4;
	s13 =	simm.s32 $0x5;
	s14 =	simm.s32 $0x8000  }
0x3c: {  	s15 =	simm.s32 $0x8400;
	s16 =	simm.s32 $0x8800;
	[smem:$0x7F9] =	sst s24  }
0x3d: {  	s17 =	simm.s32 $0x8C00;
	s18 =	simm.s32 $0x9000;
	[smem:$0x7FA] =	sst s25  }
0x3e: {  	s19 =	simm.s32 $0x9400;
	s20 =	simm.s32 $0x1;
	[smem:$0x7FB] =	sst s26  }
0x3f: {  	s21 =	simm.s32 $0x2;
	s22 =	simm.s32 $0x3;
	[smem:$0x7FC] =	sst s28  }
0x40: {  	s23 =	simm.s32 $0x4;
	[smem:$0x7FD] =	sst s29;
	s24 =	simm.s32 $0x0  }
.LBB2_1:
0x41: {  	s25 =	rddreg [dreg:$0x3]  }
0x42: {  	[tilespmem:s2], [sflag:$0x5] =	stream.linear.gather [hbm4b:s25+s2], $0x8000, $0x38;
	[tilespmem:$0x9800] =	vst v63  }
0x43: {  	_ =	swait.ge [sflag:s13], $0x8000  }
0x44: {  	[sflag:s13] =	ssyncset.done $0x0  }
0x45: {  	[sflag:s13] =	ssyncadd.s32 $0xFFFF8000  }
0x46: {  	[tilespmem:s14], [sflag:$0x5] =	stream.linear.gather [hbm4b:s4+s2], $0x400, $0x38;
	[tilespmem:$0x9800] =	vst v63  }
0x47: {  	_ =	swait.ge [sflag:s13], $0x400  }
0x48: {  	[sflag:s13] =	ssyncset.done $0x0  }
0x49: {  	[sflag:s13] =	ssyncadd.s32 $0xFFFFFC00  }
0x4a: {  	[tilespmem:s15], [sflag:$0x5] =	stream.linear.gather [hbm4b:s12+s2], $0x400, $0x38;
	[tilespmem:$0x9800] =	vst v63  }
0x4b: {  	_ =	swait.ge [sflag:s13], $0x400  }
0x4c: {  	[sflag:s13] =	ssyncset.done $0x0  }
0x4d: {  	s26 =	simm.s32 $0x40;
	[sflag:s13] =	ssyncadd.s32 $0xFFFFFC00  }
0x4e: {  	v0 =	vld [tilespmem:s26+$0x30]  }
0x4f: {  	v1 =	vld [tilespmem:s26+$0xFFFFFFD0]  }
0x50: {  	v2 =	vld [tilespmem:s26+$0xFFFFFFE0]  }
0x51: {  	v3 =	vld [tilespmem:s26+$0xFFFFFFF0]  }
0x52: {  	v4 =	vld [tilespmem:s26+$0x0]  }
0x53: {  	v5 =	vld [tilespmem:s26+$0x10]  }
0x54: {  	v6 =	vld [tilespmem:s26+$0x20]  }
0x55: {  	v7 =	vld [tilespmem:s26+$0xFFFFFFC0]  }
0x56: {  	v8 =	vld.idx.msk [tilespmem:v0+s14+$0x0], $0xffff  }
0x57: {  	v9 =	vld.idx.msk [tilespmem:v1+s14+$0x0], $0xffff  }
0x58: {  	v10 =	vld.idx.msk [tilespmem:v2+s14+$0x0], $0xffff  }
0x59: {  	v11 =	vld.idx.msk [tilespmem:v3+s14+$0x0], $0xffff  }
0x5a: {  	v12 =	vld.idx.msk [tilespmem:v4+s14+$0x0], $0xffff  }
0x5b: {  	s25 =	simm.s32 $0x8840;
	v13 =	vld.idx.msk [tilespmem:v5+s14+$0x0], $0xffff  }
0x5c: {  	v14 =	vld.idx.msk [tilespmem:v6+s14+$0x0], $0xffff;
	[tilespmem:s25+$0x30] =	vst v8  }
0x5d: {  	v62 =	vld.idx.msk [tilespmem:v7+s14+$0x0], $0xffff;
	[tilespmem:s25+$0xFFFFFFD0] =	vst v9  }
0x5e: {  	[tilespmem:s25+$0xFFFFFFE0] =	vst v10;
	v8 =	vld.idx.msk [tilespmem:v0+s15+$0x0], $0xffff  }
0x5f: {  	[tilespmem:s25+$0xFFFFFFF0] =	vst v11;
	v63 =	vld.idx.msk [tilespmem:v1+s15+$0x0], $0xffff  }
0x60: {  	[tilespmem:s25+$0x0] =	vst v12;
	v0 =	vld.idx.msk [tilespmem:v2+s15+$0x0], $0xffff  }
0x61: {  	[tilespmem:s25+$0x10] =	vst v13;
	v1 =	vld.idx.msk [tilespmem:v3+s15+$0x0], $0xffff  }
0x62: {  	[tilespmem:s25+$0x20] =	vst v14;
	v2 =	vld.idx.msk [tilespmem:v4+s15+$0x0], $0xffff  }
0x63: {  	s26 =	simm.s32 $0x8C40;
	[tilespmem:s25+$0xFFFFFFC0] =	vst v62;
	v3 =	vld.idx.msk [tilespmem:v5+s15+$0x0], $0xffff  }
0x64: {  	v4 =	vld.idx.msk [tilespmem:v6+s15+$0x0], $0xffff;
	[tilespmem:s26+$0x30] =	vst v8  }
0x65: {  	s28 =	simm.s32 $0x0;
	s29 =	simm.s32 $0xC0;
	v5 =	vld.idx.msk [tilespmem:v7+s15+$0x0], $0xffff;
	[tilespmem:s26+$0xFFFFFFD0] =	vst v63  }
.LBB2_2:
0x66: {  	v6 =	vld [tilespmem:s29+$0x30];
	s28 =	sadd.s32 $0x8, s28;
	[tilespmem:s26+$0xFFFFFFE0] =	vst v0  }
0x67: {  	v0 =	vld [tilespmem:s29+$0xFFFFFFD0];
	p0 =	slt.u32 s28, $0x38;
	[tilespmem:s26+$0xFFFFFFF0] =	vst v1  }
0x68: {  	v1 =	vld [tilespmem:s29+$0xFFFFFFE0];
	[tilespmem:s26+$0x0] =	vst v2  }
0x69: {  	v2 =	vld [tilespmem:s29+$0xFFFFFFF0];
	[tilespmem:s26+$0x10] =	vst v3  }
0x6a: {  	v3 =	vld [tilespmem:s29+$0x0];
	[tilespmem:s26+$0x20] =	vst v4  }
0x6b: {  	v4 =	vld [tilespmem:s29+$0x10];
	[tilespmem:s26+$0xFFFFFFC0] =	vst v5  }
0x6c: {  	v5 =	vld [tilespmem:s29+$0x20]  }
0x6d: {  	v7 =	vld [tilespmem:s29+$0xFFFFFFC0]  }
0x6e: {  	v8 =	vld.idx.msk [tilespmem:v6+s14+$0x0], $0xffff  }
0x6f: {  	v9 =	vld.idx.msk [tilespmem:v0+s14+$0x0], $0xffff  }
0x70: {  	v10 =	vld.idx.msk [tilespmem:v1+s14+$0x0], $0xffff  }
0x71: {  	v11 =	vld.idx.msk [tilespmem:v2+s14+$0x0], $0xffff  }
0x72: {  	v12 =	vld.idx.msk [tilespmem:v3+s14+$0x0], $0xffff  }
0x73: {  	s25 =	sadd.s32 $0x80, s25;
	v13 =	vld.idx.msk [tilespmem:v4+s14+$0x0], $0xffff  }
0x74: {  	v14 =	vld.idx.msk [tilespmem:v5+s14+$0x0], $0xffff;
	[tilespmem:s25+$0x30] =	vst v8  }
0x75: {  	[tilespmem:s25+$0xFFFFFFD0] =	vst v9;
	v6 =	vld.idx.msk [tilespmem:v6+s15+$0x0], $0xffff  }
0x76: {  	v8 =	vld.idx.msk [tilespmem:v7+s14+$0x0], $0xffff;
	[tilespmem:s25+$0xFFFFFFE0] =	vst v10  }
0x77: {  	v9 =	vld.idx.msk [tilespmem:v0+s15+$0x0], $0xffff;
	[tilespmem:s25+$0xFFFFFFF0] =	vst v11  }
0x78: {  	v0 =	vld.idx.msk [tilespmem:v1+s15+$0x0], $0xffff;
	[tilespmem:s25+$0x0] =	vst v12  }
.Ltmp0:
0x79: {  	v1 =	vld.idx.msk [tilespmem:v2+s15+$0x0], $0xffff;
	[tilespmem:s25+$0x10] =	vst v13;
	(pc) =	sbr.rel @p0 .LBB2_2-.Ltmp0, $4  }
0x7a: {  	s26 =	sadd.s32 $0x80, s26;
	v2 =	vld.idx.msk [tilespmem:v3+s15+$0x0], $0xffff;
	[tilespmem:s25+$0x20] =	vst v14  }
0x7b: {  	v3 =	vld.idx.msk [tilespmem:v4+s15+$0x0], $0xffff;
	[tilespmem:s26+$0x30] =	vst v6  }
0x7c: {  	[tilespmem:s25+$0xFFFFFFC0] =	vst v8;
	v4 =	vld.idx.msk [tilespmem:v5+s15+$0x0], $0xffff  }
0x7d: {  	s29 =	sadd.s32 $0x80, s29;
	v5 =	vld.idx.msk [tilespmem:v7+s15+$0x0], $0xffff;
	[tilespmem:s26+$0xFFFFFFD0] =	vst v9  }
0x7e: {  	[tilespmem:s26+$0xFFFFFFE0] =	vst v0  }
0x7f: {  	[tilespmem:s26+$0xFFFFFFF0] =	vst v1  }
0x80: {  	[tilespmem:s26+$0x0] =	vst v2  }
0x81: {  	[tilespmem:s26+$0x10] =	vst v3  }
0x82: {  	[tilespmem:s26+$0x20] =	vst v4  }
0x83: {  	[tilespmem:s26+$0xFFFFFFC0] =	vst v5  }
0x84: {  	s25 =	rddreg [dreg:$0x4]  }
0x85: {  	[hbm4b:s25+s2] =	stream.linear.scatter [tilespmem:s16], [sflag:$0x1], $0x400, $0x38;
	[tilespmem:$0x9800] =	vst v63  }
0x86: {  	s26 =	rddreg [dreg:$0x5]  }
0x87: {  	[hbm4b:s26+s2] =	stream.linear.scatter [tilespmem:s17], [sflag:$0x2], $0x400, $0x38;
	[tilespmem:$0x9800] =	vst v63  }
0x88: {  	s26 =	simm.s32 $0x470  }
0x89: {  	v0 =	vld [tilespmem:s26+$0x0]  }
0x8a: {  	v1 =	vld [tilespmem:s26+$0xFFFFFFA0]  }
0x8b: {  	v2 =	vld [tilespmem:s26+$0xFFFFFFB0]  }
0x8c: {  	v3 =	vld [tilespmem:s26+$0xFFFFFFC0]  }
0x8d: {  	v4 =	vld [tilespmem:s26+$0xFFFFFFD0]  }
0x8e: {  	v5 =	vld [tilespmem:s26+$0xFFFFFFE0]  }
0x8f: {  	v6 =	vld [tilespmem:s26+$0xFFFFFFF0]  }
0x90: {  	v7 =	vld [tilespmem:s26+$0xFFFFFF90]  }
0x91: {  	v8 =	vld.idx.msk [tilespmem:v0+s14+$0x0], $0xffff  }
0x92: {  	v9 =	vld.idx.msk [tilespmem:v1+s14+$0x0], $0xffff  }
0x93: {  	v10 =	vld.idx.msk [tilespmem:v2+s14+$0x0], $0xffff  }
0x94: {  	v11 =	vld.idx.msk [tilespmem:v3+s14+$0x0], $0xffff  }
0x95: {  	v12 =	vld.idx.msk [tilespmem:v4+s14+$0x0], $0xffff  }
0x96: {  	s25 =	simm.s32 $0x9040;
	v13 =	vld.idx.msk [tilespmem:v5+s14+$0x0], $0xffff  }
0x97: {  	v14 =	vld.idx.msk [tilespmem:v6+s14+$0x0], $0xffff;
	[tilespmem:s25+$0x30] =	vst v8  }
0x98: {  	v62 =	vld.idx.msk [tilespmem:v7+s14+$0x0], $0xffff;
	[tilespmem:s25+$0xFFFFFFD0] =	vst v9  }
0x99: {  	[tilespmem:s25+$0xFFFFFFE0] =	vst v10;
	v8 =	vld.idx.msk [tilespmem:v0+s15+$0x0], $0xffff  }
0x9a: {  	[tilespmem:s25+$0xFFFFFFF0] =	vst v11;
	v63 =	vld.idx.msk [tilespmem:v1+s15+$0x0], $0xffff  }
0x9b: {  	[tilespmem:s25+$0x0] =	vst v12;
	v0 =	vld.idx.msk [tilespmem:v2+s15+$0x0], $0xffff  }
0x9c: {  	[tilespmem:s25+$0x10] =	vst v13;
	v1 =	vld.idx.msk [tilespmem:v3+s15+$0x0], $0xffff  }
0x9d: {  	[tilespmem:s25+$0x20] =	vst v14;
	v2 =	vld.idx.msk [tilespmem:v4+s15+$0x0], $0xffff  }
0x9e: {  	s26 =	simm.s32 $0x9440;
	[tilespmem:s25+$0xFFFFFFC0] =	vst v62;
	v3 =	vld.idx.msk [tilespmem:v5+s15+$0x0], $0xffff  }
0x9f: {  	v4 =	vld.idx.msk [tilespmem:v6+s15+$0x0], $0xffff;
	[tilespmem:s26+$0x30] =	vst v8  }
0xa0: {  	s28 =	simm.s32 $0x0;
	s29 =	simm.s32 $0x4F0;
	v5 =	vld.idx.msk [tilespmem:v7+s15+$0x0], $0xffff;
	[tilespmem:s26+$0xFFFFFFD0] =	vst v63  }
.LBB2_4:
0xa1: {  	v6 =	vld [tilespmem:s29+$0x0];
	s28 =	sadd.s32 $0x8, s28;
	[tilespmem:s26+$0xFFFFFFE0] =	vst v0  }
0xa2: {  	v0 =	vld [tilespmem:s29+$0xFFFFFFA0];
	p0 =	slt.u32 s28, $0x38;
	[tilespmem:s26+$0xFFFFFFF0] =	vst v1  }
0xa3: {  	v1 =	vld [tilespmem:s29+$0xFFFFFFB0];
	[tilespmem:s26+$0x0] =	vst v2  }
0xa4: {  	v2 =	vld [tilespmem:s29+$0xFFFFFFC0];
	[tilespmem:s26+$0x10] =	vst v3  }
0xa5: {  	v3 =	vld [tilespmem:s29+$0xFFFFFFD0];
	[tilespmem:s26+$0x20] =	vst v4  }
0xa6: {  	v4 =	vld [tilespmem:s29+$0xFFFFFFE0];
	[tilespmem:s26+$0xFFFFFFC0] =	vst v5  }
0xa7: {  	v5 =	vld [tilespmem:s29+$0xFFFFFFF0]  }
0xa8: {  	v7 =	vld [tilespmem:s29+$0xFFFFFF90]  }
0xa9: {  	v8 =	vld.idx.msk [tilespmem:v6+s14+$0x0], $0xffff  }
0xaa: {  	v9 =	vld.idx.msk [tilespmem:v0+s14+$0x0], $0xffff  }
0xab: {  	v10 =	vld.idx.msk [tilespmem:v1+s14+$0x0], $0xffff  }
0xac: {  	v11 =	vld.idx.msk [tilespmem:v2+s14+$0x0], $0xffff  }
0xad: {  	v12 =	vld.idx.msk [tilespmem:v3+s14+$0x0], $0xffff  }
0xae: {  	s25 =	sadd.s32 $0x80, s25;
	v13 =	vld.idx.msk [tilespmem:v4+s14+$0x0], $0xffff  }
0xaf: {  	v14 =	vld.idx.msk [tilespmem:v5+s14+$0x0], $0xffff;
	[tilespmem:s25+$0x30] =	vst v8  }
0xb0: {  	[tilespmem:s25+$0xFFFFFFD0] =	vst v9;
	v6 =	vld.idx.msk [tilespmem:v6+s15+$0x0], $0xffff  }
0xb1: {  	v8 =	vld.idx.msk [tilespmem:v7+s14+$0x0], $0xffff;
	[tilespmem:s25+$0xFFFFFFE0] =	vst v10  }
0xb2: {  	v9 =	vld.idx.msk [tilespmem:v0+s15+$0x0], $0xffff;
	[tilespmem:s25+$0xFFFFFFF0] =	vst v11  }
0xb3: {  	v0 =	vld.idx.msk [tilespmem:v1+s15+$0x0], $0xffff;
	[tilespmem:s25+$0x0] =	vst v12  }
.Ltmp1:
0xb4: {  	v1 =	vld.idx.msk [tilespmem:v2+s15+$0x0], $0xffff;
	[tilespmem:s25+$0x10] =	vst v13;
	(pc) =	sbr.rel @p0 .LBB2_4-.Ltmp1, $4  }
0xb5: {  	s26 =	sadd.s32 $0x80, s26;
	v2 =	vld.idx.msk [tilespmem:v3+s15+$0x0], $0xffff;
	[tilespmem:s25+$0x20] =	vst v14  }
0xb6: {  	v3 =	vld.idx.msk [tilespmem:v4+s15+$0x0], $0xffff;
	[tilespmem:s26+$0x30] =	vst v6  }
0xb7: {  	[tilespmem:s25+$0xFFFFFFC0] =	vst v8;
	v4 =	vld.idx.msk [tilespmem:v5+s15+$0x0], $0xffff  }
0xb8: {  	s29 =	sadd.s32 $0x80, s29;
	v5 =	vld.idx.msk [tilespmem:v7+s15+$0x0], $0xffff;
	[tilespmem:s26+$0xFFFFFFD0] =	vst v9  }
0xb9: {  	[tilespmem:s26+$0xFFFFFFE0] =	vst v0  }
0xba: {  	[tilespmem:s26+$0xFFFFFFF0] =	vst v1  }
0xbb: {  	[tilespmem:s26+$0x0] =	vst v2  }
0xbc: {  	[tilespmem:s26+$0x10] =	vst v3  }
0xbd: {  	[tilespmem:s26+$0x20] =	vst v4  }
0xbe: {  	[tilespmem:s26+$0xFFFFFFC0] =	vst v5  }
0xbf: {  	s25 =	rddreg [dreg:$0x6]  }
0xc0: {  	[hbm4b:s25+s2] =	stream.linear.scatter [tilespmem:s18], [sflag:$0x3], $0x400, $0x38;
	[tilespmem:$0x9800] =	vst v63  }
0xc1: {  	s26 =	rddreg [dreg:$0x7]  }
0xc2: {  	[hbm4b:s26+s2] =	stream.linear.scatter [tilespmem:s19], [sflag:$0x4], $0x400, $0x38;
	[tilespmem:$0x9800] =	vst v63  }
0xc3: {  	_ =	swait.ge [sflag:s20], $0x400  }
0xc4: {  	[sflag:s20] =	ssyncset.done $0x0  }
0xc5: {  	[sflag:s20] =	ssyncadd.s32 $0xFFFFFC00  }
0xc6: {  	_ =	swait.ge [sflag:s21], $0x400  }
0xc7: {  	[sflag:s21] =	ssyncset.done $0x0  }
0xc8: {  	s26 =	simm.s32 $0x870;
	[sflag:s21] =	ssyncadd.s32 $0xFFFFFC00  }
0xc9: {  	v0 =	vld [tilespmem:s26+$0x0]  }
0xca: {  	v1 =	vld [tilespmem:s26+$0xFFFFFFA0]  }
0xcb: {  	v2 =	vld [tilespmem:s26+$0xFFFFFFB0]  }
0xcc: {  	v3 =	vld [tilespmem:s26+$0xFFFFFFC0]  }
0xcd: {  	v4 =	vld [tilespmem:s26+$0xFFFFFFD0]  }
0xce: {  	v5 =	vld [tilespmem:s26+$0xFFFFFFE0]  }
0xcf: {  	v6 =	vld [tilespmem:s26+$0xFFFFFFF0]  }
0xd0: {  	v7 =	vld [tilespmem:s26+$0xFFFFFF90]  }
0xd1: {  	v8 =	vld.idx.msk [tilespmem:v0+s14+$0x0], $0xffff  }
0xd2: {  	v9 =	vld.idx.msk [tilespmem:v1+s14+$0x0], $0xffff  }
0xd3: {  	v10 =	vld.idx.msk [tilespmem:v2+s14+$0x0], $0xffff  }
0xd4: {  	v11 =	vld.idx.msk [tilespmem:v3+s14+$0x0], $0xffff  }
0xd5: {  	v12 =	vld.idx.msk [tilespmem:v4+s14+$0x0], $0xffff  }
0xd6: {  	s25 =	simm.s32 $0x8840;
	v13 =	vld.idx.msk [tilespmem:v5+s14+$0x0], $0xffff  }
0xd7: {  	v14 =	vld.idx.msk [tilespmem:v6+s14+$0x0], $0xffff;
	[tilespmem:s25+$0x30] =	vst v8  }
0xd8: {  	v62 =	vld.idx.msk [tilespmem:v7+s14+$0x0], $0xffff;
	[tilespmem:s25+$0xFFFFFFD0] =	vst v9  }
0xd9: {  	[tilespmem:s25+$0xFFFFFFE0] =	vst v10;
	v8 =	vld.idx.msk [tilespmem:v0+s15+$0x0], $0xffff  }
0xda: {  	[tilespmem:s25+$0xFFFFFFF0] =	vst v11;
	v63 =	vld.idx.msk [tilespmem:v1+s15+$0x0], $0xffff  }
0xdb: {  	[tilespmem:s25+$0x0] =	vst v12;
	v0 =	vld.idx.msk [tilespmem:v2+s15+$0x0], $0xffff  }
0xdc: {  	[tilespmem:s25+$0x10] =	vst v13;
	v1 =	vld.idx.msk [tilespmem:v3+s15+$0x0], $0xffff  }
0xdd: {  	[tilespmem:s25+$0x20] =	vst v14;
	v2 =	vld.idx.msk [tilespmem:v4+s15+$0x0], $0xffff  }
0xde: {  	s26 =	simm.s32 $0x8C40;
	[tilespmem:s25+$0xFFFFFFC0] =	vst v62;
	v3 =	vld.idx.msk [tilespmem:v5+s15+$0x0], $0xffff  }
0xdf: {  	v4 =	vld.idx.msk [tilespmem:v6+s15+$0x0], $0xffff;
	[tilespmem:s26+$0x30] =	vst v8  }
0xe0: {  	s28 =	simm.s32 $0x0;
	s29 =	simm.s32 $0x8F0;
	v5 =	vld.idx.msk [tilespmem:v7+s15+$0x0], $0xffff;
	[tilespmem:s26+$0xFFFFFFD0] =	vst v63  }
.LBB2_6:
0xe1: {  	v6 =	vld [tilespmem:s29+$0x0];
	s28 =	sadd.s32 $0x8, s28;
	[tilespmem:s26+$0xFFFFFFE0] =	vst v0  }
0xe2: {  	v0 =	vld [tilespmem:s29+$0xFFFFFFA0];
	p0 =	slt.u32 s28, $0x38;
	[tilespmem:s26+$0xFFFFFFF0] =	vst v1  }
0xe3: {  	v1 =	vld [tilespmem:s29+$0xFFFFFFB0];
	[tilespmem:s26+$0x0] =	vst v2  }
0xe4: {  	v2 =	vld [tilespmem:s29+$0xFFFFFFC0];
	[tilespmem:s26+$0x10] =	vst v3  }
0xe5: {  	v3 =	vld [tilespmem:s29+$0xFFFFFFD0];
	[tilespmem:s26+$0x20] =	vst v4  }
0xe6: {  	v4 =	vld [tilespmem:s29+$0xFFFFFFE0];
	[tilespmem:s26+$0xFFFFFFC0] =	vst v5  }
0xe7: {  	v5 =	vld [tilespmem:s29+$0xFFFFFFF0]  }
0xe8: {  	v7 =	vld [tilespmem:s29+$0xFFFFFF90]  }
0xe9: {  	v8 =	vld.idx.msk [tilespmem:v6+s14+$0x0], $0xffff  }
0xea: {  	v9 =	vld.idx.msk [tilespmem:v0+s14+$0x0], $0xffff  }
0xeb: {  	v10 =	vld.idx.msk [tilespmem:v1+s14+$0x0], $0xffff  }
0xec: {  	v11 =	vld.idx.msk [tilespmem:v2+s14+$0x0], $0xffff  }
0xed: {  	v12 =	vld.idx.msk [tilespmem:v3+s14+$0x0], $0xffff  }
0xee: {  	s25 =	sadd.s32 $0x80, s25;
	v13 =	vld.idx.msk [tilespmem:v4+s14+$0x0], $0xffff  }
0xef: {  	v14 =	vld.idx.msk [tilespmem:v5+s14+$0x0], $0xffff;
	[tilespmem:s25+$0x30] =	vst v8  }
0xf0: {  	[tilespmem:s25+$0xFFFFFFD0] =	vst v9;
	v6 =	vld.idx.msk [tilespmem:v6+s15+$0x0], $0xffff  }
0xf1: {  	v8 =	vld.idx.msk [tilespmem:v7+s14+$0x0], $0xffff;
	[tilespmem:s25+$0xFFFFFFE0] =	vst v10  }
0xf2: {  	v9 =	vld.idx.msk [tilespmem:v0+s15+$0x0], $0xffff;
	[tilespmem:s25+$0xFFFFFFF0] =	vst v11  }
0xf3: {  	v0 =	vld.idx.msk [tilespmem:v1+s15+$0x0], $0xffff;
	[tilespmem:s25+$0x0] =	vst v12  }
.Ltmp2:
0xf4: {  	v1 =	vld.idx.msk [tilespmem:v2+s15+$0x0], $0xffff;
	[tilespmem:s25+$0x10] =	vst v13;
	(pc) =	sbr.rel @p0 .LBB2_6-.Ltmp2, $4  }
0xf5: {  	s26 =	sadd.s32 $0x80, s26;
	v2 =	vld.idx.msk [tilespmem:v3+s15+$0x0], $0xffff;
	[tilespmem:s25+$0x20] =	vst v14  }
0xf6: {  	v3 =	vld.idx.msk [tilespmem:v4+s15+$0x0], $0xffff;
	[tilespmem:s26+$0x30] =	vst v6  }
0xf7: {  	[tilespmem:s25+$0xFFFFFFC0] =	vst v8;
	v4 =	vld.idx.msk [tilespmem:v5+s15+$0x0], $0xffff  }
0xf8: {  	s29 =	sadd.s32 $0x80, s29;
	v5 =	vld.idx.msk [tilespmem:v7+s15+$0x0], $0xffff;
	[tilespmem:s26+$0xFFFFFFD0] =	vst v9  }
0xf9: {  	[tilespmem:s26+$0xFFFFFFE0] =	vst v0  }
0xfa: {  	[tilespmem:s26+$0xFFFFFFF0] =	vst v1  }
0xfb: {  	[tilespmem:s26+$0x0] =	vst v2  }
0xfc: {  	[tilespmem:s26+$0x10] =	vst v3  }
0xfd: {  	[tilespmem:s26+$0x20] =	vst v4  }
0xfe: {  	[tilespmem:s26+$0xFFFFFFC0] =	vst v5  }
0xff: {  	s25 =	rddreg [dreg:$0x8]  }
0x100: {  	[hbm4b:s25+s2] =	stream.linear.scatter [tilespmem:s16], [sflag:$0x1], $0x400, $0x38;
	[tilespmem:$0x9800] =	vst v63  }
0x101: {  	s26 =	rddreg [dreg:$0x9]  }
0x102: {  	[hbm4b:s26+s2] =	stream.linear.scatter [tilespmem:s17], [sflag:$0x2], $0x400, $0x38;
	[tilespmem:$0x9800] =	vst v63  }
0x103: {  	_ =	swait.ge [sflag:s22], $0x400  }
0x104: {  	[sflag:s22] =	ssyncset.done $0x0  }
0x105: {  	[sflag:s22] =	ssyncadd.s32 $0xFFFFFC00  }
0x106: {  	_ =	swait.ge [sflag:s23], $0x400  }
0x107: {  	[sflag:s23] =	ssyncset.done $0x0  }
0x108: {  	s26 =	simm.s32 $0xC70;
	[sflag:s23] =	ssyncadd.s32 $0xFFFFFC00  }
0x109: {  	v0 =	vld [tilespmem:s26+$0x0]  }
0x10a: {  	v1 =	vld [tilespmem:s26+$0xFFFFFFA0]  }
0x10b: {  	v2 =	vld [tilespmem:s26+$0xFFFFFFB0]  }
0x10c: {  	v3 =	vld [tilespmem:s26+$0xFFFFFFC0]  }
0x10d: {  	v4 =	vld [tilespmem:s26+$0xFFFFFFD0]  }
0x10e: {  	v5 =	vld [tilespmem:s26+$0xFFFFFFE0]  }
0x10f: {  	v6 =	vld [tilespmem:s26+$0xFFFFFFF0]  }
0x110: {  	v7 =	vld [tilespmem:s26+$0xFFFFFF90]  }
0x111: {  	v8 =	vld.idx.msk [tilespmem:v0+s14+$0x0], $0xffff  }
0x112: {  	v9 =	vld.idx.msk [tilespmem:v1+s14+$0x0], $0xffff  }
0x113: {  	v10 =	vld.idx.msk [tilespmem:v2+s14+$0x0], $0xffff  }
0x114: {  	v11 =	vld.idx.msk [tilespmem:v3+s14+$0x0], $0xffff  }
0x115: {  	v12 =	vld.idx.msk [tilespmem:v4+s14+$0x0], $0xffff  }
0x116: {  	s25 =	simm.s32 $0x9040;
	v13 =	vld.idx.msk [tilespmem:v5+s14+$0x0], $0xffff  }
0x117: {  	v14 =	vld.idx.msk [tilespmem:v6+s14+$0x0], $0xffff;
	[tilespmem:s25+$0x30] =	vst v8  }
0x118: {  	v62 =	vld.idx.msk [tilespmem:v7+s14+$0x0], $0xffff;
	[tilespmem:s25+$0xFFFFFFD0] =	vst v9  }
0x119: {  	[tilespmem:s25+$0xFFFFFFE0] =	vst v10;
	v8 =	vld.idx.msk [tilespmem:v0+s15+$0x0], $0xffff  }
0x11a: {  	[tilespmem:s25+$0xFFFFFFF0] =	vst v11;
	v63 =	vld.idx.msk [tilespmem:v1+s15+$0x0], $0xffff  }
0x11b: {  	[tilespmem:s25+$0x0] =	vst v12;
	v0 =	vld.idx.msk [tilespmem:v2+s15+$0x0], $0xffff  }
0x11c: {  	[tilespmem:s25+$0x10] =	vst v13;
	v1 =	vld.idx.msk [tilespmem:v3+s15+$0x0], $0xffff  }
0x11d: {  	[tilespmem:s25+$0x20] =	vst v14;
	v2 =	vld.idx.msk [tilespmem:v4+s15+$0x0], $0xffff  }
0x11e: {  	s26 =	simm.s32 $0x9440;
	[tilespmem:s25+$0xFFFFFFC0] =	vst v62;
	v3 =	vld.idx.msk [tilespmem:v5+s15+$0x0], $0xffff  }
0x11f: {  	v4 =	vld.idx.msk [tilespmem:v6+s15+$0x0], $0xffff;
	[tilespmem:s26+$0x30] =	vst v8  }
0x120: {  	s28 =	simm.s32 $0x0;
	s29 =	simm.s32 $0xCF0;
	v5 =	vld.idx.msk [tilespmem:v7+s15+$0x0], $0xffff;
	[tilespmem:s26+$0xFFFFFFD0] =	vst v63  }
.LBB2_8:
0x121: {  	v6 =	vld [tilespmem:s29+$0x0];
	s28 =	sadd.s32 $0x8, s28;
	[tilespmem:s26+$0xFFFFFFE0] =	vst v0  }
0x122: {  	v0 =	vld [tilespmem:s29+$0xFFFFFFA0];
	p0 =	slt.u32 s28, $0x38;
	[tilespmem:s26+$0xFFFFFFF0] =	vst v1  }
0x123: {  	v1 =	vld [tilespmem:s29+$0xFFFFFFB0];
	[tilespmem:s26+$0x0] =	vst v2  }
0x124: {  	v2 =	vld [tilespmem:s29+$0xFFFFFFC0];
	[tilespmem:s26+$0x10] =	vst v3  }
0x125: {  	v3 =	vld [tilespmem:s29+$0xFFFFFFD0];
	[tilespmem:s26+$0x20] =	vst v4  }
0x126: {  	v4 =	vld [tilespmem:s29+$0xFFFFFFE0];
	[tilespmem:s26+$0xFFFFFFC0] =	vst v5  }
0x127: {  	v5 =	vld [tilespmem:s29+$0xFFFFFFF0]  }
0x128: {  	v7 =	vld [tilespmem:s29+$0xFFFFFF90]  }
0x129: {  	v8 =	vld.idx.msk [tilespmem:v6+s14+$0x0], $0xffff  }
0x12a: {  	v9 =	vld.idx.msk [tilespmem:v0+s14+$0x0], $0xffff  }
0x12b: {  	v10 =	vld.idx.msk [tilespmem:v1+s14+$0x0], $0xffff  }
0x12c: {  	v11 =	vld.idx.msk [tilespmem:v2+s14+$0x0], $0xffff  }
0x12d: {  	v12 =	vld.idx.msk [tilespmem:v3+s14+$0x0], $0xffff  }
0x12e: {  	s25 =	sadd.s32 $0x80, s25;
	v13 =	vld.idx.msk [tilespmem:v4+s14+$0x0], $0xffff  }
0x12f: {  	v14 =	vld.idx.msk [tilespmem:v5+s14+$0x0], $0xffff;
	[tilespmem:s25+$0x30] =	vst v8  }
0x130: {  	[tilespmem:s25+$0xFFFFFFD0] =	vst v9;
	v6 =	vld.idx.msk [tilespmem:v6+s15+$0x0], $0xffff  }
0x131: {  	v8 =	vld.idx.msk [tilespmem:v7+s14+$0x0], $0xffff;
	[tilespmem:s25+$0xFFFFFFE0] =	vst v10  }
0x132: {  	v9 =	vld.idx.msk [tilespmem:v0+s15+$0x0], $0xffff;
	[tilespmem:s25+$0xFFFFFFF0] =	vst v11  }
0x133: {  	v0 =	vld.idx.msk [tilespmem:v1+s15+$0x0], $0xffff;
	[tilespmem:s25+$0x0] =	vst v12  }
.Ltmp3:
0x134: {  	v1 =	vld.idx.msk [tilespmem:v2+s15+$0x0], $0xffff;
	[tilespmem:s25+$0x10] =	vst v13;
	(pc) =	sbr.rel @p0 .LBB2_8-.Ltmp3, $4  }
0x135: {  	s26 =	sadd.s32 $0x80, s26;
	v2 =	vld.idx.msk [tilespmem:v3+s15+$0x0], $0xffff;
	[tilespmem:s25+$0x20] =	vst v14  }
0x136: {  	v3 =	vld.idx.msk [tilespmem:v4+s15+$0x0], $0xffff;
	[tilespmem:s26+$0x30] =	vst v6  }
0x137: {  	[tilespmem:s25+$0xFFFFFFC0] =	vst v8;
	v4 =	vld.idx.msk [tilespmem:v5+s15+$0x0], $0xffff  }
0x138: {  	s29 =	sadd.s32 $0x80, s29;
	v5 =	vld.idx.msk [tilespmem:v7+s15+$0x0], $0xffff;
	[tilespmem:s26+$0xFFFFFFD0] =	vst v9  }
0x139: {  	[tilespmem:s26+$0xFFFFFFE0] =	vst v0  }
0x13a: {  	[tilespmem:s26+$0xFFFFFFF0] =	vst v1  }
0x13b: {  	[tilespmem:s26+$0x0] =	vst v2  }
0x13c: {  	[tilespmem:s26+$0x10] =	vst v3  }
0x13d: {  	[tilespmem:s26+$0x20] =	vst v4  }
0x13e: {  	[tilespmem:s26+$0xFFFFFFC0] =	vst v5  }
0x13f: {  	s25 =	rddreg [dreg:$0xa]  }
0x140: {  	[hbm4b:s25+s2] =	stream.linear.scatter [tilespmem:s18], [sflag:$0x3], $0x400, $0x38;
	[tilespmem:$0x9800] =	vst v63  }
0x141: {  	s26 =	rddreg [dreg:$0xb]  }
0x142: {  	[hbm4b:s26+s2] =	stream.linear.scatter [tilespmem:s19], [sflag:$0x4], $0x400, $0x38;
	[tilespmem:$0x9800] =	vst v63  }
0x143: {  	_ =	swait.ge [sflag:s20], $0x400  }
0x144: {  	[sflag:s20] =	ssyncset.done $0x0  }
0x145: {  	[sflag:s20] =	ssyncadd.s32 $0xFFFFFC00  }
0x146: {  	_ =	swait.ge [sflag:s21], $0x400  }
0x147: {  	[sflag:s21] =	ssyncset.done $0x0  }
0x148: {  	s26 =	simm.s32 $0x1070;
	[sflag:s21] =	ssyncadd.s32 $0xFFFFFC00  }
0x149: {  	v0 =	vld [tilespmem:s26+$0x0]  }
0x14a: {  	v1 =	vld [tilespmem:s26+$0xFFFFFFA0]  }
0x14b: {  	v2 =	vld [tilespmem:s26+$0xFFFFFFB0]  }
0x14c: {  	v3 =	vld [tilespmem:s26+$0xFFFFFFC0]  }
0x14d: {  	v4 =	vld [tilespmem:s26+$0xFFFFFFD0]  }
0x14e: {  	v5 =	vld [tilespmem:s26+$0xFFFFFFE0]  }
0x14f: {  	v6 =	vld [tilespmem:s26+$0xFFFFFFF0]  }
0x150: {  	v7 =	vld [tilespmem:s26+$0xFFFFFF90]  }
0x151: {  	v8 =	vld.idx.msk [tilespmem:v0+s14+$0x0], $0xffff  }
0x152: {  	v9 =	vld.idx.msk [tilespmem:v1+s14+$0x0], $0xffff  }
0x153: {  	v10 =	vld.idx.msk [tilespmem:v2+s14+$0x0], $0xffff  }
0x154: {  	v11 =	vld.idx.msk [tilespmem:v3+s14+$0x0], $0xffff  }
0x155: {  	v12 =	vld.idx.msk [tilespmem:v4+s14+$0x0], $0xffff  }
0x156: {  	s25 =	simm.s32 $0x8840;
	v13 =	vld.idx.msk [tilespmem:v5+s14+$0x0], $0xffff  }
0x157: {  	v14 =	vld.idx.msk [tilespmem:v6+s14+$0x0], $0xffff;
	[tilespmem:s25+$0x30] =	vst v8  }
0x158: {  	v62 =	vld.idx.msk [tilespmem:v7+s14+$0x0], $0xffff;
	[tilespmem:s25+$0xFFFFFFD0] =	vst v9  }
0x159: {  	[tilespmem:s25+$0xFFFFFFE0] =	vst v10;
	v8 =	vld.idx.msk [tilespmem:v0+s15+$0x0], $0xffff  }
0x15a: {  	[tilespmem:s25+$0xFFFFFFF0] =	vst v11;
	v63 =	vld.idx.msk [tilespmem:v1+s15+$0x0], $0xffff  }
0x15b: {  	[tilespmem:s25+$0x0] =	vst v12;
	v0 =	vld.idx.msk [tilespmem:v2+s15+$0x0], $0xffff  }
0x15c: {  	[tilespmem:s25+$0x10] =	vst v13;
	v1 =	vld.idx.msk [tilespmem:v3+s15+$0x0], $0xffff  }
0x15d: {  	[tilespmem:s25+$0x20] =	vst v14;
	v2 =	vld.idx.msk [tilespmem:v4+s15+$0x0], $0xffff  }
0x15e: {  	s26 =	simm.s32 $0x8C40;
	[tilespmem:s25+$0xFFFFFFC0] =	vst v62;
	v3 =	vld.idx.msk [tilespmem:v5+s15+$0x0], $0xffff  }
0x15f: {  	v4 =	vld.idx.msk [tilespmem:v6+s15+$0x0], $0xffff;
	[tilespmem:s26+$0x30] =	vst v8  }
0x160: {  	s28 =	simm.s32 $0x0;
	s29 =	simm.s32 $0x10F0;
	v5 =	vld.idx.msk [tilespmem:v7+s15+$0x0], $0xffff;
	[tilespmem:s26+$0xFFFFFFD0] =	vst v63  }
.LBB2_10:
0x161: {  	v6 =	vld [tilespmem:s29+$0x0];
	s28 =	sadd.s32 $0x8, s28;
	[tilespmem:s26+$0xFFFFFFE0] =	vst v0  }
0x162: {  	v0 =	vld [tilespmem:s29+$0xFFFFFFA0];
	p0 =	slt.u32 s28, $0x38;
	[tilespmem:s26+$0xFFFFFFF0] =	vst v1  }
0x163: {  	v1 =	vld [tilespmem:s29+$0xFFFFFFB0];
	[tilespmem:s26+$0x0] =	vst v2  }
0x164: {  	v2 =	vld [tilespmem:s29+$0xFFFFFFC0];
	[tilespmem:s26+$0x10] =	vst v3  }
0x165: {  	v3 =	vld [tilespmem:s29+$0xFFFFFFD0];
	[tilespmem:s26+$0x20] =	vst v4  }
0x166: {  	v4 =	vld [tilespmem:s29+$0xFFFFFFE0];
	[tilespmem:s26+$0xFFFFFFC0] =	vst v5  }
0x167: {  	v5 =	vld [tilespmem:s29+$0xFFFFFFF0]  }
0x168: {  	v7 =	vld [tilespmem:s29+$0xFFFFFF90]  }
0x169: {  	v8 =	vld.idx.msk [tilespmem:v6+s14+$0x0], $0xffff  }
0x16a: {  	v9 =	vld.idx.msk [tilespmem:v0+s14+$0x0], $0xffff  }
0x16b: {  	v10 =	vld.idx.msk [tilespmem:v1+s14+$0x0], $0xffff  }
0x16c: {  	v11 =	vld.idx.msk [tilespmem:v2+s14+$0x0], $0xffff  }
0x16d: {  	v12 =	vld.idx.msk [tilespmem:v3+s14+$0x0], $0xffff  }
0x16e: {  	s25 =	sadd.s32 $0x80, s25;
	v13 =	vld.idx.msk [tilespmem:v4+s14+$0x0], $0xffff  }
0x16f: {  	v14 =	vld.idx.msk [tilespmem:v5+s14+$0x0], $0xffff;
	[tilespmem:s25+$0x30] =	vst v8  }
0x170: {  	[tilespmem:s25+$0xFFFFFFD0] =	vst v9;
	v6 =	vld.idx.msk [tilespmem:v6+s15+$0x0], $0xffff  }
0x171: {  	v8 =	vld.idx.msk [tilespmem:v7+s14+$0x0], $0xffff;
	[tilespmem:s25+$0xFFFFFFE0] =	vst v10  }
0x172: {  	v9 =	vld.idx.msk [tilespmem:v0+s15+$0x0], $0xffff;
	[tilespmem:s25+$0xFFFFFFF0] =	vst v11  }
0x173: {  	v0 =	vld.idx.msk [tilespmem:v1+s15+$0x0], $0xffff;
	[tilespmem:s25+$0x0] =	vst v12  }
.Ltmp4:
0x174: {  	v1 =	vld.idx.msk [tilespmem:v2+s15+$0x0], $0xffff;
	[tilespmem:s25+$0x10] =	vst v13;
	(pc) =	sbr.rel @p0 .LBB2_10-.Ltmp4, $4  }
0x175: {  	s26 =	sadd.s32 $0x80, s26;
	v2 =	vld.idx.msk [tilespmem:v3+s15+$0x0], $0xffff;
	[tilespmem:s25+$0x20] =	vst v14  }
0x176: {  	v3 =	vld.idx.msk [tilespmem:v4+s15+$0x0], $0xffff;
	[tilespmem:s26+$0x30] =	vst v6  }
0x177: {  	[tilespmem:s25+$0xFFFFFFC0] =	vst v8;
	v4 =	vld.idx.msk [tilespmem:v5+s15+$0x0], $0xffff  }
0x178: {  	s29 =	sadd.s32 $0x80, s29;
	v5 =	vld.idx.msk [tilespmem:v7+s15+$0x0], $0xffff;
	[tilespmem:s26+$0xFFFFFFD0] =	vst v9  }
0x179: {  	[tilespmem:s26+$0xFFFFFFE0] =	vst v0  }
0x17a: {  	[tilespmem:s26+$0xFFFFFFF0] =	vst v1  }
0x17b: {  	[tilespmem:s26+$0x0] =	vst v2  }
0x17c: {  	[tilespmem:s26+$0x10] =	vst v3  }
0x17d: {  	[tilespmem:s26+$0x20] =	vst v4  }
0x17e: {  	[tilespmem:s26+$0xFFFFFFC0] =	vst v5  }
0x17f: {  	s25 =	rddreg [dreg:$0xc]  }
0x180: {  	[hbm4b:s25+s2] =	stream.linear.scatter [tilespmem:s16], [sflag:$0x1], $0x400, $0x38;
	[tilespmem:$0x9800] =	vst v63  }
0x181: {  	s26 =	rddreg [dreg:$0xd]  }
0x182: {  	[hbm4b:s26+s2] =	stream.linear.scatter [tilespmem:s17], [sflag:$0x2], $0x400, $0x38;
	[tilespmem:$0x9800] =	vst v63  }
0x183: {  	_ =	swait.ge [sflag:s22], $0x400  }
0x184: {  	[sflag:s22] =	ssyncset.done $0x0  }
0x185: {  	[sflag:s22] =	ssyncadd.s32 $0xFFFFFC00  }
0x186: {  	_ =	swait.ge [sflag:s23], $0x400  }
0x187: {  	[sflag:s23] =	ssyncset.done $0x0  }
0x188: {  	s26 =	simm.s32 $0x1470;
	[sflag:s23] =	ssyncadd.s32 $0xFFFFFC00  }
0x189: {  	v0 =	vld [tilespmem:s26+$0x0]  }
0x18a: {  	v1 =	vld [tilespmem:s26+$0xFFFFFFA0]  }
0x18b: {  	v2 =	vld [tilespmem:s26+$0xFFFFFFB0]  }
0x18c: {  	v3 =	vld [tilespmem:s26+$0xFFFFFFC0]  }
0x18d: {  	v4 =	vld [tilespmem:s26+$0xFFFFFFD0]  }
0x18e: {  	v5 =	vld [tilespmem:s26+$0xFFFFFFE0]  }
0x18f: {  	v6 =	vld [tilespmem:s26+$0xFFFFFFF0]  }
0x190: {  	v7 =	vld [tilespmem:s26+$0xFFFFFF90]  }
0x191: {  	v8 =	vld.idx.msk [tilespmem:v0+s14+$0x0], $0xffff  }
0x192: {  	v9 =	vld.idx.msk [tilespmem:v1+s14+$0x0], $0xffff  }
0x193: {  	v10 =	vld.idx.msk [tilespmem:v2+s14+$0x0], $0xffff  }
0x194: {  	v11 =	vld.idx.msk [tilespmem:v3+s14+$0x0], $0xffff  }
0x195: {  	v12 =	vld.idx.msk [tilespmem:v4+s14+$0x0], $0xffff  }
0x196: {  	s25 =	simm.s32 $0x9040;
	v13 =	vld.idx.msk [tilespmem:v5+s14+$0x0], $0xffff  }
0x197: {  	v14 =	vld.idx.msk [tilespmem:v6+s14+$0x0], $0xffff;
	[tilespmem:s25+$0x30] =	vst v8  }
0x198: {  	v62 =	vld.idx.msk [tilespmem:v7+s14+$0x0], $0xffff;
	[tilespmem:s25+$0xFFFFFFD0] =	vst v9  }
0x199: {  	[tilespmem:s25+$0xFFFFFFE0] =	vst v10;
	v8 =	vld.idx.msk [tilespmem:v0+s15+$0x0], $0xffff  }
0x19a: {  	[tilespmem:s25+$0xFFFFFFF0] =	vst v11;
	v63 =	vld.idx.msk [tilespmem:v1+s15+$0x0], $0xffff  }
0x19b: {  	[tilespmem:s25+$0x0] =	vst v12;
	v0 =	vld.idx.msk [tilespmem:v2+s15+$0x0], $0xffff  }
0x19c: {  	[tilespmem:s25+$0x10] =	vst v13;
	v1 =	vld.idx.msk [tilespmem:v3+s15+$0x0], $0xffff  }
0x19d: {  	[tilespmem:s25+$0x20] =	vst v14;
	v2 =	vld.idx.msk [tilespmem:v4+s15+$0x0], $0xffff  }
0x19e: {  	s26 =	simm.s32 $0x9440;
	[tilespmem:s25+$0xFFFFFFC0] =	vst v62;
	v3 =	vld.idx.msk [tilespmem:v5+s15+$0x0], $0xffff  }
0x19f: {  	v4 =	vld.idx.msk [tilespmem:v6+s15+$0x0], $0xffff;
	[tilespmem:s26+$0x30] =	vst v8  }
0x1a0: {  	s28 =	simm.s32 $0x0;
	s29 =	simm.s32 $0x14F0;
	v5 =	vld.idx.msk [tilespmem:v7+s15+$0x0], $0xffff;
	[tilespmem:s26+$0xFFFFFFD0] =	vst v63  }
.LBB2_12:
0x1a1: {  	v6 =	vld [tilespmem:s29+$0x0];
	s28 =	sadd.s32 $0x8, s28;
	[tilespmem:s26+$0xFFFFFFE0] =	vst v0  }
0x1a2: {  	v0 =	vld [tilespmem:s29+$0xFFFFFFA0];
	p0 =	slt.u32 s28, $0x38;
	[tilespmem:s26+$0xFFFFFFF0] =	vst v1  }
0x1a3: {  	v1 =	vld [tilespmem:s29+$0xFFFFFFB0];
	[tilespmem:s26+$0x0] =	vst v2  }
0x1a4: {  	v2 =	vld [tilespmem:s29+$0xFFFFFFC0];
	[tilespmem:s26+$0x10] =	vst v3  }
0x1a5: {  	v3 =	vld [tilespmem:s29+$0xFFFFFFD0];
	[tilespmem:s26+$0x20] =	vst v4  }
0x1a6: {  	v4 =	vld [tilespmem:s29+$0xFFFFFFE0];
	[tilespmem:s26+$0xFFFFFFC0] =	vst v5  }
0x1a7: {  	v5 =	vld [tilespmem:s29+$0xFFFFFFF0]  }
0x1a8: {  	v7 =	vld [tilespmem:s29+$0xFFFFFF90]  }
0x1a9: {  	v8 =	vld.idx.msk [tilespmem:v6+s14+$0x0], $0xffff  }
0x1aa: {  	v9 =	vld.idx.msk [tilespmem:v0+s14+$0x0], $0xffff  }
0x1ab: {  	v10 =	vld.idx.msk [tilespmem:v1+s14+$0x0], $0xffff  }
0x1ac: {  	v11 =	vld.idx.msk [tilespmem:v2+s14+$0x0], $0xffff  }
0x1ad: {  	v12 =	vld.idx.msk [tilespmem:v3+s14+$0x0], $0xffff  }
0x1ae: {  	s25 =	sadd.s32 $0x80, s25;
	v13 =	vld.idx.msk [tilespmem:v4+s14+$0x0], $0xffff  }
0x1af: {  	v14 =	vld.idx.msk [tilespmem:v5+s14+$0x0], $0xffff;
	[tilespmem:s25+$0x30] =	vst v8  }
0x1b0: {  	[tilespmem:s25+$0xFFFFFFD0] =	vst v9;
	v6 =	vld.idx.msk [tilespmem:v6+s15+$0x0], $0xffff  }
0x1b1: {  	v8 =	vld.idx.msk [tilespmem:v7+s14+$0x0], $0xffff;
	[tilespmem:s25+$0xFFFFFFE0] =	vst v10  }
0x1b2: {  	v9 =	vld.idx.msk [tilespmem:v0+s15+$0x0], $0xffff;
	[tilespmem:s25+$0xFFFFFFF0] =	vst v11  }
0x1b3: {  	v0 =	vld.idx.msk [tilespmem:v1+s15+$0x0], $0xffff;
	[tilespmem:s25+$0x0] =	vst v12  }
.Ltmp5:
0x1b4: {  	v1 =	vld.idx.msk [tilespmem:v2+s15+$0x0], $0xffff;
	[tilespmem:s25+$0x10] =	vst v13;
	(pc) =	sbr.rel @p0 .LBB2_12-.Ltmp5, $4  }
0x1b5: {  	s26 =	sadd.s32 $0x80, s26;
	v2 =	vld.idx.msk [tilespmem:v3+s15+$0x0], $0xffff;
	[tilespmem:s25+$0x20] =	vst v14  }
0x1b6: {  	v3 =	vld.idx.msk [tilespmem:v4+s15+$0x0], $0xffff;
	[tilespmem:s26+$0x30] =	vst v6  }
0x1b7: {  	[tilespmem:s25+$0xFFFFFFC0] =	vst v8;
	v4 =	vld.idx.msk [tilespmem:v5+s15+$0x0], $0xffff  }
0x1b8: {  	s29 =	sadd.s32 $0x80, s29;
	v5 =	vld.idx.msk [tilespmem:v7+s15+$0x0], $0xffff;
	[tilespmem:s26+$0xFFFFFFD0] =	vst v9  }
0x1b9: {  	[tilespmem:s26+$0xFFFFFFE0] =	vst v0  }
0x1ba: {  	[tilespmem:s26+$0xFFFFFFF0] =	vst v1  }
0x1bb: {  	[tilespmem:s26+$0x0] =	vst v2  }
0x1bc: {  	[tilespmem:s26+$0x10] =	vst v3  }
0x1bd: {  	[tilespmem:s26+$0x20] =	vst v4  }
0x1be: {  	[tilespmem:s26+$0xFFFFFFC0] =	vst v5  }
0x1bf: {  	s25 =	rddreg [dreg:$0xe]  }
0x1c0: {  	[hbm4b:s25+s2] =	stream.linear.scatter [tilespmem:s18], [sflag:$0x3], $0x400, $0x38;
	[tilespmem:$0x9800] =	vst v63  }
0x1c1: {  	s26 =	rddreg [dreg:$0xf]  }
0x1c2: {  	[hbm4b:s26+s2] =	stream.linear.scatter [tilespmem:s19], [sflag:$0x4], $0x400, $0x38;
	[tilespmem:$0x9800] =	vst v63  }
0x1c3: {  	_ =	swait.ge [sflag:s20], $0x400  }
0x1c4: {  	[sflag:s20] =	ssyncset.done $0x0  }
0x1c5: {  	[sflag:s20] =	ssyncadd.s32 $0xFFFFFC00  }
0x1c6: {  	_ =	swait.ge [sflag:s21], $0x400  }
0x1c7: {  	[sflag:s21] =	ssyncset.done $0x0  }
0x1c8: {  	s26 =	simm.s32 $0x1870;
	[sflag:s21] =	ssyncadd.s32 $0xFFFFFC00  }
0x1c9: {  	v0 =	vld [tilespmem:s26+$0x0]  }
0x1ca: {  	v1 =	vld [tilespmem:s26+$0xFFFFFFA0]  }
0x1cb: {  	v2 =	vld [tilespmem:s26+$0xFFFFFFB0]  }
0x1cc: {  	v3 =	vld [tilespmem:s26+$0xFFFFFFC0]  }
0x1cd: {  	v4 =	vld [tilespmem:s26+$0xFFFFFFD0]  }
0x1ce: {  	v5 =	vld [tilespmem:s26+$0xFFFFFFE0]  }
0x1cf: {  	v6 =	vld [tilespmem:s26+$0xFFFFFFF0]  }
0x1d0: {  	v7 =	vld [tilespmem:s26+$0xFFFFFF90]  }
0x1d1: {  	v8 =	vld.idx.msk [tilespmem:v0+s14+$0x0], $0xffff  }
0x1d2: {  	v9 =	vld.idx.msk [tilespmem:v1+s14+$0x0], $0xffff  }
0x1d3: {  	v10 =	vld.idx.msk [tilespmem:v2+s14+$0x0], $0xffff  }
0x1d4: {  	v11 =	vld.idx.msk [tilespmem:v3+s14+$0x0], $0xffff  }
0x1d5: {  	v12 =	vld.idx.msk [tilespmem:v4+s14+$0x0], $0xffff  }
0x1d6: {  	s25 =	simm.s32 $0x8840;
	v13 =	vld.idx.msk [tilespmem:v5+s14+$0x0], $0xffff  }
0x1d7: {  	v14 =	vld.idx.msk [tilespmem:v6+s14+$0x0], $0xffff;
	[tilespmem:s25+$0x30] =	vst v8  }
0x1d8: {  	v62 =	vld.idx.msk [tilespmem:v7+s14+$0x0], $0xffff;
	[tilespmem:s25+$0xFFFFFFD0] =	vst v9  }
0x1d9: {  	[tilespmem:s25+$0xFFFFFFE0] =	vst v10;
	v8 =	vld.idx.msk [tilespmem:v0+s15+$0x0], $0xffff  }
0x1da: {  	[tilespmem:s25+$0xFFFFFFF0] =	vst v11;
	v63 =	vld.idx.msk [tilespmem:v1+s15+$0x0], $0xffff  }
0x1db: {  	[tilespmem:s25+$0x0] =	vst v12;
	v0 =	vld.idx.msk [tilespmem:v2+s15+$0x0], $0xffff  }
0x1dc: {  	[tilespmem:s25+$0x10] =	vst v13;
	v1 =	vld.idx.msk [tilespmem:v3+s15+$0x0], $0xffff  }
0x1dd: {  	[tilespmem:s25+$0x20] =	vst v14;
	v2 =	vld.idx.msk [tilespmem:v4+s15+$0x0], $0xffff  }
0x1de: {  	s26 =	simm.s32 $0x8C40;
	[tilespmem:s25+$0xFFFFFFC0] =	vst v62;
	v3 =	vld.idx.msk [tilespmem:v5+s15+$0x0], $0xffff  }
0x1df: {  	v4 =	vld.idx.msk [tilespmem:v6+s15+$0x0], $0xffff;
	[tilespmem:s26+$0x30] =	vst v8  }
0x1e0: {  	s28 =	simm.s32 $0x0;
	s29 =	simm.s32 $0x18F0;
	v5 =	vld.idx.msk [tilespmem:v7+s15+$0x0], $0xffff;
	[tilespmem:s26+$0xFFFFFFD0] =	vst v63  }
.LBB2_14:
0x1e1: {  	v6 =	vld [tilespmem:s29+$0x0];
	s28 =	sadd.s32 $0x8, s28;
	[tilespmem:s26+$0xFFFFFFE0] =	vst v0  }
0x1e2: {  	v0 =	vld [tilespmem:s29+$0xFFFFFFA0];
	p0 =	slt.u32 s28, $0x38;
	[tilespmem:s26+$0xFFFFFFF0] =	vst v1  }
0x1e3: {  	v1 =	vld [tilespmem:s29+$0xFFFFFFB0];
	[tilespmem:s26+$0x0] =	vst v2  }
0x1e4: {  	v2 =	vld [tilespmem:s29+$0xFFFFFFC0];
	[tilespmem:s26+$0x10] =	vst v3  }
0x1e5: {  	v3 =	vld [tilespmem:s29+$0xFFFFFFD0];
	[tilespmem:s26+$0x20] =	vst v4  }
0x1e6: {  	v4 =	vld [tilespmem:s29+$0xFFFFFFE0];
	[tilespmem:s26+$0xFFFFFFC0] =	vst v5  }
0x1e7: {  	v5 =	vld [tilespmem:s29+$0xFFFFFFF0]  }
0x1e8: {  	v7 =	vld [tilespmem:s29+$0xFFFFFF90]  }
0x1e9: {  	v8 =	vld.idx.msk [tilespmem:v6+s14+$0x0], $0xffff  }
0x1ea: {  	v9 =	vld.idx.msk [tilespmem:v0+s14+$0x0], $0xffff  }
0x1eb: {  	v10 =	vld.idx.msk [tilespmem:v1+s14+$0x0], $0xffff  }
0x1ec: {  	v11 =	vld.idx.msk [tilespmem:v2+s14+$0x0], $0xffff  }
0x1ed: {  	v12 =	vld.idx.msk [tilespmem:v3+s14+$0x0], $0xffff  }
0x1ee: {  	s25 =	sadd.s32 $0x80, s25;
	v13 =	vld.idx.msk [tilespmem:v4+s14+$0x0], $0xffff  }
0x1ef: {  	v14 =	vld.idx.msk [tilespmem:v5+s14+$0x0], $0xffff;
	[tilespmem:s25+$0x30] =	vst v8  }
0x1f0: {  	[tilespmem:s25+$0xFFFFFFD0] =	vst v9;
	v6 =	vld.idx.msk [tilespmem:v6+s15+$0x0], $0xffff  }
0x1f1: {  	v8 =	vld.idx.msk [tilespmem:v7+s14+$0x0], $0xffff;
	[tilespmem:s25+$0xFFFFFFE0] =	vst v10  }
0x1f2: {  	v9 =	vld.idx.msk [tilespmem:v0+s15+$0x0], $0xffff;
	[tilespmem:s25+$0xFFFFFFF0] =	vst v11  }
0x1f3: {  	v0 =	vld.idx.msk [tilespmem:v1+s15+$0x0], $0xffff;
	[tilespmem:s25+$0x0] =	vst v12  }
.Ltmp6:
0x1f4: {  	v1 =	vld.idx.msk [tilespmem:v2+s15+$0x0], $0xffff;
	[tilespmem:s25+$0x10] =	vst v13;
	(pc) =	sbr.rel @p0 .LBB2_14-.Ltmp6, $4  }
0x1f5: {  	s26 =	sadd.s32 $0x80, s26;
	v2 =	vld.idx.msk [tilespmem:v3+s15+$0x0], $0xffff;
	[tilespmem:s25+$0x20] =	vst v14  }
0x1f6: {  	v3 =	vld.idx.msk [tilespmem:v4+s15+$0x0], $0xffff;
	[tilespmem:s26+$0x30] =	vst v6  }
0x1f7: {  	[tilespmem:s25+$0xFFFFFFC0] =	vst v8;
	v4 =	vld.idx.msk [tilespmem:v5+s15+$0x0], $0xffff  }
0x1f8: {  	s29 =	sadd.s32 $0x80, s29;
	v5 =	vld.idx.msk [tilespmem:v7+s15+$0x0], $0xffff;
	[tilespmem:s26+$0xFFFFFFD0] =	vst v9  }
0x1f9: {  	[tilespmem:s26+$0xFFFFFFE0] =	vst v0  }
0x1fa: {  	[tilespmem:s26+$0xFFFFFFF0] =	vst v1  }
0x1fb: {  	[tilespmem:s26+$0x0] =	vst v2  }
0x1fc: {  	[tilespmem:s26+$0x10] =	vst v3  }
0x1fd: {  	[tilespmem:s26+$0x20] =	vst v4  }
0x1fe: {  	[tilespmem:s26+$0xFFFFFFC0] =	vst v5  }
0x1ff: {  	s25 =	rddreg [dreg:$0x10]  }
0x200: {  	[hbm4b:s25+s2] =	stream.linear.scatter [tilespmem:s16], [sflag:$0x1], $0x400, $0x38;
	[tilespmem:$0x9800] =	vst v63  }
0x201: {  	s26 =	rddreg [dreg:$0x11]  }
0x202: {  	[hbm4b:s26+s2] =	stream.linear.scatter [tilespmem:s17], [sflag:$0x2], $0x400, $0x38;
	[tilespmem:$0x9800] =	vst v63  }
0x203: {  	_ =	swait.ge [sflag:s22], $0x400  }
0x204: {  	[sflag:s22] =	ssyncset.done $0x0  }
0x205: {  	[sflag:s22] =	ssyncadd.s32 $0xFFFFFC00  }
0x206: {  	_ =	swait.ge [sflag:s23], $0x400  }
0x207: {  	[sflag:s23] =	ssyncset.done $0x0  }
0x208: {  	s26 =	simm.s32 $0x1C70;
	[sflag:s23] =	ssyncadd.s32 $0xFFFFFC00  }
0x209: {  	v0 =	vld [tilespmem:s26+$0x0]  }
0x20a: {  	v1 =	vld [tilespmem:s26+$0xFFFFFFA0]  }
0x20b: {  	v2 =	vld [tilespmem:s26+$0xFFFFFFB0]  }
0x20c: {  	v3 =	vld [tilespmem:s26+$0xFFFFFFC0]  }
0x20d: {  	v4 =	vld [tilespmem:s26+$0xFFFFFFD0]  }
0x20e: {  	v5 =	vld [tilespmem:s26+$0xFFFFFFE0]  }
0x20f: {  	v6 =	vld [tilespmem:s26+$0xFFFFFFF0]  }
0x210: {  	v7 =	vld [tilespmem:s26+$0xFFFFFF90]  }
0x211: {  	v8 =	vld.idx.msk [tilespmem:v0+s14+$0x0], $0xffff  }
0x212: {  	v9 =	vld.idx.msk [tilespmem:v1+s14+$0x0], $0xffff  }
0x213: {  	v10 =	vld.idx.msk [tilespmem:v2+s14+$0x0], $0xffff  }
0x214: {  	v11 =	vld.idx.msk [tilespmem:v3+s14+$0x0], $0xffff  }
0x215: {  	v12 =	vld.idx.msk [tilespmem:v4+s14+$0x0], $0xffff  }
0x216: {  	s25 =	simm.s32 $0x9040;
	v13 =	vld.idx.msk [tilespmem:v5+s14+$0x0], $0xffff  }
0x217: {  	v14 =	vld.idx.msk [tilespmem:v6+s14+$0x0], $0xffff;
	[tilespmem:s25+$0x30] =	vst v8  }
0x218: {  	v62 =	vld.idx.msk [tilespmem:v7+s14+$0x0], $0xffff;
	[tilespmem:s25+$0xFFFFFFD0] =	vst v9  }
0x219: {  	[tilespmem:s25+$0xFFFFFFE0] =	vst v10;
	v8 =	vld.idx.msk [tilespmem:v0+s15+$0x0], $0xffff  }
0x21a: {  	[tilespmem:s25+$0xFFFFFFF0] =	vst v11;
	v63 =	vld.idx.msk [tilespmem:v1+s15+$0x0], $0xffff  }
0x21b: {  	[tilespmem:s25+$0x0] =	vst v12;
	v0 =	vld.idx.msk [tilespmem:v2+s15+$0x0], $0xffff  }
0x21c: {  	[tilespmem:s25+$0x10] =	vst v13;
	v1 =	vld.idx.msk [tilespmem:v3+s15+$0x0], $0xffff  }
0x21d: {  	[tilespmem:s25+$0x20] =	vst v14;
	v2 =	vld.idx.msk [tilespmem:v4+s15+$0x0], $0xffff  }
0x21e: {  	s26 =	simm.s32 $0x9440;
	[tilespmem:s25+$0xFFFFFFC0] =	vst v62;
	v3 =	vld.idx.msk [tilespmem:v5+s15+$0x0], $0xffff  }
0x21f: {  	v4 =	vld.idx.msk [tilespmem:v6+s15+$0x0], $0xffff;
	[tilespmem:s26+$0x30] =	vst v8  }
0x220: {  	s28 =	simm.s32 $0x0;
	s29 =	simm.s32 $0x1CF0;
	v5 =	vld.idx.msk [tilespmem:v7+s15+$0x0], $0xffff;
	[tilespmem:s26+$0xFFFFFFD0] =	vst v63  }
.LBB2_16:
0x221: {  	v6 =	vld [tilespmem:s29+$0x0];
	s28 =	sadd.s32 $0x8, s28;
	[tilespmem:s26+$0xFFFFFFE0] =	vst v0  }
0x222: {  	v0 =	vld [tilespmem:s29+$0xFFFFFFA0];
	p0 =	slt.u32 s28, $0x38;
	[tilespmem:s26+$0xFFFFFFF0] =	vst v1  }
0x223: {  	v1 =	vld [tilespmem:s29+$0xFFFFFFB0];
	[tilespmem:s26+$0x0] =	vst v2  }
0x224: {  	v2 =	vld [tilespmem:s29+$0xFFFFFFC0];
	[tilespmem:s26+$0x10] =	vst v3  }
0x225: {  	v3 =	vld [tilespmem:s29+$0xFFFFFFD0];
	[tilespmem:s26+$0x20] =	vst v4  }
0x226: {  	v4 =	vld [tilespmem:s29+$0xFFFFFFE0];
	[tilespmem:s26+$0xFFFFFFC0] =	vst v5  }
0x227: {  	v5 =	vld [tilespmem:s29+$0xFFFFFFF0]  }
0x228: {  	v7 =	vld [tilespmem:s29+$0xFFFFFF90]  }
0x229: {  	v8 =	vld.idx.msk [tilespmem:v6+s14+$0x0], $0xffff  }
0x22a: {  	v9 =	vld.idx.msk [tilespmem:v0+s14+$0x0], $0xffff  }
0x22b: {  	v10 =	vld.idx.msk [tilespmem:v1+s14+$0x0], $0xffff  }
0x22c: {  	v11 =	vld.idx.msk [tilespmem:v2+s14+$0x0], $0xffff  }
0x22d: {  	v12 =	vld.idx.msk [tilespmem:v3+s14+$0x0], $0xffff  }
0x22e: {  	s25 =	sadd.s32 $0x80, s25;
	v13 =	vld.idx.msk [tilespmem:v4+s14+$0x0], $0xffff  }
0x22f: {  	v14 =	vld.idx.msk [tilespmem:v5+s14+$0x0], $0xffff;
	[tilespmem:s25+$0x30] =	vst v8  }
0x230: {  	[tilespmem:s25+$0xFFFFFFD0] =	vst v9;
	v6 =	vld.idx.msk [tilespmem:v6+s15+$0x0], $0xffff  }
0x231: {  	v8 =	vld.idx.msk [tilespmem:v7+s14+$0x0], $0xffff;
	[tilespmem:s25+$0xFFFFFFE0] =	vst v10  }
0x232: {  	v9 =	vld.idx.msk [tilespmem:v0+s15+$0x0], $0xffff;
	[tilespmem:s25+$0xFFFFFFF0] =	vst v11  }
0x233: {  	v0 =	vld.idx.msk [tilespmem:v1+s15+$0x0], $0xffff;
	[tilespmem:s25+$0x0] =	vst v12  }
.Ltmp7:
0x234: {  	v1 =	vld.idx.msk [tilespmem:v2+s15+$0x0], $0xffff;
	[tilespmem:s25+$0x10] =	vst v13;
	(pc) =	sbr.rel @p0 .LBB2_16-.Ltmp7, $4  }
0x235: {  	s26 =	sadd.s32 $0x80, s26;
	v2 =	vld.idx.msk [tilespmem:v3+s15+$0x0], $0xffff;
	[tilespmem:s25+$0x20] =	vst v14  }
0x236: {  	v3 =	vld.idx.msk [tilespmem:v4+s15+$0x0], $0xffff;
	[tilespmem:s26+$0x30] =	vst v6  }
0x237: {  	[tilespmem:s25+$0xFFFFFFC0] =	vst v8;
	v4 =	vld.idx.msk [tilespmem:v5+s15+$0x0], $0xffff  }
0x238: {  	s29 =	sadd.s32 $0x80, s29;
	v5 =	vld.idx.msk [tilespmem:v7+s15+$0x0], $0xffff;
	[tilespmem:s26+$0xFFFFFFD0] =	vst v9  }
0x239: {  	[tilespmem:s26+$0xFFFFFFE0] =	vst v0  }
0x23a: {  	[tilespmem:s26+$0xFFFFFFF0] =	vst v1  }
0x23b: {  	[tilespmem:s26+$0x0] =	vst v2  }
0x23c: {  	[tilespmem:s26+$0x10] =	vst v3  }
0x23d: {  	[tilespmem:s26+$0x20] =	vst v4  }
0x23e: {  	[tilespmem:s26+$0xFFFFFFC0] =	vst v5  }
0x23f: {  	s25 =	rddreg [dreg:$0x12]  }
0x240: {  	[hbm4b:s25+s2] =	stream.linear.scatter [tilespmem:s18], [sflag:$0x3], $0x400, $0x38;
	[tilespmem:$0x9800] =	vst v63  }
0x241: {  	s26 =	rddreg [dreg:$0x13]  }
0x242: {  	[hbm4b:s26+s2] =	stream.linear.scatter [tilespmem:s19], [sflag:$0x4], $0x400, $0x38;
	[tilespmem:$0x9800] =	vst v63  }
0x243: {  	_ =	swait.ge [sflag:s20], $0x400  }
0x244: {  	[sflag:s20] =	ssyncset.done $0x0  }
0x245: {  	[sflag:s20] =	ssyncadd.s32 $0xFFFFFC00  }
0x246: {  	_ =	swait.ge [sflag:s21], $0x400  }
0x247: {  	[sflag:s21] =	ssyncset.done $0x0  }
0x248: {  	s26 =	simm.s32 $0x2070;
	[sflag:s21] =	ssyncadd.s32 $0xFFFFFC00  }
0x249: {  	v0 =	vld [tilespmem:s26+$0x0]  }
0x24a: {  	v1 =	vld [tilespmem:s26+$0xFFFFFFA0]  }
0x24b: {  	v2 =	vld [tilespmem:s26+$0xFFFFFFB0]  }
0x24c: {  	v3 =	vld [tilespmem:s26+$0xFFFFFFC0]  }
0x24d: {  	v4 =	vld [tilespmem:s26+$0xFFFFFFD0]  }
0x24e: {  	v5 =	vld [tilespmem:s26+$0xFFFFFFE0]  }
0x24f: {  	v6 =	vld [tilespmem:s26+$0xFFFFFFF0]  }
0x250: {  	v7 =	vld [tilespmem:s26+$0xFFFFFF90]  }
0x251: {  	v8 =	vld.idx.msk [tilespmem:v0+s14+$0x0], $0xffff  }
0x252: {  	v9 =	vld.idx.msk [tilespmem:v1+s14+$0x0], $0xffff  }
0x253: {  	v10 =	vld.idx.msk [tilespmem:v2+s14+$0x0], $0xffff  }
0x254: {  	v11 =	vld.idx.msk [tilespmem:v3+s14+$0x0], $0xffff  }
0x255: {  	v12 =	vld.idx.msk [tilespmem:v4+s14+$0x0], $0xffff  }
0x256: {  	s25 =	simm.s32 $0x8840;
	v13 =	vld.idx.msk [tilespmem:v5+s14+$0x0], $0xffff  }
0x257: {  	v14 =	vld.idx.msk [tilespmem:v6+s14+$0x0], $0xffff;
	[tilespmem:s25+$0x30] =	vst v8  }
0x258: {  	v62 =	vld.idx.msk [tilespmem:v7+s14+$0x0], $0xffff;
	[tilespmem:s25+$0xFFFFFFD0] =	vst v9  }
0x259: {  	[tilespmem:s25+$0xFFFFFFE0] =	vst v10;
	v8 =	vld.idx.msk [tilespmem:v0+s15+$0x0], $0xffff  }
0x25a: {  	[tilespmem:s25+$0xFFFFFFF0] =	vst v11;
	v63 =	vld.idx.msk [tilespmem:v1+s15+$0x0], $0xffff  }
0x25b: {  	[tilespmem:s25+$0x0] =	vst v12;
	v0 =	vld.idx.msk [tilespmem:v2+s15+$0x0], $0xffff  }
0x25c: {  	[tilespmem:s25+$0x10] =	vst v13;
	v1 =	vld.idx.msk [tilespmem:v3+s15+$0x0], $0xffff  }
0x25d: {  	[tilespmem:s25+$0x20] =	vst v14;
	v2 =	vld.idx.msk [tilespmem:v4+s15+$0x0], $0xffff  }
0x25e: {  	s26 =	simm.s32 $0x8C40;
	[tilespmem:s25+$0xFFFFFFC0] =	vst v62;
	v3 =	vld.idx.msk [tilespmem:v5+s15+$0x0], $0xffff  }
0x25f: {  	v4 =	vld.idx.msk [tilespmem:v6+s15+$0x0], $0xffff;
	[tilespmem:s26+$0x30] =	vst v8  }
0x260: {  	s28 =	simm.s32 $0x0;
	s29 =	simm.s32 $0x20F0;
	v5 =	vld.idx.msk [tilespmem:v7+s15+$0x0], $0xffff;
	[tilespmem:s26+$0xFFFFFFD0] =	vst v63  }
.LBB2_18:
0x261: {  	v6 =	vld [tilespmem:s29+$0x0];
	s28 =	sadd.s32 $0x8, s28;
	[tilespmem:s26+$0xFFFFFFE0] =	vst v0  }
0x262: {  	v0 =	vld [tilespmem:s29+$0xFFFFFFA0];
	p0 =	slt.u32 s28, $0x38;
	[tilespmem:s26+$0xFFFFFFF0] =	vst v1  }
0x263: {  	v1 =	vld [tilespmem:s29+$0xFFFFFFB0];
	[tilespmem:s26+$0x0] =	vst v2  }
0x264: {  	v2 =	vld [tilespmem:s29+$0xFFFFFFC0];
	[tilespmem:s26+$0x10] =	vst v3  }
0x265: {  	v3 =	vld [tilespmem:s29+$0xFFFFFFD0];
	[tilespmem:s26+$0x20] =	vst v4  }
0x266: {  	v4 =	vld [tilespmem:s29+$0xFFFFFFE0];
	[tilespmem:s26+$0xFFFFFFC0] =	vst v5  }
0x267: {  	v5 =	vld [tilespmem:s29+$0xFFFFFFF0]  }
0x268: {  	v7 =	vld [tilespmem:s29+$0xFFFFFF90]  }
0x269: {  	v8 =	vld.idx.msk [tilespmem:v6+s14+$0x0], $0xffff  }
0x26a: {  	v9 =	vld.idx.msk [tilespmem:v0+s14+$0x0], $0xffff  }
0x26b: {  	v10 =	vld.idx.msk [tilespmem:v1+s14+$0x0], $0xffff  }
0x26c: {  	v11 =	vld.idx.msk [tilespmem:v2+s14+$0x0], $0xffff  }
0x26d: {  	v12 =	vld.idx.msk [tilespmem:v3+s14+$0x0], $0xffff  }
0x26e: {  	s25 =	sadd.s32 $0x80, s25;
	v13 =	vld.idx.msk [tilespmem:v4+s14+$0x0], $0xffff  }
0x26f: {  	v14 =	vld.idx.msk [tilespmem:v5+s14+$0x0], $0xffff;
	[tilespmem:s25+$0x30] =	vst v8  }
0x270: {  	[tilespmem:s25+$0xFFFFFFD0] =	vst v9;
	v6 =	vld.idx.msk [tilespmem:v6+s15+$0x0], $0xffff  }
0x271: {  	v8 =	vld.idx.msk [tilespmem:v7+s14+$0x0], $0xffff;
	[tilespmem:s25+$0xFFFFFFE0] =	vst v10  }
0x272: {  	v9 =	vld.idx.msk [tilespmem:v0+s15+$0x0], $0xffff;
	[tilespmem:s25+$0xFFFFFFF0] =	vst v11  }
0x273: {  	v0 =	vld.idx.msk [tilespmem:v1+s15+$0x0], $0xffff;
	[tilespmem:s25+$0x0] =	vst v12  }
.Ltmp8:
0x274: {  	v1 =	vld.idx.msk [tilespmem:v2+s15+$0x0], $0xffff;
	[tilespmem:s25+$0x10] =	vst v13;
	(pc) =	sbr.rel @p0 .LBB2_18-.Ltmp8, $4  }
0x275: {  	s26 =	sadd.s32 $0x80, s26;
	v2 =	vld.idx.msk [tilespmem:v3+s15+$0x0], $0xffff;
	[tilespmem:s25+$0x20] =	vst v14  }
0x276: {  	v3 =	vld.idx.msk [tilespmem:v4+s15+$0x0], $0xffff;
	[tilespmem:s26+$0x30] =	vst v6  }
0x277: {  	[tilespmem:s25+$0xFFFFFFC0] =	vst v8;
	v4 =	vld.idx.msk [tilespmem:v5+s15+$0x0], $0xffff  }
0x278: {  	s29 =	sadd.s32 $0x80, s29;
	v5 =	vld.idx.msk [tilespmem:v7+s15+$0x0], $0xffff;
	[tilespmem:s26+$0xFFFFFFD0] =	vst v9  }
0x279: {  	[tilespmem:s26+$0xFFFFFFE0] =	vst v0  }
0x27a: {  	[tilespmem:s26+$0xFFFFFFF0] =	vst v1  }
0x27b: {  	[tilespmem:s26+$0x0] =	vst v2  }
0x27c: {  	[tilespmem:s26+$0x10] =	vst v3  }
0x27d: {  	[tilespmem:s26+$0x20] =	vst v4  }
0x27e: {  	[tilespmem:s26+$0xFFFFFFC0] =	vst v5  }
0x27f: {  	s25 =	rddreg [dreg:$0x14]  }
0x280: {  	[hbm4b:s25+s2] =	stream.linear.scatter [tilespmem:s16], [sflag:$0x1], $0x400, $0x38;
	[tilespmem:$0x9800] =	vst v63  }
0x281: {  	s26 =	rddreg [dreg:$0x15]  }
0x282: {  	[hbm4b:s26+s2] =	stream.linear.scatter [tilespmem:s17], [sflag:$0x2], $0x400, $0x38;
	[tilespmem:$0x9800] =	vst v63  }
0x283: {  	_ =	swait.ge [sflag:s22], $0x400  }
0x284: {  	[sflag:s22] =	ssyncset.done $0x0  }
0x285: {  	[sflag:s22] =	ssyncadd.s32 $0xFFFFFC00  }
0x286: {  	_ =	swait.ge [sflag:s23], $0x400  }
0x287: {  	[sflag:s23] =	ssyncset.done $0x0  }
0x288: {  	s26 =	simm.s32 $0x2470;
	[sflag:s23] =	ssyncadd.s32 $0xFFFFFC00  }
0x289: {  	v0 =	vld [tilespmem:s26+$0x0]  }
0x28a: {  	v1 =	vld [tilespmem:s26+$0xFFFFFFA0]  }
0x28b: {  	v2 =	vld [tilespmem:s26+$0xFFFFFFB0]  }
0x28c: {  	v3 =	vld [tilespmem:s26+$0xFFFFFFC0]  }
0x28d: {  	v4 =	vld [tilespmem:s26+$0xFFFFFFD0]  }
0x28e: {  	v5 =	vld [tilespmem:s26+$0xFFFFFFE0]  }
0x28f: {  	v6 =	vld [tilespmem:s26+$0xFFFFFFF0]  }
0x290: {  	v7 =	vld [tilespmem:s26+$0xFFFFFF90]  }
0x291: {  	v8 =	vld.idx.msk [tilespmem:v0+s14+$0x0], $0xffff  }
0x292: {  	v9 =	vld.idx.msk [tilespmem:v1+s14+$0x0], $0xffff  }
0x293: {  	v10 =	vld.idx.msk [tilespmem:v2+s14+$0x0], $0xffff  }
0x294: {  	v11 =	vld.idx.msk [tilespmem:v3+s14+$0x0], $0xffff  }
0x295: {  	v12 =	vld.idx.msk [tilespmem:v4+s14+$0x0], $0xffff  }
0x296: {  	s25 =	simm.s32 $0x9040;
	v13 =	vld.idx.msk [tilespmem:v5+s14+$0x0], $0xffff  }
0x297: {  	v14 =	vld.idx.msk [tilespmem:v6+s14+$0x0], $0xffff;
	[tilespmem:s25+$0x30] =	vst v8  }
0x298: {  	v62 =	vld.idx.msk [tilespmem:v7+s14+$0x0], $0xffff;
	[tilespmem:s25+$0xFFFFFFD0] =	vst v9  }
0x299: {  	[tilespmem:s25+$0xFFFFFFE0] =	vst v10;
	v8 =	vld.idx.msk [tilespmem:v0+s15+$0x0], $0xffff  }
0x29a: {  	[tilespmem:s25+$0xFFFFFFF0] =	vst v11;
	v63 =	vld.idx.msk [tilespmem:v1+s15+$0x0], $0xffff  }
0x29b: {  	[tilespmem:s25+$0x0] =	vst v12;
	v0 =	vld.idx.msk [tilespmem:v2+s15+$0x0], $0xffff  }
0x29c: {  	[tilespmem:s25+$0x10] =	vst v13;
	v1 =	vld.idx.msk [tilespmem:v3+s15+$0x0], $0xffff  }
0x29d: {  	[tilespmem:s25+$0x20] =	vst v14;
	v2 =	vld.idx.msk [tilespmem:v4+s15+$0x0], $0xffff  }
0x29e: {  	s26 =	simm.s32 $0x9440;
	[tilespmem:s25+$0xFFFFFFC0] =	vst v62;
	v3 =	vld.idx.msk [tilespmem:v5+s15+$0x0], $0xffff  }
0x29f: {  	v4 =	vld.idx.msk [tilespmem:v6+s15+$0x0], $0xffff;
	[tilespmem:s26+$0x30] =	vst v8  }
0x2a0: {  	s28 =	simm.s32 $0x0;
	s29 =	simm.s32 $0x24F0;
	v5 =	vld.idx.msk [tilespmem:v7+s15+$0x0], $0xffff;
	[tilespmem:s26+$0xFFFFFFD0] =	vst v63  }
.LBB2_20:
0x2a1: {  	v6 =	vld [tilespmem:s29+$0x0];
	s28 =	sadd.s32 $0x8, s28;
	[tilespmem:s26+$0xFFFFFFE0] =	vst v0  }
0x2a2: {  	v0 =	vld [tilespmem:s29+$0xFFFFFFA0];
	p0 =	slt.u32 s28, $0x38;
	[tilespmem:s26+$0xFFFFFFF0] =	vst v1  }
0x2a3: {  	v1 =	vld [tilespmem:s29+$0xFFFFFFB0];
	[tilespmem:s26+$0x0] =	vst v2  }
0x2a4: {  	v2 =	vld [tilespmem:s29+$0xFFFFFFC0];
	[tilespmem:s26+$0x10] =	vst v3  }
0x2a5: {  	v3 =	vld [tilespmem:s29+$0xFFFFFFD0];
	[tilespmem:s26+$0x20] =	vst v4  }
0x2a6: {  	v4 =	vld [tilespmem:s29+$0xFFFFFFE0];
	[tilespmem:s26+$0xFFFFFFC0] =	vst v5  }
0x2a7: {  	v5 =	vld [tilespmem:s29+$0xFFFFFFF0]  }
0x2a8: {  	v7 =	vld [tilespmem:s29+$0xFFFFFF90]  }
0x2a9: {  	v8 =	vld.idx.msk [tilespmem:v6+s14+$0x0], $0xffff  }
0x2aa: {  	v9 =	vld.idx.msk [tilespmem:v0+s14+$0x0], $0xffff  }
0x2ab: {  	v10 =	vld.idx.msk [tilespmem:v1+s14+$0x0], $0xffff  }
0x2ac: {  	v11 =	vld.idx.msk [tilespmem:v2+s14+$0x0], $0xffff  }
0x2ad: {  	v12 =	vld.idx.msk [tilespmem:v3+s14+$0x0], $0xffff  }
0x2ae: {  	s25 =	sadd.s32 $0x80, s25;
	v13 =	vld.idx.msk [tilespmem:v4+s14+$0x0], $0xffff  }
0x2af: {  	v14 =	vld.idx.msk [tilespmem:v5+s14+$0x0], $0xffff;
	[tilespmem:s25+$0x30] =	vst v8  }
0x2b0: {  	[tilespmem:s25+$0xFFFFFFD0] =	vst v9;
	v6 =	vld.idx.msk [tilespmem:v6+s15+$0x0], $0xffff  }
0x2b1: {  	v8 =	vld.idx.msk [tilespmem:v7+s14+$0x0], $0xffff;
	[tilespmem:s25+$0xFFFFFFE0] =	vst v10  }
0x2b2: {  	v9 =	vld.idx.msk [tilespmem:v0+s15+$0x0], $0xffff;
	[tilespmem:s25+$0xFFFFFFF0] =	vst v11  }
0x2b3: {  	v0 =	vld.idx.msk [tilespmem:v1+s15+$0x0], $0xffff;
	[tilespmem:s25+$0x0] =	vst v12  }
.Ltmp9:
0x2b4: {  	v1 =	vld.idx.msk [tilespmem:v2+s15+$0x0], $0xffff;
	[tilespmem:s25+$0x10] =	vst v13;
	(pc) =	sbr.rel @p0 .LBB2_20-.Ltmp9, $4  }
0x2b5: {  	s26 =	sadd.s32 $0x80, s26;
	v2 =	vld.idx.msk [tilespmem:v3+s15+$0x0], $0xffff;
	[tilespmem:s25+$0x20] =	vst v14  }
0x2b6: {  	v3 =	vld.idx.msk [tilespmem:v4+s15+$0x0], $0xffff;
	[tilespmem:s26+$0x30] =	vst v6  }
0x2b7: {  	[tilespmem:s25+$0xFFFFFFC0] =	vst v8;
	v4 =	vld.idx.msk [tilespmem:v5+s15+$0x0], $0xffff  }
0x2b8: {  	s29 =	sadd.s32 $0x80, s29;
	v5 =	vld.idx.msk [tilespmem:v7+s15+$0x0], $0xffff;
	[tilespmem:s26+$0xFFFFFFD0] =	vst v9  }
0x2b9: {  	[tilespmem:s26+$0xFFFFFFE0] =	vst v0  }
0x2ba: {  	[tilespmem:s26+$0xFFFFFFF0] =	vst v1  }
0x2bb: {  	[tilespmem:s26+$0x0] =	vst v2  }
0x2bc: {  	[tilespmem:s26+$0x10] =	vst v3  }
0x2bd: {  	[tilespmem:s26+$0x20] =	vst v4  }
0x2be: {  	[tilespmem:s26+$0xFFFFFFC0] =	vst v5  }
0x2bf: {  	s25 =	rddreg [dreg:$0x16]  }
0x2c0: {  	[hbm4b:s25+s2] =	stream.linear.scatter [tilespmem:s18], [sflag:$0x3], $0x400, $0x38;
	[tilespmem:$0x9800] =	vst v63  }
0x2c1: {  	s26 =	rddreg [dreg:$0x17]  }
0x2c2: {  	[hbm4b:s26+s2] =	stream.linear.scatter [tilespmem:s19], [sflag:$0x4], $0x400, $0x38;
	[tilespmem:$0x9800] =	vst v63  }
0x2c3: {  	_ =	swait.ge [sflag:s20], $0x400  }
0x2c4: {  	[sflag:s20] =	ssyncset.done $0x0  }
0x2c5: {  	[sflag:s20] =	ssyncadd.s32 $0xFFFFFC00  }
0x2c6: {  	_ =	swait.ge [sflag:s21], $0x400  }
0x2c7: {  	[sflag:s21] =	ssyncset.done $0x0  }
0x2c8: {  	s26 =	simm.s32 $0x2870;
	[sflag:s21] =	ssyncadd.s32 $0xFFFFFC00  }
0x2c9: {  	v0 =	vld [tilespmem:s26+$0x0]  }
0x2ca: {  	v1 =	vld [tilespmem:s26+$0xFFFFFFA0]  }
0x2cb: {  	v2 =	vld [tilespmem:s26+$0xFFFFFFB0]  }
0x2cc: {  	v3 =	vld [tilespmem:s26+$0xFFFFFFC0]  }
0x2cd: {  	v4 =	vld [tilespmem:s26+$0xFFFFFFD0]  }
0x2ce: {  	v5 =	vld [tilespmem:s26+$0xFFFFFFE0]  }
0x2cf: {  	v6 =	vld [tilespmem:s26+$0xFFFFFFF0]  }
0x2d0: {  	v7 =	vld [tilespmem:s26+$0xFFFFFF90]  }
0x2d1: {  	v8 =	vld.idx.msk [tilespmem:v0+s14+$0x0], $0xffff  }
0x2d2: {  	v9 =	vld.idx.msk [tilespmem:v1+s14+$0x0], $0xffff  }
0x2d3: {  	v10 =	vld.idx.msk [tilespmem:v2+s14+$0x0], $0xffff  }
0x2d4: {  	v11 =	vld.idx.msk [tilespmem:v3+s14+$0x0], $0xffff  }
0x2d5: {  	v12 =	vld.idx.msk [tilespmem:v4+s14+$0x0], $0xffff  }
0x2d6: {  	s25 =	simm.s32 $0x8840;
	v13 =	vld.idx.msk [tilespmem:v5+s14+$0x0], $0xffff  }
0x2d7: {  	v14 =	vld.idx.msk [tilespmem:v6+s14+$0x0], $0xffff;
	[tilespmem:s25+$0x30] =	vst v8  }
0x2d8: {  	v62 =	vld.idx.msk [tilespmem:v7+s14+$0x0], $0xffff;
	[tilespmem:s25+$0xFFFFFFD0] =	vst v9  }
0x2d9: {  	[tilespmem:s25+$0xFFFFFFE0] =	vst v10;
	v8 =	vld.idx.msk [tilespmem:v0+s15+$0x0], $0xffff  }
0x2da: {  	[tilespmem:s25+$0xFFFFFFF0] =	vst v11;
	v63 =	vld.idx.msk [tilespmem:v1+s15+$0x0], $0xffff  }
0x2db: {  	[tilespmem:s25+$0x0] =	vst v12;
	v0 =	vld.idx.msk [tilespmem:v2+s15+$0x0], $0xffff  }
0x2dc: {  	[tilespmem:s25+$0x10] =	vst v13;
	v1 =	vld.idx.msk [tilespmem:v3+s15+$0x0], $0xffff  }
0x2dd: {  	[tilespmem:s25+$0x20] =	vst v14;
	v2 =	vld.idx.msk [tilespmem:v4+s15+$0x0], $0xffff  }
0x2de: {  	s26 =	simm.s32 $0x8C40;
	[tilespmem:s25+$0xFFFFFFC0] =	vst v62;
	v3 =	vld.idx.msk [tilespmem:v5+s15+$0x0], $0xffff  }
0x2df: {  	v4 =	vld.idx.msk [tilespmem:v6+s15+$0x0], $0xffff;
	[tilespmem:s26+$0x30] =	vst v8  }
0x2e0: {  	s28 =	simm.s32 $0x0;
	s29 =	simm.s32 $0x28F0;
	v5 =	vld.idx.msk [tilespmem:v7+s15+$0x0], $0xffff;
	[tilespmem:s26+$0xFFFFFFD0] =	vst v63  }
.LBB2_22:
0x2e1: {  	v6 =	vld [tilespmem:s29+$0x0];
	s28 =	sadd.s32 $0x8, s28;
	[tilespmem:s26+$0xFFFFFFE0] =	vst v0  }
0x2e2: {  	v0 =	vld [tilespmem:s29+$0xFFFFFFA0];
	p0 =	slt.u32 s28, $0x38;
	[tilespmem:s26+$0xFFFFFFF0] =	vst v1  }
0x2e3: {  	v1 =	vld [tilespmem:s29+$0xFFFFFFB0];
	[tilespmem:s26+$0x0] =	vst v2  }
0x2e4: {  	v2 =	vld [tilespmem:s29+$0xFFFFFFC0];
	[tilespmem:s26+$0x10] =	vst v3  }
0x2e5: {  	v3 =	vld [tilespmem:s29+$0xFFFFFFD0];
	[tilespmem:s26+$0x20] =	vst v4  }
0x2e6: {  	v4 =	vld [tilespmem:s29+$0xFFFFFFE0];
	[tilespmem:s26+$0xFFFFFFC0] =	vst v5  }
0x2e7: {  	v5 =	vld [tilespmem:s29+$0xFFFFFFF0]  }
0x2e8: {  	v7 =	vld [tilespmem:s29+$0xFFFFFF90]  }
0x2e9: {  	v8 =	vld.idx.msk [tilespmem:v6+s14+$0x0], $0xffff  }
0x2ea: {  	v9 =	vld.idx.msk [tilespmem:v0+s14+$0x0], $0xffff  }
0x2eb: {  	v10 =	vld.idx.msk [tilespmem:v1+s14+$0x0], $0xffff  }
0x2ec: {  	v11 =	vld.idx.msk [tilespmem:v2+s14+$0x0], $0xffff  }
0x2ed: {  	v12 =	vld.idx.msk [tilespmem:v3+s14+$0x0], $0xffff  }
0x2ee: {  	s25 =	sadd.s32 $0x80, s25;
	v13 =	vld.idx.msk [tilespmem:v4+s14+$0x0], $0xffff  }
0x2ef: {  	v14 =	vld.idx.msk [tilespmem:v5+s14+$0x0], $0xffff;
	[tilespmem:s25+$0x30] =	vst v8  }
0x2f0: {  	[tilespmem:s25+$0xFFFFFFD0] =	vst v9;
	v6 =	vld.idx.msk [tilespmem:v6+s15+$0x0], $0xffff  }
0x2f1: {  	v8 =	vld.idx.msk [tilespmem:v7+s14+$0x0], $0xffff;
	[tilespmem:s25+$0xFFFFFFE0] =	vst v10  }
0x2f2: {  	v9 =	vld.idx.msk [tilespmem:v0+s15+$0x0], $0xffff;
	[tilespmem:s25+$0xFFFFFFF0] =	vst v11  }
0x2f3: {  	v0 =	vld.idx.msk [tilespmem:v1+s15+$0x0], $0xffff;
	[tilespmem:s25+$0x0] =	vst v12  }
.Ltmp10:
0x2f4: {  	v1 =	vld.idx.msk [tilespmem:v2+s15+$0x0], $0xffff;
	[tilespmem:s25+$0x10] =	vst v13;
	(pc) =	sbr.rel @p0 .LBB2_22-.Ltmp10, $4  }
0x2f5: {  	s26 =	sadd.s32 $0x80, s26;
	v2 =	vld.idx.msk [tilespmem:v3+s15+$0x0], $0xffff;
	[tilespmem:s25+$0x20] =	vst v14  }
0x2f6: {  	v3 =	vld.idx.msk [tilespmem:v4+s15+$0x0], $0xffff;
	[tilespmem:s26+$0x30] =	vst v6  }
0x2f7: {  	[tilespmem:s25+$0xFFFFFFC0] =	vst v8;
	v4 =	vld.idx.msk [tilespmem:v5+s15+$0x0], $0xffff  }
0x2f8: {  	s29 =	sadd.s32 $0x80, s29;
	v5 =	vld.idx.msk [tilespmem:v7+s15+$0x0], $0xffff;
	[tilespmem:s26+$0xFFFFFFD0] =	vst v9  }
0x2f9: {  	[tilespmem:s26+$0xFFFFFFE0] =	vst v0  }
0x2fa: {  	[tilespmem:s26+$0xFFFFFFF0] =	vst v1  }
0x2fb: {  	[tilespmem:s26+$0x0] =	vst v2  }
0x2fc: {  	[tilespmem:s26+$0x10] =	vst v3  }
0x2fd: {  	[tilespmem:s26+$0x20] =	vst v4  }
0x2fe: {  	[tilespmem:s26+$0xFFFFFFC0] =	vst v5  }
0x2ff: {  	s25 =	rddreg [dreg:$0x18]  }
0x300: {  	[hbm4b:s25+s2] =	stream.linear.scatter [tilespmem:s16], [sflag:$0x1], $0x400, $0x38;
	[tilespmem:$0x9800] =	vst v63  }
0x301: {  	s26 =	rddreg [dreg:$0x19]  }
0x302: {  	[hbm4b:s26+s2] =	stream.linear.scatter [tilespmem:s17], [sflag:$0x2], $0x400, $0x38;
	[tilespmem:$0x9800] =	vst v63  }
0x303: {  	_ =	swait.ge [sflag:s22], $0x400  }
0x304: {  	[sflag:s22] =	ssyncset.done $0x0  }
0x305: {  	[sflag:s22] =	ssyncadd.s32 $0xFFFFFC00  }
0x306: {  	_ =	swait.ge [sflag:s23], $0x400  }
0x307: {  	[sflag:s23] =	ssyncset.done $0x0  }
0x308: {  	s26 =	simm.s32 $0x2C70;
	[sflag:s23] =	ssyncadd.s32 $0xFFFFFC00  }
0x309: {  	v0 =	vld [tilespmem:s26+$0x0]  }
0x30a: {  	v1 =	vld [tilespmem:s26+$0xFFFFFFA0]  }
0x30b: {  	v2 =	vld [tilespmem:s26+$0xFFFFFFB0]  }
0x30c: {  	v3 =	vld [tilespmem:s26+$0xFFFFFFC0]  }
0x30d: {  	v4 =	vld [tilespmem:s26+$0xFFFFFFD0]  }
0x30e: {  	v5 =	vld [tilespmem:s26+$0xFFFFFFE0]  }
0x30f: {  	v6 =	vld [tilespmem:s26+$0xFFFFFFF0]  }
0x310: {  	v7 =	vld [tilespmem:s26+$0xFFFFFF90]  }
0x311: {  	v8 =	vld.idx.msk [tilespmem:v0+s14+$0x0], $0xffff  }
0x312: {  	v9 =	vld.idx.msk [tilespmem:v1+s14+$0x0], $0xffff  }
0x313: {  	v10 =	vld.idx.msk [tilespmem:v2+s14+$0x0], $0xffff  }
0x314: {  	v11 =	vld.idx.msk [tilespmem:v3+s14+$0x0], $0xffff  }
0x315: {  	v12 =	vld.idx.msk [tilespmem:v4+s14+$0x0], $0xffff  }
0x316: {  	s25 =	simm.s32 $0x9040;
	v13 =	vld.idx.msk [tilespmem:v5+s14+$0x0], $0xffff  }
0x317: {  	v14 =	vld.idx.msk [tilespmem:v6+s14+$0x0], $0xffff;
	[tilespmem:s25+$0x30] =	vst v8  }
0x318: {  	v62 =	vld.idx.msk [tilespmem:v7+s14+$0x0], $0xffff;
	[tilespmem:s25+$0xFFFFFFD0] =	vst v9  }
0x319: {  	[tilespmem:s25+$0xFFFFFFE0] =	vst v10;
	v8 =	vld.idx.msk [tilespmem:v0+s15+$0x0], $0xffff  }
0x31a: {  	[tilespmem:s25+$0xFFFFFFF0] =	vst v11;
	v63 =	vld.idx.msk [tilespmem:v1+s15+$0x0], $0xffff  }
0x31b: {  	[tilespmem:s25+$0x0] =	vst v12;
	v0 =	vld.idx.msk [tilespmem:v2+s15+$0x0], $0xffff  }
0x31c: {  	[tilespmem:s25+$0x10] =	vst v13;
	v1 =	vld.idx.msk [tilespmem:v3+s15+$0x0], $0xffff  }
0x31d: {  	[tilespmem:s25+$0x20] =	vst v14;
	v2 =	vld.idx.msk [tilespmem:v4+s15+$0x0], $0xffff  }
0x31e: {  	s26 =	simm.s32 $0x9440;
	[tilespmem:s25+$0xFFFFFFC0] =	vst v62;
	v3 =	vld.idx.msk [tilespmem:v5+s15+$0x0], $0xffff  }
0x31f: {  	v4 =	vld.idx.msk [tilespmem:v6+s15+$0x0], $0xffff;
	[tilespmem:s26+$0x30] =	vst v8  }
0x320: {  	s28 =	simm.s32 $0x0;
	s29 =	simm.s32 $0x2CF0;
	v5 =	vld.idx.msk [tilespmem:v7+s15+$0x0], $0xffff;
	[tilespmem:s26+$0xFFFFFFD0] =	vst v63  }
.LBB2_24:
0x321: {  	v6 =	vld [tilespmem:s29+$0x0];
	s28 =	sadd.s32 $0x8, s28;
	[tilespmem:s26+$0xFFFFFFE0] =	vst v0  }
0x322: {  	v0 =	vld [tilespmem:s29+$0xFFFFFFA0];
	p0 =	slt.u32 s28, $0x38;
	[tilespmem:s26+$0xFFFFFFF0] =	vst v1  }
0x323: {  	v1 =	vld [tilespmem:s29+$0xFFFFFFB0];
	[tilespmem:s26+$0x0] =	vst v2  }
0x324: {  	v2 =	vld [tilespmem:s29+$0xFFFFFFC0];
	[tilespmem:s26+$0x10] =	vst v3  }
0x325: {  	v3 =	vld [tilespmem:s29+$0xFFFFFFD0];
	[tilespmem:s26+$0x20] =	vst v4  }
0x326: {  	v4 =	vld [tilespmem:s29+$0xFFFFFFE0];
	[tilespmem:s26+$0xFFFFFFC0] =	vst v5  }
0x327: {  	v5 =	vld [tilespmem:s29+$0xFFFFFFF0]  }
0x328: {  	v7 =	vld [tilespmem:s29+$0xFFFFFF90]  }
0x329: {  	v8 =	vld.idx.msk [tilespmem:v6+s14+$0x0], $0xffff  }
0x32a: {  	v9 =	vld.idx.msk [tilespmem:v0+s14+$0x0], $0xffff  }
0x32b: {  	v10 =	vld.idx.msk [tilespmem:v1+s14+$0x0], $0xffff  }
0x32c: {  	v11 =	vld.idx.msk [tilespmem:v2+s14+$0x0], $0xffff  }
0x32d: {  	v12 =	vld.idx.msk [tilespmem:v3+s14+$0x0], $0xffff  }
0x32e: {  	s25 =	sadd.s32 $0x80, s25;
	v13 =	vld.idx.msk [tilespmem:v4+s14+$0x0], $0xffff  }
0x32f: {  	v14 =	vld.idx.msk [tilespmem:v5+s14+$0x0], $0xffff;
	[tilespmem:s25+$0x30] =	vst v8  }
0x330: {  	[tilespmem:s25+$0xFFFFFFD0] =	vst v9;
	v6 =	vld.idx.msk [tilespmem:v6+s15+$0x0], $0xffff  }
0x331: {  	v8 =	vld.idx.msk [tilespmem:v7+s14+$0x0], $0xffff;
	[tilespmem:s25+$0xFFFFFFE0] =	vst v10  }
0x332: {  	v9 =	vld.idx.msk [tilespmem:v0+s15+$0x0], $0xffff;
	[tilespmem:s25+$0xFFFFFFF0] =	vst v11  }
0x333: {  	v0 =	vld.idx.msk [tilespmem:v1+s15+$0x0], $0xffff;
	[tilespmem:s25+$0x0] =	vst v12  }
.Ltmp11:
0x334: {  	v1 =	vld.idx.msk [tilespmem:v2+s15+$0x0], $0xffff;
	[tilespmem:s25+$0x10] =	vst v13;
	(pc) =	sbr.rel @p0 .LBB2_24-.Ltmp11, $4  }
0x335: {  	s26 =	sadd.s32 $0x80, s26;
	v2 =	vld.idx.msk [tilespmem:v3+s15+$0x0], $0xffff;
	[tilespmem:s25+$0x20] =	vst v14  }
0x336: {  	v3 =	vld.idx.msk [tilespmem:v4+s15+$0x0], $0xffff;
	[tilespmem:s26+$0x30] =	vst v6  }
0x337: {  	[tilespmem:s25+$0xFFFFFFC0] =	vst v8;
	v4 =	vld.idx.msk [tilespmem:v5+s15+$0x0], $0xffff  }
0x338: {  	s29 =	sadd.s32 $0x80, s29;
	v5 =	vld.idx.msk [tilespmem:v7+s15+$0x0], $0xffff;
	[tilespmem:s26+$0xFFFFFFD0] =	vst v9  }
0x339: {  	[tilespmem:s26+$0xFFFFFFE0] =	vst v0  }
0x33a: {  	[tilespmem:s26+$0xFFFFFFF0] =	vst v1  }
0x33b: {  	[tilespmem:s26+$0x0] =	vst v2  }
0x33c: {  	[tilespmem:s26+$0x10] =	vst v3  }
0x33d: {  	[tilespmem:s26+$0x20] =	vst v4  }
0x33e: {  	[tilespmem:s26+$0xFFFFFFC0] =	vst v5  }
0x33f: {  	s25 =	rddreg [dreg:$0x1a]  }
0x340: {  	[hbm4b:s25+s2] =	stream.linear.scatter [tilespmem:s18], [sflag:$0x3], $0x400, $0x38;
	[tilespmem:$0x9800] =	vst v63  }
0x341: {  	s26 =	rddreg [dreg:$0x1b]  }
0x342: {  	[hbm4b:s26+s2] =	stream.linear.scatter [tilespmem:s19], [sflag:$0x4], $0x400, $0x38;
	[tilespmem:$0x9800] =	vst v63  }
0x343: {  	_ =	swait.ge [sflag:s20], $0x400  }
0x344: {  	[sflag:s20] =	ssyncset.done $0x0  }
0x345: {  	[sflag:s20] =	ssyncadd.s32 $0xFFFFFC00  }
0x346: {  	_ =	swait.ge [sflag:s21], $0x400  }
0x347: {  	[sflag:s21] =	ssyncset.done $0x0  }
0x348: {  	s26 =	simm.s32 $0x3070;
	[sflag:s21] =	ssyncadd.s32 $0xFFFFFC00  }
0x349: {  	v0 =	vld [tilespmem:s26+$0x0]  }
0x34a: {  	v1 =	vld [tilespmem:s26+$0xFFFFFFA0]  }
0x34b: {  	v2 =	vld [tilespmem:s26+$0xFFFFFFB0]  }
0x34c: {  	v3 =	vld [tilespmem:s26+$0xFFFFFFC0]  }
0x34d: {  	v4 =	vld [tilespmem:s26+$0xFFFFFFD0]  }
0x34e: {  	v5 =	vld [tilespmem:s26+$0xFFFFFFE0]  }
0x34f: {  	v6 =	vld [tilespmem:s26+$0xFFFFFFF0]  }
0x350: {  	v7 =	vld [tilespmem:s26+$0xFFFFFF90]  }
0x351: {  	v8 =	vld.idx.msk [tilespmem:v0+s14+$0x0], $0xffff  }
0x352: {  	v9 =	vld.idx.msk [tilespmem:v1+s14+$0x0], $0xffff  }
0x353: {  	v10 =	vld.idx.msk [tilespmem:v2+s14+$0x0], $0xffff  }
0x354: {  	v11 =	vld.idx.msk [tilespmem:v3+s14+$0x0], $0xffff  }
0x355: {  	v12 =	vld.idx.msk [tilespmem:v4+s14+$0x0], $0xffff  }
0x356: {  	s25 =	simm.s32 $0x8840;
	v13 =	vld.idx.msk [tilespmem:v5+s14+$0x0], $0xffff  }
0x357: {  	v14 =	vld.idx.msk [tilespmem:v6+s14+$0x0], $0xffff;
	[tilespmem:s25+$0x30] =	vst v8  }
0x358: {  	v62 =	vld.idx.msk [tilespmem:v7+s14+$0x0], $0xffff;
	[tilespmem:s25+$0xFFFFFFD0] =	vst v9  }
0x359: {  	[tilespmem:s25+$0xFFFFFFE0] =	vst v10;
	v8 =	vld.idx.msk [tilespmem:v0+s15+$0x0], $0xffff  }
0x35a: {  	[tilespmem:s25+$0xFFFFFFF0] =	vst v11;
	v63 =	vld.idx.msk [tilespmem:v1+s15+$0x0], $0xffff  }
0x35b: {  	[tilespmem:s25+$0x0] =	vst v12;
	v0 =	vld.idx.msk [tilespmem:v2+s15+$0x0], $0xffff  }
0x35c: {  	[tilespmem:s25+$0x10] =	vst v13;
	v1 =	vld.idx.msk [tilespmem:v3+s15+$0x0], $0xffff  }
0x35d: {  	[tilespmem:s25+$0x20] =	vst v14;
	v2 =	vld.idx.msk [tilespmem:v4+s15+$0x0], $0xffff  }
0x35e: {  	s26 =	simm.s32 $0x8C40;
	[tilespmem:s25+$0xFFFFFFC0] =	vst v62;
	v3 =	vld.idx.msk [tilespmem:v5+s15+$0x0], $0xffff  }
0x35f: {  	v4 =	vld.idx.msk [tilespmem:v6+s15+$0x0], $0xffff;
	[tilespmem:s26+$0x30] =	vst v8  }
0x360: {  	s28 =	simm.s32 $0x0;
	s29 =	simm.s32 $0x30F0;
	v5 =	vld.idx.msk [tilespmem:v7+s15+$0x0], $0xffff;
	[tilespmem:s26+$0xFFFFFFD0] =	vst v63  }
.LBB2_26:
0x361: {  	v6 =	vld [tilespmem:s29+$0x0];
	s28 =	sadd.s32 $0x8, s28;
	[tilespmem:s26+$0xFFFFFFE0] =	vst v0  }
0x362: {  	v0 =	vld [tilespmem:s29+$0xFFFFFFA0];
	p0 =	slt.u32 s28, $0x38;
	[tilespmem:s26+$0xFFFFFFF0] =	vst v1  }
0x363: {  	v1 =	vld [tilespmem:s29+$0xFFFFFFB0];
	[tilespmem:s26+$0x0] =	vst v2  }
0x364: {  	v2 =	vld [tilespmem:s29+$0xFFFFFFC0];
	[tilespmem:s26+$0x10] =	vst v3  }
0x365: {  	v3 =	vld [tilespmem:s29+$0xFFFFFFD0];
	[tilespmem:s26+$0x20] =	vst v4  }
0x366: {  	v4 =	vld [tilespmem:s29+$0xFFFFFFE0];
	[tilespmem:s26+$0xFFFFFFC0] =	vst v5  }
0x367: {  	v5 =	vld [tilespmem:s29+$0xFFFFFFF0]  }
0x368: {  	v7 =	vld [tilespmem:s29+$0xFFFFFF90]  }
0x369: {  	v8 =	vld.idx.msk [tilespmem:v6+s14+$0x0], $0xffff  }
0x36a: {  	v9 =	vld.idx.msk [tilespmem:v0+s14+$0x0], $0xffff  }
0x36b: {  	v10 =	vld.idx.msk [tilespmem:v1+s14+$0x0], $0xffff  }
0x36c: {  	v11 =	vld.idx.msk [tilespmem:v2+s14+$0x0], $0xffff  }
0x36d: {  	v12 =	vld.idx.msk [tilespmem:v3+s14+$0x0], $0xffff  }
0x36e: {  	s25 =	sadd.s32 $0x80, s25;
	v13 =	vld.idx.msk [tilespmem:v4+s14+$0x0], $0xffff  }
0x36f: {  	v14 =	vld.idx.msk [tilespmem:v5+s14+$0x0], $0xffff;
	[tilespmem:s25+$0x30] =	vst v8  }
0x370: {  	[tilespmem:s25+$0xFFFFFFD0] =	vst v9;
	v6 =	vld.idx.msk [tilespmem:v6+s15+$0x0], $0xffff  }
0x371: {  	v8 =	vld.idx.msk [tilespmem:v7+s14+$0x0], $0xffff;
	[tilespmem:s25+$0xFFFFFFE0] =	vst v10  }
0x372: {  	v9 =	vld.idx.msk [tilespmem:v0+s15+$0x0], $0xffff;
	[tilespmem:s25+$0xFFFFFFF0] =	vst v11  }
0x373: {  	v0 =	vld.idx.msk [tilespmem:v1+s15+$0x0], $0xffff;
	[tilespmem:s25+$0x0] =	vst v12  }
.Ltmp12:
0x374: {  	v1 =	vld.idx.msk [tilespmem:v2+s15+$0x0], $0xffff;
	[tilespmem:s25+$0x10] =	vst v13;
	(pc) =	sbr.rel @p0 .LBB2_26-.Ltmp12, $4  }
0x375: {  	s26 =	sadd.s32 $0x80, s26;
	v2 =	vld.idx.msk [tilespmem:v3+s15+$0x0], $0xffff;
	[tilespmem:s25+$0x20] =	vst v14  }
0x376: {  	v3 =	vld.idx.msk [tilespmem:v4+s15+$0x0], $0xffff;
	[tilespmem:s26+$0x30] =	vst v6  }
0x377: {  	[tilespmem:s25+$0xFFFFFFC0] =	vst v8;
	v4 =	vld.idx.msk [tilespmem:v5+s15+$0x0], $0xffff  }
0x378: {  	s29 =	sadd.s32 $0x80, s29;
	v5 =	vld.idx.msk [tilespmem:v7+s15+$0x0], $0xffff;
	[tilespmem:s26+$0xFFFFFFD0] =	vst v9  }
0x379: {  	[tilespmem:s26+$0xFFFFFFE0] =	vst v0  }
0x37a: {  	[tilespmem:s26+$0xFFFFFFF0] =	vst v1  }
0x37b: {  	[tilespmem:s26+$0x0] =	vst v2  }
0x37c: {  	[tilespmem:s26+$0x10] =	vst v3  }
0x37d: {  	[tilespmem:s26+$0x20] =	vst v4  }
0x37e: {  	[tilespmem:s26+$0xFFFFFFC0] =	vst v5  }
0x37f: {  	s25 =	rddreg [dreg:$0x1c]  }
0x380: {  	[hbm4b:s25+s2] =	stream.linear.scatter [tilespmem:s16], [sflag:$0x1], $0x400, $0x38;
	[tilespmem:$0x9800] =	vst v63  }
0x381: {  	s26 =	rddreg [dreg:$0x1d]  }
0x382: {  	[hbm4b:s26+s2] =	stream.linear.scatter [tilespmem:s17], [sflag:$0x2], $0x400, $0x38;
	[tilespmem:$0x9800] =	vst v63  }
0x383: {  	_ =	swait.ge [sflag:s22], $0x400  }
0x384: {  	[sflag:s22] =	ssyncset.done $0x0  }
0x385: {  	[sflag:s22] =	ssyncadd.s32 $0xFFFFFC00  }
0x386: {  	_ =	swait.ge [sflag:s23], $0x400  }
0x387: {  	[sflag:s23] =	ssyncset.done $0x0  }
0x388: {  	s26 =	simm.s32 $0x3470;
	[sflag:s23] =	ssyncadd.s32 $0xFFFFFC00  }
0x389: {  	v0 =	vld [tilespmem:s26+$0x0]  }
0x38a: {  	v1 =	vld [tilespmem:s26+$0xFFFFFFA0]  }
0x38b: {  	v2 =	vld [tilespmem:s26+$0xFFFFFFB0]  }
0x38c: {  	v3 =	vld [tilespmem:s26+$0xFFFFFFC0]  }
0x38d: {  	v4 =	vld [tilespmem:s26+$0xFFFFFFD0]  }
0x38e: {  	v5 =	vld [tilespmem:s26+$0xFFFFFFE0]  }
0x38f: {  	v6 =	vld [tilespmem:s26+$0xFFFFFFF0]  }
0x390: {  	v7 =	vld [tilespmem:s26+$0xFFFFFF90]  }
0x391: {  	v8 =	vld.idx.msk [tilespmem:v0+s14+$0x0], $0xffff  }
0x392: {  	v9 =	vld.idx.msk [tilespmem:v1+s14+$0x0], $0xffff  }
0x393: {  	v10 =	vld.idx.msk [tilespmem:v2+s14+$0x0], $0xffff  }
0x394: {  	v11 =	vld.idx.msk [tilespmem:v3+s14+$0x0], $0xffff  }
0x395: {  	v12 =	vld.idx.msk [tilespmem:v4+s14+$0x0], $0xffff  }
0x396: {  	s25 =	simm.s32 $0x9040;
	v13 =	vld.idx.msk [tilespmem:v5+s14+$0x0], $0xffff  }
0x397: {  	v14 =	vld.idx.msk [tilespmem:v6+s14+$0x0], $0xffff;
	[tilespmem:s25+$0x30] =	vst v8  }
0x398: {  	v62 =	vld.idx.msk [tilespmem:v7+s14+$0x0], $0xffff;
	[tilespmem:s25+$0xFFFFFFD0] =	vst v9  }
0x399: {  	[tilespmem:s25+$0xFFFFFFE0] =	vst v10;
	v8 =	vld.idx.msk [tilespmem:v0+s15+$0x0], $0xffff  }
0x39a: {  	[tilespmem:s25+$0xFFFFFFF0] =	vst v11;
	v63 =	vld.idx.msk [tilespmem:v1+s15+$0x0], $0xffff  }
0x39b: {  	[tilespmem:s25+$0x0] =	vst v12;
	v0 =	vld.idx.msk [tilespmem:v2+s15+$0x0], $0xffff  }
0x39c: {  	[tilespmem:s25+$0x10] =	vst v13;
	v1 =	vld.idx.msk [tilespmem:v3+s15+$0x0], $0xffff  }
0x39d: {  	[tilespmem:s25+$0x20] =	vst v14;
	v2 =	vld.idx.msk [tilespmem:v4+s15+$0x0], $0xffff  }
0x39e: {  	s26 =	simm.s32 $0x9440;
	[tilespmem:s25+$0xFFFFFFC0] =	vst v62;
	v3 =	vld.idx.msk [tilespmem:v5+s15+$0x0], $0xffff  }
0x39f: {  	v4 =	vld.idx.msk [tilespmem:v6+s15+$0x0], $0xffff;
	[tilespmem:s26+$0x30] =	vst v8  }
0x3a0: {  	s28 =	simm.s32 $0x0;
	s29 =	simm.s32 $0x34F0;
	v5 =	vld.idx.msk [tilespmem:v7+s15+$0x0], $0xffff;
	[tilespmem:s26+$0xFFFFFFD0] =	vst v63  }
.LBB2_28:
0x3a1: {  	v6 =	vld [tilespmem:s29+$0x0];
	s28 =	sadd.s32 $0x8, s28;
	[tilespmem:s26+$0xFFFFFFE0] =	vst v0  }
0x3a2: {  	v0 =	vld [tilespmem:s29+$0xFFFFFFA0];
	p0 =	slt.u32 s28, $0x38;
	[tilespmem:s26+$0xFFFFFFF0] =	vst v1  }
0x3a3: {  	v1 =	vld [tilespmem:s29+$0xFFFFFFB0];
	[tilespmem:s26+$0x0] =	vst v2  }
0x3a4: {  	v2 =	vld [tilespmem:s29+$0xFFFFFFC0];
	[tilespmem:s26+$0x10] =	vst v3  }
0x3a5: {  	v3 =	vld [tilespmem:s29+$0xFFFFFFD0];
	[tilespmem:s26+$0x20] =	vst v4  }
0x3a6: {  	v4 =	vld [tilespmem:s29+$0xFFFFFFE0];
	[tilespmem:s26+$0xFFFFFFC0] =	vst v5  }
0x3a7: {  	v5 =	vld [tilespmem:s29+$0xFFFFFFF0]  }
0x3a8: {  	v7 =	vld [tilespmem:s29+$0xFFFFFF90]  }
0x3a9: {  	v8 =	vld.idx.msk [tilespmem:v6+s14+$0x0], $0xffff  }
0x3aa: {  	v9 =	vld.idx.msk [tilespmem:v0+s14+$0x0], $0xffff  }
0x3ab: {  	v10 =	vld.idx.msk [tilespmem:v1+s14+$0x0], $0xffff  }
0x3ac: {  	v11 =	vld.idx.msk [tilespmem:v2+s14+$0x0], $0xffff  }
0x3ad: {  	v12 =	vld.idx.msk [tilespmem:v3+s14+$0x0], $0xffff  }
0x3ae: {  	s25 =	sadd.s32 $0x80, s25;
	v13 =	vld.idx.msk [tilespmem:v4+s14+$0x0], $0xffff  }
0x3af: {  	v14 =	vld.idx.msk [tilespmem:v5+s14+$0x0], $0xffff;
	[tilespmem:s25+$0x30] =	vst v8  }
0x3b0: {  	[tilespmem:s25+$0xFFFFFFD0] =	vst v9;
	v6 =	vld.idx.msk [tilespmem:v6+s15+$0x0], $0xffff  }
0x3b1: {  	v8 =	vld.idx.msk [tilespmem:v7+s14+$0x0], $0xffff;
	[tilespmem:s25+$0xFFFFFFE0] =	vst v10  }
0x3b2: {  	v9 =	vld.idx.msk [tilespmem:v0+s15+$0x0], $0xffff;
	[tilespmem:s25+$0xFFFFFFF0] =	vst v11  }
0x3b3: {  	v0 =	vld.idx.msk [tilespmem:v1+s15+$0x0], $0xffff;
	[tilespmem:s25+$0x0] =	vst v12  }
.Ltmp13:
0x3b4: {  	v1 =	vld.idx.msk [tilespmem:v2+s15+$0x0], $0xffff;
	[tilespmem:s25+$0x10] =	vst v13;
	(pc) =	sbr.rel @p0 .LBB2_28-.Ltmp13, $4  }
0x3b5: {  	s26 =	sadd.s32 $0x80, s26;
	v2 =	vld.idx.msk [tilespmem:v3+s15+$0x0], $0xffff;
	[tilespmem:s25+$0x20] =	vst v14  }
0x3b6: {  	v3 =	vld.idx.msk [tilespmem:v4+s15+$0x0], $0xffff;
	[tilespmem:s26+$0x30] =	vst v6  }
0x3b7: {  	[tilespmem:s25+$0xFFFFFFC0] =	vst v8;
	v4 =	vld.idx.msk [tilespmem:v5+s15+$0x0], $0xffff  }
0x3b8: {  	s29 =	sadd.s32 $0x80, s29;
	v5 =	vld.idx.msk [tilespmem:v7+s15+$0x0], $0xffff;
	[tilespmem:s26+$0xFFFFFFD0] =	vst v9  }
0x3b9: {  	[tilespmem:s26+$0xFFFFFFE0] =	vst v0  }
0x3ba: {  	[tilespmem:s26+$0xFFFFFFF0] =	vst v1  }
0x3bb: {  	[tilespmem:s26+$0x0] =	vst v2  }
0x3bc: {  	[tilespmem:s26+$0x10] =	vst v3  }
0x3bd: {  	[tilespmem:s26+$0x20] =	vst v4  }
0x3be: {  	[tilespmem:s26+$0xFFFFFFC0] =	vst v5  }
0x3bf: {  	s25 =	rddreg [dreg:$0x1e]  }
0x3c0: {  	[hbm4b:s25+s2] =	stream.linear.scatter [tilespmem:s18], [sflag:$0x3], $0x400, $0x38;
	[tilespmem:$0x9800] =	vst v63  }
0x3c1: {  	s26 =	rddreg [dreg:$0x1f]  }
0x3c2: {  	[hbm4b:s26+s2] =	stream.linear.scatter [tilespmem:s19], [sflag:$0x4], $0x400, $0x38;
	[tilespmem:$0x9800] =	vst v63  }
0x3c3: {  	_ =	swait.ge [sflag:s20], $0x400  }
0x3c4: {  	[sflag:s20] =	ssyncset.done $0x0  }
0x3c5: {  	[sflag:s20] =	ssyncadd.s32 $0xFFFFFC00  }
0x3c6: {  	_ =	swait.ge [sflag:s21], $0x400  }
0x3c7: {  	[sflag:s21] =	ssyncset.done $0x0  }
0x3c8: {  	s26 =	simm.s32 $0x3870;
	[sflag:s21] =	ssyncadd.s32 $0xFFFFFC00  }
0x3c9: {  	v0 =	vld [tilespmem:s26+$0x0]  }
0x3ca: {  	v1 =	vld [tilespmem:s26+$0xFFFFFFA0]  }
0x3cb: {  	v2 =	vld [tilespmem:s26+$0xFFFFFFB0]  }
0x3cc: {  	v3 =	vld [tilespmem:s26+$0xFFFFFFC0]  }
0x3cd: {  	v4 =	vld [tilespmem:s26+$0xFFFFFFD0]  }
0x3ce: {  	v5 =	vld [tilespmem:s26+$0xFFFFFFE0]  }
0x3cf: {  	v6 =	vld [tilespmem:s26+$0xFFFFFFF0]  }
0x3d0: {  	v7 =	vld [tilespmem:s26+$0xFFFFFF90]  }
0x3d1: {  	v8 =	vld.idx.msk [tilespmem:v0+s14+$0x0], $0xffff  }
0x3d2: {  	v9 =	vld.idx.msk [tilespmem:v1+s14+$0x0], $0xffff  }
0x3d3: {  	v10 =	vld.idx.msk [tilespmem:v2+s14+$0x0], $0xffff  }
0x3d4: {  	v11 =	vld.idx.msk [tilespmem:v3+s14+$0x0], $0xffff  }
0x3d5: {  	v12 =	vld.idx.msk [tilespmem:v4+s14+$0x0], $0xffff  }
0x3d6: {  	s25 =	simm.s32 $0x8840;
	v13 =	vld.idx.msk [tilespmem:v5+s14+$0x0], $0xffff  }
0x3d7: {  	v14 =	vld.idx.msk [tilespmem:v6+s14+$0x0], $0xffff;
	[tilespmem:s25+$0x30] =	vst v8  }
0x3d8: {  	v62 =	vld.idx.msk [tilespmem:v7+s14+$0x0], $0xffff;
	[tilespmem:s25+$0xFFFFFFD0] =	vst v9  }
0x3d9: {  	[tilespmem:s25+$0xFFFFFFE0] =	vst v10;
	v8 =	vld.idx.msk [tilespmem:v0+s15+$0x0], $0xffff  }
0x3da: {  	[tilespmem:s25+$0xFFFFFFF0] =	vst v11;
	v63 =	vld.idx.msk [tilespmem:v1+s15+$0x0], $0xffff  }
0x3db: {  	[tilespmem:s25+$0x0] =	vst v12;
	v0 =	vld.idx.msk [tilespmem:v2+s15+$0x0], $0xffff  }
0x3dc: {  	[tilespmem:s25+$0x10] =	vst v13;
	v1 =	vld.idx.msk [tilespmem:v3+s15+$0x0], $0xffff  }
0x3dd: {  	[tilespmem:s25+$0x20] =	vst v14;
	v2 =	vld.idx.msk [tilespmem:v4+s15+$0x0], $0xffff  }
0x3de: {  	s26 =	simm.s32 $0x8C40;
	[tilespmem:s25+$0xFFFFFFC0] =	vst v62;
	v3 =	vld.idx.msk [tilespmem:v5+s15+$0x0], $0xffff  }
0x3df: {  	v4 =	vld.idx.msk [tilespmem:v6+s15+$0x0], $0xffff;
	[tilespmem:s26+$0x30] =	vst v8  }
0x3e0: {  	s28 =	simm.s32 $0x0;
	s29 =	simm.s32 $0x38F0;
	v5 =	vld.idx.msk [tilespmem:v7+s15+$0x0], $0xffff;
	[tilespmem:s26+$0xFFFFFFD0] =	vst v63  }
.LBB2_30:
0x3e1: {  	v6 =	vld [tilespmem:s29+$0x0];
	s28 =	sadd.s32 $0x8, s28;
	[tilespmem:s26+$0xFFFFFFE0] =	vst v0  }
0x3e2: {  	v0 =	vld [tilespmem:s29+$0xFFFFFFA0];
	p0 =	slt.u32 s28, $0x38;
	[tilespmem:s26+$0xFFFFFFF0] =	vst v1  }
0x3e3: {  	v1 =	vld [tilespmem:s29+$0xFFFFFFB0];
	[tilespmem:s26+$0x0] =	vst v2  }
0x3e4: {  	v2 =	vld [tilespmem:s29+$0xFFFFFFC0];
	[tilespmem:s26+$0x10] =	vst v3  }
0x3e5: {  	v3 =	vld [tilespmem:s29+$0xFFFFFFD0];
	[tilespmem:s26+$0x20] =	vst v4  }
0x3e6: {  	v4 =	vld [tilespmem:s29+$0xFFFFFFE0];
	[tilespmem:s26+$0xFFFFFFC0] =	vst v5  }
0x3e7: {  	v5 =	vld [tilespmem:s29+$0xFFFFFFF0]  }
0x3e8: {  	v7 =	vld [tilespmem:s29+$0xFFFFFF90]  }
0x3e9: {  	v8 =	vld.idx.msk [tilespmem:v6+s14+$0x0], $0xffff  }
0x3ea: {  	v9 =	vld.idx.msk [tilespmem:v0+s14+$0x0], $0xffff  }
0x3eb: {  	v10 =	vld.idx.msk [tilespmem:v1+s14+$0x0], $0xffff  }
0x3ec: {  	v11 =	vld.idx.msk [tilespmem:v2+s14+$0x0], $0xffff  }
0x3ed: {  	v12 =	vld.idx.msk [tilespmem:v3+s14+$0x0], $0xffff  }
0x3ee: {  	s25 =	sadd.s32 $0x80, s25;
	v13 =	vld.idx.msk [tilespmem:v4+s14+$0x0], $0xffff  }
0x3ef: {  	v14 =	vld.idx.msk [tilespmem:v5+s14+$0x0], $0xffff;
	[tilespmem:s25+$0x30] =	vst v8  }
0x3f0: {  	[tilespmem:s25+$0xFFFFFFD0] =	vst v9;
	v6 =	vld.idx.msk [tilespmem:v6+s15+$0x0], $0xffff  }
0x3f1: {  	v8 =	vld.idx.msk [tilespmem:v7+s14+$0x0], $0xffff;
	[tilespmem:s25+$0xFFFFFFE0] =	vst v10  }
0x3f2: {  	v9 =	vld.idx.msk [tilespmem:v0+s15+$0x0], $0xffff;
	[tilespmem:s25+$0xFFFFFFF0] =	vst v11  }
0x3f3: {  	v0 =	vld.idx.msk [tilespmem:v1+s15+$0x0], $0xffff;
	[tilespmem:s25+$0x0] =	vst v12  }
.Ltmp14:
0x3f4: {  	v1 =	vld.idx.msk [tilespmem:v2+s15+$0x0], $0xffff;
	[tilespmem:s25+$0x10] =	vst v13;
	(pc) =	sbr.rel @p0 .LBB2_30-.Ltmp14, $4  }
0x3f5: {  	s26 =	sadd.s32 $0x80, s26;
	v2 =	vld.idx.msk [tilespmem:v3+s15+$0x0], $0xffff;
	[tilespmem:s25+$0x20] =	vst v14  }
0x3f6: {  	v3 =	vld.idx.msk [tilespmem:v4+s15+$0x0], $0xffff;
	[tilespmem:s26+$0x30] =	vst v6  }
0x3f7: {  	[tilespmem:s25+$0xFFFFFFC0] =	vst v8;
	v4 =	vld.idx.msk [tilespmem:v5+s15+$0x0], $0xffff  }
0x3f8: {  	s29 =	sadd.s32 $0x80, s29;
	v5 =	vld.idx.msk [tilespmem:v7+s15+$0x0], $0xffff;
	[tilespmem:s26+$0xFFFFFFD0] =	vst v9  }
0x3f9: {  	[tilespmem:s26+$0xFFFFFFE0] =	vst v0  }
0x3fa: {  	[tilespmem:s26+$0xFFFFFFF0] =	vst v1  }
0x3fb: {  	[tilespmem:s26+$0x0] =	vst v2  }
0x3fc: {  	[tilespmem:s26+$0x10] =	vst v3  }
0x3fd: {  	[tilespmem:s26+$0x20] =	vst v4  }
0x3fe: {  	[tilespmem:s26+$0xFFFFFFC0] =	vst v5  }
0x3ff: {  	s25 =	sld [smem:$0x7E5];
	_ =	sdelay $0x1  }
0x400: {  	s26 =	sld [smem:$0x7E6]  }
0x401: {  	[hbm4b:s25+s2] =	stream.linear.scatter [tilespmem:s16], [sflag:$0x1], $0x400, $0x38;
	[tilespmem:$0x9800] =	vst v63  }
0x402: {  	_ = 	snop  }
0x403: {  	[hbm4b:s26+s2] =	stream.linear.scatter [tilespmem:s17], [sflag:$0x2], $0x400, $0x38;
	[tilespmem:$0x9800] =	vst v63  }
0x404: {  	_ =	swait.ge [sflag:s22], $0x400  }
0x405: {  	[sflag:s22] =	ssyncset.done $0x0  }
0x406: {  	[sflag:s22] =	ssyncadd.s32 $0xFFFFFC00  }
0x407: {  	_ =	swait.ge [sflag:s23], $0x400  }
0x408: {  	[sflag:s23] =	ssyncset.done $0x0  }
0x409: {  	s26 =	simm.s32 $0x3C70;
	[sflag:s23] =	ssyncadd.s32 $0xFFFFFC00  }
0x40a: {  	v0 =	vld [tilespmem:s26+$0x0]  }
0x40b: {  	v1 =	vld [tilespmem:s26+$0xFFFFFFA0]  }
0x40c: {  	v2 =	vld [tilespmem:s26+$0xFFFFFFB0]  }
0x40d: {  	v3 =	vld [tilespmem:s26+$0xFFFFFFC0]  }
0x40e: {  	v4 =	vld [tilespmem:s26+$0xFFFFFFD0]  }
0x40f: {  	v5 =	vld [tilespmem:s26+$0xFFFFFFE0]  }
0x410: {  	v6 =	vld [tilespmem:s26+$0xFFFFFFF0]  }
0x411: {  	v7 =	vld [tilespmem:s26+$0xFFFFFF90]  }
0x412: {  	v8 =	vld.idx.msk [tilespmem:v0+s14+$0x0], $0xffff  }
0x413: {  	v9 =	vld.idx.msk [tilespmem:v1+s14+$0x0], $0xffff  }
0x414: {  	v10 =	vld.idx.msk [tilespmem:v2+s14+$0x0], $0xffff  }
0x415: {  	v11 =	vld.idx.msk [tilespmem:v3+s14+$0x0], $0xffff  }
0x416: {  	v12 =	vld.idx.msk [tilespmem:v4+s14+$0x0], $0xffff  }
0x417: {  	s25 =	simm.s32 $0x9040;
	v13 =	vld.idx.msk [tilespmem:v5+s14+$0x0], $0xffff  }
0x418: {  	v14 =	vld.idx.msk [tilespmem:v6+s14+$0x0], $0xffff;
	[tilespmem:s25+$0x30] =	vst v8  }
0x419: {  	v62 =	vld.idx.msk [tilespmem:v7+s14+$0x0], $0xffff;
	[tilespmem:s25+$0xFFFFFFD0] =	vst v9  }
0x41a: {  	[tilespmem:s25+$0xFFFFFFE0] =	vst v10;
	v8 =	vld.idx.msk [tilespmem:v0+s15+$0x0], $0xffff  }
0x41b: {  	[tilespmem:s25+$0xFFFFFFF0] =	vst v11;
	v63 =	vld.idx.msk [tilespmem:v1+s15+$0x0], $0xffff  }
0x41c: {  	[tilespmem:s25+$0x0] =	vst v12;
	v0 =	vld.idx.msk [tilespmem:v2+s15+$0x0], $0xffff  }
0x41d: {  	[tilespmem:s25+$0x10] =	vst v13;
	v1 =	vld.idx.msk [tilespmem:v3+s15+$0x0], $0xffff  }
0x41e: {  	[tilespmem:s25+$0x20] =	vst v14;
	v2 =	vld.idx.msk [tilespmem:v4+s15+$0x0], $0xffff  }
0x41f: {  	s26 =	simm.s32 $0x9440;
	[tilespmem:s25+$0xFFFFFFC0] =	vst v62;
	v3 =	vld.idx.msk [tilespmem:v5+s15+$0x0], $0xffff  }
0x420: {  	v4 =	vld.idx.msk [tilespmem:v6+s15+$0x0], $0xffff;
	[tilespmem:s26+$0x30] =	vst v8  }
0x421: {  	s28 =	simm.s32 $0x0;
	s29 =	simm.s32 $0x3CF0;
	v5 =	vld.idx.msk [tilespmem:v7+s15+$0x0], $0xffff;
	[tilespmem:s26+$0xFFFFFFD0] =	vst v63  }
.LBB2_32:
0x422: {  	v6 =	vld [tilespmem:s29+$0x0];
	s28 =	sadd.s32 $0x8, s28;
	[tilespmem:s26+$0xFFFFFFE0] =	vst v0  }
0x423: {  	v0 =	vld [tilespmem:s29+$0xFFFFFFA0];
	p0 =	slt.u32 s28, $0x38;
	[tilespmem:s26+$0xFFFFFFF0] =	vst v1  }
0x424: {  	v1 =	vld [tilespmem:s29+$0xFFFFFFB0];
	[tilespmem:s26+$0x0] =	vst v2  }
0x425: {  	v2 =	vld [tilespmem:s29+$0xFFFFFFC0];
	[tilespmem:s26+$0x10] =	vst v3  }
0x426: {  	v3 =	vld [tilespmem:s29+$0xFFFFFFD0];
	[tilespmem:s26+$0x20] =	vst v4  }
0x427: {  	v4 =	vld [tilespmem:s29+$0xFFFFFFE0];
	[tilespmem:s26+$0xFFFFFFC0] =	vst v5  }
0x428: {  	v5 =	vld [tilespmem:s29+$0xFFFFFFF0]  }
0x429: {  	v7 =	vld [tilespmem:s29+$0xFFFFFF90]  }
0x42a: {  	v8 =	vld.idx.msk [tilespmem:v6+s14+$0x0], $0xffff  }
0x42b: {  	v9 =	vld.idx.msk [tilespmem:v0+s14+$0x0], $0xffff  }
0x42c: {  	v10 =	vld.idx.msk [tilespmem:v1+s14+$0x0], $0xffff  }
0x42d: {  	v11 =	vld.idx.msk [tilespmem:v2+s14+$0x0], $0xffff  }
0x42e: {  	v12 =	vld.idx.msk [tilespmem:v3+s14+$0x0], $0xffff  }
0x42f: {  	s25 =	sadd.s32 $0x80, s25;
	v13 =	vld.idx.msk [tilespmem:v4+s14+$0x0], $0xffff  }
0x430: {  	v14 =	vld.idx.msk [tilespmem:v5+s14+$0x0], $0xffff;
	[tilespmem:s25+$0x30] =	vst v8  }
0x431: {  	[tilespmem:s25+$0xFFFFFFD0] =	vst v9;
	v6 =	vld.idx.msk [tilespmem:v6+s15+$0x0], $0xffff  }
0x432: {  	v8 =	vld.idx.msk [tilespmem:v7+s14+$0x0], $0xffff;
	[tilespmem:s25+$0xFFFFFFE0] =	vst v10  }
0x433: {  	v9 =	vld.idx.msk [tilespmem:v0+s15+$0x0], $0xffff;
	[tilespmem:s25+$0xFFFFFFF0] =	vst v11  }
0x434: {  	v0 =	vld.idx.msk [tilespmem:v1+s15+$0x0], $0xffff;
	[tilespmem:s25+$0x0] =	vst v12  }
.Ltmp15:
0x435: {  	v1 =	vld.idx.msk [tilespmem:v2+s15+$0x0], $0xffff;
	[tilespmem:s25+$0x10] =	vst v13;
	(pc) =	sbr.rel @p0 .LBB2_32-.Ltmp15, $4  }
0x436: {  	s26 =	sadd.s32 $0x80, s26;
	v2 =	vld.idx.msk [tilespmem:v3+s15+$0x0], $0xffff;
	[tilespmem:s25+$0x20] =	vst v14  }
0x437: {  	v3 =	vld.idx.msk [tilespmem:v4+s15+$0x0], $0xffff;
	[tilespmem:s26+$0x30] =	vst v6  }
0x438: {  	[tilespmem:s25+$0xFFFFFFC0] =	vst v8;
	v4 =	vld.idx.msk [tilespmem:v5+s15+$0x0], $0xffff  }
0x439: {  	s29 =	sadd.s32 $0x80, s29;
	v5 =	vld.idx.msk [tilespmem:v7+s15+$0x0], $0xffff;
	[tilespmem:s26+$0xFFFFFFD0] =	vst v9  }
0x43a: {  	[tilespmem:s26+$0xFFFFFFE0] =	vst v0  }
0x43b: {  	[tilespmem:s26+$0xFFFFFFF0] =	vst v1  }
0x43c: {  	[tilespmem:s26+$0x0] =	vst v2  }
0x43d: {  	[tilespmem:s26+$0x10] =	vst v3  }
0x43e: {  	[tilespmem:s26+$0x20] =	vst v4  }
0x43f: {  	[tilespmem:s26+$0xFFFFFFC0] =	vst v5  }
0x440: {  	s26 =	sld [smem:$0x7E7];
	_ =	sdelay $0x1  }
0x441: {  	s25 =	simm.s32 $0x0;
	s29 =	sld [smem:$0x7E8]  }
0x442: {  	[hbm4b:s26+s25] =	stream.linear.scatter [tilespmem:s18], [sflag:$0x3], $0x400, $0x38;
	[tilespmem:$0x9800] =	vst v63  }
0x443: {  	_ = 	snop  }
0x444: {  	[hbm4b:s29+s25] =	stream.linear.scatter [tilespmem:s19], [sflag:$0x4], $0x400, $0x38;
	[tilespmem:$0x9800] =	vst v63  }
0x445: {  	_ =	swait.ge [sflag:s20], $0x400  }
0x446: {  	[sflag:s20] =	ssyncset.done $0x0  }
0x447: {  	[sflag:s20] =	ssyncadd.s32 $0xFFFFFC00  }
0x448: {  	_ =	swait.ge [sflag:s21], $0x400  }
0x449: {  	[sflag:s21] =	ssyncset.done $0x0  }
0x44a: {  	s25 =	simm.s32 $0x0;
	[sflag:s21] =	ssyncadd.s32 $0xFFFFFC00  }
0x44b: {  	v1 =	vld [tilespmem:s25+$0x4070]  }
0x44c: {  	v2 =	vld [tilespmem:s25+$0x4000]  }
0x44d: {  	v4 =	vld [tilespmem:s25+$0x4010]  }
0x44e: {  	v5 =	vld [tilespmem:s25+$0x4020]  }
0x44f: {  	v6 =	vld [tilespmem:s25+$0x4030]  }
0x450: {  	v7 =	vld [tilespmem:s25+$0x4040]  }
0x451: {  	v8 =	vld [tilespmem:s25+$0x4050]  }
0x452: {  	v0 =	vld [tilespmem:s25+$0x4060]  }
0x453: {  	v3 =	vld.idx.msk [tilespmem:v1+s14+$0x0], $0xffff  }
0x454: {  	v9 =	vld.idx.msk [tilespmem:v2+s14+$0x0], $0xffff  }
0x455: {  	v10 =	vld.idx.msk [tilespmem:v4+s14+$0x0], $0xffff  }
0x456: {  	v11 =	vld.idx.msk [tilespmem:v5+s14+$0x0], $0xffff  }
0x457: {  	v12 =	vld.idx.msk [tilespmem:v6+s14+$0x0], $0xffff  }
0x458: {  	v13 =	vld.idx.msk [tilespmem:v7+s14+$0x0], $0xffff  }
0x459: {  	v14 =	vld.idx.msk [tilespmem:v8+s14+$0x0], $0xffff;
	[tilespmem:s25+$0x8870] =	vst v3  }
0x45a: {  	v63 =	vld.idx.msk [tilespmem:v0+s14+$0x0], $0xffff;
	[tilespmem:s25+$0x8800] =	vst v9  }
0x45b: {  	[tilespmem:s25+$0x8810] =	vst v10;
	v62 =	vld.idx.msk [tilespmem:v1+s15+$0x0], $0xffff  }
0x45c: {  	[tilespmem:s25+$0x8820] =	vst v11;
	v3 =	vld.idx.msk [tilespmem:v2+s15+$0x0], $0xffff  }
0x45d: {  	[tilespmem:s25+$0x8830] =	vst v12;
	v1 =	vld.idx.msk [tilespmem:v4+s15+$0x0], $0xffff  }
0x45e: {  	[tilespmem:s25+$0x8840] =	vst v13;
	v2 =	vld.idx.msk [tilespmem:v5+s15+$0x0], $0xffff  }
0x45f: {  	[tilespmem:s25+$0x8850] =	vst v14;
	v4 =	vld.idx.msk [tilespmem:v6+s15+$0x0], $0xffff  }
0x460: {  	[tilespmem:s25+$0x8860] =	vst v63;
	v5 =	vld.idx.msk [tilespmem:v7+s15+$0x0], $0xffff  }
0x461: {  	s28 =	simm.s32 $0x200;
	s26 =	simm.s32 $0x0;
	v6 =	vld.idx.msk [tilespmem:v8+s15+$0x0], $0xffff;
	[tilespmem:s25+$0x8C70] =	vst v62  }
.LBB2_34:
0x462: {  	s29 =	sshra.s32 s28, $0x2;
	s26 =	sadd.s32 $0x8, s26;
	[tilespmem:s25+$0x8C00] =	vst v3;
	v0 =	vld.idx.msk [tilespmem:v0+s15+$0x0], $0xffff  }
0x463: {  	v3 =	vld [tilespmem:s29+$0x4070];
	p0 =	slt.u32 s26, $0x38;
	[tilespmem:s25+$0x8C10] =	vst v1  }
0x464: {  	v1 =	vld [tilespmem:s29+$0x4000];
	[tilespmem:s25+$0x8C20] =	vst v2  }
0x465: {  	v2 =	vld [tilespmem:s29+$0x4010];
	[tilespmem:s25+$0x8C30] =	vst v4  }
0x466: {  	v4 =	vld [tilespmem:s29+$0x4020];
	[tilespmem:s25+$0x8C40] =	vst v5  }
0x467: {  	v5 =	vld [tilespmem:s29+$0x4030];
	[tilespmem:s25+$0x8C50] =	vst v6  }
0x468: {  	v6 =	vld [tilespmem:s29+$0x4040];
	[tilespmem:s25+$0x8C60] =	vst v0;
	s25 =	smov.u32 s29  }
0x469: {  	v7 =	vld [tilespmem:s25+$0x4050]  }
0x46a: {  	v0 =	vld [tilespmem:s25+$0x4060]  }
0x46b: {  	v8 =	vld.idx.msk [tilespmem:v3+s14+$0x0], $0xffff  }
0x46c: {  	v9 =	vld.idx.msk [tilespmem:v1+s14+$0x0], $0xffff  }
0x46d: {  	v10 =	vld.idx.msk [tilespmem:v2+s14+$0x0], $0xffff  }
0x46e: {  	v11 =	vld.idx.msk [tilespmem:v4+s14+$0x0], $0xffff  }
0x46f: {  	v12 =	vld.idx.msk [tilespmem:v5+s14+$0x0], $0xffff  }
0x470: {  	v13 =	vld.idx.msk [tilespmem:v6+s14+$0x0], $0xffff  }
0x471: {  	v14 =	vld.idx.msk [tilespmem:v7+s14+$0x0], $0xffff;
	[tilespmem:s25+$0x8870] =	vst v8  }
0x472: {  	[tilespmem:s25+$0x8800] =	vst v9;
	v8 =	vld.idx.msk [tilespmem:v3+s15+$0x0], $0xffff  }
0x473: {  	[tilespmem:s25+$0x8810] =	vst v10;
	v9 =	vld.idx.msk [tilespmem:v0+s14+$0x0], $0xffff  }
0x474: {  	v3 =	vld.idx.msk [tilespmem:v1+s15+$0x0], $0xffff;
	[tilespmem:s25+$0x8820] =	vst v11  }
.Ltmp16:
0x475: {  	v1 =	vld.idx.msk [tilespmem:v2+s15+$0x0], $0xffff;
	[tilespmem:s25+$0x8830] =	vst v12;
	(pc) =	sbr.rel @p0 .LBB2_34-.Ltmp16, $4  }
0x476: {  	v2 =	vld.idx.msk [tilespmem:v4+s15+$0x0], $0xffff;
	[tilespmem:s25+$0x8840] =	vst v13  }
0x477: {  	v4 =	vld.idx.msk [tilespmem:v5+s15+$0x0], $0xffff;
	[tilespmem:s25+$0x8850] =	vst v14  }
0x478: {  	v5 =	vld.idx.msk [tilespmem:v6+s15+$0x0], $0xffff;
	[tilespmem:s25+$0x8C70] =	vst v8  }
0x479: {  	s28 =	sadd.s32 $0x200, s28;
	v6 =	vld.idx.msk [tilespmem:v7+s15+$0x0], $0xffff;
	[tilespmem:s25+$0x8860] =	vst v9  }
0x47a: {  	_ =	sdelay $0x2  }
0x47b: {  	[tilespmem:s25+$0x8C00] =	vst v3  }
0x47c: {  	v0 =	vld.idx.msk [tilespmem:v0+s15+$0x0], $0xffff;
	[tilespmem:s25+$0x8C10] =	vst v1  }
0x47d: {  	[tilespmem:s25+$0x8C20] =	vst v2  }
0x47e: {  	[tilespmem:s25+$0x8C30] =	vst v4  }
0x47f: {  	[tilespmem:s25+$0x8C40] =	vst v5  }
0x480: {  	[tilespmem:s25+$0x8C50] =	vst v6  }
0x481: {  	[tilespmem:s25+$0x8C60] =	vst v0  }
0x482: {  	s26 =	sld [smem:$0x7E9];
	_ =	sdelay $0x1  }
0x483: {  	s25 =	simm.s32 $0x0;
	s29 =	sld [smem:$0x7EA]  }
0x484: {  	[hbm4b:s26+s25] =	stream.linear.scatter [tilespmem:s16], [sflag:$0x1], $0x400, $0x38;
	[tilespmem:$0x9800] =	vst v63  }
0x485: {  	_ = 	snop  }
0x486: {  	[hbm4b:s29+s25] =	stream.linear.scatter [tilespmem:s17], [sflag:$0x2], $0x400, $0x38;
	[tilespmem:$0x9800] =	vst v63  }
0x487: {  	_ =	swait.ge [sflag:s22], $0x400  }
0x488: {  	[sflag:s22] =	ssyncset.done $0x0  }
0x489: {  	[sflag:s22] =	ssyncadd.s32 $0xFFFFFC00  }
0x48a: {  	_ =	swait.ge [sflag:s23], $0x400  }
0x48b: {  	[sflag:s23] =	ssyncset.done $0x0  }
0x48c: {  	s25 =	simm.s32 $0x0;
	[sflag:s23] =	ssyncadd.s32 $0xFFFFFC00  }
0x48d: {  	v1 =	vld [tilespmem:s25+$0x4470]  }
0x48e: {  	v2 =	vld [tilespmem:s25+$0x4400]  }
0x48f: {  	v4 =	vld [tilespmem:s25+$0x4410]  }
0x490: {  	v5 =	vld [tilespmem:s25+$0x4420]  }
0x491: {  	v6 =	vld [tilespmem:s25+$0x4430]  }
0x492: {  	v7 =	vld [tilespmem:s25+$0x4440]  }
0x493: {  	v8 =	vld [tilespmem:s25+$0x4450]  }
0x494: {  	v0 =	vld [tilespmem:s25+$0x4460]  }
0x495: {  	v3 =	vld.idx.msk [tilespmem:v1+s14+$0x0], $0xffff  }
0x496: {  	v9 =	vld.idx.msk [tilespmem:v2+s14+$0x0], $0xffff  }
0x497: {  	v10 =	vld.idx.msk [tilespmem:v4+s14+$0x0], $0xffff  }
0x498: {  	v11 =	vld.idx.msk [tilespmem:v5+s14+$0x0], $0xffff  }
0x499: {  	v12 =	vld.idx.msk [tilespmem:v6+s14+$0x0], $0xffff  }
0x49a: {  	v13 =	vld.idx.msk [tilespmem:v7+s14+$0x0], $0xffff  }
0x49b: {  	v14 =	vld.idx.msk [tilespmem:v8+s14+$0x0], $0xffff;
	[tilespmem:s25+$0x9070] =	vst v3  }
0x49c: {  	v63 =	vld.idx.msk [tilespmem:v0+s14+$0x0], $0xffff;
	[tilespmem:s25+$0x9000] =	vst v9  }
0x49d: {  	[tilespmem:s25+$0x9010] =	vst v10;
	v62 =	vld.idx.msk [tilespmem:v1+s15+$0x0], $0xffff  }
0x49e: {  	[tilespmem:s25+$0x9020] =	vst v11;
	v3 =	vld.idx.msk [tilespmem:v2+s15+$0x0], $0xffff  }
0x49f: {  	[tilespmem:s25+$0x9030] =	vst v12;
	v1 =	vld.idx.msk [tilespmem:v4+s15+$0x0], $0xffff  }
0x4a0: {  	[tilespmem:s25+$0x9040] =	vst v13;
	v2 =	vld.idx.msk [tilespmem:v5+s15+$0x0], $0xffff  }
0x4a1: {  	[tilespmem:s25+$0x9050] =	vst v14;
	v4 =	vld.idx.msk [tilespmem:v6+s15+$0x0], $0xffff  }
0x4a2: {  	[tilespmem:s25+$0x9060] =	vst v63;
	v5 =	vld.idx.msk [tilespmem:v7+s15+$0x0], $0xffff  }
0x4a3: {  	s28 =	simm.s32 $0x200;
	s26 =	simm.s32 $0x0;
	v6 =	vld.idx.msk [tilespmem:v8+s15+$0x0], $0xffff;
	[tilespmem:s25+$0x9470] =	vst v62  }
.LBB2_36:
0x4a4: {  	s29 =	sshra.s32 s28, $0x2;
	s26 =	sadd.s32 $0x8, s26;
	[tilespmem:s25+$0x9400] =	vst v3;
	v0 =	vld.idx.msk [tilespmem:v0+s15+$0x0], $0xffff  }
0x4a5: {  	v3 =	vld [tilespmem:s29+$0x4470];
	p0 =	slt.u32 s26, $0x38;
	[tilespmem:s25+$0x9410] =	vst v1  }
0x4a6: {  	v1 =	vld [tilespmem:s29+$0x4400];
	[tilespmem:s25+$0x9420] =	vst v2  }
0x4a7: {  	v2 =	vld [tilespmem:s29+$0x4410];
	[tilespmem:s25+$0x9430] =	vst v4  }
0x4a8: {  	v4 =	vld [tilespmem:s29+$0x4420];
	[tilespmem:s25+$0x9440] =	vst v5  }
0x4a9: {  	v5 =	vld [tilespmem:s29+$0x4430];
	[tilespmem:s25+$0x9450] =	vst v6  }
0x4aa: {  	v6 =	vld [tilespmem:s29+$0x4440];
	[tilespmem:s25+$0x9460] =	vst v0;
	s25 =	smov.u32 s29  }
0x4ab: {  	v7 =	vld [tilespmem:s25+$0x4450]  }
0x4ac: {  	v0 =	vld [tilespmem:s25+$0x4460]  }
0x4ad: {  	v8 =	vld.idx.msk [tilespmem:v3+s14+$0x0], $0xffff  }
0x4ae: {  	v9 =	vld.idx.msk [tilespmem:v1+s14+$0x0], $0xffff  }
0x4af: {  	v10 =	vld.idx.msk [tilespmem:v2+s14+$0x0], $0xffff  }
0x4b0: {  	v11 =	vld.idx.msk [tilespmem:v4+s14+$0x0], $0xffff  }
0x4b1: {  	v12 =	vld.idx.msk [tilespmem:v5+s14+$0x0], $0xffff  }
0x4b2: {  	v13 =	vld.idx.msk [tilespmem:v6+s14+$0x0], $0xffff  }
0x4b3: {  	v14 =	vld.idx.msk [tilespmem:v7+s14+$0x0], $0xffff;
	[tilespmem:s25+$0x9070] =	vst v8  }
0x4b4: {  	[tilespmem:s25+$0x9000] =	vst v9;
	v8 =	vld.idx.msk [tilespmem:v3+s15+$0x0], $0xffff  }
0x4b5: {  	[tilespmem:s25+$0x9010] =	vst v10;
	v9 =	vld.idx.msk [tilespmem:v0+s14+$0x0], $0xffff  }
0x4b6: {  	v3 =	vld.idx.msk [tilespmem:v1+s15+$0x0], $0xffff;
	[tilespmem:s25+$0x9020] =	vst v11  }
.Ltmp17:
0x4b7: {  	v1 =	vld.idx.msk [tilespmem:v2+s15+$0x0], $0xffff;
	[tilespmem:s25+$0x9030] =	vst v12;
	(pc) =	sbr.rel @p0 .LBB2_36-.Ltmp17, $4  }
0x4b8: {  	v2 =	vld.idx.msk [tilespmem:v4+s15+$0x0], $0xffff;
	[tilespmem:s25+$0x9040] =	vst v13  }
0x4b9: {  	v4 =	vld.idx.msk [tilespmem:v5+s15+$0x0], $0xffff;
	[tilespmem:s25+$0x9050] =	vst v14  }
0x4ba: {  	v5 =	vld.idx.msk [tilespmem:v6+s15+$0x0], $0xffff;
	[tilespmem:s25+$0x9470] =	vst v8  }
0x4bb: {  	s28 =	sadd.s32 $0x200, s28;
	v6 =	vld.idx.msk [tilespmem:v7+s15+$0x0], $0xffff;
	[tilespmem:s25+$0x9060] =	vst v9  }
0x4bc: {  	_ =	sdelay $0x2  }
0x4bd: {  	[tilespmem:s25+$0x9400] =	vst v3  }
0x4be: {  	v0 =	vld.idx.msk [tilespmem:v0+s15+$0x0], $0xffff;
	[tilespmem:s25+$0x9410] =	vst v1  }
0x4bf: {  	[tilespmem:s25+$0x9420] =	vst v2  }
0x4c0: {  	[tilespmem:s25+$0x9430] =	vst v4  }
0x4c1: {  	[tilespmem:s25+$0x9440] =	vst v5  }
0x4c2: {  	[tilespmem:s25+$0x9450] =	vst v6  }
0x4c3: {  	[tilespmem:s25+$0x9460] =	vst v0  }
0x4c4: {  	s26 =	sld [smem:$0x7EB];
	_ =	sdelay $0x1  }
0x4c5: {  	s25 =	simm.s32 $0x0;
	s29 =	sld [smem:$0x7EC]  }
0x4c6: {  	[hbm4b:s26+s25] =	stream.linear.scatter [tilespmem:s18], [sflag:$0x3], $0x400, $0x38;
	[tilespmem:$0x9800] =	vst v63  }
0x4c7: {  	_ = 	snop  }
0x4c8: {  	[hbm4b:s29+s25] =	stream.linear.scatter [tilespmem:s19], [sflag:$0x4], $0x400, $0x38;
	[tilespmem:$0x9800] =	vst v63  }
0x4c9: {  	_ =	swait.ge [sflag:s20], $0x400  }
0x4ca: {  	[sflag:s20] =	ssyncset.done $0x0  }
0x4cb: {  	[sflag:s20] =	ssyncadd.s32 $0xFFFFFC00  }
0x4cc: {  	_ =	swait.ge [sflag:s21], $0x400  }
0x4cd: {  	[sflag:s21] =	ssyncset.done $0x0  }
0x4ce: {  	s25 =	simm.s32 $0x0;
	[sflag:s21] =	ssyncadd.s32 $0xFFFFFC00  }
0x4cf: {  	v1 =	vld [tilespmem:s25+$0x4870]  }
0x4d0: {  	v2 =	vld [tilespmem:s25+$0x4800]  }
0x4d1: {  	v4 =	vld [tilespmem:s25+$0x4810]  }
0x4d2: {  	v5 =	vld [tilespmem:s25+$0x4820]  }
0x4d3: {  	v6 =	vld [tilespmem:s25+$0x4830]  }
0x4d4: {  	v7 =	vld [tilespmem:s25+$0x4840]  }
0x4d5: {  	v8 =	vld [tilespmem:s25+$0x4850]  }
0x4d6: {  	v0 =	vld [tilespmem:s25+$0x4860]  }
0x4d7: {  	v3 =	vld.idx.msk [tilespmem:v1+s14+$0x0], $0xffff  }
0x4d8: {  	v9 =	vld.idx.msk [tilespmem:v2+s14+$0x0], $0xffff  }
0x4d9: {  	v10 =	vld.idx.msk [tilespmem:v4+s14+$0x0], $0xffff  }
0x4da: {  	v11 =	vld.idx.msk [tilespmem:v5+s14+$0x0], $0xffff  }
0x4db: {  	v12 =	vld.idx.msk [tilespmem:v6+s14+$0x0], $0xffff  }
0x4dc: {  	v13 =	vld.idx.msk [tilespmem:v7+s14+$0x0], $0xffff  }
0x4dd: {  	v14 =	vld.idx.msk [tilespmem:v8+s14+$0x0], $0xffff;
	[tilespmem:s25+$0x8870] =	vst v3  }
0x4de: {  	v63 =	vld.idx.msk [tilespmem:v0+s14+$0x0], $0xffff;
	[tilespmem:s25+$0x8800] =	vst v9  }
0x4df: {  	[tilespmem:s25+$0x8810] =	vst v10;
	v62 =	vld.idx.msk [tilespmem:v1+s15+$0x0], $0xffff  }
0x4e0: {  	[tilespmem:s25+$0x8820] =	vst v11;
	v3 =	vld.idx.msk [tilespmem:v2+s15+$0x0], $0xffff  }
0x4e1: {  	[tilespmem:s25+$0x8830] =	vst v12;
	v1 =	vld.idx.msk [tilespmem:v4+s15+$0x0], $0xffff  }
0x4e2: {  	[tilespmem:s25+$0x8840] =	vst v13;
	v2 =	vld.idx.msk [tilespmem:v5+s15+$0x0], $0xffff  }
0x4e3: {  	[tilespmem:s25+$0x8850] =	vst v14;
	v4 =	vld.idx.msk [tilespmem:v6+s15+$0x0], $0xffff  }
0x4e4: {  	[tilespmem:s25+$0x8860] =	vst v63;
	v5 =	vld.idx.msk [tilespmem:v7+s15+$0x0], $0xffff  }
0x4e5: {  	s28 =	simm.s32 $0x200;
	s26 =	simm.s32 $0x0;
	v6 =	vld.idx.msk [tilespmem:v8+s15+$0x0], $0xffff;
	[tilespmem:s25+$0x8C70] =	vst v62  }
.LBB2_38:
0x4e6: {  	s29 =	sshra.s32 s28, $0x2;
	s26 =	sadd.s32 $0x8, s26;
	[tilespmem:s25+$0x8C00] =	vst v3;
	v0 =	vld.idx.msk [tilespmem:v0+s15+$0x0], $0xffff  }
0x4e7: {  	v3 =	vld [tilespmem:s29+$0x4870];
	p0 =	slt.u32 s26, $0x38;
	[tilespmem:s25+$0x8C10] =	vst v1  }
0x4e8: {  	v1 =	vld [tilespmem:s29+$0x4800];
	[tilespmem:s25+$0x8C20] =	vst v2  }
0x4e9: {  	v2 =	vld [tilespmem:s29+$0x4810];
	[tilespmem:s25+$0x8C30] =	vst v4  }
0x4ea: {  	v4 =	vld [tilespmem:s29+$0x4820];
	[tilespmem:s25+$0x8C40] =	vst v5  }
0x4eb: {  	v5 =	vld [tilespmem:s29+$0x4830];
	[tilespmem:s25+$0x8C50] =	vst v6  }
0x4ec: {  	v6 =	vld [tilespmem:s29+$0x4840];
	[tilespmem:s25+$0x8C60] =	vst v0;
	s25 =	smov.u32 s29  }
0x4ed: {  	v7 =	vld [tilespmem:s25+$0x4850]  }
0x4ee: {  	v0 =	vld [tilespmem:s25+$0x4860]  }
0x4ef: {  	v8 =	vld.idx.msk [tilespmem:v3+s14+$0x0], $0xffff  }
0x4f0: {  	v9 =	vld.idx.msk [tilespmem:v1+s14+$0x0], $0xffff  }
0x4f1: {  	v10 =	vld.idx.msk [tilespmem:v2+s14+$0x0], $0xffff  }
0x4f2: {  	v11 =	vld.idx.msk [tilespmem:v4+s14+$0x0], $0xffff  }
0x4f3: {  	v12 =	vld.idx.msk [tilespmem:v5+s14+$0x0], $0xffff  }
0x4f4: {  	v13 =	vld.idx.msk [tilespmem:v6+s14+$0x0], $0xffff  }
0x4f5: {  	v14 =	vld.idx.msk [tilespmem:v7+s14+$0x0], $0xffff;
	[tilespmem:s25+$0x8870] =	vst v8  }
0x4f6: {  	[tilespmem:s25+$0x8800] =	vst v9;
	v8 =	vld.idx.msk [tilespmem:v3+s15+$0x0], $0xffff  }
0x4f7: {  	[tilespmem:s25+$0x8810] =	vst v10;
	v9 =	vld.idx.msk [tilespmem:v0+s14+$0x0], $0xffff  }
0x4f8: {  	v3 =	vld.idx.msk [tilespmem:v1+s15+$0x0], $0xffff;
	[tilespmem:s25+$0x8820] =	vst v11  }
.Ltmp18:
0x4f9: {  	v1 =	vld.idx.msk [tilespmem:v2+s15+$0x0], $0xffff;
	[tilespmem:s25+$0x8830] =	vst v12;
	(pc) =	sbr.rel @p0 .LBB2_38-.Ltmp18, $4  }
0x4fa: {  	v2 =	vld.idx.msk [tilespmem:v4+s15+$0x0], $0xffff;
	[tilespmem:s25+$0x8840] =	vst v13  }
0x4fb: {  	v4 =	vld.idx.msk [tilespmem:v5+s15+$0x0], $0xffff;
	[tilespmem:s25+$0x8850] =	vst v14  }
0x4fc: {  	v5 =	vld.idx.msk [tilespmem:v6+s15+$0x0], $0xffff;
	[tilespmem:s25+$0x8C70] =	vst v8  }
0x4fd: {  	s28 =	sadd.s32 $0x200, s28;
	v6 =	vld.idx.msk [tilespmem:v7+s15+$0x0], $0xffff;
	[tilespmem:s25+$0x8860] =	vst v9  }
0x4fe: {  	_ =	sdelay $0x2  }
0x4ff: {  	[tilespmem:s25+$0x8C00] =	vst v3  }
0x500: {  	v0 =	vld.idx.msk [tilespmem:v0+s15+$0x0], $0xffff;
	[tilespmem:s25+$0x8C10] =	vst v1  }
0x501: {  	[tilespmem:s25+$0x8C20] =	vst v2  }
0x502: {  	[tilespmem:s25+$0x8C30] =	vst v4  }
0x503: {  	[tilespmem:s25+$0x8C40] =	vst v5  }
0x504: {  	[tilespmem:s25+$0x8C50] =	vst v6  }
0x505: {  	[tilespmem:s25+$0x8C60] =	vst v0  }
0x506: {  	s26 =	sld [smem:$0x7ED];
	_ =	sdelay $0x1  }
0x507: {  	s25 =	simm.s32 $0x0;
	s29 =	sld [smem:$0x7EE]  }
0x508: {  	[hbm4b:s26+s25] =	stream.linear.scatter [tilespmem:s16], [sflag:$0x1], $0x400, $0x38;
	[tilespmem:$0x9800] =	vst v63  }
0x509: {  	_ = 	snop  }
0x50a: {  	[hbm4b:s29+s25] =	stream.linear.scatter [tilespmem:s17], [sflag:$0x2], $0x400, $0x38;
	[tilespmem:$0x9800] =	vst v63  }
0x50b: {  	_ =	swait.ge [sflag:s22], $0x400  }
0x50c: {  	[sflag:s22] =	ssyncset.done $0x0  }
0x50d: {  	[sflag:s22] =	ssyncadd.s32 $0xFFFFFC00  }
0x50e: {  	_ =	swait.ge [sflag:s23], $0x400  }
0x50f: {  	[sflag:s23] =	ssyncset.done $0x0  }
0x510: {  	s25 =	simm.s32 $0x0;
	[sflag:s23] =	ssyncadd.s32 $0xFFFFFC00  }
0x511: {  	v1 =	vld [tilespmem:s25+$0x4C70]  }
0x512: {  	v2 =	vld [tilespmem:s25+$0x4C00]  }
0x513: {  	v4 =	vld [tilespmem:s25+$0x4C10]  }
0x514: {  	v5 =	vld [tilespmem:s25+$0x4C20]  }
0x515: {  	v6 =	vld [tilespmem:s25+$0x4C30]  }
0x516: {  	v7 =	vld [tilespmem:s25+$0x4C40]  }
0x517: {  	v8 =	vld [tilespmem:s25+$0x4C50]  }
0x518: {  	v0 =	vld [tilespmem:s25+$0x4C60]  }
0x519: {  	v3 =	vld.idx.msk [tilespmem:v1+s14+$0x0], $0xffff  }
0x51a: {  	v9 =	vld.idx.msk [tilespmem:v2+s14+$0x0], $0xffff  }
0x51b: {  	v10 =	vld.idx.msk [tilespmem:v4+s14+$0x0], $0xffff  }
0x51c: {  	v11 =	vld.idx.msk [tilespmem:v5+s14+$0x0], $0xffff  }
0x51d: {  	v12 =	vld.idx.msk [tilespmem:v6+s14+$0x0], $0xffff  }
0x51e: {  	v13 =	vld.idx.msk [tilespmem:v7+s14+$0x0], $0xffff  }
0x51f: {  	v14 =	vld.idx.msk [tilespmem:v8+s14+$0x0], $0xffff;
	[tilespmem:s25+$0x9070] =	vst v3  }
0x520: {  	v63 =	vld.idx.msk [tilespmem:v0+s14+$0x0], $0xffff;
	[tilespmem:s25+$0x9000] =	vst v9  }
0x521: {  	[tilespmem:s25+$0x9010] =	vst v10;
	v62 =	vld.idx.msk [tilespmem:v1+s15+$0x0], $0xffff  }
0x522: {  	[tilespmem:s25+$0x9020] =	vst v11;
	v3 =	vld.idx.msk [tilespmem:v2+s15+$0x0], $0xffff  }
0x523: {  	[tilespmem:s25+$0x9030] =	vst v12;
	v1 =	vld.idx.msk [tilespmem:v4+s15+$0x0], $0xffff  }
0x524: {  	[tilespmem:s25+$0x9040] =	vst v13;
	v2 =	vld.idx.msk [tilespmem:v5+s15+$0x0], $0xffff  }
0x525: {  	[tilespmem:s25+$0x9050] =	vst v14;
	v4 =	vld.idx.msk [tilespmem:v6+s15+$0x0], $0xffff  }
0x526: {  	[tilespmem:s25+$0x9060] =	vst v63;
	v5 =	vld.idx.msk [tilespmem:v7+s15+$0x0], $0xffff  }
0x527: {  	s28 =	simm.s32 $0x200;
	s26 =	simm.s32 $0x0;
	v6 =	vld.idx.msk [tilespmem:v8+s15+$0x0], $0xffff;
	[tilespmem:s25+$0x9470] =	vst v62  }
.LBB2_40:
0x528: {  	s29 =	sshra.s32 s28, $0x2;
	s26 =	sadd.s32 $0x8, s26;
	[tilespmem:s25+$0x9400] =	vst v3;
	v0 =	vld.idx.msk [tilespmem:v0+s15+$0x0], $0xffff  }
0x529: {  	v3 =	vld [tilespmem:s29+$0x4C70];
	p0 =	slt.u32 s26, $0x38;
	[tilespmem:s25+$0x9410] =	vst v1  }
0x52a: {  	v1 =	vld [tilespmem:s29+$0x4C00];
	[tilespmem:s25+$0x9420] =	vst v2  }
0x52b: {  	v2 =	vld [tilespmem:s29+$0x4C10];
	[tilespmem:s25+$0x9430] =	vst v4  }
0x52c: {  	v4 =	vld [tilespmem:s29+$0x4C20];
	[tilespmem:s25+$0x9440] =	vst v5  }
0x52d: {  	v5 =	vld [tilespmem:s29+$0x4C30];
	[tilespmem:s25+$0x9450] =	vst v6  }
0x52e: {  	v6 =	vld [tilespmem:s29+$0x4C40];
	[tilespmem:s25+$0x9460] =	vst v0;
	s25 =	smov.u32 s29  }
0x52f: {  	v7 =	vld [tilespmem:s25+$0x4C50]  }
0x530: {  	v0 =	vld [tilespmem:s25+$0x4C60]  }
0x531: {  	v8 =	vld.idx.msk [tilespmem:v3+s14+$0x0], $0xffff  }
0x532: {  	v9 =	vld.idx.msk [tilespmem:v1+s14+$0x0], $0xffff  }
0x533: {  	v10 =	vld.idx.msk [tilespmem:v2+s14+$0x0], $0xffff  }
0x534: {  	v11 =	vld.idx.msk [tilespmem:v4+s14+$0x0], $0xffff  }
0x535: {  	v12 =	vld.idx.msk [tilespmem:v5+s14+$0x0], $0xffff  }
0x536: {  	v13 =	vld.idx.msk [tilespmem:v6+s14+$0x0], $0xffff  }
0x537: {  	v14 =	vld.idx.msk [tilespmem:v7+s14+$0x0], $0xffff;
	[tilespmem:s25+$0x9070] =	vst v8  }
0x538: {  	[tilespmem:s25+$0x9000] =	vst v9;
	v8 =	vld.idx.msk [tilespmem:v3+s15+$0x0], $0xffff  }
0x539: {  	[tilespmem:s25+$0x9010] =	vst v10;
	v9 =	vld.idx.msk [tilespmem:v0+s14+$0x0], $0xffff  }
0x53a: {  	v3 =	vld.idx.msk [tilespmem:v1+s15+$0x0], $0xffff;
	[tilespmem:s25+$0x9020] =	vst v11  }
.Ltmp19:
0x53b: {  	v1 =	vld.idx.msk [tilespmem:v2+s15+$0x0], $0xffff;
	[tilespmem:s25+$0x9030] =	vst v12;
	(pc) =	sbr.rel @p0 .LBB2_40-.Ltmp19, $4  }
0x53c: {  	v2 =	vld.idx.msk [tilespmem:v4+s15+$0x0], $0xffff;
	[tilespmem:s25+$0x9040] =	vst v13  }
0x53d: {  	v4 =	vld.idx.msk [tilespmem:v5+s15+$0x0], $0xffff;
	[tilespmem:s25+$0x9050] =	vst v14  }
0x53e: {  	v5 =	vld.idx.msk [tilespmem:v6+s15+$0x0], $0xffff;
	[tilespmem:s25+$0x9470] =	vst v8  }
0x53f: {  	s28 =	sadd.s32 $0x200, s28;
	v6 =	vld.idx.msk [tilespmem:v7+s15+$0x0], $0xffff;
	[tilespmem:s25+$0x9060] =	vst v9  }
0x540: {  	_ =	sdelay $0x2  }
0x541: {  	[tilespmem:s25+$0x9400] =	vst v3  }
0x542: {  	v0 =	vld.idx.msk [tilespmem:v0+s15+$0x0], $0xffff;
	[tilespmem:s25+$0x9410] =	vst v1  }
0x543: {  	[tilespmem:s25+$0x9420] =	vst v2  }
0x544: {  	[tilespmem:s25+$0x9430] =	vst v4  }
0x545: {  	[tilespmem:s25+$0x9440] =	vst v5  }
0x546: {  	[tilespmem:s25+$0x9450] =	vst v6  }
0x547: {  	[tilespmem:s25+$0x9460] =	vst v0  }
0x548: {  	s26 =	sld [smem:$0x7EF];
	_ =	sdelay $0x1  }
0x549: {  	s25 =	simm.s32 $0x0;
	s29 =	sld [smem:$0x7F0]  }
0x54a: {  	[hbm4b:s26+s25] =	stream.linear.scatter [tilespmem:s18], [sflag:$0x3], $0x400, $0x38;
	[tilespmem:$0x9800] =	vst v63  }
0x54b: {  	_ = 	snop  }
0x54c: {  	[hbm4b:s29+s25] =	stream.linear.scatter [tilespmem:s19], [sflag:$0x4], $0x400, $0x38;
	[tilespmem:$0x9800] =	vst v63  }
0x54d: {  	_ =	swait.ge [sflag:s20], $0x400  }
0x54e: {  	[sflag:s20] =	ssyncset.done $0x0  }
0x54f: {  	[sflag:s20] =	ssyncadd.s32 $0xFFFFFC00  }
0x550: {  	_ =	swait.ge [sflag:s21], $0x400  }
0x551: {  	[sflag:s21] =	ssyncset.done $0x0  }
0x552: {  	s25 =	simm.s32 $0x0;
	[sflag:s21] =	ssyncadd.s32 $0xFFFFFC00  }
0x553: {  	v1 =	vld [tilespmem:s25+$0x5070]  }
0x554: {  	v2 =	vld [tilespmem:s25+$0x5000]  }
0x555: {  	v4 =	vld [tilespmem:s25+$0x5010]  }
0x556: {  	v5 =	vld [tilespmem:s25+$0x5020]  }
0x557: {  	v6 =	vld [tilespmem:s25+$0x5030]  }
0x558: {  	v7 =	vld [tilespmem:s25+$0x5040]  }
0x559: {  	v8 =	vld [tilespmem:s25+$0x5050]  }
0x55a: {  	v0 =	vld [tilespmem:s25+$0x5060]  }
0x55b: {  	v3 =	vld.idx.msk [tilespmem:v1+s14+$0x0], $0xffff  }
0x55c: {  	v9 =	vld.idx.msk [tilespmem:v2+s14+$0x0], $0xffff  }
0x55d: {  	v10 =	vld.idx.msk [tilespmem:v4+s14+$0x0], $0xffff  }
0x55e: {  	v11 =	vld.idx.msk [tilespmem:v5+s14+$0x0], $0xffff  }
0x55f: {  	v12 =	vld.idx.msk [tilespmem:v6+s14+$0x0], $0xffff  }
0x560: {  	v13 =	vld.idx.msk [tilespmem:v7+s14+$0x0], $0xffff  }
0x561: {  	v14 =	vld.idx.msk [tilespmem:v8+s14+$0x0], $0xffff;
	[tilespmem:s25+$0x8870] =	vst v3  }
0x562: {  	v63 =	vld.idx.msk [tilespmem:v0+s14+$0x0], $0xffff;
	[tilespmem:s25+$0x8800] =	vst v9  }
0x563: {  	[tilespmem:s25+$0x8810] =	vst v10;
	v62 =	vld.idx.msk [tilespmem:v1+s15+$0x0], $0xffff  }
0x564: {  	[tilespmem:s25+$0x8820] =	vst v11;
	v3 =	vld.idx.msk [tilespmem:v2+s15+$0x0], $0xffff  }
0x565: {  	[tilespmem:s25+$0x8830] =	vst v12;
	v1 =	vld.idx.msk [tilespmem:v4+s15+$0x0], $0xffff  }
0x566: {  	[tilespmem:s25+$0x8840] =	vst v13;
	v2 =	vld.idx.msk [tilespmem:v5+s15+$0x0], $0xffff  }
0x567: {  	[tilespmem:s25+$0x8850] =	vst v14;
	v4 =	vld.idx.msk [tilespmem:v6+s15+$0x0], $0xffff  }
0x568: {  	[tilespmem:s25+$0x8860] =	vst v63;
	v5 =	vld.idx.msk [tilespmem:v7+s15+$0x0], $0xffff  }
0x569: {  	s28 =	simm.s32 $0x200;
	s26 =	simm.s32 $0x0;
	v6 =	vld.idx.msk [tilespmem:v8+s15+$0x0], $0xffff;
	[tilespmem:s25+$0x8C70] =	vst v62  }
.LBB2_42:
0x56a: {  	s29 =	sshra.s32 s28, $0x2;
	s26 =	sadd.s32 $0x8, s26;
	[tilespmem:s25+$0x8C00] =	vst v3;
	v0 =	vld.idx.msk [tilespmem:v0+s15+$0x0], $0xffff  }
0x56b: {  	v3 =	vld [tilespmem:s29+$0x5070];
	p0 =	slt.u32 s26, $0x38;
	[tilespmem:s25+$0x8C10] =	vst v1  }
0x56c: {  	v1 =	vld [tilespmem:s29+$0x5000];
	[tilespmem:s25+$0x8C20] =	vst v2  }
0x56d: {  	v2 =	vld [tilespmem:s29+$0x5010];
	[tilespmem:s25+$0x8C30] =	vst v4  }
0x56e: {  	v4 =	vld [tilespmem:s29+$0x5020];
	[tilespmem:s25+$0x8C40] =	vst v5  }
0x56f: {  	v5 =	vld [tilespmem:s29+$0x5030];
	[tilespmem:s25+$0x8C50] =	vst v6  }
0x570: {  	v6 =	vld [tilespmem:s29+$0x5040];
	[tilespmem:s25+$0x8C60] =	vst v0;
	s25 =	smov.u32 s29  }
0x571: {  	v7 =	vld [tilespmem:s25+$0x5050]  }
0x572: {  	v0 =	vld [tilespmem:s25+$0x5060]  }
0x573: {  	v8 =	vld.idx.msk [tilespmem:v3+s14+$0x0], $0xffff  }
0x574: {  	v9 =	vld.idx.msk [tilespmem:v1+s14+$0x0], $0xffff  }
0x575: {  	v10 =	vld.idx.msk [tilespmem:v2+s14+$0x0], $0xffff  }
0x576: {  	v11 =	vld.idx.msk [tilespmem:v4+s14+$0x0], $0xffff  }
0x577: {  	v12 =	vld.idx.msk [tilespmem:v5+s14+$0x0], $0xffff  }
0x578: {  	v13 =	vld.idx.msk [tilespmem:v6+s14+$0x0], $0xffff  }
0x579: {  	v14 =	vld.idx.msk [tilespmem:v7+s14+$0x0], $0xffff;
	[tilespmem:s25+$0x8870] =	vst v8  }
0x57a: {  	[tilespmem:s25+$0x8800] =	vst v9;
	v8 =	vld.idx.msk [tilespmem:v3+s15+$0x0], $0xffff  }
0x57b: {  	[tilespmem:s25+$0x8810] =	vst v10;
	v9 =	vld.idx.msk [tilespmem:v0+s14+$0x0], $0xffff  }
0x57c: {  	v3 =	vld.idx.msk [tilespmem:v1+s15+$0x0], $0xffff;
	[tilespmem:s25+$0x8820] =	vst v11  }
.Ltmp20:
0x57d: {  	v1 =	vld.idx.msk [tilespmem:v2+s15+$0x0], $0xffff;
	[tilespmem:s25+$0x8830] =	vst v12;
	(pc) =	sbr.rel @p0 .LBB2_42-.Ltmp20, $4  }
0x57e: {  	v2 =	vld.idx.msk [tilespmem:v4+s15+$0x0], $0xffff;
	[tilespmem:s25+$0x8840] =	vst v13  }
0x57f: {  	v4 =	vld.idx.msk [tilespmem:v5+s15+$0x0], $0xffff;
	[tilespmem:s25+$0x8850] =	vst v14  }
0x580: {  	v5 =	vld.idx.msk [tilespmem:v6+s15+$0x0], $0xffff;
	[tilespmem:s25+$0x8C70] =	vst v8  }
0x581: {  	s28 =	sadd.s32 $0x200, s28;
	v6 =	vld.idx.msk [tilespmem:v7+s15+$0x0], $0xffff;
	[tilespmem:s25+$0x8860] =	vst v9  }
0x582: {  	_ =	sdelay $0x2  }
0x583: {  	[tilespmem:s25+$0x8C00] =	vst v3  }
0x584: {  	v0 =	vld.idx.msk [tilespmem:v0+s15+$0x0], $0xffff;
	[tilespmem:s25+$0x8C10] =	vst v1  }
0x585: {  	[tilespmem:s25+$0x8C20] =	vst v2  }
0x586: {  	[tilespmem:s25+$0x8C30] =	vst v4  }
0x587: {  	[tilespmem:s25+$0x8C40] =	vst v5  }
0x588: {  	[tilespmem:s25+$0x8C50] =	vst v6  }
0x589: {  	[tilespmem:s25+$0x8C60] =	vst v0  }
0x58a: {  	s26 =	sld [smem:$0x7F1];
	_ =	sdelay $0x1  }
0x58b: {  	s25 =	simm.s32 $0x0;
	s29 =	sld [smem:$0x7F2]  }
0x58c: {  	[hbm4b:s26+s25] =	stream.linear.scatter [tilespmem:s16], [sflag:$0x1], $0x400, $0x38;
	[tilespmem:$0x9800] =	vst v63  }
0x58d: {  	_ = 	snop  }
0x58e: {  	[hbm4b:s29+s25] =	stream.linear.scatter [tilespmem:s17], [sflag:$0x2], $0x400, $0x38;
	[tilespmem:$0x9800] =	vst v63  }
0x58f: {  	_ =	swait.ge [sflag:s22], $0x400  }
0x590: {  	[sflag:s22] =	ssyncset.done $0x0  }
0x591: {  	[sflag:s22] =	ssyncadd.s32 $0xFFFFFC00  }
0x592: {  	_ =	swait.ge [sflag:s23], $0x400  }
0x593: {  	[sflag:s23] =	ssyncset.done $0x0  }
0x594: {  	s25 =	simm.s32 $0x0;
	[sflag:s23] =	ssyncadd.s32 $0xFFFFFC00  }
0x595: {  	v1 =	vld [tilespmem:s25+$0x5470]  }
0x596: {  	v2 =	vld [tilespmem:s25+$0x5400]  }
0x597: {  	v4 =	vld [tilespmem:s25+$0x5410]  }
0x598: {  	v5 =	vld [tilespmem:s25+$0x5420]  }
0x599: {  	v6 =	vld [tilespmem:s25+$0x5430]  }
0x59a: {  	v7 =	vld [tilespmem:s25+$0x5440]  }
0x59b: {  	v8 =	vld [tilespmem:s25+$0x5450]  }
0x59c: {  	v0 =	vld [tilespmem:s25+$0x5460]  }
0x59d: {  	v3 =	vld.idx.msk [tilespmem:v1+s14+$0x0], $0xffff  }
0x59e: {  	v9 =	vld.idx.msk [tilespmem:v2+s14+$0x0], $0xffff  }
0x59f: {  	v10 =	vld.idx.msk [tilespmem:v4+s14+$0x0], $0xffff  }
0x5a0: {  	v11 =	vld.idx.msk [tilespmem:v5+s14+$0x0], $0xffff  }
0x5a1: {  	v12 =	vld.idx.msk [tilespmem:v6+s14+$0x0], $0xffff  }
0x5a2: {  	v13 =	vld.idx.msk [tilespmem:v7+s14+$0x0], $0xffff  }
0x5a3: {  	v14 =	vld.idx.msk [tilespmem:v8+s14+$0x0], $0xffff;
	[tilespmem:s25+$0x9070] =	vst v3  }
0x5a4: {  	v63 =	vld.idx.msk [tilespmem:v0+s14+$0x0], $0xffff;
	[tilespmem:s25+$0x9000] =	vst v9  }
0x5a5: {  	[tilespmem:s25+$0x9010] =	vst v10;
	v62 =	vld.idx.msk [tilespmem:v1+s15+$0x0], $0xffff  }
0x5a6: {  	[tilespmem:s25+$0x9020] =	vst v11;
	v3 =	vld.idx.msk [tilespmem:v2+s15+$0x0], $0xffff  }
0x5a7: {  	[tilespmem:s25+$0x9030] =	vst v12;
	v1 =	vld.idx.msk [tilespmem:v4+s15+$0x0], $0xffff  }
0x5a8: {  	[tilespmem:s25+$0x9040] =	vst v13;
	v2 =	vld.idx.msk [tilespmem:v5+s15+$0x0], $0xffff  }
0x5a9: {  	[tilespmem:s25+$0x9050] =	vst v14;
	v4 =	vld.idx.msk [tilespmem:v6+s15+$0x0], $0xffff  }
0x5aa: {  	[tilespmem:s25+$0x9060] =	vst v63;
	v5 =	vld.idx.msk [tilespmem:v7+s15+$0x0], $0xffff  }
0x5ab: {  	s28 =	simm.s32 $0x200;
	s26 =	simm.s32 $0x0;
	v6 =	vld.idx.msk [tilespmem:v8+s15+$0x0], $0xffff;
	[tilespmem:s25+$0x9470] =	vst v62  }
.LBB2_44:
0x5ac: {  	s29 =	sshra.s32 s28, $0x2;
	s26 =	sadd.s32 $0x8, s26;
	[tilespmem:s25+$0x9400] =	vst v3;
	v0 =	vld.idx.msk [tilespmem:v0+s15+$0x0], $0xffff  }
0x5ad: {  	v3 =	vld [tilespmem:s29+$0x5470];
	p0 =	slt.u32 s26, $0x38;
	[tilespmem:s25+$0x9410] =	vst v1  }
0x5ae: {  	v1 =	vld [tilespmem:s29+$0x5400];
	[tilespmem:s25+$0x9420] =	vst v2  }
0x5af: {  	v2 =	vld [tilespmem:s29+$0x5410];
	[tilespmem:s25+$0x9430] =	vst v4  }
0x5b0: {  	v4 =	vld [tilespmem:s29+$0x5420];
	[tilespmem:s25+$0x9440] =	vst v5  }
0x5b1: {  	v5 =	vld [tilespmem:s29+$0x5430];
	[tilespmem:s25+$0x9450] =	vst v6  }
0x5b2: {  	v6 =	vld [tilespmem:s29+$0x5440];
	[tilespmem:s25+$0x9460] =	vst v0;
	s25 =	smov.u32 s29  }
0x5b3: {  	v7 =	vld [tilespmem:s25+$0x5450]  }
0x5b4: {  	v0 =	vld [tilespmem:s25+$0x5460]  }
0x5b5: {  	v8 =	vld.idx.msk [tilespmem:v3+s14+$0x0], $0xffff  }
0x5b6: {  	v9 =	vld.idx.msk [tilespmem:v1+s14+$0x0], $0xffff  }
0x5b7: {  	v10 =	vld.idx.msk [tilespmem:v2+s14+$0x0], $0xffff  }
0x5b8: {  	v11 =	vld.idx.msk [tilespmem:v4+s14+$0x0], $0xffff  }
0x5b9: {  	v12 =	vld.idx.msk [tilespmem:v5+s14+$0x0], $0xffff  }
0x5ba: {  	v13 =	vld.idx.msk [tilespmem:v6+s14+$0x0], $0xffff  }
0x5bb: {  	v14 =	vld.idx.msk [tilespmem:v7+s14+$0x0], $0xffff;
	[tilespmem:s25+$0x9070] =	vst v8  }
0x5bc: {  	[tilespmem:s25+$0x9000] =	vst v9;
	v8 =	vld.idx.msk [tilespmem:v3+s15+$0x0], $0xffff  }
0x5bd: {  	[tilespmem:s25+$0x9010] =	vst v10;
	v9 =	vld.idx.msk [tilespmem:v0+s14+$0x0], $0xffff  }
0x5be: {  	v3 =	vld.idx.msk [tilespmem:v1+s15+$0x0], $0xffff;
	[tilespmem:s25+$0x9020] =	vst v11  }
.Ltmp21:
0x5bf: {  	v1 =	vld.idx.msk [tilespmem:v2+s15+$0x0], $0xffff;
	[tilespmem:s25+$0x9030] =	vst v12;
	(pc) =	sbr.rel @p0 .LBB2_44-.Ltmp21, $4  }
0x5c0: {  	v2 =	vld.idx.msk [tilespmem:v4+s15+$0x0], $0xffff;
	[tilespmem:s25+$0x9040] =	vst v13  }
0x5c1: {  	v4 =	vld.idx.msk [tilespmem:v5+s15+$0x0], $0xffff;
	[tilespmem:s25+$0x9050] =	vst v14  }
0x5c2: {  	v5 =	vld.idx.msk [tilespmem:v6+s15+$0x0], $0xffff;
	[tilespmem:s25+$0x9470] =	vst v8  }
0x5c3: {  	s28 =	sadd.s32 $0x200, s28;
	v6 =	vld.idx.msk [tilespmem:v7+s15+$0x0], $0xffff;
	[tilespmem:s25+$0x9060] =	vst v9  }
0x5c4: {  	_ =	sdelay $0x2  }
0x5c5: {  	[tilespmem:s25+$0x9400] =	vst v3  }
0x5c6: {  	v0 =	vld.idx.msk [tilespmem:v0+s15+$0x0], $0xffff;
	[tilespmem:s25+$0x9410] =	vst v1  }
0x5c7: {  	[tilespmem:s25+$0x9420] =	vst v2  }
0x5c8: {  	[tilespmem:s25+$0x9430] =	vst v4  }
0x5c9: {  	[tilespmem:s25+$0x9440] =	vst v5  }
0x5ca: {  	[tilespmem:s25+$0x9450] =	vst v6  }
0x5cb: {  	[tilespmem:s25+$0x9460] =	vst v0  }
0x5cc: {  	s26 =	sld [smem:$0x7F3];
	_ =	sdelay $0x1  }
0x5cd: {  	s25 =	simm.s32 $0x0;
	s29 =	sld [smem:$0x7F4]  }
0x5ce: {  	[hbm4b:s26+s25] =	stream.linear.scatter [tilespmem:s18], [sflag:$0x3], $0x400, $0x38;
	[tilespmem:$0x9800] =	vst v63  }
0x5cf: {  	_ = 	snop  }
0x5d0: {  	[hbm4b:s29+s25] =	stream.linear.scatter [tilespmem:s19], [sflag:$0x4], $0x400, $0x38;
	[tilespmem:$0x9800] =	vst v63  }
0x5d1: {  	_ =	swait.ge [sflag:s20], $0x400  }
0x5d2: {  	[sflag:s20] =	ssyncset.done $0x0  }
0x5d3: {  	[sflag:s20] =	ssyncadd.s32 $0xFFFFFC00  }
0x5d4: {  	_ =	swait.ge [sflag:s21], $0x400  }
0x5d5: {  	[sflag:s21] =	ssyncset.done $0x0  }
0x5d6: {  	s25 =	simm.s32 $0x0;
	[sflag:s21] =	ssyncadd.s32 $0xFFFFFC00  }
0x5d7: {  	v1 =	vld [tilespmem:s25+$0x5870]  }
0x5d8: {  	v2 =	vld [tilespmem:s25+$0x5800]  }
0x5d9: {  	v4 =	vld [tilespmem:s25+$0x5810]  }
0x5da: {  	v5 =	vld [tilespmem:s25+$0x5820]  }
0x5db: {  	v6 =	vld [tilespmem:s25+$0x5830]  }
0x5dc: {  	v7 =	vld [tilespmem:s25+$0x5840]  }
0x5dd: {  	v8 =	vld [tilespmem:s25+$0x5850]  }
0x5de: {  	v0 =	vld [tilespmem:s25+$0x5860]  }
0x5df: {  	v3 =	vld.idx.msk [tilespmem:v1+s14+$0x0], $0xffff  }
0x5e0: {  	v9 =	vld.idx.msk [tilespmem:v2+s14+$0x0], $0xffff  }
0x5e1: {  	v10 =	vld.idx.msk [tilespmem:v4+s14+$0x0], $0xffff  }
0x5e2: {  	v11 =	vld.idx.msk [tilespmem:v5+s14+$0x0], $0xffff  }
0x5e3: {  	v12 =	vld.idx.msk [tilespmem:v6+s14+$0x0], $0xffff  }
0x5e4: {  	v13 =	vld.idx.msk [tilespmem:v7+s14+$0x0], $0xffff  }
0x5e5: {  	v14 =	vld.idx.msk [tilespmem:v8+s14+$0x0], $0xffff;
	[tilespmem:s25+$0x8870] =	vst v3  }
0x5e6: {  	v63 =	vld.idx.msk [tilespmem:v0+s14+$0x0], $0xffff;
	[tilespmem:s25+$0x8800] =	vst v9  }
0x5e7: {  	[tilespmem:s25+$0x8810] =	vst v10;
	v62 =	vld.idx.msk [tilespmem:v1+s15+$0x0], $0xffff  }
0x5e8: {  	[tilespmem:s25+$0x8820] =	vst v11;
	v3 =	vld.idx.msk [tilespmem:v2+s15+$0x0], $0xffff  }
0x5e9: {  	[tilespmem:s25+$0x8830] =	vst v12;
	v1 =	vld.idx.msk [tilespmem:v4+s15+$0x0], $0xffff  }
0x5ea: {  	[tilespmem:s25+$0x8840] =	vst v13;
	v2 =	vld.idx.msk [tilespmem:v5+s15+$0x0], $0xffff  }
0x5eb: {  	[tilespmem:s25+$0x8850] =	vst v14;
	v4 =	vld.idx.msk [tilespmem:v6+s15+$0x0], $0xffff  }
0x5ec: {  	[tilespmem:s25+$0x8860] =	vst v63;
	v5 =	vld.idx.msk [tilespmem:v7+s15+$0x0], $0xffff  }
0x5ed: {  	s28 =	simm.s32 $0x200;
	s26 =	simm.s32 $0x0;
	v6 =	vld.idx.msk [tilespmem:v8+s15+$0x0], $0xffff;
	[tilespmem:s25+$0x8C70] =	vst v62  }
.LBB2_46:
0x5ee: {  	s29 =	sshra.s32 s28, $0x2;
	s26 =	sadd.s32 $0x8, s26;
	[tilespmem:s25+$0x8C00] =	vst v3;
	v0 =	vld.idx.msk [tilespmem:v0+s15+$0x0], $0xffff  }
0x5ef: {  	v3 =	vld [tilespmem:s29+$0x5870];
	p0 =	slt.u32 s26, $0x38;
	[tilespmem:s25+$0x8C10] =	vst v1  }
0x5f0: {  	v1 =	vld [tilespmem:s29+$0x5800];
	[tilespmem:s25+$0x8C20] =	vst v2  }
0x5f1: {  	v2 =	vld [tilespmem:s29+$0x5810];
	[tilespmem:s25+$0x8C30] =	vst v4  }
0x5f2: {  	v4 =	vld [tilespmem:s29+$0x5820];
	[tilespmem:s25+$0x8C40] =	vst v5  }
0x5f3: {  	v5 =	vld [tilespmem:s29+$0x5830];
	[tilespmem:s25+$0x8C50] =	vst v6  }
0x5f4: {  	v6 =	vld [tilespmem:s29+$0x5840];
	[tilespmem:s25+$0x8C60] =	vst v0;
	s25 =	smov.u32 s29  }
0x5f5: {  	v7 =	vld [tilespmem:s25+$0x5850]  }
0x5f6: {  	v0 =	vld [tilespmem:s25+$0x5860]  }
0x5f7: {  	v8 =	vld.idx.msk [tilespmem:v3+s14+$0x0], $0xffff  }
0x5f8: {  	v9 =	vld.idx.msk [tilespmem:v1+s14+$0x0], $0xffff  }
0x5f9: {  	v10 =	vld.idx.msk [tilespmem:v2+s14+$0x0], $0xffff  }
0x5fa: {  	v11 =	vld.idx.msk [tilespmem:v4+s14+$0x0], $0xffff  }
0x5fb: {  	v12 =	vld.idx.msk [tilespmem:v5+s14+$0x0], $0xffff  }
0x5fc: {  	v13 =	vld.idx.msk [tilespmem:v6+s14+$0x0], $0xffff  }
0x5fd: {  	v14 =	vld.idx.msk [tilespmem:v7+s14+$0x0], $0xffff;
	[tilespmem:s25+$0x8870] =	vst v8  }
0x5fe: {  	[tilespmem:s25+$0x8800] =	vst v9;
	v8 =	vld.idx.msk [tilespmem:v3+s15+$0x0], $0xffff  }
0x5ff: {  	[tilespmem:s25+$0x8810] =	vst v10;
	v9 =	vld.idx.msk [tilespmem:v0+s14+$0x0], $0xffff  }
0x600: {  	v3 =	vld.idx.msk [tilespmem:v1+s15+$0x0], $0xffff;
	[tilespmem:s25+$0x8820] =	vst v11  }
.Ltmp22:
0x601: {  	v1 =	vld.idx.msk [tilespmem:v2+s15+$0x0], $0xffff;
	[tilespmem:s25+$0x8830] =	vst v12;
	(pc) =	sbr.rel @p0 .LBB2_46-.Ltmp22, $4  }
0x602: {  	v2 =	vld.idx.msk [tilespmem:v4+s15+$0x0], $0xffff;
	[tilespmem:s25+$0x8840] =	vst v13  }
0x603: {  	v4 =	vld.idx.msk [tilespmem:v5+s15+$0x0], $0xffff;
	[tilespmem:s25+$0x8850] =	vst v14  }
0x604: {  	v5 =	vld.idx.msk [tilespmem:v6+s15+$0x0], $0xffff;
	[tilespmem:s25+$0x8C70] =	vst v8  }
0x605: {  	s28 =	sadd.s32 $0x200, s28;
	v6 =	vld.idx.msk [tilespmem:v7+s15+$0x0], $0xffff;
	[tilespmem:s25+$0x8860] =	vst v9  }
0x606: {  	_ =	sdelay $0x2  }
0x607: {  	[tilespmem:s25+$0x8C00] =	vst v3  }
0x608: {  	v0 =	vld.idx.msk [tilespmem:v0+s15+$0x0], $0xffff;
	[tilespmem:s25+$0x8C10] =	vst v1  }
0x609: {  	[tilespmem:s25+$0x8C20] =	vst v2  }
0x60a: {  	[tilespmem:s25+$0x8C30] =	vst v4  }
0x60b: {  	[tilespmem:s25+$0x8C40] =	vst v5  }
0x60c: {  	[tilespmem:s25+$0x8C50] =	vst v6  }
0x60d: {  	[tilespmem:s25+$0x8C60] =	vst v0  }
0x60e: {  	s26 =	sld [smem:$0x7F5];
	_ =	sdelay $0x1  }
0x60f: {  	s25 =	simm.s32 $0x0;
	s29 =	sld [smem:$0x7F6]  }
0x610: {  	[hbm4b:s26+s25] =	stream.linear.scatter [tilespmem:s16], [sflag:$0x1], $0x400, $0x38;
	[tilespmem:$0x9800] =	vst v63  }
0x611: {  	_ = 	snop  }
0x612: {  	[hbm4b:s29+s25] =	stream.linear.scatter [tilespmem:s17], [sflag:$0x2], $0x400, $0x38;
	[tilespmem:$0x9800] =	vst v63  }
0x613: {  	_ =	swait.ge [sflag:s22], $0x400  }
0x614: {  	[sflag:s22] =	ssyncset.done $0x0  }
0x615: {  	[sflag:s22] =	ssyncadd.s32 $0xFFFFFC00  }
0x616: {  	_ =	swait.ge [sflag:s23], $0x400  }
0x617: {  	[sflag:s23] =	ssyncset.done $0x0  }
0x618: {  	s25 =	simm.s32 $0x0;
	[sflag:s23] =	ssyncadd.s32 $0xFFFFFC00  }
0x619: {  	v1 =	vld [tilespmem:s25+$0x5C70]  }
0x61a: {  	v2 =	vld [tilespmem:s25+$0x5C00]  }
0x61b: {  	v4 =	vld [tilespmem:s25+$0x5C10]  }
0x61c: {  	v5 =	vld [tilespmem:s25+$0x5C20]  }
0x61d: {  	v6 =	vld [tilespmem:s25+$0x5C30]  }
0x61e: {  	v7 =	vld [tilespmem:s25+$0x5C40]  }
0x61f: {  	v8 =	vld [tilespmem:s25+$0x5C50]  }
0x620: {  	v0 =	vld [tilespmem:s25+$0x5C60]  }
0x621: {  	v3 =	vld.idx.msk [tilespmem:v1+s14+$0x0], $0xffff  }
0x622: {  	v9 =	vld.idx.msk [tilespmem:v2+s14+$0x0], $0xffff  }
0x623: {  	v10 =	vld.idx.msk [tilespmem:v4+s14+$0x0], $0xffff  }
0x624: {  	v11 =	vld.idx.msk [tilespmem:v5+s14+$0x0], $0xffff  }
0x625: {  	v12 =	vld.idx.msk [tilespmem:v6+s14+$0x0], $0xffff  }
0x626: {  	v13 =	vld.idx.msk [tilespmem:v7+s14+$0x0], $0xffff  }
0x627: {  	v14 =	vld.idx.msk [tilespmem:v8+s14+$0x0], $0xffff;
	[tilespmem:s25+$0x9070] =	vst v3  }
0x628: {  	v63 =	vld.idx.msk [tilespmem:v0+s14+$0x0], $0xffff;
	[tilespmem:s25+$0x9000] =	vst v9  }
0x629: {  	[tilespmem:s25+$0x9010] =	vst v10;
	v62 =	vld.idx.msk [tilespmem:v1+s15+$0x0], $0xffff  }
0x62a: {  	[tilespmem:s25+$0x9020] =	vst v11;
	v3 =	vld.idx.msk [tilespmem:v2+s15+$0x0], $0xffff  }
0x62b: {  	[tilespmem:s25+$0x9030] =	vst v12;
	v1 =	vld.idx.msk [tilespmem:v4+s15+$0x0], $0xffff  }
0x62c: {  	[tilespmem:s25+$0x9040] =	vst v13;
	v2 =	vld.idx.msk [tilespmem:v5+s15+$0x0], $0xffff  }
0x62d: {  	[tilespmem:s25+$0x9050] =	vst v14;
	v4 =	vld.idx.msk [tilespmem:v6+s15+$0x0], $0xffff  }
0x62e: {  	[tilespmem:s25+$0x9060] =	vst v63;
	v5 =	vld.idx.msk [tilespmem:v7+s15+$0x0], $0xffff  }
0x62f: {  	s28 =	simm.s32 $0x200;
	s26 =	simm.s32 $0x0;
	v6 =	vld.idx.msk [tilespmem:v8+s15+$0x0], $0xffff;
	[tilespmem:s25+$0x9470] =	vst v62  }
.LBB2_48:
0x630: {  	s29 =	sshra.s32 s28, $0x2;
	s26 =	sadd.s32 $0x8, s26;
	[tilespmem:s25+$0x9400] =	vst v3;
	v0 =	vld.idx.msk [tilespmem:v0+s15+$0x0], $0xffff  }
0x631: {  	v3 =	vld [tilespmem:s29+$0x5C70];
	p0 =	slt.u32 s26, $0x38;
	[tilespmem:s25+$0x9410] =	vst v1  }
0x632: {  	v1 =	vld [tilespmem:s29+$0x5C00];
	[tilespmem:s25+$0x9420] =	vst v2  }
0x633: {  	v2 =	vld [tilespmem:s29+$0x5C10];
	[tilespmem:s25+$0x9430] =	vst v4  }
0x634: {  	v4 =	vld [tilespmem:s29+$0x5C20];
	[tilespmem:s25+$0x9440] =	vst v5  }
0x635: {  	v5 =	vld [tilespmem:s29+$0x5C30];
	[tilespmem:s25+$0x9450] =	vst v6  }
0x636: {  	v6 =	vld [tilespmem:s29+$0x5C40];
	[tilespmem:s25+$0x9460] =	vst v0;
	s25 =	smov.u32 s29  }
0x637: {  	v7 =	vld [tilespmem:s25+$0x5C50]  }
0x638: {  	v0 =	vld [tilespmem:s25+$0x5C60]  }
0x639: {  	v8 =	vld.idx.msk [tilespmem:v3+s14+$0x0], $0xffff  }
0x63a: {  	v9 =	vld.idx.msk [tilespmem:v1+s14+$0x0], $0xffff  }
0x63b: {  	v10 =	vld.idx.msk [tilespmem:v2+s14+$0x0], $0xffff  }
0x63c: {  	v11 =	vld.idx.msk [tilespmem:v4+s14+$0x0], $0xffff  }
0x63d: {  	v12 =	vld.idx.msk [tilespmem:v5+s14+$0x0], $0xffff  }
0x63e: {  	v13 =	vld.idx.msk [tilespmem:v6+s14+$0x0], $0xffff  }
0x63f: {  	v14 =	vld.idx.msk [tilespmem:v7+s14+$0x0], $0xffff;
	[tilespmem:s25+$0x9070] =	vst v8  }
0x640: {  	[tilespmem:s25+$0x9000] =	vst v9;
	v8 =	vld.idx.msk [tilespmem:v3+s15+$0x0], $0xffff  }
0x641: {  	[tilespmem:s25+$0x9010] =	vst v10;
	v9 =	vld.idx.msk [tilespmem:v0+s14+$0x0], $0xffff  }
0x642: {  	v3 =	vld.idx.msk [tilespmem:v1+s15+$0x0], $0xffff;
	[tilespmem:s25+$0x9020] =	vst v11  }
.Ltmp23:
0x643: {  	v1 =	vld.idx.msk [tilespmem:v2+s15+$0x0], $0xffff;
	[tilespmem:s25+$0x9030] =	vst v12;
	(pc) =	sbr.rel @p0 .LBB2_48-.Ltmp23, $4  }
0x644: {  	v2 =	vld.idx.msk [tilespmem:v4+s15+$0x0], $0xffff;
	[tilespmem:s25+$0x9040] =	vst v13  }
0x645: {  	v4 =	vld.idx.msk [tilespmem:v5+s15+$0x0], $0xffff;
	[tilespmem:s25+$0x9050] =	vst v14  }
0x646: {  	v5 =	vld.idx.msk [tilespmem:v6+s15+$0x0], $0xffff;
	[tilespmem:s25+$0x9470] =	vst v8  }
0x647: {  	s28 =	sadd.s32 $0x200, s28;
	v6 =	vld.idx.msk [tilespmem:v7+s15+$0x0], $0xffff;
	[tilespmem:s25+$0x9060] =	vst v9  }
0x648: {  	_ =	sdelay $0x2  }
0x649: {  	[tilespmem:s25+$0x9400] =	vst v3  }
0x64a: {  	v0 =	vld.idx.msk [tilespmem:v0+s15+$0x0], $0xffff;
	[tilespmem:s25+$0x9410] =	vst v1  }
0x64b: {  	[tilespmem:s25+$0x9420] =	vst v2  }
0x64c: {  	[tilespmem:s25+$0x9430] =	vst v4  }
0x64d: {  	[tilespmem:s25+$0x9440] =	vst v5  }
0x64e: {  	[tilespmem:s25+$0x9450] =	vst v6  }
0x64f: {  	[tilespmem:s25+$0x9460] =	vst v0  }
0x650: {  	s26 =	sld [smem:$0x7F7];
	_ =	sdelay $0x1  }
0x651: {  	s25 =	simm.s32 $0x0;
	s29 =	sld [smem:$0x7F8]  }
0x652: {  	[hbm4b:s26+s25] =	stream.linear.scatter [tilespmem:s18], [sflag:$0x3], $0x400, $0x38;
	[tilespmem:$0x9800] =	vst v63  }
0x653: {  	_ = 	snop  }
0x654: {  	[hbm4b:s29+s25] =	stream.linear.scatter [tilespmem:s19], [sflag:$0x4], $0x400, $0x38;
	[tilespmem:$0x9800] =	vst v63  }
0x655: {  	_ =	swait.ge [sflag:s20], $0x400  }
0x656: {  	[sflag:s20] =	ssyncset.done $0x0  }
0x657: {  	[sflag:s20] =	ssyncadd.s32 $0xFFFFFC00  }
0x658: {  	_ =	swait.ge [sflag:s21], $0x400  }
0x659: {  	[sflag:s21] =	ssyncset.done $0x0  }
0x65a: {  	s25 =	simm.s32 $0x0;
	[sflag:s21] =	ssyncadd.s32 $0xFFFFFC00  }
0x65b: {  	v1 =	vld [tilespmem:s25+$0x6070]  }
0x65c: {  	v2 =	vld [tilespmem:s25+$0x6000]  }
0x65d: {  	v4 =	vld [tilespmem:s25+$0x6010]  }
0x65e: {  	v5 =	vld [tilespmem:s25+$0x6020]  }
0x65f: {  	v6 =	vld [tilespmem:s25+$0x6030]  }
0x660: {  	v7 =	vld [tilespmem:s25+$0x6040]  }
0x661: {  	v8 =	vld [tilespmem:s25+$0x6050]  }
0x662: {  	v0 =	vld [tilespmem:s25+$0x6060]  }
0x663: {  	v3 =	vld.idx.msk [tilespmem:v1+s14+$0x0], $0xffff  }
0x664: {  	v9 =	vld.idx.msk [tilespmem:v2+s14+$0x0], $0xffff  }
0x665: {  	v10 =	vld.idx.msk [tilespmem:v4+s14+$0x0], $0xffff  }
0x666: {  	v11 =	vld.idx.msk [tilespmem:v5+s14+$0x0], $0xffff  }
0x667: {  	v12 =	vld.idx.msk [tilespmem:v6+s14+$0x0], $0xffff  }
0x668: {  	v13 =	vld.idx.msk [tilespmem:v7+s14+$0x0], $0xffff  }
0x669: {  	v14 =	vld.idx.msk [tilespmem:v8+s14+$0x0], $0xffff;
	[tilespmem:s25+$0x8870] =	vst v3  }
0x66a: {  	v63 =	vld.idx.msk [tilespmem:v0+s14+$0x0], $0xffff;
	[tilespmem:s25+$0x8800] =	vst v9  }
0x66b: {  	[tilespmem:s25+$0x8810] =	vst v10;
	v62 =	vld.idx.msk [tilespmem:v1+s15+$0x0], $0xffff  }
0x66c: {  	[tilespmem:s25+$0x8820] =	vst v11;
	v3 =	vld.idx.msk [tilespmem:v2+s15+$0x0], $0xffff  }
0x66d: {  	[tilespmem:s25+$0x8830] =	vst v12;
	v1 =	vld.idx.msk [tilespmem:v4+s15+$0x0], $0xffff  }
0x66e: {  	[tilespmem:s25+$0x8840] =	vst v13;
	v2 =	vld.idx.msk [tilespmem:v5+s15+$0x0], $0xffff  }
0x66f: {  	[tilespmem:s25+$0x8850] =	vst v14;
	v4 =	vld.idx.msk [tilespmem:v6+s15+$0x0], $0xffff  }
0x670: {  	[tilespmem:s25+$0x8860] =	vst v63;
	v5 =	vld.idx.msk [tilespmem:v7+s15+$0x0], $0xffff  }
0x671: {  	s28 =	simm.s32 $0x200;
	s26 =	simm.s32 $0x0;
	v6 =	vld.idx.msk [tilespmem:v8+s15+$0x0], $0xffff;
	[tilespmem:s25+$0x8C70] =	vst v62  }
.LBB2_50:
0x672: {  	s29 =	sshra.s32 s28, $0x2;
	s26 =	sadd.s32 $0x8, s26;
	[tilespmem:s25+$0x8C00] =	vst v3;
	v0 =	vld.idx.msk [tilespmem:v0+s15+$0x0], $0xffff  }
0x673: {  	v3 =	vld [tilespmem:s29+$0x6070];
	p0 =	slt.u32 s26, $0x38;
	[tilespmem:s25+$0x8C10] =	vst v1  }
0x674: {  	v1 =	vld [tilespmem:s29+$0x6000];
	[tilespmem:s25+$0x8C20] =	vst v2  }
0x675: {  	v2 =	vld [tilespmem:s29+$0x6010];
	[tilespmem:s25+$0x8C30] =	vst v4  }
0x676: {  	v4 =	vld [tilespmem:s29+$0x6020];
	[tilespmem:s25+$0x8C40] =	vst v5  }
0x677: {  	v5 =	vld [tilespmem:s29+$0x6030];
	[tilespmem:s25+$0x8C50] =	vst v6  }
0x678: {  	v6 =	vld [tilespmem:s29+$0x6040];
	[tilespmem:s25+$0x8C60] =	vst v0;
	s25 =	smov.u32 s29  }
0x679: {  	v7 =	vld [tilespmem:s25+$0x6050]  }
0x67a: {  	v0 =	vld [tilespmem:s25+$0x6060]  }
0x67b: {  	v8 =	vld.idx.msk [tilespmem:v3+s14+$0x0], $0xffff  }
0x67c: {  	v9 =	vld.idx.msk [tilespmem:v1+s14+$0x0], $0xffff  }
0x67d: {  	v10 =	vld.idx.msk [tilespmem:v2+s14+$0x0], $0xffff  }
0x67e: {  	v11 =	vld.idx.msk [tilespmem:v4+s14+$0x0], $0xffff  }
0x67f: {  	v12 =	vld.idx.msk [tilespmem:v5+s14+$0x0], $0xffff  }
0x680: {  	v13 =	vld.idx.msk [tilespmem:v6+s14+$0x0], $0xffff  }
0x681: {  	v14 =	vld.idx.msk [tilespmem:v7+s14+$0x0], $0xffff;
	[tilespmem:s25+$0x8870] =	vst v8  }
0x682: {  	[tilespmem:s25+$0x8800] =	vst v9;
	v8 =	vld.idx.msk [tilespmem:v3+s15+$0x0], $0xffff  }
0x683: {  	[tilespmem:s25+$0x8810] =	vst v10;
	v9 =	vld.idx.msk [tilespmem:v0+s14+$0x0], $0xffff  }
0x684: {  	v3 =	vld.idx.msk [tilespmem:v1+s15+$0x0], $0xffff;
	[tilespmem:s25+$0x8820] =	vst v11  }
.Ltmp24:
0x685: {  	v1 =	vld.idx.msk [tilespmem:v2+s15+$0x0], $0xffff;
	[tilespmem:s25+$0x8830] =	vst v12;
	(pc) =	sbr.rel @p0 .LBB2_50-.Ltmp24, $4  }
0x686: {  	v2 =	vld.idx.msk [tilespmem:v4+s15+$0x0], $0xffff;
	[tilespmem:s25+$0x8840] =	vst v13  }
0x687: {  	v4 =	vld.idx.msk [tilespmem:v5+s15+$0x0], $0xffff;
	[tilespmem:s25+$0x8850] =	vst v14  }
0x688: {  	v5 =	vld.idx.msk [tilespmem:v6+s15+$0x0], $0xffff;
	[tilespmem:s25+$0x8C70] =	vst v8  }
0x689: {  	s28 =	sadd.s32 $0x200, s28;
	v6 =	vld.idx.msk [tilespmem:v7+s15+$0x0], $0xffff;
	[tilespmem:s25+$0x8860] =	vst v9  }
0x68a: {  	_ =	sdelay $0x2  }
0x68b: {  	[tilespmem:s25+$0x8C00] =	vst v3  }
0x68c: {  	v0 =	vld.idx.msk [tilespmem:v0+s15+$0x0], $0xffff;
	[tilespmem:s25+$0x8C10] =	vst v1  }
0x68d: {  	[tilespmem:s25+$0x8C20] =	vst v2  }
0x68e: {  	[tilespmem:s25+$0x8C30] =	vst v4  }
0x68f: {  	[tilespmem:s25+$0x8C40] =	vst v5  }
0x690: {  	[tilespmem:s25+$0x8C50] =	vst v6  }
0x691: {  	[tilespmem:s25+$0x8C60] =	vst v0  }
0x692: {  	s26 =	sld [smem:$0x7F9];
	_ =	sdelay $0x1  }
0x693: {  	s25 =	simm.s32 $0x0;
	s29 =	sld [smem:$0x7FA]  }
0x694: {  	[hbm4b:s26+s25] =	stream.linear.scatter [tilespmem:s16], [sflag:$0x1], $0x400, $0x38;
	[tilespmem:$0x9800] =	vst v63  }
0x695: {  	_ = 	snop  }
0x696: {  	[hbm4b:s29+s25] =	stream.linear.scatter [tilespmem:s17], [sflag:$0x2], $0x400, $0x38;
	[tilespmem:$0x9800] =	vst v63  }
0x697: {  	_ =	swait.ge [sflag:s22], $0x400  }
0x698: {  	[sflag:s22] =	ssyncset.done $0x0  }
0x699: {  	[sflag:s22] =	ssyncadd.s32 $0xFFFFFC00  }
0x69a: {  	_ =	swait.ge [sflag:s23], $0x400  }
0x69b: {  	[sflag:s23] =	ssyncset.done $0x0  }
0x69c: {  	s25 =	simm.s32 $0x0;
	[sflag:s23] =	ssyncadd.s32 $0xFFFFFC00  }
0x69d: {  	v1 =	vld [tilespmem:s25+$0x6470]  }
0x69e: {  	v2 =	vld [tilespmem:s25+$0x6400]  }
0x69f: {  	v4 =	vld [tilespmem:s25+$0x6410]  }
0x6a0: {  	v5 =	vld [tilespmem:s25+$0x6420]  }
0x6a1: {  	v6 =	vld [tilespmem:s25+$0x6430]  }
0x6a2: {  	v7 =	vld [tilespmem:s25+$0x6440]  }
0x6a3: {  	v8 =	vld [tilespmem:s25+$0x6450]  }
0x6a4: {  	v0 =	vld [tilespmem:s25+$0x6460]  }
0x6a5: {  	v3 =	vld.idx.msk [tilespmem:v1+s14+$0x0], $0xffff  }
0x6a6: {  	v9 =	vld.idx.msk [tilespmem:v2+s14+$0x0], $0xffff  }
0x6a7: {  	v10 =	vld.idx.msk [tilespmem:v4+s14+$0x0], $0xffff  }
0x6a8: {  	v11 =	vld.idx.msk [tilespmem:v5+s14+$0x0], $0xffff  }
0x6a9: {  	v12 =	vld.idx.msk [tilespmem:v6+s14+$0x0], $0xffff  }
0x6aa: {  	v13 =	vld.idx.msk [tilespmem:v7+s14+$0x0], $0xffff  }
0x6ab: {  	v14 =	vld.idx.msk [tilespmem:v8+s14+$0x0], $0xffff;
	[tilespmem:s25+$0x9070] =	vst v3  }
0x6ac: {  	v63 =	vld.idx.msk [tilespmem:v0+s14+$0x0], $0xffff;
	[tilespmem:s25+$0x9000] =	vst v9  }
0x6ad: {  	[tilespmem:s25+$0x9010] =	vst v10;
	v62 =	vld.idx.msk [tilespmem:v1+s15+$0x0], $0xffff  }
0x6ae: {  	[tilespmem:s25+$0x9020] =	vst v11;
	v3 =	vld.idx.msk [tilespmem:v2+s15+$0x0], $0xffff  }
0x6af: {  	[tilespmem:s25+$0x9030] =	vst v12;
	v1 =	vld.idx.msk [tilespmem:v4+s15+$0x0], $0xffff  }
0x6b0: {  	[tilespmem:s25+$0x9040] =	vst v13;
	v2 =	vld.idx.msk [tilespmem:v5+s15+$0x0], $0xffff  }
0x6b1: {  	[tilespmem:s25+$0x9050] =	vst v14;
	v4 =	vld.idx.msk [tilespmem:v6+s15+$0x0], $0xffff  }
0x6b2: {  	[tilespmem:s25+$0x9060] =	vst v63;
	v5 =	vld.idx.msk [tilespmem:v7+s15+$0x0], $0xffff  }
0x6b3: {  	s28 =	simm.s32 $0x200;
	s26 =	simm.s32 $0x0;
	v6 =	vld.idx.msk [tilespmem:v8+s15+$0x0], $0xffff;
	[tilespmem:s25+$0x9470] =	vst v62  }
.LBB2_52:
0x6b4: {  	s29 =	sshra.s32 s28, $0x2;
	s26 =	sadd.s32 $0x8, s26;
	[tilespmem:s25+$0x9400] =	vst v3;
	v0 =	vld.idx.msk [tilespmem:v0+s15+$0x0], $0xffff  }
0x6b5: {  	v3 =	vld [tilespmem:s29+$0x6470];
	p0 =	slt.u32 s26, $0x38;
	[tilespmem:s25+$0x9410] =	vst v1  }
0x6b6: {  	v1 =	vld [tilespmem:s29+$0x6400];
	[tilespmem:s25+$0x9420] =	vst v2  }
0x6b7: {  	v2 =	vld [tilespmem:s29+$0x6410];
	[tilespmem:s25+$0x9430] =	vst v4  }
0x6b8: {  	v4 =	vld [tilespmem:s29+$0x6420];
	[tilespmem:s25+$0x9440] =	vst v5  }
0x6b9: {  	v5 =	vld [tilespmem:s29+$0x6430];
	[tilespmem:s25+$0x9450] =	vst v6  }
0x6ba: {  	v6 =	vld [tilespmem:s29+$0x6440];
	[tilespmem:s25+$0x9460] =	vst v0;
	s25 =	smov.u32 s29  }
0x6bb: {  	v7 =	vld [tilespmem:s25+$0x6450]  }
0x6bc: {  	v0 =	vld [tilespmem:s25+$0x6460]  }
0x6bd: {  	v8 =	vld.idx.msk [tilespmem:v3+s14+$0x0], $0xffff  }
0x6be: {  	v9 =	vld.idx.msk [tilespmem:v1+s14+$0x0], $0xffff  }
0x6bf: {  	v10 =	vld.idx.msk [tilespmem:v2+s14+$0x0], $0xffff  }
0x6c0: {  	v11 =	vld.idx.msk [tilespmem:v4+s14+$0x0], $0xffff  }
0x6c1: {  	v12 =	vld.idx.msk [tilespmem:v5+s14+$0x0], $0xffff  }
0x6c2: {  	v13 =	vld.idx.msk [tilespmem:v6+s14+$0x0], $0xffff  }
0x6c3: {  	v14 =	vld.idx.msk [tilespmem:v7+s14+$0x0], $0xffff;
	[tilespmem:s25+$0x9070] =	vst v8  }
0x6c4: {  	[tilespmem:s25+$0x9000] =	vst v9;
	v8 =	vld.idx.msk [tilespmem:v3+s15+$0x0], $0xffff  }
0x6c5: {  	[tilespmem:s25+$0x9010] =	vst v10;
	v9 =	vld.idx.msk [tilespmem:v0+s14+$0x0], $0xffff  }
0x6c6: {  	v3 =	vld.idx.msk [tilespmem:v1+s15+$0x0], $0xffff;
	[tilespmem:s25+$0x9020] =	vst v11  }
.Ltmp25:
0x6c7: {  	v1 =	vld.idx.msk [tilespmem:v2+s15+$0x0], $0xffff;
	[tilespmem:s25+$0x9030] =	vst v12;
	(pc) =	sbr.rel @p0 .LBB2_52-.Ltmp25, $4  }
0x6c8: {  	v2 =	vld.idx.msk [tilespmem:v4+s15+$0x0], $0xffff;
	[tilespmem:s25+$0x9040] =	vst v13  }
0x6c9: {  	v4 =	vld.idx.msk [tilespmem:v5+s15+$0x0], $0xffff;
	[tilespmem:s25+$0x9050] =	vst v14  }
0x6ca: {  	v5 =	vld.idx.msk [tilespmem:v6+s15+$0x0], $0xffff;
	[tilespmem:s25+$0x9470] =	vst v8  }
0x6cb: {  	s28 =	sadd.s32 $0x200, s28;
	v6 =	vld.idx.msk [tilespmem:v7+s15+$0x0], $0xffff;
	[tilespmem:s25+$0x9060] =	vst v9  }
0x6cc: {  	_ =	sdelay $0x2  }
0x6cd: {  	[tilespmem:s25+$0x9400] =	vst v3  }
0x6ce: {  	v0 =	vld.idx.msk [tilespmem:v0+s15+$0x0], $0xffff;
	[tilespmem:s25+$0x9410] =	vst v1  }
0x6cf: {  	[tilespmem:s25+$0x9420] =	vst v2  }
0x6d0: {  	[tilespmem:s25+$0x9430] =	vst v4  }
0x6d1: {  	[tilespmem:s25+$0x9440] =	vst v5  }
0x6d2: {  	[tilespmem:s25+$0x9450] =	vst v6  }
0x6d3: {  	[tilespmem:s25+$0x9460] =	vst v0  }
0x6d4: {  	s26 =	sld [smem:$0x7FB];
	_ =	sdelay $0x1  }
0x6d5: {  	s25 =	simm.s32 $0x0;
	s29 =	sld [smem:$0x7FC]  }
0x6d6: {  	[hbm4b:s26+s25] =	stream.linear.scatter [tilespmem:s18], [sflag:$0x3], $0x400, $0x38;
	[tilespmem:$0x9800] =	vst v63  }
0x6d7: {  	_ = 	snop  }
0x6d8: {  	[hbm4b:s29+s25] =	stream.linear.scatter [tilespmem:s19], [sflag:$0x4], $0x400, $0x38;
	[tilespmem:$0x9800] =	vst v63  }
0x6d9: {  	_ =	swait.ge [sflag:s20], $0x400  }
0x6da: {  	[sflag:s20] =	ssyncset.done $0x0  }
0x6db: {  	[sflag:s20] =	ssyncadd.s32 $0xFFFFFC00  }
0x6dc: {  	_ =	swait.ge [sflag:s21], $0x400  }
0x6dd: {  	[sflag:s21] =	ssyncset.done $0x0  }
0x6de: {  	s25 =	simm.s32 $0x0;
	[sflag:s21] =	ssyncadd.s32 $0xFFFFFC00  }
0x6df: {  	v1 =	vld [tilespmem:s25+$0x6870]  }
0x6e0: {  	v2 =	vld [tilespmem:s25+$0x6800]  }
0x6e1: {  	v4 =	vld [tilespmem:s25+$0x6810]  }
0x6e2: {  	v5 =	vld [tilespmem:s25+$0x6820]  }
0x6e3: {  	v6 =	vld [tilespmem:s25+$0x6830]  }
0x6e4: {  	v7 =	vld [tilespmem:s25+$0x6840]  }
0x6e5: {  	v8 =	vld [tilespmem:s25+$0x6850]  }
0x6e6: {  	v0 =	vld [tilespmem:s25+$0x6860]  }
0x6e7: {  	v3 =	vld.idx.msk [tilespmem:v1+s14+$0x0], $0xffff  }
0x6e8: {  	v9 =	vld.idx.msk [tilespmem:v2+s14+$0x0], $0xffff  }
0x6e9: {  	v10 =	vld.idx.msk [tilespmem:v4+s14+$0x0], $0xffff  }
0x6ea: {  	v11 =	vld.idx.msk [tilespmem:v5+s14+$0x0], $0xffff  }
0x6eb: {  	v12 =	vld.idx.msk [tilespmem:v6+s14+$0x0], $0xffff  }
0x6ec: {  	v13 =	vld.idx.msk [tilespmem:v7+s14+$0x0], $0xffff  }
0x6ed: {  	v14 =	vld.idx.msk [tilespmem:v8+s14+$0x0], $0xffff;
	[tilespmem:s25+$0x8870] =	vst v3  }
0x6ee: {  	v63 =	vld.idx.msk [tilespmem:v0+s14+$0x0], $0xffff;
	[tilespmem:s25+$0x8800] =	vst v9  }
0x6ef: {  	[tilespmem:s25+$0x8810] =	vst v10;
	v62 =	vld.idx.msk [tilespmem:v1+s15+$0x0], $0xffff  }
0x6f0: {  	[tilespmem:s25+$0x8820] =	vst v11;
	v3 =	vld.idx.msk [tilespmem:v2+s15+$0x0], $0xffff  }
0x6f1: {  	[tilespmem:s25+$0x8830] =	vst v12;
	v1 =	vld.idx.msk [tilespmem:v4+s15+$0x0], $0xffff  }
0x6f2: {  	[tilespmem:s25+$0x8840] =	vst v13;
	v2 =	vld.idx.msk [tilespmem:v5+s15+$0x0], $0xffff  }
0x6f3: {  	[tilespmem:s25+$0x8850] =	vst v14;
	v4 =	vld.idx.msk [tilespmem:v6+s15+$0x0], $0xffff  }
0x6f4: {  	[tilespmem:s25+$0x8860] =	vst v63;
	v5 =	vld.idx.msk [tilespmem:v7+s15+$0x0], $0xffff  }
0x6f5: {  	s28 =	simm.s32 $0x200;
	s26 =	simm.s32 $0x0;
	v6 =	vld.idx.msk [tilespmem:v8+s15+$0x0], $0xffff;
	[tilespmem:s25+$0x8C70] =	vst v62  }
.LBB2_54:
0x6f6: {  	s29 =	sshra.s32 s28, $0x2;
	s26 =	sadd.s32 $0x8, s26;
	[tilespmem:s25+$0x8C00] =	vst v3;
	v0 =	vld.idx.msk [tilespmem:v0+s15+$0x0], $0xffff  }
0x6f7: {  	v3 =	vld [tilespmem:s29+$0x6870];
	p0 =	slt.u32 s26, $0x38;
	[tilespmem:s25+$0x8C10] =	vst v1  }
0x6f8: {  	v1 =	vld [tilespmem:s29+$0x6800];
	[tilespmem:s25+$0x8C20] =	vst v2  }
0x6f9: {  	v2 =	vld [tilespmem:s29+$0x6810];
	[tilespmem:s25+$0x8C30] =	vst v4  }
0x6fa: {  	v4 =	vld [tilespmem:s29+$0x6820];
	[tilespmem:s25+$0x8C40] =	vst v5  }
0x6fb: {  	v5 =	vld [tilespmem:s29+$0x6830];
	[tilespmem:s25+$0x8C50] =	vst v6  }
0x6fc: {  	v6 =	vld [tilespmem:s29+$0x6840];
	[tilespmem:s25+$0x8C60] =	vst v0;
	s25 =	smov.u32 s29  }
0x6fd: {  	v7 =	vld [tilespmem:s25+$0x6850]  }
0x6fe: {  	v0 =	vld [tilespmem:s25+$0x6860]  }
0x6ff: {  	v8 =	vld.idx.msk [tilespmem:v3+s14+$0x0], $0xffff  }
0x700: {  	v9 =	vld.idx.msk [tilespmem:v1+s14+$0x0], $0xffff  }
0x701: {  	v10 =	vld.idx.msk [tilespmem:v2+s14+$0x0], $0xffff  }
0x702: {  	v11 =	vld.idx.msk [tilespmem:v4+s14+$0x0], $0xffff  }
0x703: {  	v12 =	vld.idx.msk [tilespmem:v5+s14+$0x0], $0xffff  }
0x704: {  	v13 =	vld.idx.msk [tilespmem:v6+s14+$0x0], $0xffff  }
0x705: {  	v14 =	vld.idx.msk [tilespmem:v7+s14+$0x0], $0xffff;
	[tilespmem:s25+$0x8870] =	vst v8  }
0x706: {  	[tilespmem:s25+$0x8800] =	vst v9;
	v8 =	vld.idx.msk [tilespmem:v3+s15+$0x0], $0xffff  }
0x707: {  	[tilespmem:s25+$0x8810] =	vst v10;
	v9 =	vld.idx.msk [tilespmem:v0+s14+$0x0], $0xffff  }
0x708: {  	v3 =	vld.idx.msk [tilespmem:v1+s15+$0x0], $0xffff;
	[tilespmem:s25+$0x8820] =	vst v11  }
.Ltmp26:
0x709: {  	v1 =	vld.idx.msk [tilespmem:v2+s15+$0x0], $0xffff;
	[tilespmem:s25+$0x8830] =	vst v12;
	(pc) =	sbr.rel @p0 .LBB2_54-.Ltmp26, $4  }
0x70a: {  	v2 =	vld.idx.msk [tilespmem:v4+s15+$0x0], $0xffff;
	[tilespmem:s25+$0x8840] =	vst v13  }
0x70b: {  	v4 =	vld.idx.msk [tilespmem:v5+s15+$0x0], $0xffff;
	[tilespmem:s25+$0x8850] =	vst v14  }
0x70c: {  	v5 =	vld.idx.msk [tilespmem:v6+s15+$0x0], $0xffff;
	[tilespmem:s25+$0x8C70] =	vst v8  }
0x70d: {  	s28 =	sadd.s32 $0x200, s28;
	v6 =	vld.idx.msk [tilespmem:v7+s15+$0x0], $0xffff;
	[tilespmem:s25+$0x8860] =	vst v9  }
0x70e: {  	_ =	sdelay $0x2  }
0x70f: {  	[tilespmem:s25+$0x8C00] =	vst v3  }
0x710: {  	v0 =	vld.idx.msk [tilespmem:v0+s15+$0x0], $0xffff;
	[tilespmem:s25+$0x8C10] =	vst v1  }
0x711: {  	[tilespmem:s25+$0x8C20] =	vst v2  }
0x712: {  	[tilespmem:s25+$0x8C30] =	vst v4  }
0x713: {  	[tilespmem:s25+$0x8C40] =	vst v5  }
0x714: {  	[tilespmem:s25+$0x8C50] =	vst v6  }
0x715: {  	[tilespmem:s25+$0x8C60] =	vst v0  }
0x716: {  	s26 =	sld [smem:$0x7FD];
	_ =	sdelay $0x1  }
0x717: {  	s29 =	simm.s32 $0x0  }
0x718: {  	[hbm4b:s26+s29] =	stream.linear.scatter [tilespmem:s16], [sflag:$0x1], $0x400, $0x38;
	[tilespmem:$0x9800] =	vst v63  }
0x719: {  	_ = 	snop  }
0x71a: {  	[hbm4b:s30+s29] =	stream.linear.scatter [tilespmem:s17], [sflag:$0x2], $0x400, $0x38;
	[tilespmem:$0x9800] =	vst v63  }
0x71b: {  	_ =	swait.ge [sflag:s22], $0x400  }
0x71c: {  	[sflag:s22] =	ssyncset.done $0x0  }
0x71d: {  	[sflag:s22] =	ssyncadd.s32 $0xFFFFFC00  }
0x71e: {  	_ =	swait.ge [sflag:s23], $0x400  }
0x71f: {  	[sflag:s23] =	ssyncset.done $0x0  }
0x720: {  	s25 =	simm.s32 $0x0;
	[sflag:s23] =	ssyncadd.s32 $0xFFFFFC00  }
0x721: {  	v1 =	vld [tilespmem:s25+$0x6C70]  }
0x722: {  	v2 =	vld [tilespmem:s25+$0x6C00]  }
0x723: {  	v4 =	vld [tilespmem:s25+$0x6C10]  }
0x724: {  	v5 =	vld [tilespmem:s25+$0x6C20]  }
0x725: {  	v6 =	vld [tilespmem:s25+$0x6C30]  }
0x726: {  	v7 =	vld [tilespmem:s25+$0x6C40]  }
0x727: {  	v8 =	vld [tilespmem:s25+$0x6C50]  }
0x728: {  	v0 =	vld [tilespmem:s25+$0x6C60]  }
0x729: {  	v3 =	vld.idx.msk [tilespmem:v1+s14+$0x0], $0xffff  }
0x72a: {  	v9 =	vld.idx.msk [tilespmem:v2+s14+$0x0], $0xffff  }
0x72b: {  	v10 =	vld.idx.msk [tilespmem:v4+s14+$0x0], $0xffff  }
0x72c: {  	v11 =	vld.idx.msk [tilespmem:v5+s14+$0x0], $0xffff  }
0x72d: {  	v12 =	vld.idx.msk [tilespmem:v6+s14+$0x0], $0xffff  }
0x72e: {  	v13 =	vld.idx.msk [tilespmem:v7+s14+$0x0], $0xffff  }
0x72f: {  	v14 =	vld.idx.msk [tilespmem:v8+s14+$0x0], $0xffff;
	[tilespmem:s25+$0x9070] =	vst v3  }
0x730: {  	v63 =	vld.idx.msk [tilespmem:v0+s14+$0x0], $0xffff;
	[tilespmem:s25+$0x9000] =	vst v9  }
0x731: {  	[tilespmem:s25+$0x9010] =	vst v10;
	v62 =	vld.idx.msk [tilespmem:v1+s15+$0x0], $0xffff  }
0x732: {  	[tilespmem:s25+$0x9020] =	vst v11;
	v3 =	vld.idx.msk [tilespmem:v2+s15+$0x0], $0xffff  }
0x733: {  	[tilespmem:s25+$0x9030] =	vst v12;
	v1 =	vld.idx.msk [tilespmem:v4+s15+$0x0], $0xffff  }
0x734: {  	[tilespmem:s25+$0x9040] =	vst v13;
	v2 =	vld.idx.msk [tilespmem:v5+s15+$0x0], $0xffff  }
0x735: {  	[tilespmem:s25+$0x9050] =	vst v14;
	v4 =	vld.idx.msk [tilespmem:v6+s15+$0x0], $0xffff  }
0x736: {  	[tilespmem:s25+$0x9060] =	vst v63;
	v5 =	vld.idx.msk [tilespmem:v7+s15+$0x0], $0xffff  }
0x737: {  	s28 =	simm.s32 $0x200;
	s26 =	simm.s32 $0x0;
	v6 =	vld.idx.msk [tilespmem:v8+s15+$0x0], $0xffff;
	[tilespmem:s25+$0x9470] =	vst v62  }
.LBB2_56:
0x738: {  	s29 =	sshra.s32 s28, $0x2;
	s26 =	sadd.s32 $0x8, s26;
	[tilespmem:s25+$0x9400] =	vst v3;
	v0 =	vld.idx.msk [tilespmem:v0+s15+$0x0], $0xffff  }
0x739: {  	v3 =	vld [tilespmem:s29+$0x6C70];
	p0 =	slt.u32 s26, $0x38;
	[tilespmem:s25+$0x9410] =	vst v1  }
0x73a: {  	v1 =	vld [tilespmem:s29+$0x6C00];
	[tilespmem:s25+$0x9420] =	vst v2  }
0x73b: {  	v2 =	vld [tilespmem:s29+$0x6C10];
	[tilespmem:s25+$0x9430] =	vst v4  }
0x73c: {  	v4 =	vld [tilespmem:s29+$0x6C20];
	[tilespmem:s25+$0x9440] =	vst v5  }
0x73d: {  	v5 =	vld [tilespmem:s29+$0x6C30];
	[tilespmem:s25+$0x9450] =	vst v6  }
0x73e: {  	v6 =	vld [tilespmem:s29+$0x6C40];
	[tilespmem:s25+$0x9460] =	vst v0;
	s25 =	smov.u32 s29  }
0x73f: {  	v7 =	vld [tilespmem:s25+$0x6C50]  }
0x740: {  	v0 =	vld [tilespmem:s25+$0x6C60]  }
0x741: {  	v8 =	vld.idx.msk [tilespmem:v3+s14+$0x0], $0xffff  }
0x742: {  	v9 =	vld.idx.msk [tilespmem:v1+s14+$0x0], $0xffff  }
0x743: {  	v10 =	vld.idx.msk [tilespmem:v2+s14+$0x0], $0xffff  }
0x744: {  	v11 =	vld.idx.msk [tilespmem:v4+s14+$0x0], $0xffff  }
0x745: {  	v12 =	vld.idx.msk [tilespmem:v5+s14+$0x0], $0xffff  }
0x746: {  	v13 =	vld.idx.msk [tilespmem:v6+s14+$0x0], $0xffff  }
0x747: {  	v14 =	vld.idx.msk [tilespmem:v7+s14+$0x0], $0xffff;
	[tilespmem:s25+$0x9070] =	vst v8  }
0x748: {  	[tilespmem:s25+$0x9000] =	vst v9;
	v8 =	vld.idx.msk [tilespmem:v3+s15+$0x0], $0xffff  }
0x749: {  	[tilespmem:s25+$0x9010] =	vst v10;
	v9 =	vld.idx.msk [tilespmem:v0+s14+$0x0], $0xffff  }
0x74a: {  	v3 =	vld.idx.msk [tilespmem:v1+s15+$0x0], $0xffff;
	[tilespmem:s25+$0x9020] =	vst v11  }
.Ltmp27:
0x74b: {  	v1 =	vld.idx.msk [tilespmem:v2+s15+$0x0], $0xffff;
	[tilespmem:s25+$0x9030] =	vst v12;
	(pc) =	sbr.rel @p0 .LBB2_56-.Ltmp27, $4  }
0x74c: {  	v2 =	vld.idx.msk [tilespmem:v4+s15+$0x0], $0xffff;
	[tilespmem:s25+$0x9040] =	vst v13  }
0x74d: {  	v4 =	vld.idx.msk [tilespmem:v5+s15+$0x0], $0xffff;
	[tilespmem:s25+$0x9050] =	vst v14  }
0x74e: {  	v5 =	vld.idx.msk [tilespmem:v6+s15+$0x0], $0xffff;
	[tilespmem:s25+$0x9470] =	vst v8  }
0x74f: {  	s28 =	sadd.s32 $0x200, s28;
	v6 =	vld.idx.msk [tilespmem:v7+s15+$0x0], $0xffff;
	[tilespmem:s25+$0x9060] =	vst v9  }
0x750: {  	_ =	sdelay $0x2  }
0x751: {  	[tilespmem:s25+$0x9400] =	vst v3  }
0x752: {  	v0 =	vld.idx.msk [tilespmem:v0+s15+$0x0], $0xffff;
	[tilespmem:s25+$0x9410] =	vst v1  }
0x753: {  	[tilespmem:s25+$0x9420] =	vst v2  }
0x754: {  	[tilespmem:s25+$0x9430] =	vst v4  }
0x755: {  	[tilespmem:s25+$0x9440] =	vst v5  }
0x756: {  	[tilespmem:s25+$0x9450] =	vst v6  }
0x757: {  	s29 =	simm.s32 $0x0;
	[tilespmem:s25+$0x9460] =	vst v0  }
0x758: {  	[hbm4b:s31+s29] =	stream.linear.scatter [tilespmem:s18], [sflag:$0x3], $0x400, $0x38;
	[tilespmem:$0x9800] =	vst v63  }
0x759: {  	_ = 	snop  }
0x75a: {  	[hbm4b:s0+s29] =	stream.linear.scatter [tilespmem:s19], [sflag:$0x4], $0x400, $0x38;
	[tilespmem:$0x9800] =	vst v63  }
0x75b: {  	_ =	swait.ge [sflag:s20], $0x400  }
0x75c: {  	[sflag:s20] =	ssyncset.done $0x0  }
0x75d: {  	[sflag:s20] =	ssyncadd.s32 $0xFFFFFC00  }
0x75e: {  	_ =	swait.ge [sflag:s21], $0x400  }
0x75f: {  	[sflag:s21] =	ssyncset.done $0x0  }
0x760: {  	s25 =	simm.s32 $0x0;
	[sflag:s21] =	ssyncadd.s32 $0xFFFFFC00  }
0x761: {  	v1 =	vld [tilespmem:s25+$0x7070]  }
0x762: {  	v2 =	vld [tilespmem:s25+$0x7000]  }
0x763: {  	v4 =	vld [tilespmem:s25+$0x7010]  }
0x764: {  	v5 =	vld [tilespmem:s25+$0x7020]  }
0x765: {  	v6 =	vld [tilespmem:s25+$0x7030]  }
0x766: {  	v7 =	vld [tilespmem:s25+$0x7040]  }
0x767: {  	v8 =	vld [tilespmem:s25+$0x7050]  }
0x768: {  	v0 =	vld [tilespmem:s25+$0x7060]  }
0x769: {  	v3 =	vld.idx.msk [tilespmem:v1+s14+$0x0], $0xffff  }
0x76a: {  	v9 =	vld.idx.msk [tilespmem:v2+s14+$0x0], $0xffff  }
0x76b: {  	v10 =	vld.idx.msk [tilespmem:v4+s14+$0x0], $0xffff  }
0x76c: {  	v11 =	vld.idx.msk [tilespmem:v5+s14+$0x0], $0xffff  }
0x76d: {  	v12 =	vld.idx.msk [tilespmem:v6+s14+$0x0], $0xffff  }
0x76e: {  	v13 =	vld.idx.msk [tilespmem:v7+s14+$0x0], $0xffff  }
0x76f: {  	v14 =	vld.idx.msk [tilespmem:v8+s14+$0x0], $0xffff;
	[tilespmem:s25+$0x8870] =	vst v3  }
0x770: {  	v63 =	vld.idx.msk [tilespmem:v0+s14+$0x0], $0xffff;
	[tilespmem:s25+$0x8800] =	vst v9  }
0x771: {  	[tilespmem:s25+$0x8810] =	vst v10;
	v62 =	vld.idx.msk [tilespmem:v1+s15+$0x0], $0xffff  }
0x772: {  	[tilespmem:s25+$0x8820] =	vst v11;
	v3 =	vld.idx.msk [tilespmem:v2+s15+$0x0], $0xffff  }
0x773: {  	[tilespmem:s25+$0x8830] =	vst v12;
	v1 =	vld.idx.msk [tilespmem:v4+s15+$0x0], $0xffff  }
0x774: {  	[tilespmem:s25+$0x8840] =	vst v13;
	v2 =	vld.idx.msk [tilespmem:v5+s15+$0x0], $0xffff  }
0x775: {  	[tilespmem:s25+$0x8850] =	vst v14;
	v4 =	vld.idx.msk [tilespmem:v6+s15+$0x0], $0xffff  }
0x776: {  	[tilespmem:s25+$0x8860] =	vst v63;
	v5 =	vld.idx.msk [tilespmem:v7+s15+$0x0], $0xffff  }
0x777: {  	s26 =	simm.s32 $0x0;
	s28 =	simm.s32 $0x200;
	v6 =	vld.idx.msk [tilespmem:v8+s15+$0x0], $0xffff;
	[tilespmem:s25+$0x8C70] =	vst v62  }
.LBB2_58:
0x778: {  	s29 =	sshra.s32 s28, $0x2;
	s26 =	sadd.s32 $0x8, s26;
	[tilespmem:s25+$0x8C00] =	vst v3;
	v0 =	vld.idx.msk [tilespmem:v0+s15+$0x0], $0xffff  }
0x779: {  	v3 =	vld [tilespmem:s29+$0x7070];
	p0 =	slt.u32 s26, $0x38;
	[tilespmem:s25+$0x8C10] =	vst v1  }
0x77a: {  	v1 =	vld [tilespmem:s29+$0x7000];
	[tilespmem:s25+$0x8C20] =	vst v2  }
0x77b: {  	v2 =	vld [tilespmem:s29+$0x7010];
	[tilespmem:s25+$0x8C30] =	vst v4  }
0x77c: {  	v4 =	vld [tilespmem:s29+$0x7020];
	[tilespmem:s25+$0x8C40] =	vst v5  }
0x77d: {  	v5 =	vld [tilespmem:s29+$0x7030];
	[tilespmem:s25+$0x8C50] =	vst v6  }
0x77e: {  	v6 =	vld [tilespmem:s29+$0x7040];
	[tilespmem:s25+$0x8C60] =	vst v0;
	s25 =	smov.u32 s29  }
0x77f: {  	v7 =	vld [tilespmem:s25+$0x7050]  }
0x780: {  	v0 =	vld [tilespmem:s25+$0x7060]  }
0x781: {  	v8 =	vld.idx.msk [tilespmem:v3+s14+$0x0], $0xffff  }
0x782: {  	v9 =	vld.idx.msk [tilespmem:v1+s14+$0x0], $0xffff  }
0x783: {  	v10 =	vld.idx.msk [tilespmem:v2+s14+$0x0], $0xffff  }
0x784: {  	v11 =	vld.idx.msk [tilespmem:v4+s14+$0x0], $0xffff  }
0x785: {  	v12 =	vld.idx.msk [tilespmem:v5+s14+$0x0], $0xffff  }
0x786: {  	v13 =	vld.idx.msk [tilespmem:v6+s14+$0x0], $0xffff  }
0x787: {  	v14 =	vld.idx.msk [tilespmem:v7+s14+$0x0], $0xffff;
	[tilespmem:s25+$0x8870] =	vst v8  }
0x788: {  	[tilespmem:s25+$0x8800] =	vst v9;
	v8 =	vld.idx.msk [tilespmem:v3+s15+$0x0], $0xffff  }
0x789: {  	[tilespmem:s25+$0x8810] =	vst v10;
	v9 =	vld.idx.msk [tilespmem:v0+s14+$0x0], $0xffff  }
0x78a: {  	v3 =	vld.idx.msk [tilespmem:v1+s15+$0x0], $0xffff;
	[tilespmem:s25+$0x8820] =	vst v11  }
.Ltmp28:
0x78b: {  	v1 =	vld.idx.msk [tilespmem:v2+s15+$0x0], $0xffff;
	[tilespmem:s25+$0x8830] =	vst v12;
	(pc) =	sbr.rel @p0 .LBB2_58-.Ltmp28, $4  }
0x78c: {  	v2 =	vld.idx.msk [tilespmem:v4+s15+$0x0], $0xffff;
	[tilespmem:s25+$0x8840] =	vst v13  }
0x78d: {  	v4 =	vld.idx.msk [tilespmem:v5+s15+$0x0], $0xffff;
	[tilespmem:s25+$0x8850] =	vst v14  }
0x78e: {  	v5 =	vld.idx.msk [tilespmem:v6+s15+$0x0], $0xffff;
	[tilespmem:s25+$0x8C70] =	vst v8  }
0x78f: {  	s28 =	sadd.s32 $0x200, s28;
	v6 =	vld.idx.msk [tilespmem:v7+s15+$0x0], $0xffff;
	[tilespmem:s25+$0x8860] =	vst v9  }
0x790: {  	_ =	sdelay $0x2  }
0x791: {  	[tilespmem:s25+$0x8C00] =	vst v3  }
0x792: {  	v0 =	vld.idx.msk [tilespmem:v0+s15+$0x0], $0xffff;
	[tilespmem:s25+$0x8C10] =	vst v1  }
0x793: {  	[tilespmem:s25+$0x8C20] =	vst v2  }
0x794: {  	[tilespmem:s25+$0x8C30] =	vst v4  }
0x795: {  	[tilespmem:s25+$0x8C40] =	vst v5  }
0x796: {  	[tilespmem:s25+$0x8C50] =	vst v6  }
0x797: {  	s29 =	simm.s32 $0x0;
	[tilespmem:s25+$0x8C60] =	vst v0  }
0x798: {  	[hbm4b:s1+s29] =	stream.linear.scatter [tilespmem:s16], [sflag:$0x1], $0x400, $0x38;
	[tilespmem:$0x9800] =	vst v63  }
0x799: {  	_ = 	snop  }
0x79a: {  	[hbm4b:s3+s29] =	stream.linear.scatter [tilespmem:s17], [sflag:$0x2], $0x400, $0x38;
	[tilespmem:$0x9800] =	vst v63  }
0x79b: {  	_ =	swait.ge [sflag:s22], $0x400  }
0x79c: {  	[sflag:s22] =	ssyncset.done $0x0  }
0x79d: {  	[sflag:s22] =	ssyncadd.s32 $0xFFFFFC00  }
0x79e: {  	_ =	swait.ge [sflag:s23], $0x400  }
0x79f: {  	[sflag:s23] =	ssyncset.done $0x0  }
0x7a0: {  	s25 =	simm.s32 $0x0;
	[sflag:s23] =	ssyncadd.s32 $0xFFFFFC00  }
0x7a1: {  	v1 =	vld [tilespmem:s25+$0x7470]  }
0x7a2: {  	v2 =	vld [tilespmem:s25+$0x7400]  }
0x7a3: {  	v4 =	vld [tilespmem:s25+$0x7410]  }
0x7a4: {  	v5 =	vld [tilespmem:s25+$0x7420]  }
0x7a5: {  	v6 =	vld [tilespmem:s25+$0x7430]  }
0x7a6: {  	v7 =	vld [tilespmem:s25+$0x7440]  }
0x7a7: {  	v8 =	vld [tilespmem:s25+$0x7450]  }
0x7a8: {  	v0 =	vld [tilespmem:s25+$0x7460]  }
0x7a9: {  	v3 =	vld.idx.msk [tilespmem:v1+s14+$0x0], $0xffff  }
0x7aa: {  	v9 =	vld.idx.msk [tilespmem:v2+s14+$0x0], $0xffff  }
0x7ab: {  	v10 =	vld.idx.msk [tilespmem:v4+s14+$0x0], $0xffff  }
0x7ac: {  	v11 =	vld.idx.msk [tilespmem:v5+s14+$0x0], $0xffff  }
0x7ad: {  	v12 =	vld.idx.msk [tilespmem:v6+s14+$0x0], $0xffff  }
0x7ae: {  	v13 =	vld.idx.msk [tilespmem:v7+s14+$0x0], $0xffff  }
0x7af: {  	v14 =	vld.idx.msk [tilespmem:v8+s14+$0x0], $0xffff;
	[tilespmem:s25+$0x9070] =	vst v3  }
0x7b0: {  	v63 =	vld.idx.msk [tilespmem:v0+s14+$0x0], $0xffff;
	[tilespmem:s25+$0x9000] =	vst v9  }
0x7b1: {  	[tilespmem:s25+$0x9010] =	vst v10;
	v62 =	vld.idx.msk [tilespmem:v1+s15+$0x0], $0xffff  }
0x7b2: {  	[tilespmem:s25+$0x9020] =	vst v11;
	v3 =	vld.idx.msk [tilespmem:v2+s15+$0x0], $0xffff  }
0x7b3: {  	[tilespmem:s25+$0x9030] =	vst v12;
	v1 =	vld.idx.msk [tilespmem:v4+s15+$0x0], $0xffff  }
0x7b4: {  	[tilespmem:s25+$0x9040] =	vst v13;
	v2 =	vld.idx.msk [tilespmem:v5+s15+$0x0], $0xffff  }
0x7b5: {  	[tilespmem:s25+$0x9050] =	vst v14;
	v4 =	vld.idx.msk [tilespmem:v6+s15+$0x0], $0xffff  }
0x7b6: {  	[tilespmem:s25+$0x9060] =	vst v63;
	v5 =	vld.idx.msk [tilespmem:v7+s15+$0x0], $0xffff  }
0x7b7: {  	s26 =	simm.s32 $0x0;
	s28 =	simm.s32 $0x200;
	v6 =	vld.idx.msk [tilespmem:v8+s15+$0x0], $0xffff;
	[tilespmem:s25+$0x9470] =	vst v62  }
.LBB2_60:
0x7b8: {  	s29 =	sshra.s32 s28, $0x2;
	s26 =	sadd.s32 $0x8, s26;
	[tilespmem:s25+$0x9400] =	vst v3;
	v0 =	vld.idx.msk [tilespmem:v0+s15+$0x0], $0xffff  }
0x7b9: {  	v3 =	vld [tilespmem:s29+$0x7470];
	p0 =	slt.u32 s26, $0x38;
	[tilespmem:s25+$0x9410] =	vst v1  }
0x7ba: {  	v1 =	vld [tilespmem:s29+$0x7400];
	[tilespmem:s25+$0x9420] =	vst v2  }
0x7bb: {  	v2 =	vld [tilespmem:s29+$0x7410];
	[tilespmem:s25+$0x9430] =	vst v4  }
0x7bc: {  	v4 =	vld [tilespmem:s29+$0x7420];
	[tilespmem:s25+$0x9440] =	vst v5  }
0x7bd: {  	v5 =	vld [tilespmem:s29+$0x7430];
	[tilespmem:s25+$0x9450] =	vst v6  }
0x7be: {  	v6 =	vld [tilespmem:s29+$0x7440];
	[tilespmem:s25+$0x9460] =	vst v0;
	s25 =	smov.u32 s29  }
0x7bf: {  	v7 =	vld [tilespmem:s25+$0x7450]  }
0x7c0: {  	v0 =	vld [tilespmem:s25+$0x7460]  }
0x7c1: {  	v8 =	vld.idx.msk [tilespmem:v3+s14+$0x0], $0xffff  }
0x7c2: {  	v9 =	vld.idx.msk [tilespmem:v1+s14+$0x0], $0xffff  }
0x7c3: {  	v10 =	vld.idx.msk [tilespmem:v2+s14+$0x0], $0xffff  }
0x7c4: {  	v11 =	vld.idx.msk [tilespmem:v4+s14+$0x0], $0xffff  }
0x7c5: {  	v12 =	vld.idx.msk [tilespmem:v5+s14+$0x0], $0xffff  }
0x7c6: {  	v13 =	vld.idx.msk [tilespmem:v6+s14+$0x0], $0xffff  }
0x7c7: {  	v14 =	vld.idx.msk [tilespmem:v7+s14+$0x0], $0xffff;
	[tilespmem:s25+$0x9070] =	vst v8  }
0x7c8: {  	[tilespmem:s25+$0x9000] =	vst v9;
	v8 =	vld.idx.msk [tilespmem:v3+s15+$0x0], $0xffff  }
0x7c9: {  	[tilespmem:s25+$0x9010] =	vst v10;
	v9 =	vld.idx.msk [tilespmem:v0+s14+$0x0], $0xffff  }
0x7ca: {  	v3 =	vld.idx.msk [tilespmem:v1+s15+$0x0], $0xffff;
	[tilespmem:s25+$0x9020] =	vst v11  }
.Ltmp29:
0x7cb: {  	v1 =	vld.idx.msk [tilespmem:v2+s15+$0x0], $0xffff;
	[tilespmem:s25+$0x9030] =	vst v12;
	(pc) =	sbr.rel @p0 .LBB2_60-.Ltmp29, $4  }
0x7cc: {  	v2 =	vld.idx.msk [tilespmem:v4+s15+$0x0], $0xffff;
	[tilespmem:s25+$0x9040] =	vst v13  }
0x7cd: {  	v4 =	vld.idx.msk [tilespmem:v5+s15+$0x0], $0xffff;
	[tilespmem:s25+$0x9050] =	vst v14  }
0x7ce: {  	v5 =	vld.idx.msk [tilespmem:v6+s15+$0x0], $0xffff;
	[tilespmem:s25+$0x9470] =	vst v8  }
0x7cf: {  	s28 =	sadd.s32 $0x200, s28;
	v6 =	vld.idx.msk [tilespmem:v7+s15+$0x0], $0xffff;
	[tilespmem:s25+$0x9060] =	vst v9  }
0x7d0: {  	_ =	sdelay $0x2  }
0x7d1: {  	[tilespmem:s25+$0x9400] =	vst v3  }
0x7d2: {  	v0 =	vld.idx.msk [tilespmem:v0+s15+$0x0], $0xffff;
	[tilespmem:s25+$0x9410] =	vst v1  }
0x7d3: {  	[tilespmem:s25+$0x9420] =	vst v2  }
0x7d4: {  	[tilespmem:s25+$0x9430] =	vst v4  }
0x7d5: {  	[tilespmem:s25+$0x9440] =	vst v5  }
0x7d6: {  	[tilespmem:s25+$0x9450] =	vst v6  }
0x7d7: {  	s29 =	simm.s32 $0x0;
	[tilespmem:s25+$0x9460] =	vst v0  }
0x7d8: {  	[hbm4b:s5+s29] =	stream.linear.scatter [tilespmem:s18], [sflag:$0x3], $0x400, $0x38;
	[tilespmem:$0x9800] =	vst v63  }
0x7d9: {  	_ = 	snop  }
0x7da: {  	[hbm4b:s6+s29] =	stream.linear.scatter [tilespmem:s19], [sflag:$0x4], $0x400, $0x38;
	[tilespmem:$0x9800] =	vst v63  }
0x7db: {  	_ =	swait.ge [sflag:s20], $0x400  }
0x7dc: {  	[sflag:s20] =	ssyncset.done $0x0  }
0x7dd: {  	[sflag:s20] =	ssyncadd.s32 $0xFFFFFC00  }
0x7de: {  	_ =	swait.ge [sflag:s21], $0x400  }
0x7df: {  	[sflag:s21] =	ssyncset.done $0x0  }
0x7e0: {  	s25 =	simm.s32 $0x0;
	[sflag:s21] =	ssyncadd.s32 $0xFFFFFC00  }
0x7e1: {  	v1 =	vld [tilespmem:s25+$0x7870]  }
0x7e2: {  	v2 =	vld [tilespmem:s25+$0x7800]  }
0x7e3: {  	v4 =	vld [tilespmem:s25+$0x7810]  }
0x7e4: {  	v5 =	vld [tilespmem:s25+$0x7820]  }
0x7e5: {  	v6 =	vld [tilespmem:s25+$0x7830]  }
0x7e6: {  	v7 =	vld [tilespmem:s25+$0x7840]  }
0x7e7: {  	v8 =	vld [tilespmem:s25+$0x7850]  }
0x7e8: {  	v0 =	vld [tilespmem:s25+$0x7860]  }
0x7e9: {  	v3 =	vld.idx.msk [tilespmem:v1+s14+$0x0], $0xffff  }
0x7ea: {  	v9 =	vld.idx.msk [tilespmem:v2+s14+$0x0], $0xffff  }
0x7eb: {  	v10 =	vld.idx.msk [tilespmem:v4+s14+$0x0], $0xffff  }
0x7ec: {  	v11 =	vld.idx.msk [tilespmem:v5+s14+$0x0], $0xffff  }
0x7ed: {  	v12 =	vld.idx.msk [tilespmem:v6+s14+$0x0], $0xffff  }
0x7ee: {  	v13 =	vld.idx.msk [tilespmem:v7+s14+$0x0], $0xffff  }
0x7ef: {  	v14 =	vld.idx.msk [tilespmem:v8+s14+$0x0], $0xffff;
	[tilespmem:s25+$0x8870] =	vst v3  }
0x7f0: {  	v63 =	vld.idx.msk [tilespmem:v0+s14+$0x0], $0xffff;
	[tilespmem:s25+$0x8800] =	vst v9  }
0x7f1: {  	[tilespmem:s25+$0x8810] =	vst v10;
	v62 =	vld.idx.msk [tilespmem:v1+s15+$0x0], $0xffff  }
0x7f2: {  	[tilespmem:s25+$0x8820] =	vst v11;
	v3 =	vld.idx.msk [tilespmem:v2+s15+$0x0], $0xffff  }
0x7f3: {  	[tilespmem:s25+$0x8830] =	vst v12;
	v1 =	vld.idx.msk [tilespmem:v4+s15+$0x0], $0xffff  }
0x7f4: {  	[tilespmem:s25+$0x8840] =	vst v13;
	v2 =	vld.idx.msk [tilespmem:v5+s15+$0x0], $0xffff  }
0x7f5: {  	[tilespmem:s25+$0x8850] =	vst v14;
	v4 =	vld.idx.msk [tilespmem:v6+s15+$0x0], $0xffff  }
0x7f6: {  	[tilespmem:s25+$0x8860] =	vst v63;
	v5 =	vld.idx.msk [tilespmem:v7+s15+$0x0], $0xffff  }
0x7f7: {  	s26 =	simm.s32 $0x0;
	s28 =	simm.s32 $0x200;
	v6 =	vld.idx.msk [tilespmem:v8+s15+$0x0], $0xffff;
	[tilespmem:s25+$0x8C70] =	vst v62  }
.LBB2_62:
0x7f8: {  	s29 =	sshra.s32 s28, $0x2;
	s26 =	sadd.s32 $0x8, s26;
	[tilespmem:s25+$0x8C00] =	vst v3;
	v0 =	vld.idx.msk [tilespmem:v0+s15+$0x0], $0xffff  }
0x7f9: {  	v3 =	vld [tilespmem:s29+$0x7870];
	p0 =	slt.u32 s26, $0x38;
	[tilespmem:s25+$0x8C10] =	vst v1  }
0x7fa: {  	v1 =	vld [tilespmem:s29+$0x7800];
	[tilespmem:s25+$0x8C20] =	vst v2  }
0x7fb: {  	v2 =	vld [tilespmem:s29+$0x7810];
	[tilespmem:s25+$0x8C30] =	vst v4  }
0x7fc: {  	v4 =	vld [tilespmem:s29+$0x7820];
	[tilespmem:s25+$0x8C40] =	vst v5  }
0x7fd: {  	v5 =	vld [tilespmem:s29+$0x7830];
	[tilespmem:s25+$0x8C50] =	vst v6  }
0x7fe: {  	v6 =	vld [tilespmem:s29+$0x7840];
	[tilespmem:s25+$0x8C60] =	vst v0;
	s25 =	smov.u32 s29  }
0x7ff: {  	v7 =	vld [tilespmem:s25+$0x7850]  }
0x800: {  	v0 =	vld [tilespmem:s25+$0x7860]  }
0x801: {  	v8 =	vld.idx.msk [tilespmem:v3+s14+$0x0], $0xffff  }
0x802: {  	v9 =	vld.idx.msk [tilespmem:v1+s14+$0x0], $0xffff  }
0x803: {  	v10 =	vld.idx.msk [tilespmem:v2+s14+$0x0], $0xffff  }
0x804: {  	v11 =	vld.idx.msk [tilespmem:v4+s14+$0x0], $0xffff  }
0x805: {  	v12 =	vld.idx.msk [tilespmem:v5+s14+$0x0], $0xffff  }
0x806: {  	v13 =	vld.idx.msk [tilespmem:v6+s14+$0x0], $0xffff  }
0x807: {  	v14 =	vld.idx.msk [tilespmem:v7+s14+$0x0], $0xffff;
	[tilespmem:s25+$0x8870] =	vst v8  }
0x808: {  	[tilespmem:s25+$0x8800] =	vst v9;
	v8 =	vld.idx.msk [tilespmem:v3+s15+$0x0], $0xffff  }
0x809: {  	[tilespmem:s25+$0x8810] =	vst v10;
	v9 =	vld.idx.msk [tilespmem:v0+s14+$0x0], $0xffff  }
0x80a: {  	v3 =	vld.idx.msk [tilespmem:v1+s15+$0x0], $0xffff;
	[tilespmem:s25+$0x8820] =	vst v11  }
.Ltmp30:
0x80b: {  	v1 =	vld.idx.msk [tilespmem:v2+s15+$0x0], $0xffff;
	[tilespmem:s25+$0x8830] =	vst v12;
	(pc) =	sbr.rel @p0 .LBB2_62-.Ltmp30, $4  }
0x80c: {  	v2 =	vld.idx.msk [tilespmem:v4+s15+$0x0], $0xffff;
	[tilespmem:s25+$0x8840] =	vst v13  }
0x80d: {  	v4 =	vld.idx.msk [tilespmem:v5+s15+$0x0], $0xffff;
	[tilespmem:s25+$0x8850] =	vst v14  }
0x80e: {  	v5 =	vld.idx.msk [tilespmem:v6+s15+$0x0], $0xffff;
	[tilespmem:s25+$0x8C70] =	vst v8  }
0x80f: {  	s28 =	sadd.s32 $0x200, s28;
	v6 =	vld.idx.msk [tilespmem:v7+s15+$0x0], $0xffff;
	[tilespmem:s25+$0x8860] =	vst v9  }
0x810: {  	_ =	sdelay $0x2  }
0x811: {  	[tilespmem:s25+$0x8C00] =	vst v3  }
0x812: {  	v0 =	vld.idx.msk [tilespmem:v0+s15+$0x0], $0xffff;
	[tilespmem:s25+$0x8C10] =	vst v1  }
0x813: {  	[tilespmem:s25+$0x8C20] =	vst v2  }
0x814: {  	[tilespmem:s25+$0x8C30] =	vst v4  }
0x815: {  	[tilespmem:s25+$0x8C40] =	vst v5  }
0x816: {  	[tilespmem:s25+$0x8C50] =	vst v6  }
0x817: {  	s29 =	simm.s32 $0x0;
	[tilespmem:s25+$0x8C60] =	vst v0  }
0x818: {  	[hbm4b:s7+s29] =	stream.linear.scatter [tilespmem:s16], [sflag:$0x1], $0x400, $0x38;
	[tilespmem:$0x9800] =	vst v63  }
0x819: {  	_ = 	snop  }
0x81a: {  	[hbm4b:s8+s29] =	stream.linear.scatter [tilespmem:s17], [sflag:$0x2], $0x400, $0x38;
	[tilespmem:$0x9800] =	vst v63  }
0x81b: {  	_ =	swait.ge [sflag:s22], $0x400  }
0x81c: {  	[sflag:s22] =	ssyncset.done $0x0  }
0x81d: {  	[sflag:s22] =	ssyncadd.s32 $0xFFFFFC00  }
0x81e: {  	_ =	swait.ge [sflag:s23], $0x400  }
0x81f: {  	[sflag:s23] =	ssyncset.done $0x0  }
0x820: {  	s25 =	simm.s32 $0x0;
	[sflag:s23] =	ssyncadd.s32 $0xFFFFFC00  }
0x821: {  	v1 =	vld [tilespmem:s25+$0x7C70]  }
0x822: {  	v2 =	vld [tilespmem:s25+$0x7C00]  }
0x823: {  	v4 =	vld [tilespmem:s25+$0x7C10]  }
0x824: {  	v5 =	vld [tilespmem:s25+$0x7C20]  }
0x825: {  	v6 =	vld [tilespmem:s25+$0x7C30]  }
0x826: {  	v7 =	vld [tilespmem:s25+$0x7C40]  }
0x827: {  	v8 =	vld [tilespmem:s25+$0x7C50]  }
0x828: {  	v0 =	vld [tilespmem:s25+$0x7C60]  }
0x829: {  	v3 =	vld.idx.msk [tilespmem:v1+s14+$0x0], $0xffff  }
0x82a: {  	v9 =	vld.idx.msk [tilespmem:v2+s14+$0x0], $0xffff  }
0x82b: {  	v10 =	vld.idx.msk [tilespmem:v4+s14+$0x0], $0xffff  }
0x82c: {  	v11 =	vld.idx.msk [tilespmem:v5+s14+$0x0], $0xffff  }
0x82d: {  	v12 =	vld.idx.msk [tilespmem:v6+s14+$0x0], $0xffff  }
0x82e: {  	v13 =	vld.idx.msk [tilespmem:v7+s14+$0x0], $0xffff  }
0x82f: {  	v14 =	vld.idx.msk [tilespmem:v8+s14+$0x0], $0xffff;
	[tilespmem:s25+$0x9070] =	vst v3  }
0x830: {  	v63 =	vld.idx.msk [tilespmem:v0+s14+$0x0], $0xffff;
	[tilespmem:s25+$0x9000] =	vst v9  }
0x831: {  	[tilespmem:s25+$0x9010] =	vst v10;
	v62 =	vld.idx.msk [tilespmem:v1+s15+$0x0], $0xffff  }
0x832: {  	[tilespmem:s25+$0x9020] =	vst v11;
	v3 =	vld.idx.msk [tilespmem:v2+s15+$0x0], $0xffff  }
0x833: {  	[tilespmem:s25+$0x9030] =	vst v12;
	v1 =	vld.idx.msk [tilespmem:v4+s15+$0x0], $0xffff  }
0x834: {  	[tilespmem:s25+$0x9040] =	vst v13;
	v2 =	vld.idx.msk [tilespmem:v5+s15+$0x0], $0xffff  }
0x835: {  	[tilespmem:s25+$0x9050] =	vst v14;
	v4 =	vld.idx.msk [tilespmem:v6+s15+$0x0], $0xffff  }
0x836: {  	[tilespmem:s25+$0x9060] =	vst v63;
	v5 =	vld.idx.msk [tilespmem:v7+s15+$0x0], $0xffff  }
0x837: {  	s26 =	simm.s32 $0x0;
	s28 =	simm.s32 $0x200;
	v6 =	vld.idx.msk [tilespmem:v8+s15+$0x0], $0xffff;
	[tilespmem:s25+$0x9470] =	vst v62  }
.LBB2_64:
0x838: {  	s29 =	sshra.s32 s28, $0x2;
	s26 =	sadd.s32 $0x8, s26;
	[tilespmem:s25+$0x9400] =	vst v3;
	v0 =	vld.idx.msk [tilespmem:v0+s15+$0x0], $0xffff  }
0x839: {  	v3 =	vld [tilespmem:s29+$0x7C70];
	p0 =	slt.u32 s26, $0x38;
	[tilespmem:s25+$0x9410] =	vst v1  }
0x83a: {  	v1 =	vld [tilespmem:s29+$0x7C00];
	[tilespmem:s25+$0x9420] =	vst v2  }
0x83b: {  	v2 =	vld [tilespmem:s29+$0x7C10];
	[tilespmem:s25+$0x9430] =	vst v4  }
0x83c: {  	v4 =	vld [tilespmem:s29+$0x7C20];
	[tilespmem:s25+$0x9440] =	vst v5  }
0x83d: {  	v5 =	vld [tilespmem:s29+$0x7C30];
	[tilespmem:s25+$0x9450] =	vst v6  }
0x83e: {  	v6 =	vld [tilespmem:s29+$0x7C40];
	[tilespmem:s25+$0x9460] =	vst v0;
	s25 =	smov.u32 s29  }
0x83f: {  	v7 =	vld [tilespmem:s25+$0x7C50]  }
0x840: {  	v0 =	vld [tilespmem:s25+$0x7C60]  }
0x841: {  	v8 =	vld.idx.msk [tilespmem:v3+s14+$0x0], $0xffff  }
0x842: {  	v9 =	vld.idx.msk [tilespmem:v1+s14+$0x0], $0xffff  }
0x843: {  	v10 =	vld.idx.msk [tilespmem:v2+s14+$0x0], $0xffff  }
0x844: {  	v11 =	vld.idx.msk [tilespmem:v4+s14+$0x0], $0xffff  }
0x845: {  	v12 =	vld.idx.msk [tilespmem:v5+s14+$0x0], $0xffff  }
0x846: {  	v13 =	vld.idx.msk [tilespmem:v6+s14+$0x0], $0xffff  }
0x847: {  	v14 =	vld.idx.msk [tilespmem:v7+s14+$0x0], $0xffff;
	[tilespmem:s25+$0x9070] =	vst v8  }
0x848: {  	[tilespmem:s25+$0x9000] =	vst v9;
	v8 =	vld.idx.msk [tilespmem:v3+s15+$0x0], $0xffff  }
0x849: {  	[tilespmem:s25+$0x9010] =	vst v10;
	v9 =	vld.idx.msk [tilespmem:v0+s14+$0x0], $0xffff  }
0x84a: {  	v3 =	vld.idx.msk [tilespmem:v1+s15+$0x0], $0xffff;
	[tilespmem:s25+$0x9020] =	vst v11  }
.Ltmp31:
0x84b: {  	v1 =	vld.idx.msk [tilespmem:v2+s15+$0x0], $0xffff;
	[tilespmem:s25+$0x9030] =	vst v12;
	(pc) =	sbr.rel @p0 .LBB2_64-.Ltmp31, $4  }
0x84c: {  	v2 =	vld.idx.msk [tilespmem:v4+s15+$0x0], $0xffff;
	[tilespmem:s25+$0x9040] =	vst v13  }
0x84d: {  	v4 =	vld.idx.msk [tilespmem:v5+s15+$0x0], $0xffff;
	[tilespmem:s25+$0x9050] =	vst v14  }
0x84e: {  	v5 =	vld.idx.msk [tilespmem:v6+s15+$0x0], $0xffff;
	[tilespmem:s25+$0x9470] =	vst v8  }
0x84f: {  	s28 =	sadd.s32 $0x200, s28;
	v6 =	vld.idx.msk [tilespmem:v7+s15+$0x0], $0xffff;
	[tilespmem:s25+$0x9060] =	vst v9  }
0x850: {  	_ =	sdelay $0x2  }
0x851: {  	[tilespmem:s25+$0x9400] =	vst v3  }
0x852: {  	v0 =	vld.idx.msk [tilespmem:v0+s15+$0x0], $0xffff;
	[tilespmem:s25+$0x9410] =	vst v1  }
0x853: {  	[tilespmem:s25+$0x9420] =	vst v2  }
0x854: {  	[tilespmem:s25+$0x9430] =	vst v4  }
0x855: {  	[tilespmem:s25+$0x9440] =	vst v5  }
0x856: {  	[tilespmem:s25+$0x9450] =	vst v6  }
0x857: {  	[tilespmem:s25+$0x9460] =	vst v0  }
0x858: {  	[hbm4b:s9+s2] =	stream.linear.scatter [tilespmem:s18], [sflag:$0x3], $0x400, $0x38;
	[tilespmem:$0x9800] =	vst v63  }
0x859: {  	_ = 	snop  }
0x85a: {  	[hbm4b:s10+s2] =	stream.linear.scatter [tilespmem:s19], [sflag:$0x4], $0x400, $0x38;
	[tilespmem:$0x9800] =	vst v63  }
0x85b: {  	_ =	swait.ge [sflag:s20], $0x400  }
0x85c: {  	[sflag:s20] =	ssyncset.done $0x0  }
0x85d: {  	[sflag:s20] =	ssyncadd.s32 $0xFFFFFC00  }
0x85e: {  	_ =	swait.ge [sflag:s21], $0x400  }
0x85f: {  	[sflag:s21] =	ssyncset.done $0x0  }
0x860: {  	s24 =	sadd.s32 $0x1, s24;
	[sflag:s21] =	ssyncadd.s32 $0xFFFFFC00  }
0x861: {  	p0 =	sne.s32 s24, s11;
	_ =	swait.ge [sflag:s22], $0x400  }
.Ltmp32:
0x862: {  	[sflag:s22] =	ssyncset.done $0x0;
	(pc) =	sbr.rel @p0 .LBB2_1-.Ltmp32, $4  }
0x863: {  	[sflag:s22] =	ssyncadd.s32 $0xFFFFFC00  }
0x864: {  	_ =	swait.ge [sflag:s23], $0x400  }
0x865: {  	[sflag:s23] =	ssyncset.done $0x0  }
0x866: {  	[sflag:s23] =	ssyncadd.s32 $0xFFFFFC00  }
0x867: {  	_ =	sfence.sel $0x180000  }
0x868: {  	[bflag:$0x0] =	sbarrier.arrive $0xFFFF  }
0x869: {  	_ =	strace $0x90000047  }
0x86a: {  	s0 =	stileid.u32;
	[bflag:$0x2] =	sbarrier.arrive $0xFFFF  }
0x86b: {  	p0 =	sne.s32 s0, $0x0;
	s0 =	rddreg [dreg:$0x2]  }
0x86c: {  	s0 =	sadd.s32 @!p0 $0x100000, s0  }
0x86d: {  	[sflag:s0] =	ssyncadd.tile.s32 @!p0 $0x1;
	_ =	shalt  }
.Lfunc_end2:
_tile_overlayer_lowered:
.L_overlay_start_2:
0x86e: {  	(tag) =	ssettag $0x2  }
0x86f: {  	s0 =	rddreg [dreg:$0x0];
	s2 =	stileid.u32  }
0x870: {  	s1 =	rddreg [dreg:$0x1];
	p0 =	sne.s32 s2, $0x0  }
0x871: {  	s3 =	rddreg [dreg:$0x2];
	[bflag:$0x3] =	sbarrier.arrive $0xFFFF;
	s2 =	simm.s32 @!p0 $0x1C05  }
0x872: {  	[timem:s3], [sflag:s2] =	dma.local @!p0 [hbm:s0], s1  }
0x873: {  	s0 =	simm.s32 @!p0 $0x5  }
0x874: {  	_ =	swait.ge @!p0 [sflag:s0], s1  }
0x875: {  	s1 =	ssub.s32 @!p0 $0x0, s1;
	[sflag:s0] =	ssyncset.done @!p0 $0x0  }
0x876: {  	[sflag:s0] =	ssyncadd.s32 @!p0 s1  }
0x877: {  	[bflag:$0x3] =	sbarrier.arrive $0xFFFF  }
0x878: {  	_ =	shalt  }

</sc_bundles>
